<compile_context>
chip_gen: v7x
topology: tpu7x:2x2x1
jax: 0.10.2.dev20260603
libtpu: 0.0.44.dev20260713+nightly
codegen_flags: <defaults>
</compile_context>

<pallas_src>
import functools
import jax
import jax.numpy as jnp
from jax import lax
from jax.experimental import pallas as pl
from jax.experimental.pallas import tpu as pltpu
from jax.experimental.pallas import tpu_sc as plsc

N_NODES = 10000
N_EDGES = 160000
H = 128
MID = 64
CUTOFF = 8.0

EB = 1600
NB = 1000


def _sig(x):
    return 1.0 / (1.0 + jnp.exp(-x))


def _sw(x):
    return x * _sig(x)


def _cross(u, v):
    ux, uy, uz = u[:, 0:1], u[:, 1:2], u[:, 2:3]
    vx, vy, vz = v[:, 0:1], v[:, 1:2], v[:, 2:3]
    return jnp.concatenate(
        [uy * vz - uz * vy, uz * vx - ux * vz, ux * vy - uy * vx], axis=1)


def _dot3(u, v):
    return jnp.sum(u * v, axis=1, keepdims=True)


def _atan2pos(b, a):
    t = jnp.arctan2(b, a)
    return jnp.where(t < 0, t + jnp.pi, t)


def _edge_body(vp_ref, ga_ref, gb_ref, gc_ref, gd_ref, bond_ref, xj_ref,
               g1_w, g1_b, g2_w, g2_b, bw, bb,
               el1_w, el1_b, el2a_w, el2a_b, el2b_w, el2b_b,
               at1_w, at1_b, at2_w, at2_b,
               m1_ref, m2_ref):
    pji = vp_ref[:, 0:3]
    pin0 = ga_ref[:, 0:3]
    pin1 = gb_ref[:, 0:3]
    piref = gc_ref[:, 0:3]
    pjref = gd_ref[:, 0:3]

    npji = -pji
    a_t = _dot3(npji, pin0)
    c_t = _cross(npji, pin0)
    b_t = jnp.sqrt(_dot3(c_t, c_t) + 1e-12)
    theta = _atan2pos(b_t, a_t)

    dist = jnp.sqrt(_dot3(pji, pji) + 1e-12)

    p1 = c_t
    p2 = _cross(npji, pin1)
    a_p = _dot3(p1, p2)
    b_p = _dot3(_cross(p1, p2), pji) / dist
    phi = _atan2pos(b_p, a_p)

    q1 = _cross(pji, pjref)
    q2 = _cross(pji, piref)
    a_u = _dot3(q1, q2)
    b_u = _dot3(_cross(q1, q2), pji) / dist
    tau = _atan2pos(b_u, a_u)

    geom_in = jnp.concatenate([dist, theta, phi, tau], axis=1)
    gm = _sw(jnp.dot(geom_in, g1_w[...]) + g1_b[...])
    gm = jnp.dot(gm, g2_w[...]) + g2_b[...]
    bd = _sw(jnp.dot(bond_ref[...], bw[...]) + bb[...])

    ew = jnp.concatenate([bd, gm], axis=1)
    e1 = _sw(jnp.dot(ew, el1_w[...]) + el1_b[...])
    ew1 = jnp.dot(e1[:, :H], el2a_w[...]) + el2a_b[...]
    ew2 = jnp.dot(e1[:, H:], el2b_w[...]) + el2b_b[...]

    xj = xj_ref[...]
    m1 = ew1 * xj
    m1 = m1 * _sig(jnp.sum(m1 * at1_w[...], axis=1, keepdims=True) + at1_b[...])
    m2 = ew2 * xj
    m2 = m2 * _sig(jnp.sum(m2 * at2_w[...], axis=1, keepdims=True) + at2_b[...])
    m1_ref[...] = m1
    m2_ref[...] = m2


def _node_body(a1_ref, a2_ref, x_ref,
               rel1_w, rel1_b, root1_w, rel2_w, rel2_b, root2_w,
               lin1_w, lin1_b, lin2_w, lin2_b, cat_w, cat_b,
               h_ref, st_ref):
    x = x_ref[...]
    h1 = jnp.dot(a1_ref[...], rel1_w[...]) + rel1_b[...] + jnp.dot(x, root1_w[...])
    h1 = _sw(jnp.dot(h1, lin1_w[...]) + lin1_b[...])
    h2 = jnp.dot(a2_ref[...], rel2_w[...]) + rel2_b[...] + jnp.dot(x, root2_w[...])
    h2 = _sw(jnp.dot(h2, lin2_w[...]) + lin2_b[...])
    hc = jnp.concatenate([h1, h2], axis=1)
    h = jnp.dot(hc, cat_w[...]) + cat_b[...] + x
    h_ref[...] = h

    @pl.when(pl.program_id(0) == 0)
    def _():
        st_ref[...] = jnp.zeros_like(st_ref)

    st_ref[...] += jnp.concatenate(
        [jnp.sum(h, axis=0, keepdims=True),
         jnp.sum(h * h, axis=0, keepdims=True)], axis=0)


def _final_body(h_ref, st_ref, gn_g, gn_b, mlp_w, mlp_b, fin_w, fin_b, o_ref):
    st = st_ref[...]
    mean = st[0:1, :] / N_NODES
    var = st[1:2, :] / N_NODES - mean * mean
    h = (h_ref[...] - mean) / jnp.sqrt(var + 1e-5) * gn_g[...] + gn_b[...]
    h = _sw(jnp.dot(h, mlp_w[...]) + mlp_b[...])
    o_ref[...] = jnp.dot(h, fin_w[...]) + fin_b[...]


def _rep(shape):
    return pl.BlockSpec(shape, lambda b: (0,) * len(shape))


_NW = 32
_EPW = N_EDGES // _NW
_GB = 40
_NB_G = _EPW // _GB


def _sc_gather_body(x_hbm, jidx, xj, idxbuf, xbuf0, xbuf1, sem0, sem1):
    c = lax.axis_index("c")
    s = lax.axis_index("s")
    wid = s * 2 + c
    ebase = wid * _EPW

    pltpu.sync_copy(jidx.at[wid], idxbuf)

    pltpu.async_copy(x_hbm.at[idxbuf.at[0]], xbuf0, sem0)

    def body2(b, carry):
        even = lax.rem(b, 2) == 0
        nxt = b + 1

        @pl.when(even)
        def _():
            @pl.when(nxt < _NB_G)
            def _():
                pltpu.async_copy(x_hbm.at[idxbuf.at[nxt]], xbuf1, sem1)
            pltpu.make_async_copy(x_hbm.at[idxbuf.at[0]], xbuf0, sem0).wait()
            pltpu.sync_copy(xbuf0, xj.at[pl.ds(ebase + b * _GB, _GB)])

        @pl.when(jnp.logical_not(even))
        def _():
            @pl.when(nxt < _NB_G)
            def _():
                pltpu.async_copy(x_hbm.at[idxbuf.at[nxt]], xbuf0, sem0)
            pltpu.make_async_copy(x_hbm.at[idxbuf.at[0]], xbuf1, sem1).wait()
            pltpu.sync_copy(xbuf1, xj.at[pl.ds(ebase + b * _GB, _GB)])

        return carry

    lax.fori_loop(0, _NB_G, body2, 0)


def _sc_gather(x, jidx):
    mesh = plsc.VectorSubcoreMesh(core_axis_name="c", subcore_axis_name="s")
    f = functools.partial(
        pl.kernel, mesh=mesh,
        out_type=jax.ShapeDtypeStruct((N_EDGES, H), jnp.float32),
        scratch_types=[
            pltpu.VMEM((_NB_G, _GB), jnp.int32),
            pltpu.VMEM((_GB, H), jnp.float32),
            pltpu.VMEM((_GB, H), jnp.float32),
            pltpu.SemaphoreType.DMA,
            pltpu.SemaphoreType.DMA,
        ],
    )(_sc_gather_body)
    return f(x, jidx.reshape(_NW, _NB_G, _GB))


_ZCH = 624


def _sc_segsum_body(m1, m2, iidx, zrows, out, idxbuf, mbuf, acc):
    c = lax.axis_index("c")
    s = lax.axis_index("s")
    wid = s * 2 + c
    ebase = wid * _EPW
    zbase = s * _ZCH
    rem = N_NODES - 16 * _ZCH

    pltpu.sync_copy(iidx.at[wid], idxbuf)

    for conv in range(2):
        m_hbm = (m1, m2)[conv]
        pltpu.sync_copy(zrows.at[pl.ds(0, _ZCH)], acc.at[pl.ds(zbase, _ZCH)])

        @pl.when(s == 15)
        def _():
            pltpu.sync_copy(zrows.at[pl.ds(0, rem)],
                            acc.at[pl.ds(16 * _ZCH, rem)])

        plsc.subcore_barrier()

        def body(b, carry):
            pltpu.sync_copy(m_hbm.at[pl.ds(ebase + b * _GB, _GB)], mbuf)
            pltpu.sync_copy(mbuf, acc.at[idxbuf.at[b]], add=True)
            return carry

        lax.fori_loop(0, _NB_G, body, 0)
        plsc.subcore_barrier()
        pltpu.sync_copy(acc.at[pl.ds(zbase, _ZCH)],
                        out.at[conv, c, pl.ds(zbase, _ZCH)])

        @pl.when(s == 15)
        def _():
            pltpu.sync_copy(acc.at[pl.ds(16 * _ZCH, rem)],
                            out.at[conv, c, pl.ds(16 * _ZCH, rem)])

        plsc.subcore_barrier()


def _sc_segsum(m1, m2, iidx):
    mesh = plsc.VectorSubcoreMesh(core_axis_name="c", subcore_axis_name="s")
    zrows = jnp.zeros((640, H), jnp.float32)
    f = functools.partial(
        pl.kernel, mesh=mesh,
        out_type=jax.ShapeDtypeStruct((2, 2, N_NODES, H), jnp.float32),
        scratch_types=[
            pltpu.VMEM((_NB_G, _GB), jnp.int32),
            pltpu.VMEM((_GB, H), jnp.float32),
            pltpu.VMEM_SHARED((N_NODES, H), jnp.float32),
        ],
    )(_sc_segsum_body)
    parts = f(m1, m2, iidx.reshape(_NW, _NB_G, _GB), zrows)
    return parts[0, 0] + parts[0, 1], parts[1, 0] + parts[1, 1]


def _seg_min_arg(vals, seg, num_segments):
    e = vals.shape[0]
    minv = jax.ops.segment_min(vals, seg, num_segments=num_segments)
    cand = jnp.where(vals <= minv[seg], jnp.arange(e), e)
    arg = jax.ops.segment_min(cand, seg, num_segments=num_segments)
    return jnp.where(arg >= e, 0, arg)


def kernel(z, pos, edge_index, edge_bond_attr, params):
    p = params
    i = edge_index[0]
    j = edge_index[1]
    vecs = pos[j] - pos[i]
    dist = jnp.sqrt(jnp.sum(vecs * vecs, axis=-1) + 1e-12)

    seg2 = jnp.concatenate([i, j + N_NODES])
    ar = jnp.arange(N_EDGES)
    ar2 = jnp.concatenate([ar, ar])
    v2 = jnp.concatenate([dist, dist])
    minv2 = jax.ops.segment_min(v2, seg2, num_segments=2 * N_NODES)
    cand2 = jnp.where(v2 <= minv2[seg2], ar2, N_EDGES)
    arg2 = jax.ops.segment_min(cand2, seg2, num_segments=2 * N_NODES)
    arg2 = jnp.where(arg2 >= N_EDGES, 0, arg2)
    am0, am0j = arg2[:N_NODES], arg2[N_NODES:]

    add2 = jnp.zeros((2 * N_EDGES,), jnp.float32).at[
        jnp.concatenate([am0, am0j + N_EDGES])].set(CUTOFF)
    v2b = v2 + add2
    minv2b = jax.ops.segment_min(v2b, seg2, num_segments=2 * N_NODES)
    cand2b = jnp.where(v2b <= minv2b[seg2], ar2, N_EDGES)
    arg2b = jax.ops.segment_min(cand2b, seg2, num_segments=2 * N_NODES)
    arg2b = jnp.where(arg2b >= N_EDGES, 0, arg2b)
    am1, am1j = arg2b[:N_NODES], arg2b[N_NODES:]

    tbl2 = jnp.concatenate([j, i])
    nn = tbl2[jnp.concatenate([am0, am0j + N_EDGES])]
    n0, n0j = nn[:N_NODES], nn[N_NODES:]

    tbl6 = jnp.concatenate([am0, am1, n0, am0j, am1j, n0j])
    off = jnp.arange(6, dtype=i.dtype) * N_NODES
    ij6 = jnp.concatenate([i, i, i, j, j, j]) + jnp.repeat(off, N_EDGES)
    g6 = tbl6[ij6]
    am0i_e = g6[:N_EDGES]
    am1i_e = g6[N_EDGES:2 * N_EDGES]
    n0_e = g6[2 * N_EDGES:3 * N_EDGES]
    am0j_e = g6[3 * N_EDGES:4 * N_EDGES]
    am1j_e = g6[4 * N_EDGES:5 * N_EDGES]
    n0j_e = g6[5 * N_EDGES:]
    idx_iref = jnp.where(n0_e == j, am1i_e, am0i_e)
    idx_jref = jnp.where(n0j_e == i, am1j_e, am0j_e)

    x = _sw(p['emb'][z])
    vecsp = jnp.concatenate(
        [vecs, jnp.zeros((N_EDGES, 13), jnp.float32)], axis=1)
    g4 = vecsp[jnp.concatenate([am0i_e, am1i_e, idx_iref, idx_jref])]
    ga = g4[:N_EDGES]
    gb = g4[N_EDGES:2 * N_EDGES]
    gc = g4[2 * N_EDGES:3 * N_EDGES]
    gd = g4[3 * N_EDGES:]
    xj = _sc_gather(x, j.astype(jnp.int32))

    el1_w = jnp.concatenate([p['c1_el1_w'], p['c2_el1_w']], axis=1)
    el1_b = jnp.concatenate([p['c1_el1_b'], p['c2_el1_b']])[None, :]

    m1, m2 = pl.pallas_call(
        _edge_body,
        grid=(N_EDGES // EB,),
        in_specs=[
            pl.BlockSpec((EB, 16), lambda b: (b, 0)),
            pl.BlockSpec((EB, 16), lambda b: (b, 0)),
            pl.BlockSpec((EB, 16), lambda b: (b, 0)),
            pl.BlockSpec((EB, 16), lambda b: (b, 0)),
            pl.BlockSpec((EB, 16), lambda b: (b, 0)),
            pl.BlockSpec((EB, 16), lambda b: (b, 0)),
            pl.BlockSpec((EB, H), lambda b: (b, 0)),
            _rep((4, MID)), _rep((1, MID)), _rep((MID, H)), _rep((1, H)),
            _rep((16, H)), _rep((1, H)),
            _rep((2 * H, 2 * H)), _rep((1, 2 * H)),
            _rep((H, H)), _rep((1, H)), _rep((H, H)), _rep((1, H)),
            _rep((1, H)), _rep((1, 1)), _rep((1, H)), _rep((1, 1)),
        ],
        out_specs=[pl.BlockSpec((EB, H), lambda b: (b, 0)),
                   pl.BlockSpec((EB, H), lambda b: (b, 0))],
        out_shape=[jax.ShapeDtypeStruct((N_EDGES, H), jnp.float32),
                   jax.ShapeDtypeStruct((N_EDGES, H), jnp.float32)],
    )(vecsp, ga, gb, gc, gd, edge_bond_attr, xj,
      p['g1_w'], p['g1_b'][None, :], p['g2_w'], p['g2_b'][None, :],
      p['bond_w'], p['bond_b'][None, :],
      el1_w, el1_b,
      p['c1_el2_w'], p['c1_el2_b'][None, :],
      p['c2_el2_w'], p['c2_el2_b'][None, :],
      p['c1_attn_w'].T, p['c1_attn_b'][None, :],
      p['c2_attn_w'].T, p['c2_attn_b'][None, :])

    agg1, agg2 = _sc_segsum(m1, m2, i.astype(jnp.int32))

    h, st = pl.pallas_call(
        _node_body,
        grid=(N_NODES // NB,),
        in_specs=[
            pl.BlockSpec((NB, H), lambda b: (b, 0)),
            pl.BlockSpec((NB, H), lambda b: (b, 0)),
            pl.BlockSpec((NB, H), lambda b: (b, 0)),
            _rep((H, H)), _rep((1, H)), _rep((H, H)),
            _rep((H, H)), _rep((1, H)), _rep((H, H)),
            _rep((H, H)), _rep((1, H)), _rep((H, H)), _rep((1, H)),
            _rep((2 * H, H)), _rep((1, H)),
        ],
        out_specs=[pl.BlockSpec((NB, H), lambda b: (b, 0)),
                   pl.BlockSpec((2, H), lambda b: (0, 0))],
        out_shape=[jax.ShapeDtypeStruct((N_NODES, H), jnp.float32),
                   jax.ShapeDtypeStruct((2, H), jnp.float32)],
    )(agg1, agg2, x,
      p['c1_rel_w'], p['c1_rel_b'][None, :], p['c1_root_w'],
      p['c2_rel_w'], p['c2_rel_b'][None, :], p['c2_root_w'],
      p['lin1_w'], p['lin1_b'][None, :], p['lin2_w'], p['lin2_b'][None, :],
      p['lincat_w'], p['lincat_b'][None, :])

    out = pl.pallas_call(
        _final_body,
        grid=(N_NODES // NB,),
        in_specs=[
            pl.BlockSpec((NB, H), lambda b: (b, 0)),
            _rep((2, H)),
            _rep((1, H)), _rep((1, H)),
            _rep((H, H)), _rep((1, H)), _rep((H, H)), _rep((1, H)),
        ],
        out_specs=pl.BlockSpec((NB, H), lambda b: (b, 0)),
        out_shape=jax.ShapeDtypeStruct((N_NODES, H), jnp.float32),
    )(h, st, p['gn_g'][None, :], p['gn_b'][None, :],
      p['mlp_w'], p['mlp_b'][None, :], p['final_w'], p['final_b'][None, :])

    return out

# --- scband reference (transcript-rebuilt; emitter-appended) ---
"""Pipeline reference for scband-com-enet-encoder-23089744183318 (READ-ONLY COPY).

The authoritative reference and input builder live on the scoring server;
editing this copy changes nothing except your own understanding.
"""

import jax, jax.numpy as jnp
import numpy as np

N_NODES = 10000
N_EDGES = 160000
H = 128
MID = 64
D_EDGE = 16
CUTOFF = 8.0

def _swish(x):
    return x * jax.nn.sigmoid(x)

def _norm(x):
    return jnp.sqrt(jnp.sum(x * x, axis=-1) + 1e-12)

def _scatter_min(vals, seg, num_segments):
    E = vals.shape[0]
    minv = jax.ops.segment_min(vals, seg, num_segments=num_segments)
    idx = jnp.arange(E)
    cand = jnp.where(vals <= minv[seg], idx, E)
    arg = jax.ops.segment_min(cand, seg, num_segments=num_segments)
    arg = jnp.where(arg >= E, 0, arg)
    return minv, arg

def _get_features(dist, vecs, i, j, num_nodes, cutoff):
    _, argmin0 = _scatter_min(dist, i, num_nodes)
    n0 = j[argmin0]
    add = jnp.zeros_like(dist).at[argmin0].set(cutoff)
    dist1 = dist + add
    _, argmin1 = _scatter_min(dist1, i, num_nodes)
    n1 = j[argmin1]
    _, argmin0_j = _scatter_min(dist, j, num_nodes)
    n0_j = i[argmin0_j]
    add_j = jnp.zeros_like(dist).at[argmin0_j].set(cutoff)
    dist1_j = dist + add_j
    _, argmin1_j = _scatter_min(dist1_j, j, num_nodes)
    n1_j = i[argmin1_j]
    n0 = n0[i]
    n1 = n1[i]
    n0_j = n0_j[j]
    n1_j = n1_j[j]
    mask_iref = n0 == j
    idx_iref = jnp.where(mask_iref, argmin1[i], argmin0[i])
    mask_jref = n0_j == i
    idx_jref = jnp.where(mask_jref, argmin1_j[j], argmin0_j[j])
    pos_ji = vecs
    pos_in0 = vecs[argmin0][i]
    pos_in1 = vecs[argmin1][i]
    pos_iref = vecs[idx_iref]
    pos_jref_j = vecs[idx_jref]
    a = (-pos_ji * pos_in0).sum(-1)
    b = _norm(jnp.cross(-pos_ji, pos_in0))
    theta = jnp.arctan2(b, a)
    theta = jnp.where(theta < 0, theta + jnp.pi, theta)
    dist_ji = jnp.sqrt((pos_ji ** 2).sum(-1) + 1e-12)
    plane1 = jnp.cross(-pos_ji, pos_in0)
    plane2 = jnp.cross(-pos_ji, pos_in1)
    a = (plane1 * plane2).sum(-1)
    b = (jnp.cross(plane1, plane2) * pos_ji).sum(-1) / dist_ji
    phi = jnp.arctan2(b, a)
    phi = jnp.where(phi < 0, phi + jnp.pi, phi)
    plane1 = jnp.cross(pos_ji, pos_jref_j)
    plane2 = jnp.cross(pos_ji, pos_iref)
    a = (plane1 * plane2).sum(-1)
    b = (jnp.cross(plane1, plane2) * pos_ji).sum(-1) / dist_ji
    tau = jnp.arctan2(b, a)
    tau = jnp.where(tau < 0, tau + jnp.pi, tau)
    return theta, phi, tau

def _conv(p, pref, x, i, j, bond, geom):
    ew = jnp.concatenate([bond, geom], axis=1)
    ew = _swish(ew @ p[pref + '_el1_w'] + p[pref + '_el1_b'])
    ew = ew @ p[pref + '_el2_w'] + p[pref + '_el2_b']
    m = ew * x[j]
    attn = jax.nn.sigmoid(m @ p[pref + '_attn_w'] + p[pref + '_attn_b'])
    m = m * attn
    agg = jax.ops.segment_sum(m, i, num_segments=N_NODES)
    return agg @ p[pref + '_rel_w'] + p[pref + '_rel_b'] + x @ p[pref + '_root_w']

def _forward(z, pos, edge_index, edge_bond_attr, params):
    i = edge_index[0]
    j = edge_index[1]
    vecs = pos[j] - pos[i]
    dist = _norm(vecs)
    theta, phi, tau = _get_features(dist, vecs, i, j, N_NODES, CUTOFF)
    geom = jnp.stack([dist, theta, phi, tau], axis=1)
    geom = _swish(geom @ params['g1_w'] + params['g1_b'])
    geom = geom @ params['g2_w'] + params['g2_b']
    bond = _swish(edge_bond_attr @ params['bond_w'] + params['bond_b'])
    x = _swish(params['emb'][z])
    h1 = _conv(params, 'c1', x, i, j, bond, geom)
    h1 = _swish(h1 @ params['lin1_w'] + params['lin1_b'])
    h2 = _conv(params, 'c2', x, i, j, bond, geom)
    h2 = _swish(h2 @ params['lin2_w'] + params['lin2_b'])
    h = jnp.concatenate([h1, h2], axis=1) @ params['lincat_w'] + params['lincat_b']
    h = h + x
    mean = h.mean(axis=0, keepdims=True)
    var = h.var(axis=0, keepdims=True)
    h = (h - mean) / jnp.sqrt(var + 1e-5) * params['gn_g'] + params['gn_b']
    h = _swish(h @ params['mlp_w'] + params['mlp_b'])
    return h @ params['final_w'] + params['final_b']

def _make_params(key):
    ks = [jax.random.fold_in(key, t) for t in range(40)]
    it = iter(ks)
    def lin(shape):
        return (jax.random.normal(next(it), shape) / np.sqrt(shape[0])).astype(jnp.float32)
    p = {}
    p['emb'] = jax.random.uniform(next(it), (100, H), minval=-np.sqrt(3.0), maxval=np.sqrt(3.0), dtype=jnp.float32)
    p['bond_w'] = lin((D_EDGE, H)); p['bond_b'] = jnp.zeros((H,), jnp.float32)
    p['g1_w'] = lin((4, MID)); p['g1_b'] = jnp.zeros((MID,), jnp.float32)
    p['g2_w'] = lin((MID, H)); p['g2_b'] = jnp.zeros((H,), jnp.float32)
    for pref in ('c1', 'c2'):
        p[pref + '_el1_w'] = lin((2 * H, H)); p[pref + '_el1_b'] = jnp.zeros((H,), jnp.float32)
        p[pref + '_el2_w'] = lin((H, H)); p[pref + '_el2_b'] = jnp.zeros((H,), jnp.float32)
        p[pref + '_attn_w'] = lin((H, 1)); p[pref + '_attn_b'] = jnp.zeros((1,), jnp.float32)
        p[pref + '_rel_w'] = lin((H, H)); p[pref + '_rel_b'] = jnp.zeros((H,), jnp.float32)
        p[pref + '_root_w'] = lin((H, H))
    p['lin1_w'] = lin((H, H)); p['lin1_b'] = jnp.zeros((H,), jnp.float32)
    p['lin2_w'] = lin((H, H)); p['lin2_b'] = jnp.zeros((H,), jnp.float32)
    p['lincat_w'] = lin((2 * H, H)); p['lincat_b'] = jnp.zeros((H,), jnp.float32)
    p['mlp_w'] = lin((H, H)); p['mlp_b'] = jnp.zeros((H,), jnp.float32)
    p['final_w'] = lin((H, H)); p['final_b'] = jnp.zeros((H,), jnp.float32)
    p['gn_g'] = jnp.ones((H,), jnp.float32)
    p['gn_b'] = jnp.zeros((H,), jnp.float32)
    return p

def setup_inputs(seed: int = 0):
    key = jax.random.key(seed)
    kz, kp, ke, kb, kw = [jax.random.fold_in(key, t) for t in range(5)]
    z = jax.random.randint(kz, (N_NODES,), 0, 100)
    pos = jax.random.normal(kp, (N_NODES, 3), dtype=jnp.float32)
    edge_index = jax.random.randint(ke, (2, N_EDGES), 0, N_NODES)
    edge_bond_attr = jax.random.normal(kb, (N_EDGES, D_EDGE), dtype=jnp.float32)
    params = _make_params(kw)
    return {'z': z, 'pos': pos, 'edge_index': edge_index, 'edge_bond_attr': edge_bond_attr, 'params': params}

def reference(z, pos, edge_index, edge_bond_attr, params):
    return _forward(z, pos, edge_index, edge_bond_attr, params)

if __name__ == "__main__":
    import jax
    _d = setup_inputs()
    print(jax.jit(kernel)(*tuple(_d.values())))

</pallas_src>

<mosaic_0001>
#map = affine_map<(d0, d1) -> (0, 0)>
#map1 = affine_map<(d0, d1) -> (0, 0, 0)>
#map2 = affine_map<(d0, d1) -> (0, 0, 0, 0)>
module attributes {stable_mosaic.version = 14 : i64} {
  func.func @_sc_segsum_body(%arg0: i32, %arg1: i32, %arg2: memref<160000x128xf32, #tpu.memory_space<hbm>>, %arg3: memref<160000x128xf32, #tpu.memory_space<hbm>>, %arg4: memref<32x125x40xi32, #tpu.memory_space<hbm>>, %arg5: memref<640x128xf32, #tpu.memory_space<hbm>>, %arg6: memref<2x2x10000x128xf32, #tpu.memory_space<hbm>>, %arg7: memref<125x40xi32, #tpu.memory_space<vmem>>, %arg8: memref<40x128xf32, #tpu.memory_space<vmem>>, %arg9: memref<10000x128xf32, #tpu.memory_space<vmem_shared>>) attributes {dimension_semantics = [#tpu.dimension_semantics<core_parallel>, #tpu.dimension_semantics<subcore_parallel>], iteration_bounds = array<i64: 2, 16>, scalar_prefetch = 0 : i64, scratch_operands = 3 : i64, tpu.core_type = #tpu.core_type<sc_vector_subcore>, window_params = [{transform_indices = #map}, {transform_indices = #map}, {transform_indices = #map1}, {transform_indices = #map}, {transform_indices = #map2}]} {
    %mul3A = arith.constant 2 : i32
    %mul3A_0 = arith.muli %arg1, %mul3A : i32
    %add3A = arith.addi %mul3A_0, %arg0 : i32
    %mul3A_1 = arith.constant 5000 : i32
    %mul3A_2 = arith.muli %add3A, %mul3A_1 : i32
    %mul3A_3 = arith.constant 624 : i32
    %mul3A_4 = arith.muli %arg1, %mul3A_3 : i32
    "tpu.region"() ({
      %run_scoped3A_39 = tpu.sem_alloc : memref<!tpu.dma_semaphore, #tpu.memory_space<semaphore_mem>>
      %dma_start3A = arith.constant 0 : i32
      %dma_start3A_40 = arith.constant 0 : i32
      %dma_start3A_41 = tpu.memref_slice %arg4[%add3A, %dma_start3A, %dma_start3A_40] : memref<32x125x40xi32, #tpu.memory_space<hbm>> -> memref<1x125x40xi32, #tpu.memory_space<hbm>>
      %dma_start3A_42 = tpu.memref_squeeze %dma_start3A_41 : memref<1x125x40xi32, #tpu.memory_space<hbm>> -> memref<125x40xi32, #tpu.memory_space<hbm>>
      %dma_start3A_43 = arith.constant 0 : i32
      %dma_start3A_44 = arith.constant 0 : i32
      %dma_start3A_45 = tpu.memref_slice %arg4[%add3A, %dma_start3A_43, %dma_start3A_44] : memref<32x125x40xi32, #tpu.memory_space<hbm>> -> memref<1x125x40xi32, #tpu.memory_space<hbm>>
      %dma_start3A_46 = tpu.memref_squeeze %dma_start3A_45 : memref<1x125x40xi32, #tpu.memory_space<hbm>> -> memref<125x40xi32, #tpu.memory_space<hbm>>
      tpu.enqueue_dma source(%dma_start3A_46 : memref<125x40xi32, #tpu.memory_space<hbm>>) target(%arg7 : memref<125x40xi32, #tpu.memory_space<vmem>>) target_semaphore(%run_scoped3A_39 : memref<!tpu.dma_semaphore, #tpu.memory_space<semaphore_mem>>)
      %dma_wait3A = arith.constant 0 : i32
      %dma_wait3A_47 = arith.constant 0 : i32
      %dma_wait3A_48 = tpu.memref_slice %arg4[%add3A, %dma_wait3A, %dma_wait3A_47] : memref<32x125x40xi32, #tpu.memory_space<hbm>> -> memref<1x125x40xi32, #tpu.memory_space<hbm>>
      %dma_wait3A_49 = tpu.memref_squeeze %dma_wait3A_48 : memref<1x125x40xi32, #tpu.memory_space<hbm>> -> memref<125x40xi32, #tpu.memory_space<hbm>>
      %dma_wait3A_50 = arith.constant 0 : i32
      %dma_wait3A_51 = arith.constant 0 : i32
      %dma_wait3A_52 = tpu.memref_slice %arg4[%add3A, %dma_wait3A_50, %dma_wait3A_51] : memref<32x125x40xi32, #tpu.memory_space<hbm>> -> memref<1x125x40xi32, #tpu.memory_space<hbm>>
      %dma_wait3A_53 = tpu.memref_squeeze %dma_wait3A_52 : memref<1x125x40xi32, #tpu.memory_space<hbm>> -> memref<125x40xi32, #tpu.memory_space<hbm>>
      tpu.wait_dma2 semaphore(%run_scoped3A_39 : memref<!tpu.dma_semaphore, #tpu.memory_space<semaphore_mem>>) src(%dma_wait3A_53 : memref<125x40xi32, #tpu.memory_space<hbm>>) dst(%arg7 : memref<125x40xi32, #tpu.memory_space<vmem>>)
      tpu.yield
    }) : () -> ()
    "tpu.region"() ({
      %run_scoped3A_39 = tpu.sem_alloc : memref<!tpu.dma_semaphore, #tpu.memory_space<semaphore_mem>>
      %dma_start3A = arith.constant 0 : i32
      %dma_start3A_40 = tpu.memref_slice %arg9[%mul3A_4, %dma_start3A] : memref<10000x128xf32, #tpu.memory_space<vmem_shared>> -> memref<624x128xf32, #tpu.memory_space<vmem_shared>>
      %dma_start3A_41 = arith.constant 0 : i32
      %dma_start3A_42 = arith.constant 0 : i32
      %dma_start3A_43 = tpu.memref_slice %arg5[%dma_start3A_41, %dma_start3A_42] : memref<640x128xf32, #tpu.memory_space<hbm>> -> memref<624x128xf32, #tpu.memory_space<hbm>>
      tpu.enqueue_dma source(%dma_start3A_43 : memref<624x128xf32, #tpu.memory_space<hbm>>) target(%dma_start3A_40 : memref<624x128xf32, #tpu.memory_space<vmem_shared>>) target_semaphore(%run_scoped3A_39 : memref<!tpu.dma_semaphore, #tpu.memory_space<semaphore_mem>>)
      %dma_wait3A = arith.constant 0 : i32
      %dma_wait3A_44 = tpu.memref_slice %arg9[%mul3A_4, %dma_wait3A] : memref<10000x128xf32, #tpu.memory_space<vmem_shared>> -> memref<624x128xf32, #tpu.memory_space<vmem_shared>>
      %dma_wait3A_45 = arith.constant 0 : i32
      %dma_wait3A_46 = arith.constant 0 : i32
      %dma_wait3A_47 = tpu.memref_slice %arg5[%dma_wait3A_45, %dma_wait3A_46] : memref<640x128xf32, #tpu.memory_space<hbm>> -> memref<624x128xf32, #tpu.memory_space<hbm>>
      tpu.wait_dma2 semaphore(%run_scoped3A_39 : memref<!tpu.dma_semaphore, #tpu.memory_space<semaphore_mem>>) src(%dma_wait3A_47 : memref<624x128xf32, #tpu.memory_space<hbm>>) dst(%dma_wait3A_44 : memref<624x128xf32, #tpu.memory_space<vmem_shared>>)
      tpu.yield
    }) : () -> ()
    %eq3A = arith.constant 15 : i32
    %eq3A_5 = arith.cmpi eq, %arg1, %eq3A : i32
    %convert_element_type3A = arith.extui %eq3A_5 : i1 to i32
    %cond3A = arith.constant 0 : i32
    %cond3A_6 = arith.cmpi ne, %convert_element_type3A, %cond3A : i32
    scf.if %cond3A_6 {
      "tpu.region"() ({
        %run_scoped3A_39 = tpu.sem_alloc : memref<!tpu.dma_semaphore, #tpu.memory_space<semaphore_mem>>
        %dma_start3A = arith.constant 9984 : i32
        %dma_start3A_40 = arith.constant 0 : i32
        %dma_start3A_41 = tpu.memref_slice %arg9[%dma_start3A, %dma_start3A_40] : memref<10000x128xf32, #tpu.memory_space<vmem_shared>> -> memref<16x128xf32, #tpu.memory_space<vmem_shared>>
        %dma_start3A_42 = arith.constant 0 : i32
        %dma_start3A_43 = arith.constant 0 : i32
        %dma_start3A_44 = tpu.memref_slice %arg5[%dma_start3A_42, %dma_start3A_43] : memref<640x128xf32, #tpu.memory_space<hbm>> -> memref<16x128xf32, #tpu.memory_space<hbm>>
        tpu.enqueue_dma source(%dma_start3A_44 : memref<16x128xf32, #tpu.memory_space<hbm>>) target(%dma_start3A_41 : memref<16x128xf32, #tpu.memory_space<vmem_shared>>) target_semaphore(%run_scoped3A_39 : memref<!tpu.dma_semaphore, #tpu.memory_space<semaphore_mem>>)
        %dma_wait3A = arith.constant 9984 : i32
        %dma_wait3A_45 = arith.constant 0 : i32
        %dma_wait3A_46 = tpu.memref_slice %arg9[%dma_wait3A, %dma_wait3A_45] : memref<10000x128xf32, #tpu.memory_space<vmem_shared>> -> memref<16x128xf32, #tpu.memory_space<vmem_shared>>
        %dma_wait3A_47 = arith.constant 0 : i32
        %dma_wait3A_48 = arith.constant 0 : i32
        %dma_wait3A_49 = tpu.memref_slice %arg5[%dma_wait3A_47, %dma_wait3A_48] : memref<640x128xf32, #tpu.memory_space<hbm>> -> memref<16x128xf32, #tpu.memory_space<hbm>>
        tpu.wait_dma2 semaphore(%run_scoped3A_39 : memref<!tpu.dma_semaphore, #tpu.memory_space<semaphore_mem>>) src(%dma_wait3A_49 : memref<16x128xf32, #tpu.memory_space<hbm>>) dst(%dma_wait3A_46 : memref<16x128xf32, #tpu.memory_space<vmem_shared>>)
        tpu.yield
      }) : () -> ()
    } else {
    }
    %barrier3A = arith.constant 0 : index
    tpu.barrier barrier_id(%barrier3A)
    %scan3A = arith.constant 0 : i32
    %scan3A_7 = arith.constant 0 : i32
    %scan3A_8 = arith.constant 125 : i32
    %scan3A_9 = arith.addi %scan3A_7, %scan3A_8 : i32
    %scan3A_10 = arith.constant 1 : i32
    scf.for %scan3A_39 = %scan3A_7 to %scan3A_9 step %scan3A_10  : i32 {
      %mul3A_40 = arith.constant 40 : i32
      %mul3A_41 = arith.muli %scan3A_39, %mul3A_40 : i32
      %add3A_42 = arith.addi %mul3A_2, %mul3A_41 : i32
      "tpu.region"() ({
        %run_scoped3A_43 = tpu.sem_alloc : memref<!tpu.dma_semaphore, #tpu.memory_space<semaphore_mem>>
        %dma_start3A = arith.constant 0 : i32
        %dma_start3A_44 = tpu.memref_slice %arg2[%add3A_42, %dma_start3A] : memref<160000x128xf32, #tpu.memory_space<hbm>> -> memref<40x128xf32, #tpu.memory_space<hbm>>
        %dma_start3A_45 = arith.constant 0 : i32
        %dma_start3A_46 = tpu.memref_slice %arg2[%add3A_42, %dma_start3A_45] : memref<160000x128xf32, #tpu.memory_space<hbm>> -> memref<40x128xf32, #tpu.memory_space<hbm>>
        tpu.enqueue_dma source(%dma_start3A_46 : memref<40x128xf32, #tpu.memory_space<hbm>>) target(%arg8 : memref<40x128xf32, #tpu.memory_space<vmem>>) target_semaphore(%run_scoped3A_43 : memref<!tpu.dma_semaphore, #tpu.memory_space<semaphore_mem>>)
        %dma_wait3A = arith.constant 0 : i32
        %dma_wait3A_47 = tpu.memref_slice %arg2[%add3A_42, %dma_wait3A] : memref<160000x128xf32, #tpu.memory_space<hbm>> -> memref<40x128xf32, #tpu.memory_space<hbm>>
        %dma_wait3A_48 = arith.constant 0 : i32
        %dma_wait3A_49 = tpu.memref_slice %arg2[%add3A_42, %dma_wait3A_48] : memref<160000x128xf32, #tpu.memory_space<hbm>> -> memref<40x128xf32, #tpu.memory_space<hbm>>
        tpu.wait_dma2 semaphore(%run_scoped3A_43 : memref<!tpu.dma_semaphore, #tpu.memory_space<semaphore_mem>>) src(%dma_wait3A_49 : memref<40x128xf32, #tpu.memory_space<hbm>>) dst(%arg8 : memref<40x128xf32, #tpu.memory_space<vmem>>)
        tpu.yield
      }) : () -> ()
      "tpu.region"() ({
        %run_scoped3A_43 = tpu.sem_alloc : memref<!tpu.dma_semaphore, #tpu.memory_space<semaphore_mem>>
        %dma_start3A = arith.constant 0 : i32
        %dma_start3A_44 = tpu.memref_slice %arg7[%scan3A_39, %dma_start3A] : memref<125x40xi32, #tpu.memory_space<vmem>> -> memref<1x40xi32, #tpu.memory_space<vmem>>
        %dma_start3A_45 = tpu.memref_squeeze %dma_start3A_44 : memref<1x40xi32, #tpu.memory_space<vmem>> -> memref<40xi32, #tpu.memory_space<vmem>>
        %dma_start3A_46 = arith.constant 0 : i32
        %dma_start3A_47 = arith.constant 0 : i32
        %dma_start3A_48 = tpu.memref_slice %arg9[%dma_start3A_46, %dma_start3A_47] : memref<10000x128xf32, #tpu.memory_space<vmem_shared>> -> memref<10000x128xf32, #tpu.memory_space<vmem_shared>>
        tpu.enqueue_indirect_dma source(%arg8 : memref<40x128xf32, #tpu.memory_space<vmem>>) target(%dma_start3A_48 : memref<10000x128xf32, #tpu.memory_space<vmem_shared>>) offsets(%dma_start3A_45 : memref<40xi32, #tpu.memory_space<vmem>>) semaphore(%run_scoped3A_43 : memref<!tpu.dma_semaphore, #tpu.memory_space<semaphore_mem>>) {add = true}
        %dma_wait3A = arith.constant 0 : i32
        %dma_wait3A_49 = tpu.memref_slice %arg7[%scan3A_39, %dma_wait3A] : memref<125x40xi32, #tpu.memory_space<vmem>> -> memref<1x40xi32, #tpu.memory_space<vmem>>
        %dma_wait3A_50 = tpu.memref_squeeze %dma_wait3A_49 : memref<1x40xi32, #tpu.memory_space<vmem>> -> memref<40xi32, #tpu.memory_space<vmem>>
        %dma_wait3A_51 = arith.constant 0 : i32
        %dma_wait3A_52 = arith.constant 0 : i32
        %dma_wait3A_53 = tpu.memref_slice %arg9[%dma_wait3A_51, %dma_wait3A_52] : memref<10000x128xf32, #tpu.memory_space<vmem_shared>> -> memref<10000x128xf32, #tpu.memory_space<vmem_shared>>
        tpu.wait_indirect_dma semaphore(%run_scoped3A_43 : memref<!tpu.dma_semaphore, #tpu.memory_space<semaphore_mem>>) src(%arg8 : memref<40x128xf32, #tpu.memory_space<vmem>>) dst(%dma_wait3A_53 : memref<10000x128xf32, #tpu.memory_space<vmem_shared>>)
        tpu.yield
      }) : () -> ()
    }
    %scan3A_11 = arith.constant 125 : i32
    %barrier3A_12 = arith.constant 0 : index
    tpu.barrier barrier_id(%barrier3A_12)
    %run_scoped3A = arith.constant 0 : i32
    "tpu.region"() ({
      %run_scoped3A_39 = tpu.sem_alloc : memref<!tpu.dma_semaphore, #tpu.memory_space<semaphore_mem>>
      %dma_start3A = arith.constant 0 : i32
      %dma_start3A_40 = tpu.memref_slice %arg6[%run_scoped3A, %arg0, %mul3A_4, %dma_start3A] : memref<2x2x10000x128xf32, #tpu.memory_space<hbm>> -> memref<1x1x624x128xf32, #tpu.memory_space<hbm>>
      %dma_start3A_41 = tpu.memref_squeeze %dma_start3A_40 : memref<1x1x624x128xf32, #tpu.memory_space<hbm>> -> memref<624x128xf32, #tpu.memory_space<hbm>>
      %dma_start3A_42 = arith.constant 0 : i32
      %dma_start3A_43 = tpu.memref_slice %arg9[%mul3A_4, %dma_start3A_42] : memref<10000x128xf32, #tpu.memory_space<vmem_shared>> -> memref<624x128xf32, #tpu.memory_space<vmem_shared>>
      tpu.enqueue_dma source(%dma_start3A_43 : memref<624x128xf32, #tpu.memory_space<vmem_shared>>) target(%dma_start3A_41 : memref<624x128xf32, #tpu.memory_space<hbm>>) target_semaphore(%run_scoped3A_39 : memref<!tpu.dma_semaphore, #tpu.memory_space<semaphore_mem>>)
      %dma_wait3A = arith.constant 0 : i32
      %dma_wait3A_44 = tpu.memref_slice %arg6[%run_scoped3A, %arg0, %mul3A_4, %dma_wait3A] : memref<2x2x10000x128xf32, #tpu.memory_space<hbm>> -> memref<1x1x624x128xf32, #tpu.memory_space<hbm>>
      %dma_wait3A_45 = tpu.memref_squeeze %dma_wait3A_44 : memref<1x1x624x128xf32, #tpu.memory_space<hbm>> -> memref<624x128xf32, #tpu.memory_space<hbm>>
      %dma_wait3A_46 = arith.constant 0 : i32
      %dma_wait3A_47 = tpu.memref_slice %arg9[%mul3A_4, %dma_wait3A_46] : memref<10000x128xf32, #tpu.memory_space<vmem_shared>> -> memref<624x128xf32, #tpu.memory_space<vmem_shared>>
      tpu.wait_dma2 semaphore(%run_scoped3A_39 : memref<!tpu.dma_semaphore, #tpu.memory_space<semaphore_mem>>) src(%dma_wait3A_47 : memref<624x128xf32, #tpu.memory_space<vmem_shared>>) dst(%dma_wait3A_45 : memref<624x128xf32, #tpu.memory_space<hbm>>)
      tpu.yield
    }) : () -> ()
    %eq3A_13 = arith.constant 15 : i32
    %eq3A_14 = arith.cmpi eq, %arg1, %eq3A_13 : i32
    %convert_element_type3A_15 = arith.extui %eq3A_14 : i1 to i32
    %cond3A_16 = arith.constant 0 : i32
    %cond3A_17 = arith.cmpi ne, %convert_element_type3A_15, %cond3A_16 : i32
    scf.if %cond3A_17 {
      %run_scoped3A_39 = arith.constant 0 : i32
      "tpu.region"() ({
        %run_scoped3A_40 = tpu.sem_alloc : memref<!tpu.dma_semaphore, #tpu.memory_space<semaphore_mem>>
        %dma_start3A = arith.constant 9984 : i32
        %dma_start3A_41 = arith.constant 0 : i32
        %dma_start3A_42 = tpu.memref_slice %arg6[%run_scoped3A_39, %arg0, %dma_start3A, %dma_start3A_41] : memref<2x2x10000x128xf32, #tpu.memory_space<hbm>> -> memref<1x1x16x128xf32, #tpu.memory_space<hbm>>
        %dma_start3A_43 = tpu.memref_squeeze %dma_start3A_42 : memref<1x1x16x128xf32, #tpu.memory_space<hbm>> -> memref<16x128xf32, #tpu.memory_space<hbm>>
        %dma_start3A_44 = arith.constant 9984 : i32
        %dma_start3A_45 = arith.constant 0 : i32
        %dma_start3A_46 = tpu.memref_slice %arg9[%dma_start3A_44, %dma_start3A_45] : memref<10000x128xf32, #tpu.memory_space<vmem_shared>> -> memref<16x128xf32, #tpu.memory_space<vmem_shared>>
        tpu.enqueue_dma source(%dma_start3A_46 : memref<16x128xf32, #tpu.memory_space<vmem_shared>>) target(%dma_start3A_43 : memref<16x128xf32, #tpu.memory_space<hbm>>) target_semaphore(%run_scoped3A_40 : memref<!tpu.dma_semaphore, #tpu.memory_space<semaphore_mem>>)
        %dma_wait3A = arith.constant 9984 : i32
        %dma_wait3A_47 = arith.constant 0 : i32
        %dma_wait3A_48 = tpu.memref_slice %arg6[%run_scoped3A_39, %arg0, %dma_wait3A, %dma_wait3A_47] : memref<2x2x10000x128xf32, #tpu.memory_space<hbm>> -> memref<1x1x16x128xf32, #tpu.memory_space<hbm>>
        %dma_wait3A_49 = tpu.memref_squeeze %dma_wait3A_48 : memref<1x1x16x128xf32, #tpu.memory_space<hbm>> -> memref<16x128xf32, #tpu.memory_space<hbm>>
        %dma_wait3A_50 = arith.constant 9984 : i32
        %dma_wait3A_51 = arith.constant 0 : i32
        %dma_wait3A_52 = tpu.memref_slice %arg9[%dma_wait3A_50, %dma_wait3A_51] : memref<10000x128xf32, #tpu.memory_space<vmem_shared>> -> memref<16x128xf32, #tpu.memory_space<vmem_shared>>
        tpu.wait_dma2 semaphore(%run_scoped3A_40 : memref<!tpu.dma_semaphore, #tpu.memory_space<semaphore_mem>>) src(%dma_wait3A_52 : memref<16x128xf32, #tpu.memory_space<vmem_shared>>) dst(%dma_wait3A_49 : memref<16x128xf32, #tpu.memory_space<hbm>>)
        tpu.yield
      }) : () -> ()
    } else {
    }
    %barrier3A_18 = arith.constant 0 : index
    tpu.barrier barrier_id(%barrier3A_18)
    "tpu.region"() ({
      %run_scoped3A_39 = tpu.sem_alloc : memref<!tpu.dma_semaphore, #tpu.memory_space<semaphore_mem>>
      %dma_start3A = arith.constant 0 : i32
      %dma_start3A_40 = tpu.memref_slice %arg9[%mul3A_4, %dma_start3A] : memref<10000x128xf32, #tpu.memory_space<vmem_shared>> -> memref<624x128xf32, #tpu.memory_space<vmem_shared>>
      %dma_start3A_41 = arith.constant 0 : i32
      %dma_start3A_42 = arith.constant 0 : i32
      %dma_start3A_43 = tpu.memref_slice %arg5[%dma_start3A_41, %dma_start3A_42] : memref<640x128xf32, #tpu.memory_space<hbm>> -> memref<624x128xf32, #tpu.memory_space<hbm>>
      tpu.enqueue_dma source(%dma_start3A_43 : memref<624x128xf32, #tpu.memory_space<hbm>>) target(%dma_start3A_40 : memref<624x128xf32, #tpu.memory_space<vmem_shared>>) target_semaphore(%run_scoped3A_39 : memref<!tpu.dma_semaphore, #tpu.memory_space<semaphore_mem>>)
      %dma_wait3A = arith.constant 0 : i32
      %dma_wait3A_44 = tpu.memref_slice %arg9[%mul3A_4, %dma_wait3A] : memref<10000x128xf32, #tpu.memory_space<vmem_shared>> -> memref<624x128xf32, #tpu.memory_space<vmem_shared>>
      %dma_wait3A_45 = arith.constant 0 : i32
      %dma_wait3A_46 = arith.constant 0 : i32
      %dma_wait3A_47 = tpu.memref_slice %arg5[%dma_wait3A_45, %dma_wait3A_46] : memref<640x128xf32, #tpu.memory_space<hbm>> -> memref<624x128xf32, #tpu.memory_space<hbm>>
      tpu.wait_dma2 semaphore(%run_scoped3A_39 : memref<!tpu.dma_semaphore, #tpu.memory_space<semaphore_mem>>) src(%dma_wait3A_47 : memref<624x128xf32, #tpu.memory_space<hbm>>) dst(%dma_wait3A_44 : memref<624x128xf32, #tpu.memory_space<vmem_shared>>)
      tpu.yield
    }) : () -> ()
    %eq3A_19 = arith.constant 15 : i32
    %eq3A_20 = arith.cmpi eq, %arg1, %eq3A_19 : i32
    %convert_element_type3A_21 = arith.extui %eq3A_20 : i1 to i32
    %cond3A_22 = arith.constant 0 : i32
    %cond3A_23 = arith.cmpi ne, %convert_element_type3A_21, %cond3A_22 : i32
    scf.if %cond3A_23 {
      "tpu.region"() ({
        %run_scoped3A_39 = tpu.sem_alloc : memref<!tpu.dma_semaphore, #tpu.memory_space<semaphore_mem>>
        %dma_start3A = arith.constant 9984 : i32
        %dma_start3A_40 = arith.constant 0 : i32
        %dma_start3A_41 = tpu.memref_slice %arg9[%dma_start3A, %dma_start3A_40] : memref<10000x128xf32, #tpu.memory_space<vmem_shared>> -> memref<16x128xf32, #tpu.memory_space<vmem_shared>>
        %dma_start3A_42 = arith.constant 0 : i32
        %dma_start3A_43 = arith.constant 0 : i32
        %dma_start3A_44 = tpu.memref_slice %arg5[%dma_start3A_42, %dma_start3A_43] : memref<640x128xf32, #tpu.memory_space<hbm>> -> memref<16x128xf32, #tpu.memory_space<hbm>>
        tpu.enqueue_dma source(%dma_start3A_44 : memref<16x128xf32, #tpu.memory_space<hbm>>) target(%dma_start3A_41 : memref<16x128xf32, #tpu.memory_space<vmem_shared>>) target_semaphore(%run_scoped3A_39 : memref<!tpu.dma_semaphore, #tpu.memory_space<semaphore_mem>>)
        %dma_wait3A = arith.constant 9984 : i32
        %dma_wait3A_45 = arith.constant 0 : i32
        %dma_wait3A_46 = tpu.memref_slice %arg9[%dma_wait3A, %dma_wait3A_45] : memref<10000x128xf32, #tpu.memory_space<vmem_shared>> -> memref<16x128xf32, #tpu.memory_space<vmem_shared>>
        %dma_wait3A_47 = arith.constant 0 : i32
        %dma_wait3A_48 = arith.constant 0 : i32
        %dma_wait3A_49 = tpu.memref_slice %arg5[%dma_wait3A_47, %dma_wait3A_48] : memref<640x128xf32, #tpu.memory_space<hbm>> -> memref<16x128xf32, #tpu.memory_space<hbm>>
        tpu.wait_dma2 semaphore(%run_scoped3A_39 : memref<!tpu.dma_semaphore, #tpu.memory_space<semaphore_mem>>) src(%dma_wait3A_49 : memref<16x128xf32, #tpu.memory_space<hbm>>) dst(%dma_wait3A_46 : memref<16x128xf32, #tpu.memory_space<vmem_shared>>)
        tpu.yield
      }) : () -> ()
    } else {
    }
    %barrier3A_24 = arith.constant 0 : index
    tpu.barrier barrier_id(%barrier3A_24)
    %scan3A_25 = arith.constant 0 : i32
    %scan3A_26 = arith.constant 0 : i32
    %scan3A_27 = arith.constant 125 : i32
    %scan3A_28 = arith.addi %scan3A_26, %scan3A_27 : i32
    %scan3A_29 = arith.constant 1 : i32
    scf.for %scan3A_39 = %scan3A_26 to %scan3A_28 step %scan3A_29  : i32 {
      %mul3A_40 = arith.constant 40 : i32
      %mul3A_41 = arith.muli %scan3A_39, %mul3A_40 : i32
      %add3A_42 = arith.addi %mul3A_2, %mul3A_41 : i32
      "tpu.region"() ({
        %run_scoped3A_43 = tpu.sem_alloc : memref<!tpu.dma_semaphore, #tpu.memory_space<semaphore_mem>>
        %dma_start3A = arith.constant 0 : i32
        %dma_start3A_44 = tpu.memref_slice %arg3[%add3A_42, %dma_start3A] : memref<160000x128xf32, #tpu.memory_space<hbm>> -> memref<40x128xf32, #tpu.memory_space<hbm>>
        %dma_start3A_45 = arith.constant 0 : i32
        %dma_start3A_46 = tpu.memref_slice %arg3[%add3A_42, %dma_start3A_45] : memref<160000x128xf32, #tpu.memory_space<hbm>> -> memref<40x128xf32, #tpu.memory_space<hbm>>
        tpu.enqueue_dma source(%dma_start3A_46 : memref<40x128xf32, #tpu.memory_space<hbm>>) target(%arg8 : memref<40x128xf32, #tpu.memory_space<vmem>>) target_semaphore(%run_scoped3A_43 : memref<!tpu.dma_semaphore, #tpu.memory_space<semaphore_mem>>)
        %dma_wait3A = arith.constant 0 : i32
        %dma_wait3A_47 = tpu.memref_slice %arg3[%add3A_42, %dma_wait3A] : memref<160000x128xf32, #tpu.memory_space<hbm>> -> memref<40x128xf32, #tpu.memory_space<hbm>>
        %dma_wait3A_48 = arith.constant 0 : i32
        %dma_wait3A_49 = tpu.memref_slice %arg3[%add3A_42, %dma_wait3A_48] : memref<160000x128xf32, #tpu.memory_space<hbm>> -> memref<40x128xf32, #tpu.memory_space<hbm>>
        tpu.wait_dma2 semaphore(%run_scoped3A_43 : memref<!tpu.dma_semaphore, #tpu.memory_space<semaphore_mem>>) src(%dma_wait3A_49 : memref<40x128xf32, #tpu.memory_space<hbm>>) dst(%arg8 : memref<40x128xf32, #tpu.memory_space<vmem>>)
        tpu.yield
      }) : () -> ()
      "tpu.region"() ({
        %run_scoped3A_43 = tpu.sem_alloc : memref<!tpu.dma_semaphore, #tpu.memory_space<semaphore_mem>>
        %dma_start3A = arith.constant 0 : i32
        %dma_start3A_44 = tpu.memref_slice %arg7[%scan3A_39, %dma_start3A] : memref<125x40xi32, #tpu.memory_space<vmem>> -> memref<1x40xi32, #tpu.memory_space<vmem>>
        %dma_start3A_45 = tpu.memref_squeeze %dma_start3A_44 : memref<1x40xi32, #tpu.memory_space<vmem>> -> memref<40xi32, #tpu.memory_space<vmem>>
        %dma_start3A_46 = arith.constant 0 : i32
        %dma_start3A_47 = arith.constant 0 : i32
        %dma_start3A_48 = tpu.memref_slice %arg9[%dma_start3A_46, %dma_start3A_47] : memref<10000x128xf32, #tpu.memory_space<vmem_shared>> -> memref<10000x128xf32, #tpu.memory_space<vmem_shared>>
        tpu.enqueue_indirect_dma source(%arg8 : memref<40x128xf32, #tpu.memory_space<vmem>>) target(%dma_start3A_48 : memref<10000x128xf32, #tpu.memory_space<vmem_shared>>) offsets(%dma_start3A_45 : memref<40xi32, #tpu.memory_space<vmem>>) semaphore(%run_scoped3A_43 : memref<!tpu.dma_semaphore, #tpu.memory_space<semaphore_mem>>) {add = true}
        %dma_wait3A = arith.constant 0 : i32
        %dma_wait3A_49 = tpu.memref_slice %arg7[%scan3A_39, %dma_wait3A] : memref<125x40xi32, #tpu.memory_space<vmem>> -> memref<1x40xi32, #tpu.memory_space<vmem>>
        %dma_wait3A_50 = tpu.memref_squeeze %dma_wait3A_49 : memref<1x40xi32, #tpu.memory_space<vmem>> -> memref<40xi32, #tpu.memory_space<vmem>>
        %dma_wait3A_51 = arith.constant 0 : i32
        %dma_wait3A_52 = arith.constant 0 : i32
        %dma_wait3A_53 = tpu.memref_slice %arg9[%dma_wait3A_51, %dma_wait3A_52] : memref<10000x128xf32, #tpu.memory_space<vmem_shared>> -> memref<10000x128xf32, #tpu.memory_space<vmem_shared>>
        tpu.wait_indirect_dma semaphore(%run_scoped3A_43 : memref<!tpu.dma_semaphore, #tpu.memory_space<semaphore_mem>>) src(%arg8 : memref<40x128xf32, #tpu.memory_space<vmem>>) dst(%dma_wait3A_53 : memref<10000x128xf32, #tpu.memory_space<vmem_shared>>)
        tpu.yield
      }) : () -> ()
    }
    %scan3A_30 = arith.constant 125 : i32
    %barrier3A_31 = arith.constant 0 : index
    tpu.barrier barrier_id(%barrier3A_31)
    %run_scoped3A_32 = arith.constant 1 : i32
    "tpu.region"() ({
      %run_scoped3A_39 = tpu.sem_alloc : memref<!tpu.dma_semaphore, #tpu.memory_space<semaphore_mem>>
      %dma_start3A = arith.constant 0 : i32
      %dma_start3A_40 = tpu.memref_slice %arg6[%run_scoped3A_32, %arg0, %mul3A_4, %dma_start3A] : memref<2x2x10000x128xf32, #tpu.memory_space<hbm>> -> memref<1x1x624x128xf32, #tpu.memory_space<hbm>>
      %dma_start3A_41 = tpu.memref_squeeze %dma_start3A_40 : memref<1x1x624x128xf32, #tpu.memory_space<hbm>> -> memref<624x128xf32, #tpu.memory_space<hbm>>
      %dma_start3A_42 = arith.constant 0 : i32
      %dma_start3A_43 = tpu.memref_slice %arg9[%mul3A_4, %dma_start3A_42] : memref<10000x128xf32, #tpu.memory_space<vmem_shared>> -> memref<624x128xf32, #tpu.memory_space<vmem_shared>>
      tpu.enqueue_dma source(%dma_start3A_43 : memref<624x128xf32, #tpu.memory_space<vmem_shared>>) target(%dma_start3A_41 : memref<624x128xf32, #tpu.memory_space<hbm>>) target_semaphore(%run_scoped3A_39 : memref<!tpu.dma_semaphore, #tpu.memory_space<semaphore_mem>>)
      %dma_wait3A = arith.constant 0 : i32
      %dma_wait3A_44 = tpu.memref_slice %arg6[%run_scoped3A_32, %arg0, %mul3A_4, %dma_wait3A] : memref<2x2x10000x128xf32, #tpu.memory_space<hbm>> -> memref<1x1x624x128xf32, #tpu.memory_space<hbm>>
      %dma_wait3A_45 = tpu.memref_squeeze %dma_wait3A_44 : memref<1x1x624x128xf32, #tpu.memory_space<hbm>> -> memref<624x128xf32, #tpu.memory_space<hbm>>
      %dma_wait3A_46 = arith.constant 0 : i32
      %dma_wait3A_47 = tpu.memref_slice %arg9[%mul3A_4, %dma_wait3A_46] : memref<10000x128xf32, #tpu.memory_space<vmem_shared>> -> memref<624x128xf32, #tpu.memory_space<vmem_shared>>
      tpu.wait_dma2 semaphore(%run_scoped3A_39 : memref<!tpu.dma_semaphore, #tpu.memory_space<semaphore_mem>>) src(%dma_wait3A_47 : memref<624x128xf32, #tpu.memory_space<vmem_shared>>) dst(%dma_wait3A_45 : memref<624x128xf32, #tpu.memory_space<hbm>>)
      tpu.yield
    }) : () -> ()
    %eq3A_33 = arith.constant 15 : i32
    %eq3A_34 = arith.cmpi eq, %arg1, %eq3A_33 : i32
    %convert_element_type3A_35 = arith.extui %eq3A_34 : i1 to i32
    %cond3A_36 = arith.constant 0 : i32
    %cond3A_37 = arith.cmpi ne, %convert_element_type3A_35, %cond3A_36 : i32
    scf.if %cond3A_37 {
      %run_scoped3A_39 = arith.constant 1 : i32
      "tpu.region"() ({
        %run_scoped3A_40 = tpu.sem_alloc : memref<!tpu.dma_semaphore, #tpu.memory_space<semaphore_mem>>
        %dma_start3A = arith.constant 9984 : i32
        %dma_start3A_41 = arith.constant 0 : i32
        %dma_start3A_42 = tpu.memref_slice %arg6[%run_scoped3A_39, %arg0, %dma_start3A, %dma_start3A_41] : memref<2x2x10000x128xf32, #tpu.memory_space<hbm>> -> memref<1x1x16x128xf32, #tpu.memory_space<hbm>>
        %dma_start3A_43 = tpu.memref_squeeze %dma_start3A_42 : memref<1x1x16x128xf32, #tpu.memory_space<hbm>> -> memref<16x128xf32, #tpu.memory_space<hbm>>
        %dma_start3A_44 = arith.constant 9984 : i32
        %dma_start3A_45 = arith.constant 0 : i32
        %dma_start3A_46 = tpu.memref_slice %arg9[%dma_start3A_44, %dma_start3A_45] : memref<10000x128xf32, #tpu.memory_space<vmem_shared>> -> memref<16x128xf32, #tpu.memory_space<vmem_shared>>
        tpu.enqueue_dma source(%dma_start3A_46 : memref<16x128xf32, #tpu.memory_space<vmem_shared>>) target(%dma_start3A_43 : memref<16x128xf32, #tpu.memory_space<hbm>>) target_semaphore(%run_scoped3A_40 : memref<!tpu.dma_semaphore, #tpu.memory_space<semaphore_mem>>)
        %dma_wait3A = arith.constant 9984 : i32
        %dma_wait3A_47 = arith.constant 0 : i32
        %dma_wait3A_48 = tpu.memref_slice %arg6[%run_scoped3A_39, %arg0, %dma_wait3A, %dma_wait3A_47] : memref<2x2x10000x128xf32, #tpu.memory_space<hbm>> -> memref<1x1x16x128xf32, #tpu.memory_space<hbm>>
        %dma_wait3A_49 = tpu.memref_squeeze %dma_wait3A_48 : memref<1x1x16x128xf32, #tpu.memory_space<hbm>> -> memref<16x128xf32, #tpu.memory_space<hbm>>
        %dma_wait3A_50 = arith.constant 9984 : i32
        %dma_wait3A_51 = arith.constant 0 : i32
        %dma_wait3A_52 = tpu.memref_slice %arg9[%dma_wait3A_50, %dma_wait3A_51] : memref<10000x128xf32, #tpu.memory_space<vmem_shared>> -> memref<16x128xf32, #tpu.memory_space<vmem_shared>>
        tpu.wait_dma2 semaphore(%run_scoped3A_40 : memref<!tpu.dma_semaphore, #tpu.memory_space<semaphore_mem>>) src(%dma_wait3A_52 : memref<16x128xf32, #tpu.memory_space<vmem_shared>>) dst(%dma_wait3A_49 : memref<16x128xf32, #tpu.memory_space<hbm>>)
        tpu.yield
      }) : () -> ()
    } else {
    }
    %barrier3A_38 = arith.constant 0 : index
    tpu.barrier barrier_id(%barrier3A_38)
    return
  }
}

#map = affine_map<(d0, d1) -> (0, 0)>
#map1 = affine_map<(d0, d1) -> (0, 0, 0)>
module attributes {stable_mosaic.version = 14 : i64} {
  func.func @_sc_gather_body(%arg0: i32, %arg1: i32, %arg2: memref<10000x128xf32, #tpu.memory_space<hbm>>, %arg3: memref<32x125x40xi32, #tpu.memory_space<hbm>>, %arg4: memref<160000x128xf32, #tpu.memory_space<hbm>>, %arg5: memref<125x40xi32, #tpu.memory_space<vmem>>, %arg6: memref<40x128xf32, #tpu.memory_space<vmem>>, %arg7: memref<40x128xf32, #tpu.memory_space<vmem>>, %arg8: memref<!tpu.dma_semaphore, #tpu.memory_space<semaphore_mem>>, %arg9: memref<!tpu.dma_semaphore, #tpu.memory_space<semaphore_mem>>) attributes {dimension_semantics = [#tpu.dimension_semantics<core_parallel>, #tpu.dimension_semantics<subcore_parallel>], iteration_bounds = array<i64: 2, 16>, scalar_prefetch = 0 : i64, scratch_operands = 5 : i64, tpu.core_type = #tpu.core_type<sc_vector_subcore>, window_params = [{transform_indices = #map}, {transform_indices = #map1}, {transform_indices = #map}]} {
    %mul3A = arith.constant 2 : i32
    %mul3A_0 = arith.muli %arg1, %mul3A : i32
    %add3A = arith.addi %mul3A_0, %arg0 : i32
    %mul3A_1 = arith.constant 5000 : i32
    %mul3A_2 = arith.muli %add3A, %mul3A_1 : i32
    "tpu.region"() ({
      %run_scoped3A = tpu.sem_alloc : memref<!tpu.dma_semaphore, #tpu.memory_space<semaphore_mem>>
      %dma_start3A_14 = arith.constant 0 : i32
      %dma_start3A_15 = arith.constant 0 : i32
      %dma_start3A_16 = tpu.memref_slice %arg3[%add3A, %dma_start3A_14, %dma_start3A_15] : memref<32x125x40xi32, #tpu.memory_space<hbm>> -> memref<1x125x40xi32, #tpu.memory_space<hbm>>
      %dma_start3A_17 = tpu.memref_squeeze %dma_start3A_16 : memref<1x125x40xi32, #tpu.memory_space<hbm>> -> memref<125x40xi32, #tpu.memory_space<hbm>>
      %dma_start3A_18 = arith.constant 0 : i32
      %dma_start3A_19 = arith.constant 0 : i32
      %dma_start3A_20 = tpu.memref_slice %arg3[%add3A, %dma_start3A_18, %dma_start3A_19] : memref<32x125x40xi32, #tpu.memory_space<hbm>> -> memref<1x125x40xi32, #tpu.memory_space<hbm>>
      %dma_start3A_21 = tpu.memref_squeeze %dma_start3A_20 : memref<1x125x40xi32, #tpu.memory_space<hbm>> -> memref<125x40xi32, #tpu.memory_space<hbm>>
      tpu.enqueue_dma source(%dma_start3A_21 : memref<125x40xi32, #tpu.memory_space<hbm>>) target(%arg5 : memref<125x40xi32, #tpu.memory_space<vmem>>) target_semaphore(%run_scoped3A : memref<!tpu.dma_semaphore, #tpu.memory_space<semaphore_mem>>)
      %dma_wait3A = arith.constant 0 : i32
      %dma_wait3A_22 = arith.constant 0 : i32
      %dma_wait3A_23 = tpu.memref_slice %arg3[%add3A, %dma_wait3A, %dma_wait3A_22] : memref<32x125x40xi32, #tpu.memory_space<hbm>> -> memref<1x125x40xi32, #tpu.memory_space<hbm>>
      %dma_wait3A_24 = tpu.memref_squeeze %dma_wait3A_23 : memref<1x125x40xi32, #tpu.memory_space<hbm>> -> memref<125x40xi32, #tpu.memory_space<hbm>>
      %dma_wait3A_25 = arith.constant 0 : i32
      %dma_wait3A_26 = arith.constant 0 : i32
      %dma_wait3A_27 = tpu.memref_slice %arg3[%add3A, %dma_wait3A_25, %dma_wait3A_26] : memref<32x125x40xi32, #tpu.memory_space<hbm>> -> memref<1x125x40xi32, #tpu.memory_space<hbm>>
      %dma_wait3A_28 = tpu.memref_squeeze %dma_wait3A_27 : memref<1x125x40xi32, #tpu.memory_space<hbm>> -> memref<125x40xi32, #tpu.memory_space<hbm>>
      tpu.wait_dma2 semaphore(%run_scoped3A : memref<!tpu.dma_semaphore, #tpu.memory_space<semaphore_mem>>) src(%dma_wait3A_28 : memref<125x40xi32, #tpu.memory_space<hbm>>) dst(%arg5 : memref<125x40xi32, #tpu.memory_space<vmem>>)
      tpu.yield
    }) : () -> ()
    %dma_start3A = arith.constant 0 : i32
    %dma_start3A_3 = arith.constant 0 : i32
    %dma_start3A_4 = tpu.memref_slice %arg5[%dma_start3A, %dma_start3A_3] : memref<125x40xi32, #tpu.memory_space<vmem>> -> memref<1x40xi32, #tpu.memory_space<vmem>>
    %dma_start3A_5 = tpu.memref_squeeze %dma_start3A_4 : memref<1x40xi32, #tpu.memory_space<vmem>> -> memref<40xi32, #tpu.memory_space<vmem>>
    %dma_start3A_6 = arith.constant 0 : i32
    %dma_start3A_7 = arith.constant 0 : i32
    %dma_start3A_8 = tpu.memref_slice %arg2[%dma_start3A_6, %dma_start3A_7] : memref<10000x128xf32, #tpu.memory_space<hbm>> -> memref<10000x128xf32, #tpu.memory_space<hbm>>
    tpu.enqueue_indirect_dma source(%dma_start3A_8 : memref<10000x128xf32, #tpu.memory_space<hbm>>) target(%arg6 : memref<40x128xf32, #tpu.memory_space<vmem>>) offsets(%dma_start3A_5 : memref<40xi32, #tpu.memory_space<vmem>>) semaphore(%arg8 : memref<!tpu.dma_semaphore, #tpu.memory_space<semaphore_mem>>)
    %scan3A = arith.constant 0 : i32
    %scan3A_9 = arith.constant 0 : i32
    %scan3A_10 = arith.constant 125 : i32
    %scan3A_11 = arith.addi %scan3A_9, %scan3A_10 : i32
    %scan3A_12 = arith.constant 1 : i32
    scf.for %scan3A_14 = %scan3A_9 to %scan3A_11 step %scan3A_12  : i32 {
      %rem3A = arith.constant 2 : i32
      %rem3A_15 = arith.remsi %scan3A_14, %rem3A : i32
      %eq3A = arith.constant 0 : i32
      %eq3A_16 = arith.cmpi eq, %rem3A_15, %eq3A : i32
      %add3A_17 = arith.constant 1 : i32
      %add3A_18 = arith.addi %scan3A_14, %add3A_17 : i32
      %convert_element_type3A = arith.extui %eq3A_16 : i1 to i32
      %cond3A = arith.constant 0 : i32
      %cond3A_19 = arith.cmpi ne, %convert_element_type3A, %cond3A : i32
      scf.if %cond3A_19 {
        %lt3A = arith.constant 125 : i32
        %lt3A_24 = arith.cmpi slt, %add3A_18, %lt3A : i32
        %convert_element_type3A_25 = arith.extui %lt3A_24 : i1 to i32
        %cond3A_26 = arith.constant 0 : i32
        %cond3A_27 = arith.cmpi ne, %convert_element_type3A_25, %cond3A_26 : i32
        scf.if %cond3A_27 {
          %dma_start3A_37 = arith.constant 0 : i32
          %dma_start3A_38 = tpu.memref_slice %arg5[%add3A_18, %dma_start3A_37] : memref<125x40xi32, #tpu.memory_space<vmem>> -> memref<1x40xi32, #tpu.memory_space<vmem>>
          %dma_start3A_39 = tpu.memref_squeeze %dma_start3A_38 : memref<1x40xi32, #tpu.memory_space<vmem>> -> memref<40xi32, #tpu.memory_space<vmem>>
          %dma_start3A_40 = arith.constant 0 : i32
          %dma_start3A_41 = arith.constant 0 : i32
          %dma_start3A_42 = tpu.memref_slice %arg2[%dma_start3A_40, %dma_start3A_41] : memref<10000x128xf32, #tpu.memory_space<hbm>> -> memref<10000x128xf32, #tpu.memory_space<hbm>>
          tpu.enqueue_indirect_dma source(%dma_start3A_42 : memref<10000x128xf32, #tpu.memory_space<hbm>>) target(%arg7 : memref<40x128xf32, #tpu.memory_space<vmem>>) offsets(%dma_start3A_39 : memref<40xi32, #tpu.memory_space<vmem>>) semaphore(%arg9 : memref<!tpu.dma_semaphore, #tpu.memory_space<semaphore_mem>>)
        } else {
        }
        %dma_wait3A = arith.constant 0 : i32
        %dma_wait3A_28 = arith.constant 0 : i32
        %dma_wait3A_29 = tpu.memref_slice %arg5[%dma_wait3A, %dma_wait3A_28] : memref<125x40xi32, #tpu.memory_space<vmem>> -> memref<1x40xi32, #tpu.memory_space<vmem>>
        %dma_wait3A_30 = tpu.memref_squeeze %dma_wait3A_29 : memref<1x40xi32, #tpu.memory_space<vmem>> -> memref<40xi32, #tpu.memory_space<vmem>>
        %dma_wait3A_31 = arith.constant 0 : i32
        %dma_wait3A_32 = arith.constant 0 : i32
        %dma_wait3A_33 = tpu.memref_slice %arg2[%dma_wait3A_31, %dma_wait3A_32] : memref<10000x128xf32, #tpu.memory_space<hbm>> -> memref<10000x128xf32, #tpu.memory_space<hbm>>
        tpu.wait_indirect_dma semaphore(%arg8 : memref<!tpu.dma_semaphore, #tpu.memory_space<semaphore_mem>>) src(%dma_wait3A_33 : memref<10000x128xf32, #tpu.memory_space<hbm>>) dst(%arg6 : memref<40x128xf32, #tpu.memory_space<vmem>>)
        %mul3A_34 = arith.constant 40 : i32
        %mul3A_35 = arith.muli %scan3A_14, %mul3A_34 : i32
        %add3A_36 = arith.addi %mul3A_2, %mul3A_35 : i32
        "tpu.region"() ({
          %run_scoped3A = tpu.sem_alloc : memref<!tpu.dma_semaphore, #tpu.memory_space<semaphore_mem>>
          %dma_start3A_37 = arith.constant 0 : i32
          %dma_start3A_38 = tpu.memref_slice %arg4[%add3A_36, %dma_start3A_37] : memref<160000x128xf32, #tpu.memory_space<hbm>> -> memref<40x128xf32, #tpu.memory_space<hbm>>
          %dma_start3A_39 = arith.constant 0 : i32
          %dma_start3A_40 = tpu.memref_slice %arg4[%add3A_36, %dma_start3A_39] : memref<160000x128xf32, #tpu.memory_space<hbm>> -> memref<40x128xf32, #tpu.memory_space<hbm>>
          tpu.enqueue_dma source(%arg6 : memref<40x128xf32, #tpu.memory_space<vmem>>) target(%dma_start3A_40 : memref<40x128xf32, #tpu.memory_space<hbm>>) target_semaphore(%run_scoped3A : memref<!tpu.dma_semaphore, #tpu.memory_space<semaphore_mem>>)
          %dma_wait3A_41 = arith.constant 0 : i32
          %dma_wait3A_42 = tpu.memref_slice %arg4[%add3A_36, %dma_wait3A_41] : memref<160000x128xf32, #tpu.memory_space<hbm>> -> memref<40x128xf32, #tpu.memory_space<hbm>>
          %dma_wait3A_43 = arith.constant 0 : i32
          %dma_wait3A_44 = tpu.memref_slice %arg4[%add3A_36, %dma_wait3A_43] : memref<160000x128xf32, #tpu.memory_space<hbm>> -> memref<40x128xf32, #tpu.memory_space<hbm>>
          tpu.wait_dma2 semaphore(%run_scoped3A : memref<!tpu.dma_semaphore, #tpu.memory_space<semaphore_mem>>) src(%arg6 : memref<40x128xf32, #tpu.memory_space<vmem>>) dst(%dma_wait3A_44 : memref<40x128xf32, #tpu.memory_space<hbm>>)
          tpu.yield
        }) : () -> ()
      } else {
      }
      %not3A = arith.constant true
      %not3A_20 = arith.xori %eq3A_16, %not3A : i1
      %convert_element_type3A_21 = arith.extui %not3A_20 : i1 to i32
      %cond3A_22 = arith.constant 0 : i32
      %cond3A_23 = arith.cmpi ne, %convert_element_type3A_21, %cond3A_22 : i32
      scf.if %cond3A_23 {
        %lt3A = arith.constant 125 : i32
        %lt3A_24 = arith.cmpi slt, %add3A_18, %lt3A : i32
        %convert_element_type3A_25 = arith.extui %lt3A_24 : i1 to i32
        %cond3A_26 = arith.constant 0 : i32
        %cond3A_27 = arith.cmpi ne, %convert_element_type3A_25, %cond3A_26 : i32
        scf.if %cond3A_27 {
          %dma_start3A_37 = arith.constant 0 : i32
          %dma_start3A_38 = tpu.memref_slice %arg5[%add3A_18, %dma_start3A_37] : memref<125x40xi32, #tpu.memory_space<vmem>> -> memref<1x40xi32, #tpu.memory_space<vmem>>
          %dma_start3A_39 = tpu.memref_squeeze %dma_start3A_38 : memref<1x40xi32, #tpu.memory_space<vmem>> -> memref<40xi32, #tpu.memory_space<vmem>>
          %dma_start3A_40 = arith.constant 0 : i32
          %dma_start3A_41 = arith.constant 0 : i32
          %dma_start3A_42 = tpu.memref_slice %arg2[%dma_start3A_40, %dma_start3A_41] : memref<10000x128xf32, #tpu.memory_space<hbm>> -> memref<10000x128xf32, #tpu.memory_space<hbm>>
          tpu.enqueue_indirect_dma source(%dma_start3A_42 : memref<10000x128xf32, #tpu.memory_space<hbm>>) target(%arg6 : memref<40x128xf32, #tpu.memory_space<vmem>>) offsets(%dma_start3A_39 : memref<40xi32, #tpu.memory_space<vmem>>) semaphore(%arg8 : memref<!tpu.dma_semaphore, #tpu.memory_space<semaphore_mem>>)
        } else {
        }
        %dma_wait3A = arith.constant 0 : i32
        %dma_wait3A_28 = arith.constant 0 : i32
        %dma_wait3A_29 = tpu.memref_slice %arg5[%dma_wait3A, %dma_wait3A_28] : memref<125x40xi32, #tpu.memory_space<vmem>> -> memref<1x40xi32, #tpu.memory_space<vmem>>
        %dma_wait3A_30 = tpu.memref_squeeze %dma_wait3A_29 : memref<1x40xi32, #tpu.memory_space<vmem>> -> memref<40xi32, #tpu.memory_space<vmem>>
        %dma_wait3A_31 = arith.constant 0 : i32
        %dma_wait3A_32 = arith.constant 0 : i32
        %dma_wait3A_33 = tpu.memref_slice %arg2[%dma_wait3A_31, %dma_wait3A_32] : memref<10000x128xf32, #tpu.memory_space<hbm>> -> memref<10000x128xf32, #tpu.memory_space<hbm>>
        tpu.wait_indirect_dma semaphore(%arg9 : memref<!tpu.dma_semaphore, #tpu.memory_space<semaphore_mem>>) src(%dma_wait3A_33 : memref<10000x128xf32, #tpu.memory_space<hbm>>) dst(%arg7 : memref<40x128xf32, #tpu.memory_space<vmem>>)
        %mul3A_34 = arith.constant 40 : i32
        %mul3A_35 = arith.muli %scan3A_14, %mul3A_34 : i32
        %add3A_36 = arith.addi %mul3A_2, %mul3A_35 : i32
        "tpu.region"() ({
          %run_scoped3A = tpu.sem_alloc : memref<!tpu.dma_semaphore, #tpu.memory_space<semaphore_mem>>
          %dma_start3A_37 = arith.constant 0 : i32
          %dma_start3A_38 = tpu.memref_slice %arg4[%add3A_36, %dma_start3A_37] : memref<160000x128xf32, #tpu.memory_space<hbm>> -> memref<40x128xf32, #tpu.memory_space<hbm>>
          %dma_start3A_39 = arith.constant 0 : i32
          %dma_start3A_40 = tpu.memref_slice %arg4[%add3A_36, %dma_start3A_39] : memref<160000x128xf32, #tpu.memory_space<hbm>> -> memref<40x128xf32, #tpu.memory_space<hbm>>
          tpu.enqueue_dma source(%arg7 : memref<40x128xf32, #tpu.memory_space<vmem>>) target(%dma_start3A_40 : memref<40x128xf32, #tpu.memory_space<hbm>>) target_semaphore(%run_scoped3A : memref<!tpu.dma_semaphore, #tpu.memory_space<semaphore_mem>>)
          %dma_wait3A_41 = arith.constant 0 : i32
          %dma_wait3A_42 = tpu.memref_slice %arg4[%add3A_36, %dma_wait3A_41] : memref<160000x128xf32, #tpu.memory_space<hbm>> -> memref<40x128xf32, #tpu.memory_space<hbm>>
          %dma_wait3A_43 = arith.constant 0 : i32
          %dma_wait3A_44 = tpu.memref_slice %arg4[%add3A_36, %dma_wait3A_43] : memref<160000x128xf32, #tpu.memory_space<hbm>> -> memref<40x128xf32, #tpu.memory_space<hbm>>
          tpu.wait_dma2 semaphore(%run_scoped3A : memref<!tpu.dma_semaphore, #tpu.memory_space<semaphore_mem>>) src(%arg7 : memref<40x128xf32, #tpu.memory_space<vmem>>) dst(%dma_wait3A_44 : memref<40x128xf32, #tpu.memory_space<hbm>>)
          tpu.yield
        }) : () -> ()
      } else {
      }
    }
    %scan3A_13 = arith.constant 125 : i32
    return
  }
}

module attributes {stable_mosaic.version = 14 : i64} {
  func.func @_edge_body(%arg0: i32, %arg1: memref<1600x16xf32, #tpu.memory_space<vmem>>, %arg2: memref<1600x16xf32, #tpu.memory_space<vmem>>, %arg3: memref<1600x16xf32, #tpu.memory_space<vmem>>, %arg4: memref<1600x16xf32, #tpu.memory_space<vmem>>, %arg5: memref<1600x16xf32, #tpu.memory_space<vmem>>, %arg6: memref<1600x16xf32, #tpu.memory_space<vmem>>, %arg7: memref<1600x128xf32, #tpu.memory_space<vmem>>, %arg8: memref<4x64xf32, #tpu.memory_space<vmem>>, %arg9: memref<1x64xf32, #tpu.memory_space<vmem>>, %arg10: memref<64x128xf32, #tpu.memory_space<vmem>>, %arg11: memref<1x128xf32, #tpu.memory_space<vmem>>, %arg12: memref<16x128xf32, #tpu.memory_space<vmem>>, %arg13: memref<1x128xf32, #tpu.memory_space<vmem>>, %arg14: memref<256x256xf32, #tpu.memory_space<vmem>>, %arg15: memref<1x256xf32, #tpu.memory_space<vmem>>, %arg16: memref<128x128xf32, #tpu.memory_space<vmem>>, %arg17: memref<1x128xf32, #tpu.memory_space<vmem>>, %arg18: memref<128x128xf32, #tpu.memory_space<vmem>>, %arg19: memref<1x128xf32, #tpu.memory_space<vmem>>, %arg20: memref<1x128xf32, #tpu.memory_space<vmem>>, %arg21: memref<1x1xf32, #tpu.memory_space<vmem>>, %arg22: memref<1x128xf32, #tpu.memory_space<vmem>>, %arg23: memref<1x1xf32, #tpu.memory_space<vmem>>, %arg24: memref<1600x128xf32, #tpu.memory_space<vmem>>, %arg25: memref<1600x128xf32, #tpu.memory_space<vmem>>) attributes {dimension_semantics = [#tpu.dimension_semantics<arbitrary>], iteration_bounds = array<i64: 100>, scalar_prefetch = 0 : i64, scratch_operands = 0 : i64, tpu.core_type = #tpu.core_type<tc>, window_params = [{transform_indices = @transform_0, window_bounds = array<i64: 1600, 16>}, {transform_indices = @transform_1, window_bounds = array<i64: 1600, 16>}, {transform_indices = @transform_2, window_bounds = array<i64: 1600, 16>}, {transform_indices = @transform_3, window_bounds = array<i64: 1600, 16>}, {transform_indices = @transform_4, window_bounds = array<i64: 1600, 16>}, {transform_indices = @transform_5, window_bounds = array<i64: 1600, 16>}, {transform_indices = @transform_6, window_bounds = array<i64: 1600, 128>}, {pipeline_mode = #tpu.pipeline_mode<synchronous>, transform_indices = @transform_7, window_bounds = array<i64: 4, 64>}, {pipeline_mode = #tpu.pipeline_mode<synchronous>, transform_indices = @transform_8, window_bounds = array<i64: 1, 64>}, {pipeline_mode = #tpu.pipeline_mode<synchronous>, transform_indices = @transform_9, window_bounds = array<i64: 64, 128>}, {pipeline_mode = #tpu.pipeline_mode<synchronous>, transform_indices = @transform_10, window_bounds = array<i64: 1, 128>}, {pipeline_mode = #tpu.pipeline_mode<synchronous>, transform_indices = @transform_11, window_bounds = array<i64: 16, 128>}, {pipeline_mode = #tpu.pipeline_mode<synchronous>, transform_indices = @transform_12, window_bounds = array<i64: 1, 128>}, {pipeline_mode = #tpu.pipeline_mode<synchronous>, transform_indices = @transform_13, window_bounds = array<i64: 256, 256>}, {pipeline_mode = #tpu.pipeline_mode<synchronous>, transform_indices = @transform_14, window_bounds = array<i64: 1, 256>}, {pipeline_mode = #tpu.pipeline_mode<synchronous>, transform_indices = @transform_15, window_bounds = array<i64: 128, 128>}, {pipeline_mode = #tpu.pipeline_mode<synchronous>, transform_indices = @transform_16, window_bounds = array<i64: 1, 128>}, {pipeline_mode = #tpu.pipeline_mode<synchronous>, transform_indices = @transform_17, window_bounds = array<i64: 128, 128>}, {pipeline_mode = #tpu.pipeline_mode<synchronous>, transform_indices = @transform_18, window_bounds = array<i64: 1, 128>}, {pipeline_mode = #tpu.pipeline_mode<synchronous>, transform_indices = @transform_19, window_bounds = array<i64: 1, 128>}, {pipeline_mode = #tpu.pipeline_mode<synchronous>, transform_indices = @transform_20, window_bounds = array<i64: 1, 1>}, {pipeline_mode = #tpu.pipeline_mode<synchronous>, transform_indices = @transform_21, window_bounds = array<i64: 1, 128>}, {pipeline_mode = #tpu.pipeline_mode<synchronous>, transform_indices = @transform_22, window_bounds = array<i64: 1, 1>}, {transform_indices = @transform_23, window_bounds = array<i64: 1600, 128>}, {transform_indices = @transform_24, window_bounds = array<i64: 1600, 128>}]} {
    %get3A = arith.constant 0 : index
    %get3A_0 = arith.constant 0 : index
    %get3A_1 = vector.load %arg1[%get3A, %get3A_0] : memref<1600x16xf32, #tpu.memory_space<vmem>>, vector<1600x3xf32>
    %get3A_2 = arith.constant 0 : index
    %get3A_3 = arith.constant 0 : index
    %get3A_4 = vector.load %arg2[%get3A_2, %get3A_3] : memref<1600x16xf32, #tpu.memory_space<vmem>>, vector<1600x3xf32>
    %get3A_5 = arith.constant 0 : index
    %get3A_6 = arith.constant 0 : index
    %get3A_7 = vector.load %arg3[%get3A_5, %get3A_6] : memref<1600x16xf32, #tpu.memory_space<vmem>>, vector<1600x3xf32>
    %get3A_8 = arith.constant 0 : index
    %get3A_9 = arith.constant 0 : index
    %get3A_10 = vector.load %arg4[%get3A_8, %get3A_9] : memref<1600x16xf32, #tpu.memory_space<vmem>>, vector<1600x3xf32>
    %get3A_11 = arith.constant 0 : index
    %get3A_12 = arith.constant 0 : index
    %get3A_13 = vector.load %arg5[%get3A_11, %get3A_12] : memref<1600x16xf32, #tpu.memory_space<vmem>>, vector<1600x3xf32>
    %neg3A = arith.constant 0.000000e+00 : f32
    %neg3A_14 = vector.broadcast %neg3A : f32 to vector<1600x3xf32>
    %neg3A_15 = arith.subf %neg3A_14, %get3A_1 : vector<1600x3xf32>
    %mul3A = arith.mulf %neg3A_15, %get3A_4 : vector<1600x3xf32>
    %reduce_sum3A = arith.constant dense<0.000000e+00> : vector<1600xf32>
    %reduce_sum3A_16 = vector.multi_reduction <add>, %mul3A, %reduce_sum3A [1] : vector<1600x3xf32> to vector<1600xf32>
    %broadcast_in_dim3A = vector.shape_cast %reduce_sum3A_16 : vector<1600xf32> to vector<1600x1xf32>
    %slice3A = vector.extract_strided_slice %neg3A_15 {offsets = [0, 0], sizes = [1600, 1], strides = [1, 1]} : vector<1600x3xf32> to vector<1600x1xf32>
    %slice3A_17 = vector.extract_strided_slice %neg3A_15 {offsets = [0, 1], sizes = [1600, 1], strides = [1, 1]} : vector<1600x3xf32> to vector<1600x1xf32>
    %slice3A_18 = vector.extract_strided_slice %neg3A_15 {offsets = [0, 2], sizes = [1600, 1], strides = [1, 1]} : vector<1600x3xf32> to vector<1600x1xf32>
    %slice3A_19 = vector.extract_strided_slice %get3A_4 {offsets = [0, 0], sizes = [1600, 1], strides = [1, 1]} : vector<1600x3xf32> to vector<1600x1xf32>
    %slice3A_20 = vector.extract_strided_slice %get3A_4 {offsets = [0, 1], sizes = [1600, 1], strides = [1, 1]} : vector<1600x3xf32> to vector<1600x1xf32>
    %slice3A_21 = vector.extract_strided_slice %get3A_4 {offsets = [0, 2], sizes = [1600, 1], strides = [1, 1]} : vector<1600x3xf32> to vector<1600x1xf32>
    %mul3A_22 = arith.mulf %slice3A_17, %slice3A_21 : vector<1600x1xf32>
    %mul3A_23 = arith.mulf %slice3A_18, %slice3A_20 : vector<1600x1xf32>
    %sub3A = arith.subf %mul3A_22, %mul3A_23 : vector<1600x1xf32>
    %mul3A_24 = arith.mulf %slice3A_18, %slice3A_19 : vector<1600x1xf32>
    %mul3A_25 = arith.mulf %slice3A, %slice3A_21 : vector<1600x1xf32>
    %sub3A_26 = arith.subf %mul3A_24, %mul3A_25 : vector<1600x1xf32>
    %mul3A_27 = arith.mulf %slice3A, %slice3A_20 : vector<1600x1xf32>
    %mul3A_28 = arith.mulf %slice3A_17, %slice3A_19 : vector<1600x1xf32>
    %sub3A_29 = arith.subf %mul3A_27, %mul3A_28 : vector<1600x1xf32>
    %concatenate3A = tpu.concatenate %sub3A, %sub3A_26, %sub3A_29 in 1 : vector<1600x1xf32>, vector<1600x1xf32>, vector<1600x1xf32> -> vector<1600x3xf32>
    %mul3A_30 = arith.mulf %concatenate3A, %concatenate3A : vector<1600x3xf32>
    %reduce_sum3A_31 = arith.constant dense<0.000000e+00> : vector<1600xf32>
    %reduce_sum3A_32 = vector.multi_reduction <add>, %mul3A_30, %reduce_sum3A_31 [1] : vector<1600x3xf32> to vector<1600xf32>
    %broadcast_in_dim3A_33 = vector.shape_cast %reduce_sum3A_32 : vector<1600xf32> to vector<1600x1xf32>
    %add3A = arith.constant 9.99999996E-13 : f32
    %add3A_34 = vector.broadcast %add3A : f32 to vector<1600x1xf32>
    %add3A_35 = arith.addf %broadcast_in_dim3A_33, %add3A_34 : vector<1600x1xf32>
    %sqrt3A = math.sqrt %add3A_35 : vector<1600x1xf32>
    %atan23A = math.atan2 %sqrt3A, %broadcast_in_dim3A : vector<1600x1xf32>
    %lt3A = arith.constant 0.000000e+00 : f32
    %lt3A_36 = vector.broadcast %lt3A : f32 to vector<1600x1xf32>
    %lt3A_37 = arith.cmpf olt, %atan23A, %lt3A_36 : vector<1600x1xf32>
    %add3A_38 = arith.constant 3.14159274 : f32
    %add3A_39 = vector.broadcast %add3A_38 : f32 to vector<1600x1xf32>
    %add3A_40 = arith.addf %atan23A, %add3A_39 : vector<1600x1xf32>
    %select_n3A = arith.select %lt3A_37, %add3A_40, %atan23A : vector<1600x1xi1>, vector<1600x1xf32>
    %mul3A_41 = arith.mulf %get3A_1, %get3A_1 : vector<1600x3xf32>
    %reduce_sum3A_42 = arith.constant dense<0.000000e+00> : vector<1600xf32>
    %reduce_sum3A_43 = vector.multi_reduction <add>, %mul3A_41, %reduce_sum3A_42 [1] : vector<1600x3xf32> to vector<1600xf32>
    %broadcast_in_dim3A_44 = vector.shape_cast %reduce_sum3A_43 : vector<1600xf32> to vector<1600x1xf32>
    %add3A_45 = arith.constant 9.99999996E-13 : f32
    %add3A_46 = vector.broadcast %add3A_45 : f32 to vector<1600x1xf32>
    %add3A_47 = arith.addf %broadcast_in_dim3A_44, %add3A_46 : vector<1600x1xf32>
    %sqrt3A_48 = math.sqrt %add3A_47 : vector<1600x1xf32>
    %slice3A_49 = vector.extract_strided_slice %neg3A_15 {offsets = [0, 0], sizes = [1600, 1], strides = [1, 1]} : vector<1600x3xf32> to vector<1600x1xf32>
    %slice3A_50 = vector.extract_strided_slice %neg3A_15 {offsets = [0, 1], sizes = [1600, 1], strides = [1, 1]} : vector<1600x3xf32> to vector<1600x1xf32>
    %slice3A_51 = vector.extract_strided_slice %neg3A_15 {offsets = [0, 2], sizes = [1600, 1], strides = [1, 1]} : vector<1600x3xf32> to vector<1600x1xf32>
    %slice3A_52 = vector.extract_strided_slice %get3A_7 {offsets = [0, 0], sizes = [1600, 1], strides = [1, 1]} : vector<1600x3xf32> to vector<1600x1xf32>
    %slice3A_53 = vector.extract_strided_slice %get3A_7 {offsets = [0, 1], sizes = [1600, 1], strides = [1, 1]} : vector<1600x3xf32> to vector<1600x1xf32>
    %slice3A_54 = vector.extract_strided_slice %get3A_7 {offsets = [0, 2], sizes = [1600, 1], strides = [1, 1]} : vector<1600x3xf32> to vector<1600x1xf32>
    %mul3A_55 = arith.mulf %slice3A_50, %slice3A_54 : vector<1600x1xf32>
    %mul3A_56 = arith.mulf %slice3A_51, %slice3A_53 : vector<1600x1xf32>
    %sub3A_57 = arith.subf %mul3A_55, %mul3A_56 : vector<1600x1xf32>
    %mul3A_58 = arith.mulf %slice3A_51, %slice3A_52 : vector<1600x1xf32>
    %mul3A_59 = arith.mulf %slice3A_49, %slice3A_54 : vector<1600x1xf32>
    %sub3A_60 = arith.subf %mul3A_58, %mul3A_59 : vector<1600x1xf32>
    %mul3A_61 = arith.mulf %slice3A_49, %slice3A_53 : vector<1600x1xf32>
    %mul3A_62 = arith.mulf %slice3A_50, %slice3A_52 : vector<1600x1xf32>
    %sub3A_63 = arith.subf %mul3A_61, %mul3A_62 : vector<1600x1xf32>
    %concatenate3A_64 = tpu.concatenate %sub3A_57, %sub3A_60, %sub3A_63 in 1 : vector<1600x1xf32>, vector<1600x1xf32>, vector<1600x1xf32> -> vector<1600x3xf32>
    %mul3A_65 = arith.mulf %concatenate3A, %concatenate3A_64 : vector<1600x3xf32>
    %reduce_sum3A_66 = arith.constant dense<0.000000e+00> : vector<1600xf32>
    %reduce_sum3A_67 = vector.multi_reduction <add>, %mul3A_65, %reduce_sum3A_66 [1] : vector<1600x3xf32> to vector<1600xf32>
    %broadcast_in_dim3A_68 = vector.shape_cast %reduce_sum3A_67 : vector<1600xf32> to vector<1600x1xf32>
    %slice3A_69 = vector.extract_strided_slice %concatenate3A {offsets = [0, 0], sizes = [1600, 1], strides = [1, 1]} : vector<1600x3xf32> to vector<1600x1xf32>
    %slice3A_70 = vector.extract_strided_slice %concatenate3A {offsets = [0, 1], sizes = [1600, 1], strides = [1, 1]} : vector<1600x3xf32> to vector<1600x1xf32>
    %slice3A_71 = vector.extract_strided_slice %concatenate3A {offsets = [0, 2], sizes = [1600, 1], strides = [1, 1]} : vector<1600x3xf32> to vector<1600x1xf32>
    %slice3A_72 = vector.extract_strided_slice %concatenate3A_64 {offsets = [0, 0], sizes = [1600, 1], strides = [1, 1]} : vector<1600x3xf32> to vector<1600x1xf32>
    %slice3A_73 = vector.extract_strided_slice %concatenate3A_64 {offsets = [0, 1], sizes = [1600, 1], strides = [1, 1]} : vector<1600x3xf32> to vector<1600x1xf32>
    %slice3A_74 = vector.extract_strided_slice %concatenate3A_64 {offsets = [0, 2], sizes = [1600, 1], strides = [1, 1]} : vector<1600x3xf32> to vector<1600x1xf32>
    %mul3A_75 = arith.mulf %slice3A_70, %slice3A_74 : vector<1600x1xf32>
    %mul3A_76 = arith.mulf %slice3A_71, %slice3A_73 : vector<1600x1xf32>
    %sub3A_77 = arith.subf %mul3A_75, %mul3A_76 : vector<1600x1xf32>
    %mul3A_78 = arith.mulf %slice3A_71, %slice3A_72 : vector<1600x1xf32>
    %mul3A_79 = arith.mulf %slice3A_69, %slice3A_74 : vector<1600x1xf32>
    %sub3A_80 = arith.subf %mul3A_78, %mul3A_79 : vector<1600x1xf32>
    %mul3A_81 = arith.mulf %slice3A_69, %slice3A_73 : vector<1600x1xf32>
    %mul3A_82 = arith.mulf %slice3A_70, %slice3A_72 : vector<1600x1xf32>
    %sub3A_83 = arith.subf %mul3A_81, %mul3A_82 : vector<1600x1xf32>
    %concatenate3A_84 = tpu.concatenate %sub3A_77, %sub3A_80, %sub3A_83 in 1 : vector<1600x1xf32>, vector<1600x1xf32>, vector<1600x1xf32> -> vector<1600x3xf32>
    %mul3A_85 = arith.mulf %concatenate3A_84, %get3A_1 : vector<1600x3xf32>
    %reduce_sum3A_86 = arith.constant dense<0.000000e+00> : vector<1600xf32>
    %reduce_sum3A_87 = vector.multi_reduction <add>, %mul3A_85, %reduce_sum3A_86 [1] : vector<1600x3xf32> to vector<1600xf32>
    %broadcast_in_dim3A_88 = vector.shape_cast %reduce_sum3A_87 : vector<1600xf32> to vector<1600x1xf32>
    %div3A = arith.divf %broadcast_in_dim3A_88, %sqrt3A_48 : vector<1600x1xf32>
    %atan23A_89 = math.atan2 %div3A, %broadcast_in_dim3A_68 : vector<1600x1xf32>
    %lt3A_90 = arith.constant 0.000000e+00 : f32
    %lt3A_91 = vector.broadcast %lt3A_90 : f32 to vector<1600x1xf32>
    %lt3A_92 = arith.cmpf olt, %atan23A_89, %lt3A_91 : vector<1600x1xf32>
    %add3A_93 = arith.constant 3.14159274 : f32
    %add3A_94 = vector.broadcast %add3A_93 : f32 to vector<1600x1xf32>
    %add3A_95 = arith.addf %atan23A_89, %add3A_94 : vector<1600x1xf32>
    %select_n3A_96 = arith.select %lt3A_92, %add3A_95, %atan23A_89 : vector<1600x1xi1>, vector<1600x1xf32>
    %slice3A_97 = vector.extract_strided_slice %get3A_1 {offsets = [0, 0], sizes = [1600, 1], strides = [1, 1]} : vector<1600x3xf32> to vector<1600x1xf32>
    %slice3A_98 = vector.extract_strided_slice %get3A_1 {offsets = [0, 1], sizes = [1600, 1], strides = [1, 1]} : vector<1600x3xf32> to vector<1600x1xf32>
    %slice3A_99 = vector.extract_strided_slice %get3A_1 {offsets = [0, 2], sizes = [1600, 1], strides = [1, 1]} : vector<1600x3xf32> to vector<1600x1xf32>
    %slice3A_100 = vector.extract_strided_slice %get3A_13 {offsets = [0, 0], sizes = [1600, 1], strides = [1, 1]} : vector<1600x3xf32> to vector<1600x1xf32>
    %slice3A_101 = vector.extract_strided_slice %get3A_13 {offsets = [0, 1], sizes = [1600, 1], strides = [1, 1]} : vector<1600x3xf32> to vector<1600x1xf32>
    %slice3A_102 = vector.extract_strided_slice %get3A_13 {offsets = [0, 2], sizes = [1600, 1], strides = [1, 1]} : vector<1600x3xf32> to vector<1600x1xf32>
    %mul3A_103 = arith.mulf %slice3A_98, %slice3A_102 : vector<1600x1xf32>
    %mul3A_104 = arith.mulf %slice3A_99, %slice3A_101 : vector<1600x1xf32>
    %sub3A_105 = arith.subf %mul3A_103, %mul3A_104 : vector<1600x1xf32>
    %mul3A_106 = arith.mulf %slice3A_99, %slice3A_100 : vector<1600x1xf32>
    %mul3A_107 = arith.mulf %slice3A_97, %slice3A_102 : vector<1600x1xf32>
    %sub3A_108 = arith.subf %mul3A_106, %mul3A_107 : vector<1600x1xf32>
    %mul3A_109 = arith.mulf %slice3A_97, %slice3A_101 : vector<1600x1xf32>
    %mul3A_110 = arith.mulf %slice3A_98, %slice3A_100 : vector<1600x1xf32>
    %sub3A_111 = arith.subf %mul3A_109, %mul3A_110 : vector<1600x1xf32>
    %concatenate3A_112 = tpu.concatenate %sub3A_105, %sub3A_108, %sub3A_111 in 1 : vector<1600x1xf32>, vector<1600x1xf32>, vector<1600x1xf32> -> vector<1600x3xf32>
    %slice3A_113 = vector.extract_strided_slice %get3A_1 {offsets = [0, 0], sizes = [1600, 1], strides = [1, 1]} : vector<1600x3xf32> to vector<1600x1xf32>
    %slice3A_114 = vector.extract_strided_slice %get3A_1 {offsets = [0, 1], sizes = [1600, 1], strides = [1, 1]} : vector<1600x3xf32> to vector<1600x1xf32>
    %slice3A_115 = vector.extract_strided_slice %get3A_1 {offsets = [0, 2], sizes = [1600, 1], strides = [1, 1]} : vector<1600x3xf32> to vector<1600x1xf32>
    %slice3A_116 = vector.extract_strided_slice %get3A_10 {offsets = [0, 0], sizes = [1600, 1], strides = [1, 1]} : vector<1600x3xf32> to vector<1600x1xf32>
    %slice3A_117 = vector.extract_strided_slice %get3A_10 {offsets = [0, 1], sizes = [1600, 1], strides = [1, 1]} : vector<1600x3xf32> to vector<1600x1xf32>
    %slice3A_118 = vector.extract_strided_slice %get3A_10 {offsets = [0, 2], sizes = [1600, 1], strides = [1, 1]} : vector<1600x3xf32> to vector<1600x1xf32>
    %mul3A_119 = arith.mulf %slice3A_114, %slice3A_118 : vector<1600x1xf32>
    %mul3A_120 = arith.mulf %slice3A_115, %slice3A_117 : vector<1600x1xf32>
    %sub3A_121 = arith.subf %mul3A_119, %mul3A_120 : vector<1600x1xf32>
    %mul3A_122 = arith.mulf %slice3A_115, %slice3A_116 : vector<1600x1xf32>
    %mul3A_123 = arith.mulf %slice3A_113, %slice3A_118 : vector<1600x1xf32>
    %sub3A_124 = arith.subf %mul3A_122, %mul3A_123 : vector<1600x1xf32>
    %mul3A_125 = arith.mulf %slice3A_113, %slice3A_117 : vector<1600x1xf32>
    %mul3A_126 = arith.mulf %slice3A_114, %slice3A_116 : vector<1600x1xf32>
    %sub3A_127 = arith.subf %mul3A_125, %mul3A_126 : vector<1600x1xf32>
    %concatenate3A_128 = tpu.concatenate %sub3A_121, %sub3A_124, %sub3A_127 in 1 : vector<1600x1xf32>, vector<1600x1xf32>, vector<1600x1xf32> -> vector<1600x3xf32>
    %mul3A_129 = arith.mulf %concatenate3A_112, %concatenate3A_128 : vector<1600x3xf32>
    %reduce_sum3A_130 = arith.constant dense<0.000000e+00> : vector<1600xf32>
    %reduce_sum3A_131 = vector.multi_reduction <add>, %mul3A_129, %reduce_sum3A_130 [1] : vector<1600x3xf32> to vector<1600xf32>
    %broadcast_in_dim3A_132 = vector.shape_cast %reduce_sum3A_131 : vector<1600xf32> to vector<1600x1xf32>
    %slice3A_133 = vector.extract_strided_slice %concatenate3A_112 {offsets = [0, 0], sizes = [1600, 1], strides = [1, 1]} : vector<1600x3xf32> to vector<1600x1xf32>
    %slice3A_134 = vector.extract_strided_slice %concatenate3A_112 {offsets = [0, 1], sizes = [1600, 1], strides = [1, 1]} : vector<1600x3xf32> to vector<1600x1xf32>
    %slice3A_135 = vector.extract_strided_slice %concatenate3A_112 {offsets = [0, 2], sizes = [1600, 1], strides = [1, 1]} : vector<1600x3xf32> to vector<1600x1xf32>
    %slice3A_136 = vector.extract_strided_slice %concatenate3A_128 {offsets = [0, 0], sizes = [1600, 1], strides = [1, 1]} : vector<1600x3xf32> to vector<1600x1xf32>
    %slice3A_137 = vector.extract_strided_slice %concatenate3A_128 {offsets = [0, 1], sizes = [1600, 1], strides = [1, 1]} : vector<1600x3xf32> to vector<1600x1xf32>
    %slice3A_138 = vector.extract_strided_slice %concatenate3A_128 {offsets = [0, 2], sizes = [1600, 1], strides = [1, 1]} : vector<1600x3xf32> to vector<1600x1xf32>
    %mul3A_139 = arith.mulf %slice3A_134, %slice3A_138 : vector<1600x1xf32>
    %mul3A_140 = arith.mulf %slice3A_135, %slice3A_137 : vector<1600x1xf32>
    %sub3A_141 = arith.subf %mul3A_139, %mul3A_140 : vector<1600x1xf32>
    %mul3A_142 = arith.mulf %slice3A_135, %slice3A_136 : vector<1600x1xf32>
    %mul3A_143 = arith.mulf %slice3A_133, %slice3A_138 : vector<1600x1xf32>
    %sub3A_144 = arith.subf %mul3A_142, %mul3A_143 : vector<1600x1xf32>
    %mul3A_145 = arith.mulf %slice3A_133, %slice3A_137 : vector<1600x1xf32>
    %mul3A_146 = arith.mulf %slice3A_134, %slice3A_136 : vector<1600x1xf32>
    %sub3A_147 = arith.subf %mul3A_145, %mul3A_146 : vector<1600x1xf32>
    %concatenate3A_148 = tpu.concatenate %sub3A_141, %sub3A_144, %sub3A_147 in 1 : vector<1600x1xf32>, vector<1600x1xf32>, vector<1600x1xf32> -> vector<1600x3xf32>
    %mul3A_149 = arith.mulf %concatenate3A_148, %get3A_1 : vector<1600x3xf32>
    %reduce_sum3A_150 = arith.constant dense<0.000000e+00> : vector<1600xf32>
    %reduce_sum3A_151 = vector.multi_reduction <add>, %mul3A_149, %reduce_sum3A_150 [1] : vector<1600x3xf32> to vector<1600xf32>
    %broadcast_in_dim3A_152 = vector.shape_cast %reduce_sum3A_151 : vector<1600xf32> to vector<1600x1xf32>
    %div3A_153 = arith.divf %broadcast_in_dim3A_152, %sqrt3A_48 : vector<1600x1xf32>
    %atan23A_154 = math.atan2 %div3A_153, %broadcast_in_dim3A_132 : vector<1600x1xf32>
    %lt3A_155 = arith.constant 0.000000e+00 : f32
    %lt3A_156 = vector.broadcast %lt3A_155 : f32 to vector<1600x1xf32>
    %lt3A_157 = arith.cmpf olt, %atan23A_154, %lt3A_156 : vector<1600x1xf32>
    %add3A_158 = arith.constant 3.14159274 : f32
    %add3A_159 = vector.broadcast %add3A_158 : f32 to vector<1600x1xf32>
    %add3A_160 = arith.addf %atan23A_154, %add3A_159 : vector<1600x1xf32>
    %select_n3A_161 = arith.select %lt3A_157, %add3A_160, %atan23A_154 : vector<1600x1xi1>, vector<1600x1xf32>
    %concatenate3A_162 = tpu.concatenate %sqrt3A_48, %select_n3A, %select_n3A_96, %select_n3A_161 in 1 : vector<1600x1xf32>, vector<1600x1xf32>, vector<1600x1xf32>, vector<1600x1xf32> -> vector<1600x4xf32>
    %get3A_163 = arith.constant 0 : index
    %get3A_164 = arith.constant 0 : index
    %get3A_165 = vector.load %arg8[%get3A_163, %get3A_164] : memref<4x64xf32, #tpu.memory_space<vmem>>, vector<4x64xf32>
    %dot_general3A = arith.constant dense<0.000000e+00> : vector<1600x64xf32>
    %dot_general3A_166 = tpu.matmul %concatenate3A_162, %get3A_165, %dot_general3A {dimension_numbers = #tpu.dot_dimension_numbers<[1], [0], [0], [1], [0, 0, 1, 1], [], []>, transpose_lhs_hint = false} : vector<1600x4xf32>, vector<4x64xf32>, vector<1600x64xf32> -> vector<1600x64xf32>
    %get3A_167 = arith.constant 0 : index
    %get3A_168 = arith.constant 0 : index
    %get3A_169 = vector.load %arg9[%get3A_167, %get3A_168] : memref<1x64xf32, #tpu.memory_space<vmem>>, vector<1x64xf32>
    %add3A_170 = vector.broadcast %get3A_169 : vector<1x64xf32> to vector<1600x64xf32>
    %add3A_171 = arith.addf %dot_general3A_166, %add3A_170 : vector<1600x64xf32>
    %neg3A_172 = arith.constant 0.000000e+00 : f32
    %neg3A_173 = vector.broadcast %neg3A_172 : f32 to vector<1600x64xf32>
    %neg3A_174 = arith.subf %neg3A_173, %add3A_171 : vector<1600x64xf32>
    %exp3A = math.exp %neg3A_174 : vector<1600x64xf32>
    %add3A_175 = arith.constant 1.000000e+00 : f32
    %add3A_176 = vector.broadcast %add3A_175 : f32 to vector<1600x64xf32>
    %add3A_177 = arith.addf %add3A_176, %exp3A : vector<1600x64xf32>
    %div3A_178 = arith.constant 1.000000e+00 : f32
    %div3A_179 = vector.broadcast %div3A_178 : f32 to vector<1600x64xf32>
    %div3A_180 = arith.divf %div3A_179, %add3A_177 : vector<1600x64xf32>
    %mul3A_181 = arith.mulf %add3A_171, %div3A_180 : vector<1600x64xf32>
    %get3A_182 = arith.constant 0 : index
    %get3A_183 = arith.constant 0 : index
    %get3A_184 = vector.load %arg10[%get3A_182, %get3A_183] : memref<64x128xf32, #tpu.memory_space<vmem>>, vector<64x128xf32>
    %dot_general3A_185 = arith.constant dense<0.000000e+00> : vector<1600x128xf32>
    %dot_general3A_186 = tpu.matmul %mul3A_181, %get3A_184, %dot_general3A_185 {dimension_numbers = #tpu.dot_dimension_numbers<[1], [0], [0], [1], [0, 0, 1, 1], [], []>, transpose_lhs_hint = false} : vector<1600x64xf32>, vector<64x128xf32>, vector<1600x128xf32> -> vector<1600x128xf32>
    %get3A_187 = arith.constant 0 : index
    %get3A_188 = arith.constant 0 : index
    %get3A_189 = vector.load %arg11[%get3A_187, %get3A_188] : memref<1x128xf32, #tpu.memory_space<vmem>>, vector<1x128xf32>
    %add3A_190 = vector.broadcast %get3A_189 : vector<1x128xf32> to vector<1600x128xf32>
    %add3A_191 = arith.addf %dot_general3A_186, %add3A_190 : vector<1600x128xf32>
    %get3A_192 = arith.constant 0 : index
    %get3A_193 = arith.constant 0 : index
    %get3A_194 = vector.load %arg6[%get3A_192, %get3A_193] : memref<1600x16xf32, #tpu.memory_space<vmem>>, vector<1600x16xf32>
    %get3A_195 = arith.constant 0 : index
    %get3A_196 = arith.constant 0 : index
    %get3A_197 = vector.load %arg12[%get3A_195, %get3A_196] : memref<16x128xf32, #tpu.memory_space<vmem>>, vector<16x128xf32>
    %dot_general3A_198 = arith.constant dense<0.000000e+00> : vector<1600x128xf32>
    %dot_general3A_199 = tpu.matmul %get3A_194, %get3A_197, %dot_general3A_198 {dimension_numbers = #tpu.dot_dimension_numbers<[1], [0], [0], [1], [0, 0, 1, 1], [], []>, transpose_lhs_hint = false} : vector<1600x16xf32>, vector<16x128xf32>, vector<1600x128xf32> -> vector<1600x128xf32>
    %get3A_200 = arith.constant 0 : index
    %get3A_201 = arith.constant 0 : index
    %get3A_202 = vector.load %arg13[%get3A_200, %get3A_201] : memref<1x128xf32, #tpu.memory_space<vmem>>, vector<1x128xf32>
    %add3A_203 = vector.broadcast %get3A_202 : vector<1x128xf32> to vector<1600x128xf32>
    %add3A_204 = arith.addf %dot_general3A_199, %add3A_203 : vector<1600x128xf32>
    %neg3A_205 = arith.constant 0.000000e+00 : f32
    %neg3A_206 = vector.broadcast %neg3A_205 : f32 to vector<1600x128xf32>
    %neg3A_207 = arith.subf %neg3A_206, %add3A_204 : vector<1600x128xf32>
    %exp3A_208 = math.exp %neg3A_207 : vector<1600x128xf32>
    %add3A_209 = arith.constant 1.000000e+00 : f32
    %add3A_210 = vector.broadcast %add3A_209 : f32 to vector<1600x128xf32>
    %add3A_211 = arith.addf %add3A_210, %exp3A_208 : vector<1600x128xf32>
    %div3A_212 = arith.constant 1.000000e+00 : f32
    %div3A_213 = vector.broadcast %div3A_212 : f32 to vector<1600x128xf32>
    %div3A_214 = arith.divf %div3A_213, %add3A_211 : vector<1600x128xf32>
    %mul3A_215 = arith.mulf %add3A_204, %div3A_214 : vector<1600x128xf32>
    %concatenate3A_216 = tpu.concatenate %mul3A_215, %add3A_191 in 1 : vector<1600x128xf32>, vector<1600x128xf32> -> vector<1600x256xf32>
    %get3A_217 = arith.constant 0 : index
    %get3A_218 = arith.constant 0 : index
    %get3A_219 = vector.load %arg14[%get3A_217, %get3A_218] : memref<256x256xf32, #tpu.memory_space<vmem>>, vector<256x256xf32>
    %dot_general3A_220 = arith.constant dense<0.000000e+00> : vector<1600x256xf32>
    %dot_general3A_221 = tpu.matmul %concatenate3A_216, %get3A_219, %dot_general3A_220 {dimension_numbers = #tpu.dot_dimension_numbers<[1], [0], [0], [1], [0, 0, 1, 1], [], []>, transpose_lhs_hint = false} : vector<1600x256xf32>, vector<256x256xf32>, vector<1600x256xf32> -> vector<1600x256xf32>
    %get3A_222 = arith.constant 0 : index
    %get3A_223 = arith.constant 0 : index
    %get3A_224 = vector.load %arg15[%get3A_222, %get3A_223] : memref<1x256xf32, #tpu.memory_space<vmem>>, vector<1x256xf32>
    %add3A_225 = vector.broadcast %get3A_224 : vector<1x256xf32> to vector<1600x256xf32>
    %add3A_226 = arith.addf %dot_general3A_221, %add3A_225 : vector<1600x256xf32>
    %neg3A_227 = arith.constant 0.000000e+00 : f32
    %neg3A_228 = vector.broadcast %neg3A_227 : f32 to vector<1600x256xf32>
    %neg3A_229 = arith.subf %neg3A_228, %add3A_226 : vector<1600x256xf32>
    %exp3A_230 = math.exp %neg3A_229 : vector<1600x256xf32>
    %add3A_231 = arith.constant 1.000000e+00 : f32
    %add3A_232 = vector.broadcast %add3A_231 : f32 to vector<1600x256xf32>
    %add3A_233 = arith.addf %add3A_232, %exp3A_230 : vector<1600x256xf32>
    %div3A_234 = arith.constant 1.000000e+00 : f32
    %div3A_235 = vector.broadcast %div3A_234 : f32 to vector<1600x256xf32>
    %div3A_236 = arith.divf %div3A_235, %add3A_233 : vector<1600x256xf32>
    %mul3A_237 = arith.mulf %add3A_226, %div3A_236 : vector<1600x256xf32>
    %slice3A_238 = vector.extract_strided_slice %mul3A_237 {offsets = [0, 0], sizes = [1600, 128], strides = [1, 1]} : vector<1600x256xf32> to vector<1600x128xf32>
    %get3A_239 = arith.constant 0 : index
    %get3A_240 = arith.constant 0 : index
    %get3A_241 = vector.load %arg16[%get3A_239, %get3A_240] : memref<128x128xf32, #tpu.memory_space<vmem>>, vector<128x128xf32>
    %dot_general3A_242 = arith.constant dense<0.000000e+00> : vector<1600x128xf32>
    %dot_general3A_243 = tpu.matmul %slice3A_238, %get3A_241, %dot_general3A_242 {dimension_numbers = #tpu.dot_dimension_numbers<[1], [0], [0], [1], [0, 0, 1, 1], [], []>, transpose_lhs_hint = false} : vector<1600x128xf32>, vector<128x128xf32>, vector<1600x128xf32> -> vector<1600x128xf32>
    %get3A_244 = arith.constant 0 : index
    %get3A_245 = arith.constant 0 : index
    %get3A_246 = vector.load %arg17[%get3A_244, %get3A_245] : memref<1x128xf32, #tpu.memory_space<vmem>>, vector<1x128xf32>
    %add3A_247 = vector.broadcast %get3A_246 : vector<1x128xf32> to vector<1600x128xf32>
    %add3A_248 = arith.addf %dot_general3A_243, %add3A_247 : vector<1600x128xf32>
    %slice3A_249 = vector.extract_strided_slice %mul3A_237 {offsets = [0, 128], sizes = [1600, 128], strides = [1, 1]} : vector<1600x256xf32> to vector<1600x128xf32>
    %get3A_250 = arith.constant 0 : index
    %get3A_251 = arith.constant 0 : index
    %get3A_252 = vector.load %arg18[%get3A_250, %get3A_251] : memref<128x128xf32, #tpu.memory_space<vmem>>, vector<128x128xf32>
    %dot_general3A_253 = arith.constant dense<0.000000e+00> : vector<1600x128xf32>
    %dot_general3A_254 = tpu.matmul %slice3A_249, %get3A_252, %dot_general3A_253 {dimension_numbers = #tpu.dot_dimension_numbers<[1], [0], [0], [1], [0, 0, 1, 1], [], []>, transpose_lhs_hint = false} : vector<1600x128xf32>, vector<128x128xf32>, vector<1600x128xf32> -> vector<1600x128xf32>
    %get3A_255 = arith.constant 0 : index
    %get3A_256 = arith.constant 0 : index
    %get3A_257 = vector.load %arg19[%get3A_255, %get3A_256] : memref<1x128xf32, #tpu.memory_space<vmem>>, vector<1x128xf32>
    %add3A_258 = vector.broadcast %get3A_257 : vector<1x128xf32> to vector<1600x128xf32>
    %add3A_259 = arith.addf %dot_general3A_254, %add3A_258 : vector<1600x128xf32>
    %get3A_260 = arith.constant 0 : index
    %get3A_261 = arith.constant 0 : index
    %get3A_262 = vector.load %arg7[%get3A_260, %get3A_261] : memref<1600x128xf32, #tpu.memory_space<vmem>>, vector<1600x128xf32>
    %mul3A_263 = arith.mulf %add3A_248, %get3A_262 : vector<1600x128xf32>
    %get3A_264 = arith.constant 0 : index
    %get3A_265 = arith.constant 0 : index
    %get3A_266 = vector.load %arg20[%get3A_264, %get3A_265] : memref<1x128xf32, #tpu.memory_space<vmem>>, vector<1x128xf32>
    %mul3A_267 = vector.broadcast %get3A_266 : vector<1x128xf32> to vector<1600x128xf32>
    %mul3A_268 = arith.mulf %mul3A_263, %mul3A_267 : vector<1600x128xf32>
    %reduce_sum3A_269 = arith.constant dense<0.000000e+00> : vector<1600xf32>
    %reduce_sum3A_270 = vector.multi_reduction <add>, %mul3A_268, %reduce_sum3A_269 [1] : vector<1600x128xf32> to vector<1600xf32>
    %broadcast_in_dim3A_271 = vector.shape_cast %reduce_sum3A_270 : vector<1600xf32> to vector<1600x1xf32>
    %get3A_272 = arith.constant 0 : index
    %get3A_273 = arith.constant 0 : index
    %get3A_274 = vector.load %arg21[%get3A_272, %get3A_273] : memref<1x1xf32, #tpu.memory_space<vmem>>, vector<1x1xf32>
    %add3A_275 = vector.broadcast %get3A_274 : vector<1x1xf32> to vector<1600x1xf32>
    %add3A_276 = arith.addf %broadcast_in_dim3A_271, %add3A_275 : vector<1600x1xf32>
    %neg3A_277 = arith.constant 0.000000e+00 : f32
    %neg3A_278 = vector.broadcast %neg3A_277 : f32 to vector<1600x1xf32>
    %neg3A_279 = arith.subf %neg3A_278, %add3A_276 : vector<1600x1xf32>
    %exp3A_280 = math.exp %neg3A_279 : vector<1600x1xf32>
    %add3A_281 = arith.constant 1.000000e+00 : f32
    %add3A_282 = vector.broadcast %add3A_281 : f32 to vector<1600x1xf32>
    %add3A_283 = arith.addf %add3A_282, %exp3A_280 : vector<1600x1xf32>
    %div3A_284 = arith.constant 1.000000e+00 : f32
    %div3A_285 = vector.broadcast %div3A_284 : f32 to vector<1600x1xf32>
    %div3A_286 = arith.divf %div3A_285, %add3A_283 : vector<1600x1xf32>
    %mul3A_287 = vector.broadcast %div3A_286 : vector<1600x1xf32> to vector<1600x128xf32>
    %mul3A_288 = arith.mulf %mul3A_263, %mul3A_287 : vector<1600x128xf32>
    %mul3A_289 = arith.mulf %add3A_259, %get3A_262 : vector<1600x128xf32>
    %get3A_290 = arith.constant 0 : index
    %get3A_291 = arith.constant 0 : index
    %get3A_292 = vector.load %arg22[%get3A_290, %get3A_291] : memref<1x128xf32, #tpu.memory_space<vmem>>, vector<1x128xf32>
    %mul3A_293 = vector.broadcast %get3A_292 : vector<1x128xf32> to vector<1600x128xf32>
    %mul3A_294 = arith.mulf %mul3A_289, %mul3A_293 : vector<1600x128xf32>
    %reduce_sum3A_295 = arith.constant dense<0.000000e+00> : vector<1600xf32>
    %reduce_sum3A_296 = vector.multi_reduction <add>, %mul3A_294, %reduce_sum3A_295 [1] : vector<1600x128xf32> to vector<1600xf32>
    %broadcast_in_dim3A_297 = vector.shape_cast %reduce_sum3A_296 : vector<1600xf32> to vector<1600x1xf32>
    %get3A_298 = arith.constant 0 : index
    %get3A_299 = arith.constant 0 : index
    %get3A_300 = vector.load %arg23[%get3A_298, %get3A_299] : memref<1x1xf32, #tpu.memory_space<vmem>>, vector<1x1xf32>
    %add3A_301 = vector.broadcast %get3A_300 : vector<1x1xf32> to vector<1600x1xf32>
    %add3A_302 = arith.addf %broadcast_in_dim3A_297, %add3A_301 : vector<1600x1xf32>
    %neg3A_303 = arith.constant 0.000000e+00 : f32
    %neg3A_304 = vector.broadcast %neg3A_303 : f32 to vector<1600x1xf32>
    %neg3A_305 = arith.subf %neg3A_304, %add3A_302 : vector<1600x1xf32>
    %exp3A_306 = math.exp %neg3A_305 : vector<1600x1xf32>
    %add3A_307 = arith.constant 1.000000e+00 : f32
    %add3A_308 = vector.broadcast %add3A_307 : f32 to vector<1600x1xf32>
    %add3A_309 = arith.addf %add3A_308, %exp3A_306 : vector<1600x1xf32>
    %div3A_310 = arith.constant 1.000000e+00 : f32
    %div3A_311 = vector.broadcast %div3A_310 : f32 to vector<1600x1xf32>
    %div3A_312 = arith.divf %div3A_311, %add3A_309 : vector<1600x1xf32>
    %mul3A_313 = vector.broadcast %div3A_312 : vector<1600x1xf32> to vector<1600x128xf32>
    %mul3A_314 = arith.mulf %mul3A_289, %mul3A_313 : vector<1600x128xf32>
    %swap3A = arith.constant 0 : index
    %swap3A_315 = arith.constant 0 : index
    %swap3A_316 = vector.load %arg24[%swap3A, %swap3A_315] : memref<1600x128xf32, #tpu.memory_space<vmem>>, vector<1600x128xf32>
    tpu.vector_store %arg24[%swap3A, %swap3A_315], %mul3A_288 {strides = array<i32>} : memref<1600x128xf32, #tpu.memory_space<vmem>>, vector<1600x128xf32>,
    %swap3A_317 = arith.constant 0 : index
    %swap3A_318 = arith.constant 0 : index
    %swap3A_319 = vector.load %arg25[%swap3A_317, %swap3A_318] : memref<1600x128xf32, #tpu.memory_space<vmem>>, vector<1600x128xf32>
    tpu.vector_store %arg25[%swap3A_317, %swap3A_318], %mul3A_314 {strides = array<i32>} : memref<1600x128xf32, #tpu.memory_space<vmem>>, vector<1600x128xf32>,
    return
  }
  func.func @transform_0(%arg0: i32) -> (i32, i32) {
    %c0_i32 = arith.constant 0 : i32
    %c0_i32_0 = arith.constant 0 : i32
    return %arg0, %c0_i32 : i32, i32
  }
  func.func @transform_1(%arg0: i32) -> (i32, i32) {
    %c0_i32 = arith.constant 0 : i32
    %c0_i32_0 = arith.constant 0 : i32
    return %arg0, %c0_i32 : i32, i32
  }
  func.func @transform_2(%arg0: i32) -> (i32, i32) {
    %c0_i32 = arith.constant 0 : i32
    %c0_i32_0 = arith.constant 0 : i32
    return %arg0, %c0_i32 : i32, i32
  }
  func.func @transform_3(%arg0: i32) -> (i32, i32) {
    %c0_i32 = arith.constant 0 : i32
    %c0_i32_0 = arith.constant 0 : i32
    return %arg0, %c0_i32 : i32, i32
  }
  func.func @transform_4(%arg0: i32) -> (i32, i32) {
    %c0_i32 = arith.constant 0 : i32
    %c0_i32_0 = arith.constant 0 : i32
    return %arg0, %c0_i32 : i32, i32
  }
  func.func @transform_5(%arg0: i32) -> (i32, i32) {
    %c0_i32 = arith.constant 0 : i32
    %c0_i32_0 = arith.constant 0 : i32
    return %arg0, %c0_i32 : i32, i32
  }
  func.func @transform_6(%arg0: i32) -> (i32, i32) {
    %c0_i32 = arith.constant 0 : i32
    %c0_i32_0 = arith.constant 0 : i32
    return %arg0, %c0_i32 : i32, i32
  }
  func.func @transform_7(%arg0: i32) -> (i32, i32) {
    %c0_i32 = arith.constant 0 : i32
    %c0_i32_0 = arith.constant 0 : i32
    %c0_i32_1 = arith.constant 0 : i32
    return %c0_i32, %c0_i32_0 : i32, i32
  }
  func.func @transform_8(%arg0: i32) -> (i32, i32) {
    %c0_i32 = arith.constant 0 : i32
    %c0_i32_0 = arith.constant 0 : i32
    %c0_i32_1 = arith.constant 0 : i32
    return %c0_i32, %c0_i32_0 : i32, i32
  }
  func.func @transform_9(%arg0: i32) -> (i32, i32) {
    %c0_i32 = arith.constant 0 : i32
    %c0_i32_0 = arith.constant 0 : i32
    %c0_i32_1 = arith.constant 0 : i32
    return %c0_i32, %c0_i32_0 : i32, i32
  }
  func.func @transform_10(%arg0: i32) -> (i32, i32) {
    %c0_i32 = arith.constant 0 : i32
    %c0_i32_0 = arith.constant 0 : i32
    %c0_i32_1 = arith.constant 0 : i32
    return %c0_i32, %c0_i32_0 : i32, i32
  }
  func.func @transform_11(%arg0: i32) -> (i32, i32) {
    %c0_i32 = arith.constant 0 : i32
    %c0_i32_0 = arith.constant 0 : i32
    %c0_i32_1 = arith.constant 0 : i32
    return %c0_i32, %c0_i32_0 : i32, i32
  }
  func.func @transform_12(%arg0: i32) -> (i32, i32) {
    %c0_i32 = arith.constant 0 : i32
    %c0_i32_0 = arith.constant 0 : i32
    %c0_i32_1 = arith.constant 0 : i32
    return %c0_i32, %c0_i32_0 : i32, i32
  }
  func.func @transform_13(%arg0: i32) -> (i32, i32) {
    %c0_i32 = arith.constant 0 : i32
    %c0_i32_0 = arith.constant 0 : i32
    %c0_i32_1 = arith.constant 0 : i32
    return %c0_i32, %c0_i32_0 : i32, i32
  }
  func.func @transform_14(%arg0: i32) -> (i32, i32) {
    %c0_i32 = arith.constant 0 : i32
    %c0_i32_0 = arith.constant 0 : i32
    %c0_i32_1 = arith.constant 0 : i32
    return %c0_i32, %c0_i32_0 : i32, i32
  }
  func.func @transform_15(%arg0: i32) -> (i32, i32) {
    %c0_i32 = arith.constant 0 : i32
    %c0_i32_0 = arith.constant 0 : i32
    %c0_i32_1 = arith.constant 0 : i32
    return %c0_i32, %c0_i32_0 : i32, i32
  }
  func.func @transform_16(%arg0: i32) -> (i32, i32) {
    %c0_i32 = arith.constant 0 : i32
    %c0_i32_0 = arith.constant 0 : i32
    %c0_i32_1 = arith.constant 0 : i32
    return %c0_i32, %c0_i32_0 : i32, i32
  }
  func.func @transform_17(%arg0: i32) -> (i32, i32) {
    %c0_i32 = arith.constant 0 : i32
    %c0_i32_0 = arith.constant 0 : i32
    %c0_i32_1 = arith.constant 0 : i32
    return %c0_i32, %c0_i32_0 : i32, i32
  }
  func.func @transform_18(%arg0: i32) -> (i32, i32) {
    %c0_i32 = arith.constant 0 : i32
    %c0_i32_0 = arith.constant 0 : i32
    %c0_i32_1 = arith.constant 0 : i32
    return %c0_i32, %c0_i32_0 : i32, i32
  }
  func.func @transform_19(%arg0: i32) -> (i32, i32) {
    %c0_i32 = arith.constant 0 : i32
    %c0_i32_0 = arith.constant 0 : i32
    %c0_i32_1 = arith.constant 0 : i32
    return %c0_i32, %c0_i32_0 : i32, i32
  }
  func.func @transform_20(%arg0: i32) -> (i32, i32) {
    %c0_i32 = arith.constant 0 : i32
    %c0_i32_0 = arith.constant 0 : i32
    %c0_i32_1 = arith.constant 0 : i32
    return %c0_i32, %c0_i32_0 : i32, i32
  }
  func.func @transform_21(%arg0: i32) -> (i32, i32) {
    %c0_i32 = arith.constant 0 : i32
    %c0_i32_0 = arith.constant 0 : i32
    %c0_i32_1 = arith.constant 0 : i32
    return %c0_i32, %c0_i32_0 : i32, i32
  }
  func.func @transform_22(%arg0: i32) -> (i32, i32) {
    %c0_i32 = arith.constant 0 : i32
    %c0_i32_0 = arith.constant 0 : i32
    %c0_i32_1 = arith.constant 0 : i32
    return %c0_i32, %c0_i32_0 : i32, i32
  }
  func.func @transform_23(%arg0: i32) -> (i32, i32) {
    %c0_i32 = arith.constant 0 : i32
    %c0_i32_0 = arith.constant 0 : i32
    return %arg0, %c0_i32 : i32, i32
  }
  func.func @transform_24(%arg0: i32) -> (i32, i32) {
    %c0_i32 = arith.constant 0 : i32
    %c0_i32_0 = arith.constant 0 : i32
    return %arg0, %c0_i32 : i32, i32
  }
}

module attributes {stable_mosaic.version = 14 : i64} {
  func.func @_node_body(%arg0: i32, %arg1: memref<1000x128xf32, #tpu.memory_space<vmem>>, %arg2: memref<1000x128xf32, #tpu.memory_space<vmem>>, %arg3: memref<1000x128xf32, #tpu.memory_space<vmem>>, %arg4: memref<128x128xf32, #tpu.memory_space<vmem>>, %arg5: memref<1x128xf32, #tpu.memory_space<vmem>>, %arg6: memref<128x128xf32, #tpu.memory_space<vmem>>, %arg7: memref<128x128xf32, #tpu.memory_space<vmem>>, %arg8: memref<1x128xf32, #tpu.memory_space<vmem>>, %arg9: memref<128x128xf32, #tpu.memory_space<vmem>>, %arg10: memref<128x128xf32, #tpu.memory_space<vmem>>, %arg11: memref<1x128xf32, #tpu.memory_space<vmem>>, %arg12: memref<128x128xf32, #tpu.memory_space<vmem>>, %arg13: memref<1x128xf32, #tpu.memory_space<vmem>>, %arg14: memref<256x128xf32, #tpu.memory_space<vmem>>, %arg15: memref<1x128xf32, #tpu.memory_space<vmem>>, %arg16: memref<1000x128xf32, #tpu.memory_space<vmem>>, %arg17: memref<2x128xf32, #tpu.memory_space<vmem>>) attributes {dimension_semantics = [#tpu.dimension_semantics<arbitrary>], iteration_bounds = array<i64: 10>, scalar_prefetch = 0 : i64, scratch_operands = 0 : i64, tpu.core_type = #tpu.core_type<tc>, window_params = [{transform_indices = @transform_0, window_bounds = array<i64: 1000, 128>}, {transform_indices = @transform_1, window_bounds = array<i64: 1000, 128>}, {transform_indices = @transform_2, window_bounds = array<i64: 1000, 128>}, {pipeline_mode = #tpu.pipeline_mode<synchronous>, transform_indices = @transform_3, window_bounds = array<i64: 128, 128>}, {pipeline_mode = #tpu.pipeline_mode<synchronous>, transform_indices = @transform_4, window_bounds = array<i64: 1, 128>}, {pipeline_mode = #tpu.pipeline_mode<synchronous>, transform_indices = @transform_5, window_bounds = array<i64: 128, 128>}, {pipeline_mode = #tpu.pipeline_mode<synchronous>, transform_indices = @transform_6, window_bounds = array<i64: 128, 128>}, {pipeline_mode = #tpu.pipeline_mode<synchronous>, transform_indices = @transform_7, window_bounds = array<i64: 1, 128>}, {pipeline_mode = #tpu.pipeline_mode<synchronous>, transform_indices = @transform_8, window_bounds = array<i64: 128, 128>}, {pipeline_mode = #tpu.pipeline_mode<synchronous>, transform_indices = @transform_9, window_bounds = array<i64: 128, 128>}, {pipeline_mode = #tpu.pipeline_mode<synchronous>, transform_indices = @transform_10, window_bounds = array<i64: 1, 128>}, {pipeline_mode = #tpu.pipeline_mode<synchronous>, transform_indices = @transform_11, window_bounds = array<i64: 128, 128>}, {pipeline_mode = #tpu.pipeline_mode<synchronous>, transform_indices = @transform_12, window_bounds = array<i64: 1, 128>}, {pipeline_mode = #tpu.pipeline_mode<synchronous>, transform_indices = @transform_13, window_bounds = array<i64: 256, 128>}, {pipeline_mode = #tpu.pipeline_mode<synchronous>, transform_indices = @transform_14, window_bounds = array<i64: 1, 128>}, {transform_indices = @transform_15, window_bounds = array<i64: 1000, 128>}, {pipeline_mode = #tpu.pipeline_mode<synchronous>, transform_indices = @transform_16, window_bounds = array<i64: 2, 128>}]} {
    %get3A = arith.constant 0 : index
    %get3A_0 = arith.constant 0 : index
    %get3A_1 = vector.load %arg3[%get3A, %get3A_0] : memref<1000x128xf32, #tpu.memory_space<vmem>>, vector<1000x128xf32>
    %get3A_2 = arith.constant 0 : index
    %get3A_3 = arith.constant 0 : index
    %get3A_4 = vector.load %arg1[%get3A_2, %get3A_3] : memref<1000x128xf32, #tpu.memory_space<vmem>>, vector<1000x128xf32>
    %get3A_5 = arith.constant 0 : index
    %get3A_6 = arith.constant 0 : index
    %get3A_7 = vector.load %arg4[%get3A_5, %get3A_6] : memref<128x128xf32, #tpu.memory_space<vmem>>, vector<128x128xf32>
    %dot_general3A = arith.constant dense<0.000000e+00> : vector<1000x128xf32>
    %dot_general3A_8 = tpu.matmul %get3A_4, %get3A_7, %dot_general3A {dimension_numbers = #tpu.dot_dimension_numbers<[1], [0], [0], [1], [0, 0, 1, 1], [], []>, transpose_lhs_hint = false} : vector<1000x128xf32>, vector<128x128xf32>, vector<1000x128xf32> -> vector<1000x128xf32>
    %get3A_9 = arith.constant 0 : index
    %get3A_10 = arith.constant 0 : index
    %get3A_11 = vector.load %arg5[%get3A_9, %get3A_10] : memref<1x128xf32, #tpu.memory_space<vmem>>, vector<1x128xf32>
    %add3A = vector.broadcast %get3A_11 : vector<1x128xf32> to vector<1000x128xf32>
    %add3A_12 = arith.addf %dot_general3A_8, %add3A : vector<1000x128xf32>
    %get3A_13 = arith.constant 0 : index
    %get3A_14 = arith.constant 0 : index
    %get3A_15 = vector.load %arg6[%get3A_13, %get3A_14] : memref<128x128xf32, #tpu.memory_space<vmem>>, vector<128x128xf32>
    %dot_general3A_16 = arith.constant dense<0.000000e+00> : vector<1000x128xf32>
    %dot_general3A_17 = tpu.matmul %get3A_1, %get3A_15, %dot_general3A_16 {dimension_numbers = #tpu.dot_dimension_numbers<[1], [0], [0], [1], [0, 0, 1, 1], [], []>, transpose_lhs_hint = false} : vector<1000x128xf32>, vector<128x128xf32>, vector<1000x128xf32> -> vector<1000x128xf32>
    %add3A_18 = arith.addf %add3A_12, %dot_general3A_17 : vector<1000x128xf32>
    %get3A_19 = arith.constant 0 : index
    %get3A_20 = arith.constant 0 : index
    %get3A_21 = vector.load %arg10[%get3A_19, %get3A_20] : memref<128x128xf32, #tpu.memory_space<vmem>>, vector<128x128xf32>
    %dot_general3A_22 = arith.constant dense<0.000000e+00> : vector<1000x128xf32>
    %dot_general3A_23 = tpu.matmul %add3A_18, %get3A_21, %dot_general3A_22 {dimension_numbers = #tpu.dot_dimension_numbers<[1], [0], [0], [1], [0, 0, 1, 1], [], []>, transpose_lhs_hint = false} : vector<1000x128xf32>, vector<128x128xf32>, vector<1000x128xf32> -> vector<1000x128xf32>
    %get3A_24 = arith.constant 0 : index
    %get3A_25 = arith.constant 0 : index
    %get3A_26 = vector.load %arg11[%get3A_24, %get3A_25] : memref<1x128xf32, #tpu.memory_space<vmem>>, vector<1x128xf32>
    %add3A_27 = vector.broadcast %get3A_26 : vector<1x128xf32> to vector<1000x128xf32>
    %add3A_28 = arith.addf %dot_general3A_23, %add3A_27 : vector<1000x128xf32>
    %neg3A = arith.constant 0.000000e+00 : f32
    %neg3A_29 = vector.broadcast %neg3A : f32 to vector<1000x128xf32>
    %neg3A_30 = arith.subf %neg3A_29, %add3A_28 : vector<1000x128xf32>
    %exp3A = math.exp %neg3A_30 : vector<1000x128xf32>
    %add3A_31 = arith.constant 1.000000e+00 : f32
    %add3A_32 = vector.broadcast %add3A_31 : f32 to vector<1000x128xf32>
    %add3A_33 = arith.addf %add3A_32, %exp3A : vector<1000x128xf32>
    %div3A = arith.constant 1.000000e+00 : f32
    %div3A_34 = vector.broadcast %div3A : f32 to vector<1000x128xf32>
    %div3A_35 = arith.divf %div3A_34, %add3A_33 : vector<1000x128xf32>
    %mul3A = arith.mulf %add3A_28, %div3A_35 : vector<1000x128xf32>
    %get3A_36 = arith.constant 0 : index
    %get3A_37 = arith.constant 0 : index
    %get3A_38 = vector.load %arg2[%get3A_36, %get3A_37] : memref<1000x128xf32, #tpu.memory_space<vmem>>, vector<1000x128xf32>
    %get3A_39 = arith.constant 0 : index
    %get3A_40 = arith.constant 0 : index
    %get3A_41 = vector.load %arg7[%get3A_39, %get3A_40] : memref<128x128xf32, #tpu.memory_space<vmem>>, vector<128x128xf32>
    %dot_general3A_42 = arith.constant dense<0.000000e+00> : vector<1000x128xf32>
    %dot_general3A_43 = tpu.matmul %get3A_38, %get3A_41, %dot_general3A_42 {dimension_numbers = #tpu.dot_dimension_numbers<[1], [0], [0], [1], [0, 0, 1, 1], [], []>, transpose_lhs_hint = false} : vector<1000x128xf32>, vector<128x128xf32>, vector<1000x128xf32> -> vector<1000x128xf32>
    %get3A_44 = arith.constant 0 : index
    %get3A_45 = arith.constant 0 : index
    %get3A_46 = vector.load %arg8[%get3A_44, %get3A_45] : memref<1x128xf32, #tpu.memory_space<vmem>>, vector<1x128xf32>
    %add3A_47 = vector.broadcast %get3A_46 : vector<1x128xf32> to vector<1000x128xf32>
    %add3A_48 = arith.addf %dot_general3A_43, %add3A_47 : vector<1000x128xf32>
    %get3A_49 = arith.constant 0 : index
    %get3A_50 = arith.constant 0 : index
    %get3A_51 = vector.load %arg9[%get3A_49, %get3A_50] : memref<128x128xf32, #tpu.memory_space<vmem>>, vector<128x128xf32>
    %dot_general3A_52 = arith.constant dense<0.000000e+00> : vector<1000x128xf32>
    %dot_general3A_53 = tpu.matmul %get3A_1, %get3A_51, %dot_general3A_52 {dimension_numbers = #tpu.dot_dimension_numbers<[1], [0], [0], [1], [0, 0, 1, 1], [], []>, transpose_lhs_hint = false} : vector<1000x128xf32>, vector<128x128xf32>, vector<1000x128xf32> -> vector<1000x128xf32>
    %add3A_54 = arith.addf %add3A_48, %dot_general3A_53 : vector<1000x128xf32>
    %get3A_55 = arith.constant 0 : index
    %get3A_56 = arith.constant 0 : index
    %get3A_57 = vector.load %arg12[%get3A_55, %get3A_56] : memref<128x128xf32, #tpu.memory_space<vmem>>, vector<128x128xf32>
    %dot_general3A_58 = arith.constant dense<0.000000e+00> : vector<1000x128xf32>
    %dot_general3A_59 = tpu.matmul %add3A_54, %get3A_57, %dot_general3A_58 {dimension_numbers = #tpu.dot_dimension_numbers<[1], [0], [0], [1], [0, 0, 1, 1], [], []>, transpose_lhs_hint = false} : vector<1000x128xf32>, vector<128x128xf32>, vector<1000x128xf32> -> vector<1000x128xf32>
    %get3A_60 = arith.constant 0 : index
    %get3A_61 = arith.constant 0 : index
    %get3A_62 = vector.load %arg13[%get3A_60, %get3A_61] : memref<1x128xf32, #tpu.memory_space<vmem>>, vector<1x128xf32>
    %add3A_63 = vector.broadcast %get3A_62 : vector<1x128xf32> to vector<1000x128xf32>
    %add3A_64 = arith.addf %dot_general3A_59, %add3A_63 : vector<1000x128xf32>
    %neg3A_65 = arith.constant 0.000000e+00 : f32
    %neg3A_66 = vector.broadcast %neg3A_65 : f32 to vector<1000x128xf32>
    %neg3A_67 = arith.subf %neg3A_66, %add3A_64 : vector<1000x128xf32>
    %exp3A_68 = math.exp %neg3A_67 : vector<1000x128xf32>
    %add3A_69 = arith.constant 1.000000e+00 : f32
    %add3A_70 = vector.broadcast %add3A_69 : f32 to vector<1000x128xf32>
    %add3A_71 = arith.addf %add3A_70, %exp3A_68 : vector<1000x128xf32>
    %div3A_72 = arith.constant 1.000000e+00 : f32
    %div3A_73 = vector.broadcast %div3A_72 : f32 to vector<1000x128xf32>
    %div3A_74 = arith.divf %div3A_73, %add3A_71 : vector<1000x128xf32>
    %mul3A_75 = arith.mulf %add3A_64, %div3A_74 : vector<1000x128xf32>
    %concatenate3A = tpu.concatenate %mul3A, %mul3A_75 in 1 : vector<1000x128xf32>, vector<1000x128xf32> -> vector<1000x256xf32>
    %get3A_76 = arith.constant 0 : index
    %get3A_77 = arith.constant 0 : index
    %get3A_78 = vector.load %arg14[%get3A_76, %get3A_77] : memref<256x128xf32, #tpu.memory_space<vmem>>, vector<256x128xf32>
    %dot_general3A_79 = arith.constant dense<0.000000e+00> : vector<1000x128xf32>
    %dot_general3A_80 = tpu.matmul %concatenate3A, %get3A_78, %dot_general3A_79 {dimension_numbers = #tpu.dot_dimension_numbers<[1], [0], [0], [1], [0, 0, 1, 1], [], []>, transpose_lhs_hint = false} : vector<1000x256xf32>, vector<256x128xf32>, vector<1000x128xf32> -> vector<1000x128xf32>
    %get3A_81 = arith.constant 0 : index
    %get3A_82 = arith.constant 0 : index
    %get3A_83 = vector.load %arg15[%get3A_81, %get3A_82] : memref<1x128xf32, #tpu.memory_space<vmem>>, vector<1x128xf32>
    %add3A_84 = vector.broadcast %get3A_83 : vector<1x128xf32> to vector<1000x128xf32>
    %add3A_85 = arith.addf %dot_general3A_80, %add3A_84 : vector<1000x128xf32>
    %add3A_86 = arith.addf %add3A_85, %get3A_1 : vector<1000x128xf32>
    %swap3A = arith.constant 0 : index
    %swap3A_87 = arith.constant 0 : index
    %swap3A_88 = vector.load %arg16[%swap3A, %swap3A_87] : memref<1000x128xf32, #tpu.memory_space<vmem>>, vector<1000x128xf32>
    tpu.vector_store %arg16[%swap3A, %swap3A_87], %add3A_86 {strides = array<i32>} : memref<1000x128xf32, #tpu.memory_space<vmem>>, vector<1000x128xf32>,
    %eq3A = arith.constant 0 : i32
    %eq3A_89 = arith.cmpi eq, %arg0, %eq3A : i32
    %convert_element_type3A = arith.extui %eq3A_89 : i1 to i32
    %cond3A = arith.constant 0 : i32
    %cond3A_90 = arith.cmpi ne, %convert_element_type3A, %cond3A : i32
    scf.if %cond3A_90 {
      %broadcast_in_dim3A_104 = arith.constant 0.000000e+00 : f32
      %broadcast_in_dim3A_105 = vector.broadcast %broadcast_in_dim3A_104 : f32 to vector<2x128xf32>
      %swap3A_106 = arith.constant 0 : index
      %swap3A_107 = arith.constant 0 : index
      %swap3A_108 = vector.load %arg17[%swap3A_106, %swap3A_107] : memref<2x128xf32, #tpu.memory_space<vmem>>, vector<2x128xf32>
      tpu.vector_store %arg17[%swap3A_106, %swap3A_107], %broadcast_in_dim3A_105 {strides = array<i32>} : memref<2x128xf32, #tpu.memory_space<vmem>>, vector<2x128xf32>,
    } else {
    }
    %get3A_91 = arith.constant 0 : index
    %get3A_92 = arith.constant 0 : index
    %get3A_93 = vector.load %arg17[%get3A_91, %get3A_92] : memref<2x128xf32, #tpu.memory_space<vmem>>, vector<2x128xf32>
    %reduce_sum3A = arith.constant dense<0.000000e+00> : vector<128xf32>
    %reduce_sum3A_94 = vector.multi_reduction <add>, %add3A_86, %reduce_sum3A [0] : vector<1000x128xf32> to vector<128xf32>
    %broadcast_in_dim3A = vector.shape_cast %reduce_sum3A_94 : vector<128xf32> to vector<1x128xf32>
    %mul3A_95 = arith.mulf %add3A_86, %add3A_86 : vector<1000x128xf32>
    %reduce_sum3A_96 = arith.constant dense<0.000000e+00> : vector<128xf32>
    %reduce_sum3A_97 = vector.multi_reduction <add>, %mul3A_95, %reduce_sum3A_96 [0] : vector<1000x128xf32> to vector<128xf32>
    %broadcast_in_dim3A_98 = vector.shape_cast %reduce_sum3A_97 : vector<128xf32> to vector<1x128xf32>
    %concatenate3A_99 = tpu.concatenate %broadcast_in_dim3A, %broadcast_in_dim3A_98 in 0 : vector<1x128xf32>, vector<1x128xf32> -> vector<2x128xf32>
    %add3A_100 = arith.addf %get3A_93, %concatenate3A_99 : vector<2x128xf32>
    %swap3A_101 = arith.constant 0 : index
    %swap3A_102 = arith.constant 0 : index
    %swap3A_103 = vector.load %arg17[%swap3A_101, %swap3A_102] : memref<2x128xf32, #tpu.memory_space<vmem>>, vector<2x128xf32>
    tpu.vector_store %arg17[%swap3A_101, %swap3A_102], %add3A_100 {strides = array<i32>} : memref<2x128xf32, #tpu.memory_space<vmem>>, vector<2x128xf32>,
    return
  }
  func.func @transform_0(%arg0: i32) -> (i32, i32) {
    %c0_i32 = arith.constant 0 : i32
    %c0_i32_0 = arith.constant 0 : i32
    return %arg0, %c0_i32 : i32, i32
  }
  func.func @transform_1(%arg0: i32) -> (i32, i32) {
    %c0_i32 = arith.constant 0 : i32
    %c0_i32_0 = arith.constant 0 : i32
    return %arg0, %c0_i32 : i32, i32
  }
  func.func @transform_2(%arg0: i32) -> (i32, i32) {
    %c0_i32 = arith.constant 0 : i32
    %c0_i32_0 = arith.constant 0 : i32
    return %arg0, %c0_i32 : i32, i32
  }
  func.func @transform_3(%arg0: i32) -> (i32, i32) {
    %c0_i32 = arith.constant 0 : i32
    %c0_i32_0 = arith.constant 0 : i32
    %c0_i32_1 = arith.constant 0 : i32
    return %c0_i32, %c0_i32_0 : i32, i32
  }
  func.func @transform_4(%arg0: i32) -> (i32, i32) {
    %c0_i32 = arith.constant 0 : i32
    %c0_i32_0 = arith.constant 0 : i32
    %c0_i32_1 = arith.constant 0 : i32
    return %c0_i32, %c0_i32_0 : i32, i32
  }
  func.func @transform_5(%arg0: i32) -> (i32, i32) {
    %c0_i32 = arith.constant 0 : i32
    %c0_i32_0 = arith.constant 0 : i32
    %c0_i32_1 = arith.constant 0 : i32
    return %c0_i32, %c0_i32_0 : i32, i32
  }
  func.func @transform_6(%arg0: i32) -> (i32, i32) {
    %c0_i32 = arith.constant 0 : i32
    %c0_i32_0 = arith.constant 0 : i32
    %c0_i32_1 = arith.constant 0 : i32
    return %c0_i32, %c0_i32_0 : i32, i32
  }
  func.func @transform_7(%arg0: i32) -> (i32, i32) {
    %c0_i32 = arith.constant 0 : i32
    %c0_i32_0 = arith.constant 0 : i32
    %c0_i32_1 = arith.constant 0 : i32
    return %c0_i32, %c0_i32_0 : i32, i32
  }
  func.func @transform_8(%arg0: i32) -> (i32, i32) {
    %c0_i32 = arith.constant 0 : i32
    %c0_i32_0 = arith.constant 0 : i32
    %c0_i32_1 = arith.constant 0 : i32
    return %c0_i32, %c0_i32_0 : i32, i32
  }
  func.func @transform_9(%arg0: i32) -> (i32, i32) {
    %c0_i32 = arith.constant 0 : i32
    %c0_i32_0 = arith.constant 0 : i32
    %c0_i32_1 = arith.constant 0 : i32
    return %c0_i32, %c0_i32_0 : i32, i32
  }
  func.func @transform_10(%arg0: i32) -> (i32, i32) {
    %c0_i32 = arith.constant 0 : i32
    %c0_i32_0 = arith.constant 0 : i32
    %c0_i32_1 = arith.constant 0 : i32
    return %c0_i32, %c0_i32_0 : i32, i32
  }
  func.func @transform_11(%arg0: i32) -> (i32, i32) {
    %c0_i32 = arith.constant 0 : i32
    %c0_i32_0 = arith.constant 0 : i32
    %c0_i32_1 = arith.constant 0 : i32
    return %c0_i32, %c0_i32_0 : i32, i32
  }
  func.func @transform_12(%arg0: i32) -> (i32, i32) {
    %c0_i32 = arith.constant 0 : i32
    %c0_i32_0 = arith.constant 0 : i32
    %c0_i32_1 = arith.constant 0 : i32
    return %c0_i32, %c0_i32_0 : i32, i32
  }
  func.func @transform_13(%arg0: i32) -> (i32, i32) {
    %c0_i32 = arith.constant 0 : i32
    %c0_i32_0 = arith.constant 0 : i32
    %c0_i32_1 = arith.constant 0 : i32
    return %c0_i32, %c0_i32_0 : i32, i32
  }
  func.func @transform_14(%arg0: i32) -> (i32, i32) {
    %c0_i32 = arith.constant 0 : i32
    %c0_i32_0 = arith.constant 0 : i32
    %c0_i32_1 = arith.constant 0 : i32
    return %c0_i32, %c0_i32_0 : i32, i32
  }
  func.func @transform_15(%arg0: i32) -> (i32, i32) {
    %c0_i32 = arith.constant 0 : i32
    %c0_i32_0 = arith.constant 0 : i32
    return %arg0, %c0_i32 : i32, i32
  }
  func.func @transform_16(%arg0: i32) -> (i32, i32) {
    %c0_i32 = arith.constant 0 : i32
    %c0_i32_0 = arith.constant 0 : i32
    %c0_i32_1 = arith.constant 0 : i32
    return %c0_i32, %c0_i32_0 : i32, i32
  }
}

module attributes {stable_mosaic.version = 14 : i64} {
  func.func @_final_body(%arg0: i32, %arg1: memref<1000x128xf32, #tpu.memory_space<vmem>>, %arg2: memref<2x128xf32, #tpu.memory_space<vmem>>, %arg3: memref<1x128xf32, #tpu.memory_space<vmem>>, %arg4: memref<1x128xf32, #tpu.memory_space<vmem>>, %arg5: memref<128x128xf32, #tpu.memory_space<vmem>>, %arg6: memref<1x128xf32, #tpu.memory_space<vmem>>, %arg7: memref<128x128xf32, #tpu.memory_space<vmem>>, %arg8: memref<1x128xf32, #tpu.memory_space<vmem>>, %arg9: memref<1000x128xf32, #tpu.memory_space<vmem>>) attributes {dimension_semantics = [#tpu.dimension_semantics<arbitrary>], iteration_bounds = array<i64: 10>, scalar_prefetch = 0 : i64, scratch_operands = 0 : i64, tpu.core_type = #tpu.core_type<tc>, window_params = [{transform_indices = @transform_0, window_bounds = array<i64: 1000, 128>}, {pipeline_mode = #tpu.pipeline_mode<synchronous>, transform_indices = @transform_1, window_bounds = array<i64: 2, 128>}, {pipeline_mode = #tpu.pipeline_mode<synchronous>, transform_indices = @transform_2, window_bounds = array<i64: 1, 128>}, {pipeline_mode = #tpu.pipeline_mode<synchronous>, transform_indices = @transform_3, window_bounds = array<i64: 1, 128>}, {pipeline_mode = #tpu.pipeline_mode<synchronous>, transform_indices = @transform_4, window_bounds = array<i64: 128, 128>}, {pipeline_mode = #tpu.pipeline_mode<synchronous>, transform_indices = @transform_5, window_bounds = array<i64: 1, 128>}, {pipeline_mode = #tpu.pipeline_mode<synchronous>, transform_indices = @transform_6, window_bounds = array<i64: 128, 128>}, {pipeline_mode = #tpu.pipeline_mode<synchronous>, transform_indices = @transform_7, window_bounds = array<i64: 1, 128>}, {transform_indices = @transform_8, window_bounds = array<i64: 1000, 128>}]} {
    %get3A = arith.constant 0 : index
    %get3A_0 = arith.constant 0 : index
    %get3A_1 = vector.load %arg2[%get3A, %get3A_0] : memref<2x128xf32, #tpu.memory_space<vmem>>, vector<2x128xf32>
    %slice3A = vector.extract_strided_slice %get3A_1 {offsets = [0, 0], sizes = [1, 128], strides = [1, 1]} : vector<2x128xf32> to vector<1x128xf32>
    %div3A = arith.constant 1.000000e+04 : f32
    %div3A_2 = vector.broadcast %div3A : f32 to vector<1x128xf32>
    %div3A_3 = arith.divf %slice3A, %div3A_2 : vector<1x128xf32>
    %slice3A_4 = vector.extract_strided_slice %get3A_1 {offsets = [1, 0], sizes = [1, 128], strides = [1, 1]} : vector<2x128xf32> to vector<1x128xf32>
    %div3A_5 = arith.constant 1.000000e+04 : f32
    %div3A_6 = vector.broadcast %div3A_5 : f32 to vector<1x128xf32>
    %div3A_7 = arith.divf %slice3A_4, %div3A_6 : vector<1x128xf32>
    %mul3A = arith.mulf %div3A_3, %div3A_3 : vector<1x128xf32>
    %sub3A = arith.subf %div3A_7, %mul3A : vector<1x128xf32>
    %get3A_8 = arith.constant 0 : index
    %get3A_9 = arith.constant 0 : index
    %get3A_10 = vector.load %arg1[%get3A_8, %get3A_9] : memref<1000x128xf32, #tpu.memory_space<vmem>>, vector<1000x128xf32>
    %sub3A_11 = vector.broadcast %div3A_3 : vector<1x128xf32> to vector<1000x128xf32>
    %sub3A_12 = arith.subf %get3A_10, %sub3A_11 : vector<1000x128xf32>
    %add3A = arith.constant 9.99999974E-6 : f32
    %add3A_13 = vector.broadcast %add3A : f32 to vector<1x128xf32>
    %add3A_14 = arith.addf %sub3A, %add3A_13 : vector<1x128xf32>
    %sqrt3A = math.sqrt %add3A_14 : vector<1x128xf32>
    %div3A_15 = vector.broadcast %sqrt3A : vector<1x128xf32> to vector<1000x128xf32>
    %div3A_16 = arith.divf %sub3A_12, %div3A_15 : vector<1000x128xf32>
    %get3A_17 = arith.constant 0 : index
    %get3A_18 = arith.constant 0 : index
    %get3A_19 = vector.load %arg3[%get3A_17, %get3A_18] : memref<1x128xf32, #tpu.memory_space<vmem>>, vector<1x128xf32>
    %mul3A_20 = vector.broadcast %get3A_19 : vector<1x128xf32> to vector<1000x128xf32>
    %mul3A_21 = arith.mulf %div3A_16, %mul3A_20 : vector<1000x128xf32>
    %get3A_22 = arith.constant 0 : index
    %get3A_23 = arith.constant 0 : index
    %get3A_24 = vector.load %arg4[%get3A_22, %get3A_23] : memref<1x128xf32, #tpu.memory_space<vmem>>, vector<1x128xf32>
    %add3A_25 = vector.broadcast %get3A_24 : vector<1x128xf32> to vector<1000x128xf32>
    %add3A_26 = arith.addf %mul3A_21, %add3A_25 : vector<1000x128xf32>
    %get3A_27 = arith.constant 0 : index
    %get3A_28 = arith.constant 0 : index
    %get3A_29 = vector.load %arg5[%get3A_27, %get3A_28] : memref<128x128xf32, #tpu.memory_space<vmem>>, vector<128x128xf32>
    %dot_general3A = arith.constant dense<0.000000e+00> : vector<1000x128xf32>
    %dot_general3A_30 = tpu.matmul %add3A_26, %get3A_29, %dot_general3A {dimension_numbers = #tpu.dot_dimension_numbers<[1], [0], [0], [1], [0, 0, 1, 1], [], []>, transpose_lhs_hint = false} : vector<1000x128xf32>, vector<128x128xf32>, vector<1000x128xf32> -> vector<1000x128xf32>
    %get3A_31 = arith.constant 0 : index
    %get3A_32 = arith.constant 0 : index
    %get3A_33 = vector.load %arg6[%get3A_31, %get3A_32] : memref<1x128xf32, #tpu.memory_space<vmem>>, vector<1x128xf32>
    %add3A_34 = vector.broadcast %get3A_33 : vector<1x128xf32> to vector<1000x128xf32>
    %add3A_35 = arith.addf %dot_general3A_30, %add3A_34 : vector<1000x128xf32>
    %neg3A = arith.constant 0.000000e+00 : f32
    %neg3A_36 = vector.broadcast %neg3A : f32 to vector<1000x128xf32>
    %neg3A_37 = arith.subf %neg3A_36, %add3A_35 : vector<1000x128xf32>
    %exp3A = math.exp %neg3A_37 : vector<1000x128xf32>
    %add3A_38 = arith.constant 1.000000e+00 : f32
    %add3A_39 = vector.broadcast %add3A_38 : f32 to vector<1000x128xf32>
    %add3A_40 = arith.addf %add3A_39, %exp3A : vector<1000x128xf32>
    %div3A_41 = arith.constant 1.000000e+00 : f32
    %div3A_42 = vector.broadcast %div3A_41 : f32 to vector<1000x128xf32>
    %div3A_43 = arith.divf %div3A_42, %add3A_40 : vector<1000x128xf32>
    %mul3A_44 = arith.mulf %add3A_35, %div3A_43 : vector<1000x128xf32>
    %get3A_45 = arith.constant 0 : index
    %get3A_46 = arith.constant 0 : index
    %get3A_47 = vector.load %arg7[%get3A_45, %get3A_46] : memref<128x128xf32, #tpu.memory_space<vmem>>, vector<128x128xf32>
    %dot_general3A_48 = arith.constant dense<0.000000e+00> : vector<1000x128xf32>
    %dot_general3A_49 = tpu.matmul %mul3A_44, %get3A_47, %dot_general3A_48 {dimension_numbers = #tpu.dot_dimension_numbers<[1], [0], [0], [1], [0, 0, 1, 1], [], []>, transpose_lhs_hint = false} : vector<1000x128xf32>, vector<128x128xf32>, vector<1000x128xf32> -> vector<1000x128xf32>
    %get3A_50 = arith.constant 0 : index
    %get3A_51 = arith.constant 0 : index
    %get3A_52 = vector.load %arg8[%get3A_50, %get3A_51] : memref<1x128xf32, #tpu.memory_space<vmem>>, vector<1x128xf32>
    %add3A_53 = vector.broadcast %get3A_52 : vector<1x128xf32> to vector<1000x128xf32>
    %add3A_54 = arith.addf %dot_general3A_49, %add3A_53 : vector<1000x128xf32>
    %swap3A = arith.constant 0 : index
    %swap3A_55 = arith.constant 0 : index
    %swap3A_56 = vector.load %arg9[%swap3A, %swap3A_55] : memref<1000x128xf32, #tpu.memory_space<vmem>>, vector<1000x128xf32>
    tpu.vector_store %arg9[%swap3A, %swap3A_55], %add3A_54 {strides = array<i32>} : memref<1000x128xf32, #tpu.memory_space<vmem>>, vector<1000x128xf32>,
    return
  }
  func.func @transform_0(%arg0: i32) -> (i32, i32) {
    %c0_i32 = arith.constant 0 : i32
    %c0_i32_0 = arith.constant 0 : i32
    return %arg0, %c0_i32 : i32, i32
  }
  func.func @transform_1(%arg0: i32) -> (i32, i32) {
    %c0_i32 = arith.constant 0 : i32
    %c0_i32_0 = arith.constant 0 : i32
    %c0_i32_1 = arith.constant 0 : i32
    return %c0_i32, %c0_i32_0 : i32, i32
  }
  func.func @transform_2(%arg0: i32) -> (i32, i32) {
    %c0_i32 = arith.constant 0 : i32
    %c0_i32_0 = arith.constant 0 : i32
    %c0_i32_1 = arith.constant 0 : i32
    return %c0_i32, %c0_i32_0 : i32, i32
  }
  func.func @transform_3(%arg0: i32) -> (i32, i32) {
    %c0_i32 = arith.constant 0 : i32
    %c0_i32_0 = arith.constant 0 : i32
    %c0_i32_1 = arith.constant 0 : i32
    return %c0_i32, %c0_i32_0 : i32, i32
  }
  func.func @transform_4(%arg0: i32) -> (i32, i32) {
    %c0_i32 = arith.constant 0 : i32
    %c0_i32_0 = arith.constant 0 : i32
    %c0_i32_1 = arith.constant 0 : i32
    return %c0_i32, %c0_i32_0 : i32, i32
  }
  func.func @transform_5(%arg0: i32) -> (i32, i32) {
    %c0_i32 = arith.constant 0 : i32
    %c0_i32_0 = arith.constant 0 : i32
    %c0_i32_1 = arith.constant 0 : i32
    return %c0_i32, %c0_i32_0 : i32, i32
  }
  func.func @transform_6(%arg0: i32) -> (i32, i32) {
    %c0_i32 = arith.constant 0 : i32
    %c0_i32_0 = arith.constant 0 : i32
    %c0_i32_1 = arith.constant 0 : i32
    return %c0_i32, %c0_i32_0 : i32, i32
  }
  func.func @transform_7(%arg0: i32) -> (i32, i32) {
    %c0_i32 = arith.constant 0 : i32
    %c0_i32_0 = arith.constant 0 : i32
    %c0_i32_1 = arith.constant 0 : i32
    return %c0_i32, %c0_i32_0 : i32, i32
  }
  func.func @transform_8(%arg0: i32) -> (i32, i32) {
    %c0_i32 = arith.constant 0 : i32
    %c0_i32_0 = arith.constant 0 : i32
    return %arg0, %c0_i32 : i32, i32
  }
}

</mosaic_0001>

<sc_bundles>
// kernel: gather_offload_async_start
scs
__scs_entry_jumppad:
0x0: {  	(pc) =	sbr.rel $0x88, $3  }
0x1: {  	(tag) =	ssettag $0x0;
	lr =	simm.s32 $0x1  }
0x2: {  	[smem:$0x3F78] =	sst lr;
	_ =	strace $0xD0000000  }
0x3: {  	_ = 	snop  }
0x4: {  	_ = 	snop  }
0x5: {  	_ = 	snop  }
0x6: {  	_ = 	snop  }
0x7: {  	_ = 	snop  }
__scs_overlays_trampoline_lowered:
0x8: {  	[smem:$0x3F87] =	sst s0  }
0x9: {  	[smem:$0x3F88] =	sst s1  }
0xa: {  	[smem:$0x3F89] =	sst s2  }
0xb: {  	[smem:$0x3F8A] =	sst s3  }
0xc: {  	[smem:$0x3F8B] =	sst s4  }
0xd: {  	[smem:$0x3F8C] =	sst s5  }
0xe: {  	[smem:$0x3F8D] =	sst s6  }
0xf: {  	[smem:$0x3F8E] =	sst s7  }
0x10: {  	[smem:$0x3F8F] =	sst s8  }
0x11: {  	[smem:$0x3F90] =	sst s9;
	s0 =	simm.s32 @!p0 $0x0  }
0x12: {  	s1 =	sld [smem:$0x3F76];
	s0 =	simm.s32 @p0 $0x1  }
0x13: {  	[smem:$0x3F91] =	sst s0;
	s0 =	simm.s32 @!p1 $0x0  }
0x14: {  	s2 =	sld [smem:$0x3F75];
	s0 =	simm.s32 @p1 $0x1  }
0x15: {  	[smem:$0x3F92] =	sst s0;
	s0 =	simm.s32 @!p2 $0x0  }
0x16: {  	s3 =	sld [smem:$0x3FDB];
	s0 =	simm.s32 @p2 $0x1  }
0x17: {  	s4 =	simm.s32 $0x1BF5;
	[smem:$0x3F94] =	sst s0  }
0x18: {  	s0 =	sld [smem:$0x3F77];
	_ =	swait.ge [sflag:s4], $0x0  }
0x19: {  	s7 =	sld [smem:$0x3F78]  }
0x1a: {  	s8 =	sadd.s32 $0xFFFFE003, lr  }
0x1b: {  	s9 =	sadd.s32 $0xFFFFFEF7, lr;
	s5 =	simm.s32 $0xFFFFFFFF;
	p2 =	slt.u32 s8, $0xFFFFF086  }
0x1c: {  	p1 =	slt.u32 s9, $0xF7A;
	s5 =	simm.s32 @!p2 $0x0  }
0x1d: {  	s5 =	simm.s32 @p1 $0x1;
	p0 =	seq.s32 s7, s2  }
0x1e: {  	s7 =	smul.u32 @!p0 $0xF7A, s2;
	p2 =	seq.s32 @!p0 s5, $0x0  }
0x1f: {  	s9 =	smul.u32 $0xF7A, s1;
	s8 =	simm.s32 @!p0 $0x1BF5;
	p2 =	por !p2, p0  }
0x20: {  	[sflag:s8] =	ssyncset.s32 @!p0 $0xFFFFF086;
	s6 =	sadd.s32 @!p0 s3, s7;
	s7 =	simm.s32 @!p0 $0x108  }
0x21: {  	s3 =	sadd.s32 s3, s9;
	s6 =	sadd.s32 @!p0 $0x88, s6;
	s7 =	simm.s32 @p2 $0x1082  }
0x22: {  	[simem:s7], [sflag:s8] =	dma.local @!p0 [hbm:s6], $0xF7A  }
0x23: {  	s9 =	sor.u32 $0xD0000000, s2;
	s6 =	simm.s32 $0x108;
	_ =	swait.ge @!p0 [sflag:s8], $0x0  }
0x24: {  	s3 =	sadd.s32 $0x88, s3;
	s6 =	simm.s32 @!p1 $0x1082;
	[sflag:s4] =	ssyncset.s32 $0xFFFFF086  }
0x25: {  	[simem:s6], [sflag:s4] =	dma.local [hbm:s3], $0xF7A  }
0x26: {  	[smem:$0x3F78] =	sst s1;
	(tag) =	ssettag s2;
	_ =	strace s9  }
0x27: {  	s1 =	sld [smem:$0x3F88]  }
0x28: {  	s2 =	sld [smem:$0x3F89]  }
0x29: {  	s4 =	sld [smem:$0x3F8B]  }
0x2a: {  	p0 =	seq.s32 s5, $0x0;
	s5 =	sld [smem:$0x3F8C]  }
0x2b: {  	s6 =	sld [smem:$0x3F8D]  }
0x2c: {  	s7 =	sld [smem:$0x3F8E]  }
0x2d: {  	s3 =	simm.s32 $0x108;
	s8 =	sld [smem:$0x3F8F]  }
0x2e: {  	s3 =	simm.s32 @!p0 $0x1082;
	s9 =	sld [smem:$0x3F90]  }
0x2f: {  	lr =	sadd.s32 s0, s3;
	s0 =	sld [smem:$0x3F87]  }
0x30: {  	s3 =	sld [smem:$0x3F8A]  }
0x31: {  	[smem:$0x3F93] =	sst s10  }
0x32: {  	s10 =	sld [smem:$0x3F91];
	_ =	sdelay $0x3  }
0x33: {  	p0 =	seq.s32 s10, $0x1;
	s10 =	sld [smem:$0x3F93];
	_ =	sdelay $0x3  }
0x34: {  	[smem:$0x3F93] =	sst s10  }
0x35: {  	s10 =	sld [smem:$0x3F92];
	_ =	sdelay $0x3  }
0x36: {  	p1 =	seq.s32 s10, $0x1;
	s10 =	sld [smem:$0x3F93];
	_ =	sdelay $0x3  }
0x37: {  	[smem:$0x3F93] =	sst s10  }
0x38: {  	s10 =	sld [smem:$0x3F94]  }
0x39: {  	_ = 	snop;
	(pc) =	sbr.ind lr, $3  }
0x3a: {  	_ = 	snop  }
0x3b: {  	_ = 	snop  }
0x3c: {  	p2 =	seq.s32 s10, $0x1;
	s10 =	sld [smem:$0x3F93]  }
0x3d: {  	_ =	shalt  }
0x3e: {  	_ =	shalt  }
0x3f: {  	_ =	shalt  }
0x40: {  	_ =	shalt  }
0x41: {  	_ =	shalt  }
0x42: {  	_ =	shalt  }
0x43: {  	_ =	shalt  }
0x44: {  	_ =	shalt  }
0x45: {  	_ =	shalt  }
0x46: {  	_ =	shalt  }
0x47: {  	_ =	shalt  }
0x48: {  	_ =	shalt  }
0x49: {  	_ =	shalt  }
0x4a: {  	_ =	shalt  }
0x4b: {  	_ =	shalt  }
0x4c: {  	_ =	shalt  }
0x4d: {  	_ =	shalt  }
0x4e: {  	_ =	shalt  }
0x4f: {  	_ =	shalt  }
0x50: {  	_ =	shalt  }
0x51: {  	_ =	shalt  }
0x52: {  	_ =	shalt  }
0x53: {  	_ =	shalt  }
0x54: {  	_ =	shalt  }
0x55: {  	_ =	shalt  }
0x56: {  	_ =	shalt  }
0x57: {  	_ =	shalt  }
0x58: {  	_ =	shalt  }
0x59: {  	_ =	shalt  }
0x5a: {  	_ =	shalt  }
0x5b: {  	_ =	shalt  }
0x5c: {  	_ =	shalt  }
0x5d: {  	_ =	shalt  }
0x5e: {  	_ =	shalt  }
0x5f: {  	_ =	shalt  }
0x60: {  	_ =	shalt  }
0x61: {  	_ =	shalt  }
0x62: {  	_ =	shalt  }
0x63: {  	_ =	shalt  }
0x64: {  	_ =	shalt  }
0x65: {  	_ =	shalt  }
0x66: {  	_ =	shalt  }
0x67: {  	_ =	shalt  }
0x68: {  	_ =	shalt  }
0x69: {  	_ =	shalt  }
0x6a: {  	_ =	shalt  }
0x6b: {  	_ =	shalt  }
0x6c: {  	_ =	shalt  }
0x6d: {  	_ =	shalt  }
0x6e: {  	_ =	shalt  }
0x6f: {  	_ =	shalt  }
0x70: {  	_ =	shalt  }
0x71: {  	_ =	shalt  }
0x72: {  	_ =	shalt  }
0x73: {  	_ =	shalt  }
0x74: {  	_ =	shalt  }
0x75: {  	_ =	shalt  }
0x76: {  	_ =	shalt  }
0x77: {  	_ =	shalt  }
0x78: {  	_ =	shalt  }
0x79: {  	_ =	shalt  }
0x7a: {  	_ =	shalt  }
0x7b: {  	_ =	shalt  }
0x7c: {  	_ =	shalt  }
0x7d: {  	_ =	shalt  }
0x7e: {  	_ =	shalt  }
0x7f: {  	_ =	shalt  }
0x80: {  	_ =	shalt  }
0x81: {  	_ =	shalt  }
0x82: {  	_ =	shalt  }
0x83: {  	_ =	shalt  }
0x84: {  	_ =	shalt  }
0x85: {  	_ =	shalt  }
0x86: {  	_ =	shalt  }
0x87: {  	_ =	shalt  }
.Lfunc_end0:
.L_simem_size_0:
called_computation.4_lowered:
.L_overlay_start_0:
0x88: {  	s2 =	sld [smem:$0x3FD9]  }
0x89: {  	s3 =	sld [smem:$0x3FFE];
	_ =	sdelay $0x1  }
0x8a: {  	s1 =	srdreg.scid  }
0x8b: {  	s0 =	sand.u32 $0x1, s1  }
0x8c: {  	s16 =	sshll.u32 s0, $0xA;
	s2 =	sadd.s32 s3, s2  }
0x8d: {  	s2 =	sadd.s32 s2, s16  }
0x8e: {  	[smem:$0x3F9F] =	sst s2  }
0x8f: {  	_ = 	snop  }
0x90: {  	(tm) =	ssettm $0x1  }
0x91: {  	s17 =	sld [smem:$0x3FFB];
	_ =	sdelay $0x3  }
0x92: {  	_ =	strace s17  }
0x93: {  	s2 =	sld [smem:$0x3FFC];
	_ =	sdelay $0x3  }
0x94: {  	_ =	strace s2  }
0x95: {  	s2 =	sld [smem:$0x3FFD];
	_ =	sdelay $0x3  }
0x96: {  	_ =	strace s2  }
0x97: {  	_ =	strace $0x8FFFFFFF  }
0x98: {  	s18 =	sld [smem:$0x3FDB];
	_ =	sdelay $0x1  }
0x99: {  	s19 =	simm.s32 $_scs_section_size  }
0x9a: {  	s4 =	simm.s32 $_size__tile_overlayer_lowered;
	s5 =	simm.s32 $_tile_overlayer_lowered  }
0x9b: {  	s22 =	simm.s32 $0x1BFF;
	s21 =	sshll.u32 s5, $0x1;
	s2 =	sadd.s32 s19, s18  }
0x9c: {  	s6 =	simm.s32 $0x0;
	s20 =	sshll.u32 s4, $0x1;
	s4 =	sadd.s32 s21, s2  }
0x9d: {  	[timem:s6], [sflag:s22] =	dma.local [hbm:s4], s20  }
0x9e: {  	_ =	swait.ge [sflag:s22], s20  }
0x9f: {  	s3 =	ssub.s32 $0x0, s20;
	[sflag:s22] =	ssyncset.done $0x0  }
0xa0: {  	[sflag:s22] =	ssyncadd.s32 s3;
	_ =	sdelay $0x1  }
0xa1: {  	s23 =	simm.s32 $0x1B8B  }
0xa2: {  	_ =	swait.ge [sflag:s23], $0x1  }
0xa3: {  	[sflag:s23] =	ssyncset.done $0x0  }
0xa4: {  	s25 =	simm.s32 $0x1B8E;
	s24 =	sld [smem:$0x3FFE];
	[sflag:s23] =	ssyncadd.s32 $0xFFFFFFFF  }
0xa5: {  	s26 =	simm.s32 $execute0_lowered;
	[smem:$0x3FD2] =	sst s25  }
0xa6: {  	s4 =	sshll.u32 s26, $0x1;
	_ =	strace $0x80000055;
	[dreg:$0x1] =	wrdreg $0xFFFFFFFF  }
0xa7: {  	s28 =	simm.s32 $_size_execute0_lowered;
	s2 =	sadd.s32 s2, s4;
	[dreg:$0x0] =	wrdreg $0x0  }
0xa8: {  	s4 =	sshll.u32 s28, $0x1;
	[dreg:$0x2] =	wrdreg s2  }
0xa9: {  	[dreg:$0x3] =	wrdreg s4  }
0xaa: {  	[dreg:$0x4] =	wrdreg $0xC0  }
0xab: {  	_ =	task [dreg:s6], $0x5FFFF  }
0xac: {  	[dreg:$0x1] =	wrdreg $0xFFFFFFFF  }
0xad: {  	[dreg:$0x0] =	wrdreg $0x60  }
0xae: {  	[dreg:$0x2] =	wrdreg s24  }
0xaf: {  	[dreg:$0x3] =	wrdreg $0xA  }
0xb0: {  	_ =	task.clear_ibuf [dreg:s6], $0x4FFFF;
	_ =	strace $0x90000055  }
0xb1: {  	s29 =	simm.s32 $0xA;
	_ =	strace $0x80000057  }
0xb2: {  	_ =	swait.ge [sflag:s29], $0x1  }
0xb3: {  	[sflag:s29] =	ssyncadd.s32 $0xFFFFFFFF  }
0xb4: {  	_ =	strace $0x90000057  }
0xb5: {  	_ =	sfence  }
0xb6: {  	s30 =	sld [smem:$0x0];
	_ =	sdelay $0x2  }
0xb7: {  	s31 =	sshll.u32 s1, $0xD;
	s1 =	sshrl.u32 s1, $0x2  }
0xb8: {  	s3 =	sand.u32 $0x4000, s31;
	s1 =	sadd.s32 s1, s30  }
0xb9: {  	s0 =	sor.u32 s3, s0;
	s1 =	sshll.u32 s1, $0x11  }
0xba: {  	s0 =	sor.u32 s1, s0  }
0xbb: {  	s0 =	sadd.s32 $0x8F2B, s0  }
0xbc: {  	[sflag:s0] =	ssyncadd.remote.s32 $0x1  }
0xbd: {  	_ =	sfence.sel $0xFFFF  }
0xbe: {  	[dreg:$0x0] =	wrdreg $0xFFFFFFFF;
	(pc) =	sbr.abs _section_cstart, $3  }
0xbf: {  	[dreg:$0x1] =	wrdreg $0xFFFFFFFF  }
0xc0: {  	_ =	task.clear_ibuf [dreg:s6], $0x2FFFF;
	_ =	strace $0x9FFFFFFF  }
0xc1: {  	(tm) =	ssettm $0x7FFFFFFF  }
tec
execute0_lowered:
.L_overlay_start_1:
0x0: {  	(tag) =	ssettag $0x1  }
0x1: {  	s8 =	rddreg [dreg:$0x0]  }
0x2: {  	s0 =	rddreg [dreg:$0x1];
	_ =	strace $0x80000056;
	s1 =	stileid.u32  }
0x3: {  	s3 =	srdreg.scid;
	s4 =	simm.s32 $0x1;
	s7 =	simm.s32 $0x1  }
0x4: {  	s9 =	simm.s32 $0x1;
	s10 =	simm.s32 $0x3;
	s13 =	simm.s32 $0x0  }
0x5: {  	s12 =	simm.s32 $0x0;
	s5 =	sand.u32 $0x1, s3;
	s6 =	sshll.u32 s1, $0x1  }
0x6: {  	s2 =	sadd.s32 $0x41400, s8;
	s3 =	sadd.s32 $0x8000, s8;
	s5 =	sor.u32 s6, s5  }
.Ltmp0:
0x7: {  	[sflag:s4] =	ssyncpa.u1 $0x0;
	p0 =	slt.u32 s5, $0x13;
	(pc) =	sbr.rel .LBB2_1-.Ltmp0, $4  }
0x8: {  	s6 =	simm.s32 $0x2;
	s7 =	simm.s32 @!p0 $0x0;
	p0 =	sne.s32 s5, $0x12  }
0x9: {  	[sflag:s6] =	ssyncpa.u1 $0x0;
	s5 =	smul.u32 $0x190, s5;
	s9 =	simm.s32 @!p0 $0x0  }
0xa: {  	s8 =	sadd.s32 $0x6000, s8;
	[sflag:s10] =	ssyncpa.u1 $0x0;
	s7 =	sadd.s32 s9, s7  }
0xb: {  	vm0 =	vmmov $0xffff;
	s10 =	simm.s32 $0x0;
	s11 =	smov.u32 s5;
	s9 =	sadd.s32 $0x1, s7  }
.LBB2_4:
0xc: {  	v2 =	vnsel vm1, $0x0, v2  }
0xd: {  	vm1 =	vgt.s32 v0, $0x0;
	v2 =	vmin.u32 v2, $0x4E1FF  }
0xe: {  	v0 =	vnsel vm1, $0x0, v0  }
0xf: {  	v0 =	vmin.u32 v0, $0x4E1FF  }
0x10: {  	[tilespmem:s18], [sflag:$0x1] =	stream.indirect_vreg.gather [hbm4b:s2+s10], $0x1, v1, vm0, $0x4038;
	[tilespmem:$0x640] =	vst v63  }
0x11: {  	(ifvalue) =	ssetifvalue $0x7FFFFFFF  }
0x12: {  	[tilespmem:s15], [sflag:$0x1] =	stream.indirect_vreg.gather [hbm4b:s2+s10], $0x1, v2, vm0, $0x4038;
	[tilespmem:$0x640] =	vst v63  }
0x13: {  	s29 =	sadd.s32 $0x10, s15;
	(ifvalue) =	ssetifvalue $0x7FFFFFFF  }
0x14: {  	[tilespmem:s29], [sflag:$0x1] =	stream.indirect_vreg.gather [hbm4b:s2+s10], $0x1, v0, vm0, $0x4038;
	[tilespmem:$0x640] =	vst v63  }
0x15: {  	_ =	swait.ge [sflag:s4], $0x190  }
0x16: {  	s30 =	sshrl.u32 s13, $0x3;
	[sflag:s4] =	ssyncset.done $0x0  }
0x17: {  	s31 =	sand.u32 $0x7, s13;
	s15 =	sadd.s32 s8, s30;
	[sflag:s4] =	ssyncadd.s32 $0xFFFFFE70  }
0x18: {  	[hbm4b:s15+s31] =	stream.linear.scatter [tilespmem:s14], [sflag:$0x3], $0x190, $0x38;
	[tilespmem:$0x640] =	vst v63  }
.LBB2_5:
0x19: {  	s15 =	sadd.s32 $0x3200, s11  }
0x1a: {  	p1 =	sgt.s32 s15, $0x4E1F  }
0x1b: {  	s15 =	smov.u32 @p1 s5;
	p1 =	sne.s32 s12, s9  }
.Ltmp1:
0x1c: {  	p0 =	slt.u32 s12, $0x2;
	(pc) =	sbr.rel @!p1 .LBB2_6-.Ltmp1, $4  }
0x1d: {  	s14 =	simm.s32 @!p0 $0x3  }
0x1e: {  	_ =	swait.ge @!p0 [sflag:s14], $0x190  }
0x1f: {  	s16 =	sadd.s32 $0x1, s12;
	s13 =	smov.u32 s11;
	[sflag:s14] =	ssyncset.done @!p0 $0x0  }
0x20: {  	s12 =	smov.u32 s16;
	s11 =	smov.u32 s15;
	[sflag:s14] =	ssyncadd.s32 @!p0 $0xFFFFFE70  }
.LBB2_1:
0x21: {  	p0 =	sge.u32 s12, s7  }
0x22: {  	s14 =	sxor.u32 @!p0 $0x1, s12  }
0x23: {  	s14 =	smul.u32 @!p0 $0x640, s14  }
0x24: {  	s31 =	sadd.s32 $0xFFFFFFFF, s12;
	s15 =	sshrl.u32 @!p0 s11, $0x3  }
0x25: {  	s16 =	sand.u32 @!p0 $0x7, s11;
	s15 =	sadd.s32 @!p0 s3, s15;
	s14 =	sshra.s32 @!p0 s14, $0x2  }
0x26: {  	[tilespmem:s14], [sflag:$0x2] =	stream.linear.gather @!p0 [hbm4b:s15+s16], $0x190, $0x38;
	[tilespmem:$0x640] =	vst v63  }
0x27: {  	p0 =	sge.u32 s31, s7  }
.Ltmp2:
0x28: {  	_ = 	snop;
	(pc) =	sbr.rel @p0 .LBB2_5-.Ltmp2, $1  }
0x29: {  	_ =	sdelay $0x3  }
0x2a: {  	s14 =	sand.u32 $0x1, s12  }
0x2b: {  	_ =	swait.ge [sflag:s6], $0x190;
	p0 =	seq.s32 s14, $0x1;
	s14 =	simm.s32 $0x190  }
0x2c: {  	[sflag:s6] =	ssyncset.done $0x0;
	s14 =	simm.s32 @!p0 $0x0  }
0x2d: {  	[sflag:s6] =	ssyncadd.s32 $0xFFFFFE70;
	(ifvalue) =	ssetifvalue $0x7FFFFFFF;
	v0 =	vld.msk [tilespmem:s14+$0x0 ss:$0x1], $0xffff;
	_ =	sdelay $0x4  }
0x2e: {  	s15 =	sadd.s32 $0x10, s14;
	vm1 =	vgt.s32 v0, $0x0  }
0x2f: {  	v2 =	vld.msk [tilespmem:s15+$0x0 ss:$0x1], $0xffff;
	v1 =	vnsel vm1, $0x0, v0  }
0x30: {  	v1 =	vmin.u32 v1, $0x4E1FF;
	_ =	sdelay $0x2  }
0x31: {  	s17 =	simm.s32 $0x20;
	s14 =	sadd.s32 $0x320, s14;
	s16 =	sadd.s32 $0x10, s15  }
0x32: {  	s15 =	sadd.s32 $0x10, s14;
	s18 =	smov.u32 s14;
	v0 =	vld.msk [tilespmem:s16+$0x0 ss:$0x1], $0xffff;
	vm1 =	vgt.s32 v2, $0x0;
	(ifvalue) =	ssetifvalue $0x7FFFFFFF  }
.LBB2_3:
0x33: {  	[tilespmem:s18], [sflag:$0x1] =	stream.indirect_vreg.gather [hbm4b:s2+s10], $0x1, v1, vm0, $0x4038;
	[tilespmem:$0x640] =	vst v63  }
0x34: {  	s17 =	sadd.s32 $0x10, s17  }
0x35: {  	v2 =	vnsel vm1, $0x0, v2;
	p0 =	slt.u32 s17, $0x180  }
.Ltmp3:
0x36: {  	s18 =	smov.u32 s15;
	v1 =	vmin.u32 v2, $0x4E1FF;
	(pc) =	sbr.rel @p0 .LBB2_3-.Ltmp3, $3  }
0x37: {  	_ =	sdelay $0x1  }
0x38: {  	s16 =	sadd.s32 $0x10, s16  }
0x39: {  	vm1 =	vgt.s32 v0, $0x0;
	s15 =	sadd.s32 $0x10, s15;
	v2 =	vmov v0;
	(ifvalue) =	ssetifvalue $0x7FFFFFFF;
	v0 =	vld.msk [tilespmem:s16+$0x0 ss:$0x1], $0xffff  }
.Ltmp4:
0x3a: {  	_ = 	snop;
	(pc) =	sbr.rel .LBB2_4-.Ltmp4, $1  }
0x3b: {  	_ =	sdelay $0x3  }
.LBB2_6:
0x3c: {  	_ =	sfence.sel $0x180000  }
0x3d: {  	s2 =	simm.s32 $0x2;
	[bflag:$0x0] =	sbarrier.arrive $0xFFFF  }
0x3e: {  	s30 =	simm.s32 $0x3;
	[sflag:s2] =	ssyncpa.u1 $0x1  }
0x3f: {  	s31 =	simm.s32 $0x1;
	[sflag:s30] =	ssyncpa.u1 $0x1  }
0x40: {  	[sflag:s31] =	ssyncpa.u1 $0x1  }
0x41: {  	p0 =	sne.s32 s1, $0x0;
	_ =	strace $0x90000056  }
0x42: {  	s0 =	sadd.s32 @!p0 $0x100000, s0;
	[bflag:$0x2] =	sbarrier.arrive $0xFFFF  }
0x43: {  	[sflag:s0] =	ssyncadd.tile.s32 @!p0 $0x1;
	_ =	shalt  }
.Lfunc_end2:
_tile_overlayer_lowered:
.L_overlay_start_2:
0x44: {  	(tag) =	ssettag $0x2  }
0x45: {  	s0 =	rddreg [dreg:$0x0];
	s2 =	stileid.u32  }
0x46: {  	s1 =	rddreg [dreg:$0x1];
	p0 =	sne.s32 s2, $0x0  }
0x47: {  	s3 =	rddreg [dreg:$0x2];
	[bflag:$0x3] =	sbarrier.arrive $0xFFFF;
	s2 =	simm.s32 @!p0 $0x1C01  }
0x48: {  	[timem:s3], [sflag:s2] =	dma.local @!p0 [hbm:s0], s1  }
0x49: {  	s0 =	simm.s32 @!p0 $0x1  }
0x4a: {  	_ =	swait.ge @!p0 [sflag:s0], s1  }
0x4b: {  	s1 =	ssub.s32 @!p0 $0x0, s1;
	[sflag:s0] =	ssyncset.done @!p0 $0x0  }
0x4c: {  	[sflag:s0] =	ssyncadd.s32 @!p0 s1  }
0x4d: {  	[bflag:$0x3] =	sbarrier.arrive $0xFFFF  }
0x4e: {  	_ =	shalt  }

// kernel: kernel.10.cloned.1.call-start
scs
__scs_entry_jumppad:
0x0: {  	(pc) =	sbr.rel $0x88, $3  }
0x1: {  	(tag) =	ssettag $0x0;
	lr =	simm.s32 $0x1  }
0x2: {  	[smem:$0x3F78] =	sst lr;
	_ =	strace $0xD0000000  }
0x3: {  	_ = 	snop  }
0x4: {  	_ = 	snop  }
0x5: {  	_ = 	snop  }
0x6: {  	_ = 	snop  }
0x7: {  	_ = 	snop  }
__scs_overlays_trampoline_lowered:
0x8: {  	[smem:$0x3F87] =	sst s0  }
0x9: {  	[smem:$0x3F88] =	sst s1  }
0xa: {  	[smem:$0x3F89] =	sst s2  }
0xb: {  	[smem:$0x3F8A] =	sst s3  }
0xc: {  	[smem:$0x3F8B] =	sst s4  }
0xd: {  	[smem:$0x3F8C] =	sst s5  }
0xe: {  	[smem:$0x3F8D] =	sst s6  }
0xf: {  	[smem:$0x3F8E] =	sst s7  }
0x10: {  	[smem:$0x3F8F] =	sst s8  }
0x11: {  	[smem:$0x3F90] =	sst s9;
	s0 =	simm.s32 @!p0 $0x0  }
0x12: {  	s1 =	sld [smem:$0x3F76];
	s0 =	simm.s32 @p0 $0x1  }
0x13: {  	[smem:$0x3F91] =	sst s0;
	s0 =	simm.s32 @!p1 $0x0  }
0x14: {  	s2 =	sld [smem:$0x3F75];
	s0 =	simm.s32 @p1 $0x1  }
0x15: {  	[smem:$0x3F92] =	sst s0;
	s0 =	simm.s32 @!p2 $0x0  }
0x16: {  	s3 =	sld [smem:$0x3FDB];
	s0 =	simm.s32 @p2 $0x1  }
0x17: {  	s4 =	simm.s32 $0x1BF5;
	[smem:$0x3F94] =	sst s0  }
0x18: {  	s0 =	sld [smem:$0x3F77];
	_ =	swait.ge [sflag:s4], $0x0  }
0x19: {  	s7 =	sld [smem:$0x3F78]  }
0x1a: {  	s8 =	sadd.s32 $0xFFFFE003, lr  }
0x1b: {  	s9 =	sadd.s32 $0xFFFFFEF7, lr;
	s5 =	simm.s32 $0xFFFFFFFF;
	p2 =	slt.u32 s8, $0xFFFFF086  }
0x1c: {  	p1 =	slt.u32 s9, $0xF7A;
	s5 =	simm.s32 @!p2 $0x0  }
0x1d: {  	s5 =	simm.s32 @p1 $0x1;
	p0 =	seq.s32 s7, s2  }
0x1e: {  	s7 =	smul.u32 @!p0 $0xF7A, s2;
	p2 =	seq.s32 @!p0 s5, $0x0  }
0x1f: {  	s9 =	smul.u32 $0xF7A, s1;
	s8 =	simm.s32 @!p0 $0x1BF5;
	p2 =	por !p2, p0  }
0x20: {  	[sflag:s8] =	ssyncset.s32 @!p0 $0xFFFFF086;
	s6 =	sadd.s32 @!p0 s3, s7;
	s7 =	simm.s32 @!p0 $0x108  }
0x21: {  	s3 =	sadd.s32 s3, s9;
	s6 =	sadd.s32 @!p0 $0x88, s6;
	s7 =	simm.s32 @p2 $0x1082  }
0x22: {  	[simem:s7], [sflag:s8] =	dma.local @!p0 [hbm:s6], $0xF7A  }
0x23: {  	s9 =	sor.u32 $0xD0000000, s2;
	s6 =	simm.s32 $0x108;
	_ =	swait.ge @!p0 [sflag:s8], $0x0  }
0x24: {  	s3 =	sadd.s32 $0x88, s3;
	s6 =	simm.s32 @!p1 $0x1082;
	[sflag:s4] =	ssyncset.s32 $0xFFFFF086  }
0x25: {  	[simem:s6], [sflag:s4] =	dma.local [hbm:s3], $0xF7A  }
0x26: {  	[smem:$0x3F78] =	sst s1;
	(tag) =	ssettag s2;
	_ =	strace s9  }
0x27: {  	s1 =	sld [smem:$0x3F88]  }
0x28: {  	s2 =	sld [smem:$0x3F89]  }
0x29: {  	s4 =	sld [smem:$0x3F8B]  }
0x2a: {  	p0 =	seq.s32 s5, $0x0;
	s5 =	sld [smem:$0x3F8C]  }
0x2b: {  	s6 =	sld [smem:$0x3F8D]  }
0x2c: {  	s7 =	sld [smem:$0x3F8E]  }
0x2d: {  	s3 =	simm.s32 $0x108;
	s8 =	sld [smem:$0x3F8F]  }
0x2e: {  	s3 =	simm.s32 @!p0 $0x1082;
	s9 =	sld [smem:$0x3F90]  }
0x2f: {  	lr =	sadd.s32 s0, s3;
	s0 =	sld [smem:$0x3F87]  }
0x30: {  	s3 =	sld [smem:$0x3F8A]  }
0x31: {  	[smem:$0x3F93] =	sst s10  }
0x32: {  	s10 =	sld [smem:$0x3F91];
	_ =	sdelay $0x3  }
0x33: {  	p0 =	seq.s32 s10, $0x1;
	s10 =	sld [smem:$0x3F93];
	_ =	sdelay $0x3  }
0x34: {  	[smem:$0x3F93] =	sst s10  }
0x35: {  	s10 =	sld [smem:$0x3F92];
	_ =	sdelay $0x3  }
0x36: {  	p1 =	seq.s32 s10, $0x1;
	s10 =	sld [smem:$0x3F93];
	_ =	sdelay $0x3  }
0x37: {  	[smem:$0x3F93] =	sst s10  }
0x38: {  	s10 =	sld [smem:$0x3F94]  }
0x39: {  	_ = 	snop;
	(pc) =	sbr.ind lr, $3  }
0x3a: {  	_ = 	snop  }
0x3b: {  	_ = 	snop  }
0x3c: {  	p2 =	seq.s32 s10, $0x1;
	s10 =	sld [smem:$0x3F93]  }
0x3d: {  	_ =	shalt  }
0x3e: {  	_ =	shalt  }
0x3f: {  	_ =	shalt  }
0x40: {  	_ =	shalt  }
0x41: {  	_ =	shalt  }
0x42: {  	_ =	shalt  }
0x43: {  	_ =	shalt  }
0x44: {  	_ =	shalt  }
0x45: {  	_ =	shalt  }
0x46: {  	_ =	shalt  }
0x47: {  	_ =	shalt  }
0x48: {  	_ =	shalt  }
0x49: {  	_ =	shalt  }
0x4a: {  	_ =	shalt  }
0x4b: {  	_ =	shalt  }
0x4c: {  	_ =	shalt  }
0x4d: {  	_ =	shalt  }
0x4e: {  	_ =	shalt  }
0x4f: {  	_ =	shalt  }
0x50: {  	_ =	shalt  }
0x51: {  	_ =	shalt  }
0x52: {  	_ =	shalt  }
0x53: {  	_ =	shalt  }
0x54: {  	_ =	shalt  }
0x55: {  	_ =	shalt  }
0x56: {  	_ =	shalt  }
0x57: {  	_ =	shalt  }
0x58: {  	_ =	shalt  }
0x59: {  	_ =	shalt  }
0x5a: {  	_ =	shalt  }
0x5b: {  	_ =	shalt  }
0x5c: {  	_ =	shalt  }
0x5d: {  	_ =	shalt  }
0x5e: {  	_ =	shalt  }
0x5f: {  	_ =	shalt  }
0x60: {  	_ =	shalt  }
0x61: {  	_ =	shalt  }
0x62: {  	_ =	shalt  }
0x63: {  	_ =	shalt  }
0x64: {  	_ =	shalt  }
0x65: {  	_ =	shalt  }
0x66: {  	_ =	shalt  }
0x67: {  	_ =	shalt  }
0x68: {  	_ =	shalt  }
0x69: {  	_ =	shalt  }
0x6a: {  	_ =	shalt  }
0x6b: {  	_ =	shalt  }
0x6c: {  	_ =	shalt  }
0x6d: {  	_ =	shalt  }
0x6e: {  	_ =	shalt  }
0x6f: {  	_ =	shalt  }
0x70: {  	_ =	shalt  }
0x71: {  	_ =	shalt  }
0x72: {  	_ =	shalt  }
0x73: {  	_ =	shalt  }
0x74: {  	_ =	shalt  }
0x75: {  	_ =	shalt  }
0x76: {  	_ =	shalt  }
0x77: {  	_ =	shalt  }
0x78: {  	_ =	shalt  }
0x79: {  	_ =	shalt  }
0x7a: {  	_ =	shalt  }
0x7b: {  	_ =	shalt  }
0x7c: {  	_ =	shalt  }
0x7d: {  	_ =	shalt  }
0x7e: {  	_ =	shalt  }
0x7f: {  	_ =	shalt  }
0x80: {  	_ =	shalt  }
0x81: {  	_ =	shalt  }
0x82: {  	_ =	shalt  }
0x83: {  	_ =	shalt  }
0x84: {  	_ =	shalt  }
0x85: {  	_ =	shalt  }
0x86: {  	_ =	shalt  }
0x87: {  	_ =	shalt  }
.Lfunc_end0:
.L_simem_size_0:
called_computation.6_lowered:
.L_overlay_start_0:
0x88: {  	s2 =	sld [smem:$0x3FD9]  }
0x89: {  	s3 =	sld [smem:$0x3FFE];
	_ =	sdelay $0x1  }
0x8a: {  	s1 =	srdreg.scid  }
0x8b: {  	s0 =	sand.u32 $0x1, s1  }
0x8c: {  	s16 =	sshll.u32 s0, $0xA;
	s2 =	sadd.s32 s3, s2  }
0x8d: {  	s2 =	sadd.s32 s2, s16  }
0x8e: {  	[smem:$0x3F9F] =	sst s2  }
0x8f: {  	_ = 	snop  }
0x90: {  	(tm) =	ssettm $0x1  }
0x91: {  	s17 =	sld [smem:$0x3FFB];
	_ =	sdelay $0x3  }
0x92: {  	_ =	strace s17  }
0x93: {  	s2 =	sld [smem:$0x3FFC];
	_ =	sdelay $0x3  }
0x94: {  	_ =	strace s2  }
0x95: {  	s2 =	sld [smem:$0x3FFD];
	_ =	sdelay $0x3  }
0x96: {  	_ =	strace s2  }
0x97: {  	_ =	strace $0x8FFFFFFF  }
0x98: {  	s18 =	sld [smem:$0x3FDB];
	_ =	sdelay $0x1  }
0x99: {  	s19 =	simm.s32 $_scs_section_size  }
0x9a: {  	s4 =	simm.s32 $_size__tile_overlayer_lowered;
	s5 =	simm.s32 $_tile_overlayer_lowered  }
0x9b: {  	s22 =	simm.s32 $0x1BFF;
	s21 =	sshll.u32 s5, $0x1;
	s2 =	sadd.s32 s19, s18  }
0x9c: {  	s6 =	simm.s32 $0x0;
	s20 =	sshll.u32 s4, $0x1;
	s4 =	sadd.s32 s21, s2  }
0x9d: {  	[timem:s6], [sflag:s22] =	dma.local [hbm:s4], s20  }
0x9e: {  	_ =	swait.ge [sflag:s22], s20  }
0x9f: {  	s3 =	ssub.s32 $0x0, s20;
	[sflag:s22] =	ssyncset.done $0x0  }
0xa0: {  	[sflag:s22] =	ssyncadd.s32 s3;
	_ =	sdelay $0x1  }
0xa1: {  	s23 =	simm.s32 $0x1B8B  }
0xa2: {  	_ =	swait.ge [sflag:s23], $0x1  }
0xa3: {  	[sflag:s23] =	ssyncset.done $0x0  }
0xa4: {  	s25 =	simm.s32 $0x1B8E;
	s24 =	sld [smem:$0x3FFE];
	[sflag:s23] =	ssyncadd.s32 $0xFFFFFFFF  }
0xa5: {  	s26 =	simm.s32 $execute0_lowered;
	[smem:$0x3FD2] =	sst s25  }
0xa6: {  	s4 =	sshll.u32 s26, $0x1;
	_ =	strace $0x8000005E;
	[dreg:$0x1] =	wrdreg $0xFFFFFFFF  }
0xa7: {  	s28 =	simm.s32 $_size_execute0_lowered;
	s2 =	sadd.s32 s2, s4;
	[dreg:$0x0] =	wrdreg $0x0  }
0xa8: {  	s4 =	sshll.u32 s28, $0x1;
	[dreg:$0x2] =	wrdreg s2  }
0xa9: {  	[dreg:$0x3] =	wrdreg s4  }
0xaa: {  	[dreg:$0x4] =	wrdreg $0xC0  }
0xab: {  	_ =	task [dreg:s6], $0x5FFFF  }
0xac: {  	[dreg:$0x1] =	wrdreg $0xFFFFFFFF  }
0xad: {  	[dreg:$0x0] =	wrdreg $0x60  }
0xae: {  	[dreg:$0x2] =	wrdreg s24  }
0xaf: {  	[dreg:$0x3] =	wrdreg $0x54000  }
0xb0: {  	[dreg:$0x4] =	wrdreg $0x9  }
0xb1: {  	_ =	task.clear_ibuf [dreg:s6], $0x5FFFF;
	_ =	strace $0x9000005E  }
0xb2: {  	s29 =	simm.s32 $0x9;
	_ =	strace $0x80000060  }
0xb3: {  	_ =	swait.ge [sflag:s29], $0x1  }
0xb4: {  	[sflag:s29] =	ssyncadd.s32 $0xFFFFFFFF  }
0xb5: {  	_ =	strace $0x90000060  }
0xb6: {  	_ =	sfence  }
0xb7: {  	s30 =	sld [smem:$0x0];
	_ =	sdelay $0x2  }
0xb8: {  	s31 =	sshll.u32 s1, $0xD;
	s1 =	sshrl.u32 s1, $0x2  }
0xb9: {  	s3 =	sand.u32 $0x4000, s31;
	s1 =	sadd.s32 s1, s30  }
0xba: {  	s0 =	sor.u32 s3, s0;
	s1 =	sshll.u32 s1, $0x11  }
0xbb: {  	s0 =	sor.u32 s1, s0  }
0xbc: {  	s0 =	sadd.s32 $0x8F2B, s0  }
0xbd: {  	[sflag:s0] =	ssyncadd.remote.s32 $0x1  }
0xbe: {  	_ =	sfence.sel $0xFFFF  }
0xbf: {  	[dreg:$0x0] =	wrdreg $0xFFFFFFFF;
	(pc) =	sbr.abs _section_cstart, $3  }
0xc0: {  	[dreg:$0x1] =	wrdreg $0xFFFFFFFF  }
0xc1: {  	_ =	task.clear_ibuf [dreg:s6], $0x2FFFF;
	_ =	strace $0x9FFFFFFF  }
0xc2: {  	(tm) =	ssettm $0x7FFFFFFF  }
0xc3: {  	_ =	shalt  }
tec
execute0_lowered:
.L_overlay_start_1:
0x0: {  	(tag) =	ssettag $0x1  }
0x1: {  	s5 =	rddreg [dreg:$0x0]  }
0x2: {  	s1 =	rddreg [dreg:$0x1]  }
0x3: {  	s0 =	rddreg [dreg:$0x2];
	s3 =	simm.s32 $0x0  }
0x4: {  	s4 =	srdreg.scid;
	s2 =	stileid.u32;
	s18 =	simm.s32 $0x4000  }
0x5: {  	s19 =	simm.s32 $0x28;
	s20 =	simm.s32 $0x0;
	[smem:$0x7FF] =	sst s3  }
0x6: {  	s7 =	sand.u32 $0x1, s4;
	s24 =	smul.u32 $0x27100, s2;
	s6 =	sshll.u32 s2, $0xC  }
0x7: {  	s25 =	smul.u32 $0x4E000, s2;
	s4 =	sadd.s32 $0x6000, s5;
	s12 =	sadd.s32 $0x65000, s5  }
0x8: {  	s13 =	smul.u32 $0x13800, s2;
	s17 =	sadd.s32 $0x138000, s1;
	p0 =	sne.s32 s2, $0xF  }
0x9: {  	s15 =	sshll.u32 s2, $0x6;
	s8 =	sshll.u32 s7, $0xB;
	s10 =	smul.u32 $0x138800, s7  }
0xa: {  	_ =	strace $0x8000005F;
	s9 =	ssub.s32 $0x2, s7;
	s31 =	smul.u32 $0x13880, s7  }
0xb: {  	s15 =	sor.u32 $0x1C01, s15;
	s17 =	sshrl.u32 @!p0 s17, $0x3;
	s6 =	sor.u32 s8, s6  }
0xc: {  	s11 =	sadd.s32 s24, s5;
	s26 =	sshrl.u32 s9, $0x1;
	s28 =	sshrl.u32 s25, $0x2  }
0xd: {  	s6 =	sadd.s32 s6, s5;
	s14 =	ssub.s32 s9, s26;
	s29 =	sadd.s32 s13, s10  }
0xe: {  	s30 =	sshrl.u32 s10, $0x3;
	s13 =	sadd.s32 s31, s11;
	s5 =	sadd.s32 $0x55000, s6  }
0xf: {  	s6 =	sadd.s32 s28, s1;
	s8 =	sshrl.u32 s29, $0x3;
	s10 =	sadd.s32 s12, s30  }
0x10: {  	s11 =	smax.u32 s14, $0x1;
	s14 =	simm.s32 $0x1;
	s7 =	sadd.s32 s12, s8  }
0x11: {  	s8 =	sadd.s32 $0x27000, s10;
	s10 =	sadd.s32 $0x75200, s10;
	s12 =	sadd.s32 $0xC80200, s13  }
0x12: {  	s13 =	sadd.s32 $0xEF1200, s13;
	s16 =	sshrl.u32 s6, $0x3;
	s9 =	sadd.s32 $0x4E200, s7  }
.LBB2_1:
0x13: {  	[tilespmem:s3], [sflag:$0x1] =	stream.linear.gather [hbm4b:s5+s3], $0x3E80, $0x38;
	[tilespmem:$0x18C80] =	vst v63  }
0x14: {  	_ =	swait.ge [sflag:s14], $0x3E80  }
0x15: {  	[sflag:s14] =	ssyncset.done $0x0  }
0x16: {  	[sflag:s14] =	ssyncadd.s32 $0xFFFFC180  }
0x17: {  	[spmem:s16], [sflag:s15] =	dma.local [hbm:s4], $0x2700  }
0x18: {  	_ =	swait.ge [sflag:s14], $0x2700  }
0x19: {  	[sflag:s14] =	ssyncset.done $0x0  }
0x1a: {  	s21 =	simm.s32 @!p0 $0x1;
	[sflag:s14] =	ssyncadd.s32 $0xFFFFD900  }
0x1b: {  	[spmem:s17], [sflag:s15] =	dma.local @!p0 [hbm:s4], $0x100  }
0x1c: {  	_ =	swait.ge @!p0 [sflag:s21], $0x100  }
0x1d: {  	[sflag:s21] =	ssyncset.done @!p0 $0x0  }
0x1e: {  	[sflag:s21] =	ssyncadd.s32 @!p0 $0xFFFFFF00  }
0x1f: {  	[bflag:$0x0] =	sbarrier.arrive $0xFFFF  }
0x20: {  	[tilespmem:s18], [sflag:$0x1] =	stream.linear.gather [hbm4b:s12+s3], $0x1400, $0x38;
	[tilespmem:$0x18C80] =	vst v63  }
0x21: {  	_ =	swait.ge [sflag:s14], $0x1400  }
0x22: {  	[sflag:s14] =	ssyncset.done $0x0  }
0x23: {  	s31 =	simm.s32 $0x0;
	[sflag:s14] =	ssyncadd.s32 $0xFFFFEC00  }
0x24: {  	[spmem:s1] =	stream.indirect.scatter.add.f32 [tilespmem:s18], [sflag:$0x1], $0x80, s31, s19, $0xb8;
	[tilespmem:$0x18C80] =	vst v63  }
0x25: {  	_ =	swait.ge [sflag:s14], $0x1400  }
0x26: {  	s22 =	smov.u32 s12;
	s21 =	simm.s32 $0x200;
	[sflag:s14] =	ssyncset.done $0x0  }
.LBB2_2:
0x27: {  	p1 =	sne.s32 s21, $0xF800;
	[sflag:s14] =	ssyncadd.s32 $0xFFFFEC00;
	s22 =	sadd.s32 $0x280, s22  }
0x28: {  	[tilespmem:s18], [sflag:$0x1] =	stream.linear.gather [hbm4b:s22+s3], $0x1400, $0x38;
	[tilespmem:$0x18C80] =	vst v63  }
0x29: {  	s23 =	smov.u32 s21;
	s21 =	sadd.s32 $0x200, s21;
	_ =	swait.ge [sflag:s14], $0x1400  }
.Ltmp0:
0x2a: {  	[sflag:s14] =	ssyncset.done $0x0;
	(pc) =	sbr.rel @p1 .LBB2_2-.Ltmp0, $4  }
0x2b: {  	s23 =	sshra.s32 s23, $0x2;
	[sflag:s14] =	ssyncadd.s32 $0xFFFFEC00  }
0x2c: {  	[spmem:s1] =	stream.indirect.scatter.add.f32 [tilespmem:s18], [sflag:$0x1], $0x80, s23, s19, $0xb8;
	[tilespmem:$0x18C80] =	vst v63  }
0x2d: {  	_ =	swait.ge [sflag:s14], $0x1400  }
0x2e: {  	[sflag:s14] =	ssyncset.done $0x0  }
0x2f: {  	[sflag:s14] =	ssyncadd.s32 $0xFFFFEC00  }
0x30: {  	[bflag:$0x0] =	sbarrier.arrive $0xFFFF  }
0x31: {  	[hbm:s7], [sflag:s15] =	dma.local [spmem:s16], $0x2700  }
0x32: {  	_ =	swait.ge [sflag:s14], $0x2700  }
0x33: {  	[sflag:s14] =	ssyncset.done $0x0  }
0x34: {  	[sflag:s14] =	ssyncadd.s32 $0xFFFFD900  }
0x35: {  	s21 =	sshrl.u32 @p0 s6, $0x3;
	[bflag:$0x0] =	sbarrier.arrive @p0 $0xFFFF  }
0x36: {  	[spmem:s21], [sflag:s15] =	dma.local @p0 [hbm:s4], $0x2700  }
0x37: {  	s21 =	simm.s32 @p0 $0x1  }
0x38: {  	_ =	swait.ge @p0 [sflag:s21], $0x2700  }
0x39: {  	[sflag:s21] =	ssyncset.done @p0 $0x0  }
0x3a: {  	[sflag:s21] =	ssyncadd.s32 @p0 $0xFFFFD900;
	s21 =	simm.s32 @!p0 $0x1  }
0x3b: {  	[hbm:s8], [sflag:s15] =	dma.local @!p0 [spmem:s17], $0x100  }
0x3c: {  	_ =	swait.ge @!p0 [sflag:s21], $0x100  }
0x3d: {  	[sflag:s21] =	ssyncset.done @!p0 $0x0  }
0x3e: {  	[sflag:s21] =	ssyncadd.s32 @!p0 $0xFFFFFF00  }
0x3f: {  	s22 =	sshrl.u32 @!p0 s6, $0x3;
	[bflag:$0x0] =	sbarrier.arrive @!p0 $0xFFFF  }
0x40: {  	[spmem:s22], [sflag:s15] =	dma.local @!p0 [hbm:s4], $0x2700  }
0x41: {  	_ =	swait.ge @!p0 [sflag:s21], $0x2700  }
0x42: {  	[sflag:s21] =	ssyncset.done @!p0 $0x0  }
0x43: {  	[sflag:s21] =	ssyncadd.s32 @!p0 $0xFFFFD900  }
0x44: {  	[spmem:s17], [sflag:s15] =	dma.local @!p0 [hbm:s4], $0x100  }
0x45: {  	_ =	swait.ge @!p0 [sflag:s21], $0x100  }
0x46: {  	[sflag:s21] =	ssyncset.done @!p0 $0x0  }
0x47: {  	[sflag:s21] =	ssyncadd.s32 @!p0 $0xFFFFFF00  }
0x48: {  	[bflag:$0x0] =	sbarrier.arrive $0xFFFF  }
0x49: {  	[tilespmem:s18], [sflag:$0x1] =	stream.linear.gather [hbm4b:s13+s3], $0x1400, $0x38;
	[tilespmem:$0x18C80] =	vst v63  }
0x4a: {  	_ =	swait.ge [sflag:s14], $0x1400  }
0x4b: {  	[sflag:s14] =	ssyncset.done $0x0  }
0x4c: {  	s31 =	simm.s32 $0x0;
	[sflag:s14] =	ssyncadd.s32 $0xFFFFEC00  }
0x4d: {  	[spmem:s1] =	stream.indirect.scatter.add.f32 [tilespmem:s18], [sflag:$0x1], $0x80, s31, s19, $0xb8;
	[tilespmem:$0x18C80] =	vst v63  }
0x4e: {  	_ =	swait.ge [sflag:s14], $0x1400  }
0x4f: {  	s22 =	smov.u32 s13;
	s21 =	simm.s32 $0x200;
	[sflag:s14] =	ssyncset.done $0x0  }
.LBB2_4:
0x50: {  	p1 =	sne.s32 s21, $0xF800;
	[sflag:s14] =	ssyncadd.s32 $0xFFFFEC00;
	s22 =	sadd.s32 $0x280, s22  }
0x51: {  	[tilespmem:s18], [sflag:$0x1] =	stream.linear.gather [hbm4b:s22+s3], $0x1400, $0x38;
	[tilespmem:$0x18C80] =	vst v63  }
0x52: {  	s23 =	smov.u32 s21;
	s21 =	sadd.s32 $0x200, s21;
	_ =	swait.ge [sflag:s14], $0x1400  }
.Ltmp1:
0x53: {  	[sflag:s14] =	ssyncset.done $0x0;
	(pc) =	sbr.rel @p1 .LBB2_4-.Ltmp1, $4  }
0x54: {  	s23 =	sshra.s32 s23, $0x2;
	[sflag:s14] =	ssyncadd.s32 $0xFFFFEC00  }
0x55: {  	[spmem:s1] =	stream.indirect.scatter.add.f32 [tilespmem:s18], [sflag:$0x1], $0x80, s23, s19, $0xb8;
	[tilespmem:$0x18C80] =	vst v63  }
0x56: {  	_ =	swait.ge [sflag:s14], $0x1400  }
0x57: {  	[sflag:s14] =	ssyncset.done $0x0  }
0x58: {  	[sflag:s14] =	ssyncadd.s32 $0xFFFFEC00  }
0x59: {  	[bflag:$0x0] =	sbarrier.arrive $0xFFFF  }
0x5a: {  	[hbm:s9], [sflag:s15] =	dma.local [spmem:s16], $0x2700  }
0x5b: {  	_ =	swait.ge [sflag:s14], $0x2700  }
0x5c: {  	s20 =	sadd.s32 $0x1, s20;
	[sflag:s14] =	ssyncset.done $0x0  }
0x5d: {  	s21 =	simm.s32 @!p0 $0x1;
	p1 =	sne.s32 s20, s11;
	[sflag:s14] =	ssyncadd.s32 $0xFFFFD900  }
0x5e: {  	[hbm:s10], [sflag:s15] =	dma.local @!p0 [spmem:s17], $0x100  }
.Ltmp2:
0x5f: {  	_ =	swait.ge @!p0 [sflag:s21], $0x100;
	(pc) =	sbr.rel @p1 .LBB2_1-.Ltmp2, $3  }
0x60: {  	[sflag:s21] =	ssyncset.done @!p0 $0x0  }
0x61: {  	[sflag:s21] =	ssyncadd.s32 @!p0 $0xFFFFFF00  }
0x62: {  	[bflag:$0x0] =	sbarrier.arrive $0xFFFF;
	_ =	sdelay $0x1  }
0x63: {  	_ =	sfence.sel $0x180000  }
0x64: {  	[bflag:$0x0] =	sbarrier.arrive $0xFFFF  }
0x65: {  	p0 =	sne.s32 s2, $0x0;
	_ =	strace $0x9000005F  }
0x66: {  	s0 =	sadd.s32 @!p0 $0x100000, s0;
	[bflag:$0x2] =	sbarrier.arrive $0xFFFF  }
0x67: {  	[sflag:s0] =	ssyncadd.tile.s32 @!p0 $0x1;
	_ =	shalt  }
.Lfunc_end2:
_tile_overlayer_lowered:
.L_overlay_start_2:
0x68: {  	(tag) =	ssettag $0x2  }
0x69: {  	s0 =	rddreg [dreg:$0x0];
	s2 =	stileid.u32  }
0x6a: {  	s1 =	rddreg [dreg:$0x1];
	p0 =	sne.s32 s2, $0x0  }
0x6b: {  	s3 =	rddreg [dreg:$0x2];
	[bflag:$0x3] =	sbarrier.arrive $0xFFFF;
	s2 =	simm.s32 @!p0 $0x1C01  }
0x6c: {  	[timem:s3], [sflag:s2] =	dma.local @!p0 [hbm:s0], s1  }
0x6d: {  	s0 =	simm.s32 @!p0 $0x1  }
0x6e: {  	_ =	swait.ge @!p0 [sflag:s0], s1  }
0x6f: {  	s1 =	ssub.s32 @!p0 $0x0, s1;
	[sflag:s0] =	ssyncset.done @!p0 $0x0  }
0x70: {  	[sflag:s0] =	ssyncadd.s32 @!p0 s1  }
0x71: {  	[bflag:$0x3] =	sbarrier.arrive $0xFFFF  }
0x72: {  	_ =	shalt  }

// kernel: kernel.7.cloned.1.call-start
scs
__scs_entry_jumppad:
0x0: {  	(pc) =	sbr.rel $0x88, $3  }
0x1: {  	(tag) =	ssettag $0x0;
	lr =	simm.s32 $0x1  }
0x2: {  	[smem:$0x3F78] =	sst lr;
	_ =	strace $0xD0000000  }
0x3: {  	_ = 	snop  }
0x4: {  	_ = 	snop  }
0x5: {  	_ = 	snop  }
0x6: {  	_ = 	snop  }
0x7: {  	_ = 	snop  }
__scs_overlays_trampoline_lowered:
0x8: {  	[smem:$0x3F87] =	sst s0  }
0x9: {  	[smem:$0x3F88] =	sst s1  }
0xa: {  	[smem:$0x3F89] =	sst s2  }
0xb: {  	[smem:$0x3F8A] =	sst s3  }
0xc: {  	[smem:$0x3F8B] =	sst s4  }
0xd: {  	[smem:$0x3F8C] =	sst s5  }
0xe: {  	[smem:$0x3F8D] =	sst s6  }
0xf: {  	[smem:$0x3F8E] =	sst s7  }
0x10: {  	[smem:$0x3F8F] =	sst s8  }
0x11: {  	[smem:$0x3F90] =	sst s9;
	s0 =	simm.s32 @!p0 $0x0  }
0x12: {  	s1 =	sld [smem:$0x3F76];
	s0 =	simm.s32 @p0 $0x1  }
0x13: {  	[smem:$0x3F91] =	sst s0;
	s0 =	simm.s32 @!p1 $0x0  }
0x14: {  	s2 =	sld [smem:$0x3F75];
	s0 =	simm.s32 @p1 $0x1  }
0x15: {  	[smem:$0x3F92] =	sst s0;
	s0 =	simm.s32 @!p2 $0x0  }
0x16: {  	s3 =	sld [smem:$0x3FDB];
	s0 =	simm.s32 @p2 $0x1  }
0x17: {  	s4 =	simm.s32 $0x1BF5;
	[smem:$0x3F94] =	sst s0  }
0x18: {  	s0 =	sld [smem:$0x3F77];
	_ =	swait.ge [sflag:s4], $0x0  }
0x19: {  	s7 =	sld [smem:$0x3F78]  }
0x1a: {  	s8 =	sadd.s32 $0xFFFFE003, lr  }
0x1b: {  	s9 =	sadd.s32 $0xFFFFFEF7, lr;
	s5 =	simm.s32 $0xFFFFFFFF;
	p2 =	slt.u32 s8, $0xFFFFF086  }
0x1c: {  	p1 =	slt.u32 s9, $0xF7A;
	s5 =	simm.s32 @!p2 $0x0  }
0x1d: {  	s5 =	simm.s32 @p1 $0x1;
	p0 =	seq.s32 s7, s2  }
0x1e: {  	s7 =	smul.u32 @!p0 $0xF7A, s2;
	p2 =	seq.s32 @!p0 s5, $0x0  }
0x1f: {  	s9 =	smul.u32 $0xF7A, s1;
	s8 =	simm.s32 @!p0 $0x1BF5;
	p2 =	por !p2, p0  }
0x20: {  	[sflag:s8] =	ssyncset.s32 @!p0 $0xFFFFF086;
	s6 =	sadd.s32 @!p0 s3, s7;
	s7 =	simm.s32 @!p0 $0x108  }
0x21: {  	s3 =	sadd.s32 s3, s9;
	s6 =	sadd.s32 @!p0 $0x88, s6;
	s7 =	simm.s32 @p2 $0x1082  }
0x22: {  	[simem:s7], [sflag:s8] =	dma.local @!p0 [hbm:s6], $0xF7A  }
0x23: {  	s9 =	sor.u32 $0xD0000000, s2;
	s6 =	simm.s32 $0x108;
	_ =	swait.ge @!p0 [sflag:s8], $0x0  }
0x24: {  	s3 =	sadd.s32 $0x88, s3;
	s6 =	simm.s32 @!p1 $0x1082;
	[sflag:s4] =	ssyncset.s32 $0xFFFFF086  }
0x25: {  	[simem:s6], [sflag:s4] =	dma.local [hbm:s3], $0xF7A  }
0x26: {  	[smem:$0x3F78] =	sst s1;
	(tag) =	ssettag s2;
	_ =	strace s9  }
0x27: {  	s1 =	sld [smem:$0x3F88]  }
0x28: {  	s2 =	sld [smem:$0x3F89]  }
0x29: {  	s4 =	sld [smem:$0x3F8B]  }
0x2a: {  	p0 =	seq.s32 s5, $0x0;
	s5 =	sld [smem:$0x3F8C]  }
0x2b: {  	s6 =	sld [smem:$0x3F8D]  }
0x2c: {  	s7 =	sld [smem:$0x3F8E]  }
0x2d: {  	s3 =	simm.s32 $0x108;
	s8 =	sld [smem:$0x3F8F]  }
0x2e: {  	s3 =	simm.s32 @!p0 $0x1082;
	s9 =	sld [smem:$0x3F90]  }
0x2f: {  	lr =	sadd.s32 s0, s3;
	s0 =	sld [smem:$0x3F87]  }
0x30: {  	s3 =	sld [smem:$0x3F8A]  }
0x31: {  	[smem:$0x3F93] =	sst s10  }
0x32: {  	s10 =	sld [smem:$0x3F91];
	_ =	sdelay $0x3  }
0x33: {  	p0 =	seq.s32 s10, $0x1;
	s10 =	sld [smem:$0x3F93];
	_ =	sdelay $0x3  }
0x34: {  	[smem:$0x3F93] =	sst s10  }
0x35: {  	s10 =	sld [smem:$0x3F92];
	_ =	sdelay $0x3  }
0x36: {  	p1 =	seq.s32 s10, $0x1;
	s10 =	sld [smem:$0x3F93];
	_ =	sdelay $0x3  }
0x37: {  	[smem:$0x3F93] =	sst s10  }
0x38: {  	s10 =	sld [smem:$0x3F94]  }
0x39: {  	_ = 	snop;
	(pc) =	sbr.ind lr, $3  }
0x3a: {  	_ = 	snop  }
0x3b: {  	_ = 	snop  }
0x3c: {  	p2 =	seq.s32 s10, $0x1;
	s10 =	sld [smem:$0x3F93]  }
0x3d: {  	_ =	shalt  }
0x3e: {  	_ =	shalt  }
0x3f: {  	_ =	shalt  }
0x40: {  	_ =	shalt  }
0x41: {  	_ =	shalt  }
0x42: {  	_ =	shalt  }
0x43: {  	_ =	shalt  }
0x44: {  	_ =	shalt  }
0x45: {  	_ =	shalt  }
0x46: {  	_ =	shalt  }
0x47: {  	_ =	shalt  }
0x48: {  	_ =	shalt  }
0x49: {  	_ =	shalt  }
0x4a: {  	_ =	shalt  }
0x4b: {  	_ =	shalt  }
0x4c: {  	_ =	shalt  }
0x4d: {  	_ =	shalt  }
0x4e: {  	_ =	shalt  }
0x4f: {  	_ =	shalt  }
0x50: {  	_ =	shalt  }
0x51: {  	_ =	shalt  }
0x52: {  	_ =	shalt  }
0x53: {  	_ =	shalt  }
0x54: {  	_ =	shalt  }
0x55: {  	_ =	shalt  }
0x56: {  	_ =	shalt  }
0x57: {  	_ =	shalt  }
0x58: {  	_ =	shalt  }
0x59: {  	_ =	shalt  }
0x5a: {  	_ =	shalt  }
0x5b: {  	_ =	shalt  }
0x5c: {  	_ =	shalt  }
0x5d: {  	_ =	shalt  }
0x5e: {  	_ =	shalt  }
0x5f: {  	_ =	shalt  }
0x60: {  	_ =	shalt  }
0x61: {  	_ =	shalt  }
0x62: {  	_ =	shalt  }
0x63: {  	_ =	shalt  }
0x64: {  	_ =	shalt  }
0x65: {  	_ =	shalt  }
0x66: {  	_ =	shalt  }
0x67: {  	_ =	shalt  }
0x68: {  	_ =	shalt  }
0x69: {  	_ =	shalt  }
0x6a: {  	_ =	shalt  }
0x6b: {  	_ =	shalt  }
0x6c: {  	_ =	shalt  }
0x6d: {  	_ =	shalt  }
0x6e: {  	_ =	shalt  }
0x6f: {  	_ =	shalt  }
0x70: {  	_ =	shalt  }
0x71: {  	_ =	shalt  }
0x72: {  	_ =	shalt  }
0x73: {  	_ =	shalt  }
0x74: {  	_ =	shalt  }
0x75: {  	_ =	shalt  }
0x76: {  	_ =	shalt  }
0x77: {  	_ =	shalt  }
0x78: {  	_ =	shalt  }
0x79: {  	_ =	shalt  }
0x7a: {  	_ =	shalt  }
0x7b: {  	_ =	shalt  }
0x7c: {  	_ =	shalt  }
0x7d: {  	_ =	shalt  }
0x7e: {  	_ =	shalt  }
0x7f: {  	_ =	shalt  }
0x80: {  	_ =	shalt  }
0x81: {  	_ =	shalt  }
0x82: {  	_ =	shalt  }
0x83: {  	_ =	shalt  }
0x84: {  	_ =	shalt  }
0x85: {  	_ =	shalt  }
0x86: {  	_ =	shalt  }
0x87: {  	_ =	shalt  }
.Lfunc_end0:
.L_simem_size_0:
called_computation.5_lowered:
.L_overlay_start_0:
0x88: {  	s2 =	sld [smem:$0x3FD9]  }
0x89: {  	s3 =	sld [smem:$0x3FFE];
	_ =	sdelay $0x1  }
0x8a: {  	s1 =	srdreg.scid  }
0x8b: {  	s0 =	sand.u32 $0x1, s1  }
0x8c: {  	s17 =	sshll.u32 s0, $0xA;
	s2 =	sadd.s32 s3, s2  }
0x8d: {  	s2 =	sadd.s32 s2, s17  }
0x8e: {  	[smem:$0x3F9F] =	sst s2  }
0x8f: {  	_ = 	snop  }
0x90: {  	s18 =	sld [smem:$0x3FD0];
	(tm) =	ssettm $0x1  }
0x91: {  	s19 =	sld [smem:$0x3FFB];
	_ =	sdelay $0x3  }
0x92: {  	_ =	strace s19  }
0x93: {  	s2 =	sld [smem:$0x3FFC];
	_ =	sdelay $0x3  }
0x94: {  	_ =	strace s2  }
0x95: {  	s2 =	sld [smem:$0x3FFD];
	_ =	sdelay $0x3  }
0x96: {  	_ =	strace s2  }
0x97: {  	_ =	strace $0x8FFFFFFF  }
0x98: {  	s20 =	sld [smem:$0x3FDB];
	_ =	sdelay $0x1  }
0x99: {  	s4 =	simm.s32 $_scs_section_size  }
0x9a: {  	s5 =	simm.s32 $_size__tile_overlayer_lowered;
	s6 =	simm.s32 $_tile_overlayer_lowered  }
0x9b: {  	s7 =	simm.s32 $0x1BFF;
	s21 =	sshll.u32 s6, $0x1;
	s4 =	sadd.s32 s4, s20  }
0x9c: {  	s22 =	simm.s32 $0x0;
	s5 =	sshll.u32 s5, $0x1;
	s6 =	sadd.s32 s21, s4  }
0x9d: {  	[timem:s22], [sflag:s7] =	dma.local [hbm:s6], s5  }
0x9e: {  	_ =	swait.ge [sflag:s7], s5  }
0x9f: {  	s5 =	ssub.s32 $0x0, s5;
	[sflag:s7] =	ssyncset.done $0x0  }
0xa0: {  	[sflag:s7] =	ssyncadd.s32 s5;
	_ =	sdelay $0x1  }
0xa1: {  	s23 =	simm.s32 $0x1B8B  }
0xa2: {  	_ =	swait.ge [sflag:s23], $0x1  }
0xa3: {  	[sflag:s23] =	ssyncset.done $0x0  }
0xa4: {  	[sflag:s23] =	ssyncadd.s32 $0xFFFFFFFF  }
0xa5: {  	s5 =	sld [smem:$0x0]  }
0xa6: {  	s6 =	sand.u32 $0xFFFFFFFE, s1  }
0xa7: {  	p0 =	sne.s32 s1, s6  }
0xa8: {  	s6 =	sshll.u32 @p0 s6, $0xE  }
0xa9: {  	s6 =	sadd.s32 @p0 $0x11B8D, s6;
	s7 =	sshll.u32 @p0 s5, $0x11  }
0xaa: {  	s6 =	sor.u32 @p0 s7, s6  }
0xab: {  	[sflag:s6] =	ssyncadd.remote.s32 @p0 $0x1;
	_ =	sdelay $0x1  }
0xac: {  	s6 =	simm.s32 @p0 $0x1B8D  }
0xad: {  	_ =	swait.eq @p0 [sflag:s6], $0x1  }
0xae: {  	[sflag:s6] =	ssyncadd.s32 @p0 $0xFFFFFFFF  }
0xaf: {  	s7 =	sshll.u32 @!p0 s1, $0xE  }
0xb0: {  	s7 =	sor.u32 @!p0 $0x4000, s7;
	s6 =	simm.s32 @!p0 $0x1B8D  }
0xb1: {  	s5 =	sshll.u32 @!p0 s5, $0x11;
	s7 =	sadd.s32 @!p0 $0x11B8D, s7;
	_ =	swait.eq @!p0 [sflag:s6], $0x1  }
0xb2: {  	s5 =	sor.u32 @!p0 s5, s7;
	[sflag:s6] =	ssyncadd.s32 @!p0 $0xFFFFFFFF  }
0xb3: {  	s25 =	simm.s32 $0x1B8E;
	s24 =	sld [smem:$0x3FFE];
	[sflag:s5] =	ssyncadd.remote.s32 @!p0 $0x1  }
0xb4: {  	s26 =	simm.s32 $execute0_lowered;
	[smem:$0x3FD2] =	sst s25  }
0xb5: {  	s6 =	sshll.u32 s26, $0x1;
	_ =	strace $0x8000005B;
	[dreg:$0x1] =	wrdreg $0xFFFFFFFF  }
0xb6: {  	s28 =	simm.s32 $_size_execute0_lowered;
	s4 =	sadd.s32 s4, s6;
	[dreg:$0x0] =	wrdreg $0x0  }
0xb7: {  	s6 =	sshll.u32 s28, $0x1;
	[dreg:$0x2] =	wrdreg s4  }
0xb8: {  	[dreg:$0x3] =	wrdreg s6  }
0xb9: {  	[dreg:$0x4] =	wrdreg $0xC0  }
0xba: {  	_ =	task [dreg:s22], $0x5FFFF  }
0xbb: {  	[dreg:$0x1] =	wrdreg $0xFFFFFFFF  }
0xbc: {  	[dreg:$0x0] =	wrdreg $0x60  }
0xbd: {  	[dreg:$0x2] =	wrdreg s18  }
0xbe: {  	[dreg:$0x3] =	wrdreg s24  }
0xbf: {  	[dreg:$0x4] =	wrdreg $0xB  }
0xc0: {  	_ =	task.clear_ibuf [dreg:s22], $0x5FFFF;
	_ =	strace $0x9000005B  }
0xc1: {  	s29 =	simm.s32 $0xB;
	_ =	strace $0x8000005D  }
0xc2: {  	_ =	swait.ge [sflag:s29], $0x1  }
0xc3: {  	[sflag:s29] =	ssyncadd.s32 $0xFFFFFFFF  }
0xc4: {  	_ =	strace $0x9000005D  }
0xc5: {  	_ =	sfence  }
0xc6: {  	s30 =	sld [smem:$0x0];
	_ =	sdelay $0x2  }
0xc7: {  	s31 =	sshll.u32 s1, $0xD;
	s1 =	sshrl.u32 s1, $0x2  }
0xc8: {  	s4 =	sand.u32 $0x4000, s31;
	s1 =	sadd.s32 s1, s30  }
0xc9: {  	s0 =	sor.u32 s4, s0;
	s1 =	sshll.u32 s1, $0x11  }
0xca: {  	s0 =	sor.u32 s1, s0  }
0xcb: {  	s0 =	sadd.s32 $0x8F2B, s0  }
0xcc: {  	[sflag:s0] =	ssyncadd.remote.s32 $0x1  }
0xcd: {  	_ =	sfence.sel $0xFFFF  }
0xce: {  	[dreg:$0x0] =	wrdreg $0xFFFFFFFF;
	(pc) =	sbr.abs _section_cstart, $3  }
0xcf: {  	[dreg:$0x1] =	wrdreg $0xFFFFFFFF  }
0xd0: {  	_ =	task.clear_ibuf [dreg:s22], $0x2FFFF;
	_ =	strace $0x9FFFFFFF  }
0xd1: {  	(tm) =	ssettm $0x7FFFFFFF  }
tec
execute0_lowered:
.L_overlay_start_1:
0x0: {  	(tag) =	ssettag $0x1  }
0x1: {  	s1 =	rddreg [dreg:$0x0]  }
0x2: {  	s4 =	rddreg [dreg:$0x1]  }
0x3: {  	s0 =	rddreg [dreg:$0x2];
	s3 =	simm.s32 $0x0;
	s5 =	srdreg.scid  }
0x4: {  	s2 =	stileid.u32;
	s12 =	simm.s32 $0x4;
	s13 =	simm.s32 $0x0  }
0x5: {  	[smem:$0x7FF] =	sst s3;
	s5 =	sand.u32 $0x1, s5;
	s10 =	smul.u32 $0x27100, s2  }
0x6: {  	s6 =	sshll.u32 s2, $0x1;
	s11 =	sadd.s32 $0x52D200, s4;
	_ =	strace $0x8000005C  }
0x7: {  	s6 =	sor.u32 s5, s6;
	s8 =	ssub.s32 $0x2, s5;
	s30 =	smul.u32 $0x13880, s5  }
0x8: {  	s7 =	sshll.u32 s6, $0xB;
	s6 =	smul.u32 $0x13880, s6;
	s9 =	sshrl.u32 s8, $0x1  }
0x9: {  	s31 =	sadd.s32 s10, s11;
	s10 =	simm.s32 $0x4000;
	s7 =	sadd.s32 s7, s4  }
0xa: {  	s8 =	ssub.s32 s8, s9;
	s9 =	simm.s32 $0x28;
	s4 =	sadd.s32 $0x72C00, s7  }
0xb: {  	s6 =	sadd.s32 s11, s6;
	s5 =	smax.u32 s8, $0x1;
	s7 =	sadd.s32 s30, s31  }
0xc: {  	s8 =	simm.s32 $0x3;
	s11 =	simm.s32 $0x1;
	s6 =	sadd.s32 $0x13600, s6  }
.LBB2_1:
0xd: {  	[tilespmem:s3], [sflag:$0x3] =	stream.linear.gather [hbm4b:s4+s3], $0x3E80, $0x38;
	[tilespmem:$0x6800] =	vst v63  }
0xe: {  	_ =	swait.ge [sflag:s8], $0x3E80  }
0xf: {  	s14 =	sand.u32 $0x1, s3;
	[sflag:s8] =	ssyncset.done $0x0  }
0x10: {  	s15 =	simm.s32 $0x80;
	p0 =	seq.s32 s14, $0x1;
	[sflag:s8] =	ssyncadd.s32 $0xFFFFC180  }
0x11: {  	[tilespmem:s10], [sflag:$0x1] =	stream.indirect.gather [hbm4b:s1+s9], $0x80, s3, s9, $0xb8;
	[tilespmem:$0x6800] =	vst v63  }
0x12: {  	s14 =	simm.s32 @p0 $0x28;
	s16 =	simm.s32 @p0 $0x4000;
	s17 =	simm.s32 @p0 $0x2  }
0x13: {  	[tilespmem:s16], [sflag:$0x1] =	stream.indirect.gather @p0 [hbm4b:s1+s14], $0x80, s15, s14, $0xb8;
	[tilespmem:$0x6800] =	vst v63  }
0x14: {  	_ =	swait.ge @p0 [sflag:s17], $0x1400  }
0x15: {  	[sflag:s17] =	ssyncset.done @p0 $0x0  }
0x16: {  	s14 =	simm.s32 @p0 $0x0;
	s16 =	simm.s32 @p0 $0x5400;
	[sflag:s17] =	ssyncadd.s32 @p0 $0xFFFFEC00  }
0x17: {  	[hbm4b:s7+s14] =	stream.linear.scatter @p0 [tilespmem:s16], [sflag:$0x3], $0x1400, $0x38;
	[tilespmem:$0x6800] =	vst v63  }
0x18: {  	s18 =	simm.s32 @!p0 $0x1;
	s14 =	simm.s32 @!p0 $0x28;
	s16 =	simm.s32 @!p0 $0x5400  }
0x19: {  	[tilespmem:s16], [sflag:$0x2] =	stream.indirect.gather @!p0 [hbm4b:s1+s14], $0x80, s15, s14, $0xb8;
	[tilespmem:$0x6800] =	vst v63  }
0x1a: {  	s17 =	simm.s32 @!p0 $0x4;
	_ =	swait.ge @!p0 [sflag:s18], $0x1400  }
0x1b: {  	s31 =	simm.s32 $0x1;
	s17 =	simm.s32 @p0 $0x3;
	[sflag:s18] =	ssyncset.done @!p0 $0x0  }
0x1c: {  	s15 =	simm.s32 @!p0 $0x4000;
	[sflag:s18] =	ssyncadd.s32 @!p0 $0xFFFFEC00;
	s18 =	simm.s32 @!p0 $0x0  }
0x1d: {  	[hbm4b:s7+s18] =	stream.linear.scatter @!p0 [tilespmem:s15], [sflag:$0x4], $0x1400, $0x38;
	[tilespmem:$0x6800] =	vst v63  }
0x1e: {  	s16 =	simm.s32 $0x2;
	s14 =	sand.u32 $0x1, s31;
	s15 =	simm.s32 $0x100  }
0x1f: {  	p0 =	seq.s32 s14, $0x1;
	s14 =	sadd.s32 $0x280, s7;
	_ =	swait.ge [sflag:s17], $0x1400  }
.LBB2_2:
0x20: {  	s18 =	simm.s32 @p0 $0x28;
	s19 =	simm.s32 @p0 $0x4000  }
0x21: {  	[sflag:s17] =	ssyncset.done $0x0;
	s20 =	smov.u32 s16;
	s21 =	smov.u32 s15  }
0x22: {  	s16 =	sadd.s32 $0x1, s16;
	s22 =	simm.s32 @p0 $0x2;
	[sflag:s17] =	ssyncadd.s32 $0xFFFFEC00  }
0x23: {  	[tilespmem:s19], [sflag:$0x1] =	stream.indirect.gather @p0 [hbm4b:s1+s18], $0x80, s15, s18, $0xb8;
	[tilespmem:$0x6800] =	vst v63  }
0x24: {  	p1 =	sne.s32 s16, $0x7C;
	_ =	swait.ge @p0 [sflag:s22], $0x1400  }
0x25: {  	s15 =	sadd.s32 $0x80, s15;
	[sflag:s22] =	ssyncset.done @p0 $0x0  }
0x26: {  	s17 =	simm.s32 @p0 $0x0;
	s18 =	simm.s32 @p0 $0x5400;
	[sflag:s22] =	ssyncadd.s32 @p0 $0xFFFFEC00  }
0x27: {  	[hbm4b:s14+s17] =	stream.linear.scatter @p0 [tilespmem:s18], [sflag:$0x3], $0x1400, $0x38;
	[tilespmem:$0x6800] =	vst v63  }
0x28: {  	s19 =	simm.s32 @!p0 $0x1;
	s17 =	simm.s32 @!p0 $0x28;
	s18 =	simm.s32 @!p0 $0x5400  }
0x29: {  	[tilespmem:s18], [sflag:$0x2] =	stream.indirect.gather @!p0 [hbm4b:s1+s17], $0x80, s21, s17, $0xb8;
	[tilespmem:$0x6800] =	vst v63  }
.Ltmp0:
0x2a: {  	s18 =	sand.u32 $0x1, s20;
	_ =	swait.ge @!p0 [sflag:s19], $0x1400;
	(pc) =	sbr.rel @p1 .LBB2_2-.Ltmp0, $4  }
0x2b: {  	s20 =	simm.s32 @!p0 $0x4000;
	s17 =	simm.s32 @!p0 $0x4;
	[sflag:s19] =	ssyncset.done @!p0 $0x0  }
0x2c: {  	s17 =	simm.s32 @p0 $0x3;
	[sflag:s19] =	ssyncadd.s32 @!p0 $0xFFFFEC00;
	s19 =	simm.s32 @!p0 $0x0  }
0x2d: {  	[hbm4b:s14+s19] =	stream.linear.scatter @!p0 [tilespmem:s20], [sflag:$0x4], $0x1400, $0x38;
	[tilespmem:$0x6800] =	vst v63  }
0x2e: {  	p0 =	seq.s32 s18, $0x1;
	s14 =	sadd.s32 $0x280, s14;
	_ =	swait.ge [sflag:s17], $0x1400  }
0x2f: {  	s16 =	simm.s32 @p0 $0x28;
	[sflag:s17] =	ssyncset.done $0x0  }
0x30: {  	s18 =	simm.s32 @p0 $0x4000;
	s19 =	simm.s32 @p0 $0x2;
	[sflag:s17] =	ssyncadd.s32 $0xFFFFEC00  }
0x31: {  	[tilespmem:s18], [sflag:$0x1] =	stream.indirect.gather @p0 [hbm4b:s1+s16], $0x80, s15, s16, $0xb8;
	[tilespmem:$0x6800] =	vst v63  }
0x32: {  	_ =	swait.ge @p0 [sflag:s19], $0x1400  }
0x33: {  	[sflag:s19] =	ssyncset.done @p0 $0x0  }
0x34: {  	s17 =	simm.s32 @p0 $0x5400;
	s16 =	simm.s32 @p0 $0x0;
	[sflag:s19] =	ssyncadd.s32 @p0 $0xFFFFEC00  }
0x35: {  	[hbm4b:s14+s16] =	stream.linear.scatter @p0 [tilespmem:s17], [sflag:$0x3], $0x1400, $0x38;
	[tilespmem:$0x6800] =	vst v63  }
0x36: {  	s18 =	simm.s32 @!p0 $0x1;
	s16 =	simm.s32 @!p0 $0x28;
	s17 =	simm.s32 @!p0 $0x5400  }
0x37: {  	[tilespmem:s17], [sflag:$0x2] =	stream.indirect.gather @!p0 [hbm4b:s1+s16], $0x80, s15, s16, $0xb8;
	[tilespmem:$0x6800] =	vst v63  }
0x38: {  	_ =	swait.ge @!p0 [sflag:s18], $0x1400  }
0x39: {  	s15 =	simm.s32 @!p0 $0x4000;
	s16 =	simm.s32 @!p0 $0x4;
	[sflag:s18] =	ssyncset.done @!p0 $0x0  }
0x3a: {  	s17 =	simm.s32 @!p0 $0x0;
	s16 =	simm.s32 @p0 $0x3;
	[sflag:s18] =	ssyncadd.s32 @!p0 $0xFFFFEC00  }
0x3b: {  	[hbm4b:s14+s17] =	stream.linear.scatter @!p0 [tilespmem:s15], [sflag:$0x4], $0x1400, $0x38;
	[tilespmem:$0x6800] =	vst v63  }
0x3c: {  	_ =	swait.ge [sflag:s16], $0x1400  }
0x3d: {  	[sflag:s16] =	ssyncset.done $0x0  }
0x3e: {  	[sflag:s16] =	ssyncadd.s32 $0xFFFFEC00  }
0x3f: {  	s13 =	sadd.s32 $0x1, s13;
	_ =	swait.ge [sflag:s11], $0x1400  }
0x40: {  	p0 =	sne.s32 s13, s5;
	[sflag:s11] =	ssyncset.done $0x0  }
.Ltmp1:
0x41: {  	[sflag:s11] =	ssyncadd.s32 $0xFFFFEC00;
	(pc) =	sbr.rel @p0 .LBB2_1-.Ltmp1, $4  }
0x42: {  	[hbm4b:s6+s3] =	stream.linear.scatter [tilespmem:s10], [sflag:$0x4], $0x1400, $0x38;
	[tilespmem:$0x6800] =	vst v63  }
0x43: {  	_ =	swait.ge [sflag:s12], $0x1400  }
0x44: {  	[sflag:s12] =	ssyncset.done $0x0  }
0x45: {  	[sflag:s12] =	ssyncadd.s32 $0xFFFFEC00  }
0x46: {  	_ =	sfence.sel $0x180000  }
0x47: {  	[bflag:$0x0] =	sbarrier.arrive $0xFFFF  }
0x48: {  	p0 =	sne.s32 s2, $0x0;
	_ =	strace $0x9000005C  }
0x49: {  	s0 =	sadd.s32 @!p0 $0x100000, s0;
	[bflag:$0x2] =	sbarrier.arrive $0xFFFF  }
0x4a: {  	[sflag:s0] =	ssyncadd.tile.s32 @!p0 $0x1;
	_ =	shalt  }
.Lfunc_end2:
_tile_overlayer_lowered:
.L_overlay_start_2:
0x4b: {  	(tag) =	ssettag $0x2  }
0x4c: {  	s0 =	rddreg [dreg:$0x0];
	s2 =	stileid.u32  }
0x4d: {  	s1 =	rddreg [dreg:$0x1];
	p0 =	sne.s32 s2, $0x0  }
0x4e: {  	s3 =	rddreg [dreg:$0x2];
	[bflag:$0x3] =	sbarrier.arrive $0xFFFF;
	s2 =	simm.s32 @!p0 $0x1C03  }
0x4f: {  	[timem:s3], [sflag:s2] =	dma.local @!p0 [hbm:s0], s1  }
0x50: {  	s0 =	simm.s32 @!p0 $0x3  }
0x51: {  	_ =	swait.ge @!p0 [sflag:s0], s1  }
0x52: {  	s1 =	ssub.s32 @!p0 $0x0, s1;
	[sflag:s0] =	ssyncset.done @!p0 $0x0  }
0x53: {  	[sflag:s0] =	ssyncadd.s32 @!p0 s1  }
0x54: {  	[bflag:$0x3] =	sbarrier.arrive $0xFFFF  }
0x55: {  	_ =	shalt  }

// kernel: scatter_offload_async_start.1
scs
__scs_entry_jumppad:
0x0: {  	(pc) =	sbr.rel $0x88, $3  }
0x1: {  	(tag) =	ssettag $0x0;
	lr =	simm.s32 $0x1  }
0x2: {  	[smem:$0x3F78] =	sst lr;
	_ =	strace $0xD0000000  }
0x3: {  	_ = 	snop  }
0x4: {  	_ = 	snop  }
0x5: {  	_ = 	snop  }
0x6: {  	_ = 	snop  }
0x7: {  	_ = 	snop  }
__scs_overlays_trampoline_lowered:
0x8: {  	[smem:$0x3F87] =	sst s0  }
0x9: {  	[smem:$0x3F88] =	sst s1  }
0xa: {  	[smem:$0x3F89] =	sst s2  }
0xb: {  	[smem:$0x3F8A] =	sst s3  }
0xc: {  	[smem:$0x3F8B] =	sst s4  }
0xd: {  	[smem:$0x3F8C] =	sst s5  }
0xe: {  	[smem:$0x3F8D] =	sst s6  }
0xf: {  	[smem:$0x3F8E] =	sst s7  }
0x10: {  	[smem:$0x3F8F] =	sst s8  }
0x11: {  	[smem:$0x3F90] =	sst s9;
	s0 =	simm.s32 @!p0 $0x0  }
0x12: {  	s1 =	sld [smem:$0x3F76];
	s0 =	simm.s32 @p0 $0x1  }
0x13: {  	[smem:$0x3F91] =	sst s0;
	s0 =	simm.s32 @!p1 $0x0  }
0x14: {  	s2 =	sld [smem:$0x3F75];
	s0 =	simm.s32 @p1 $0x1  }
0x15: {  	[smem:$0x3F92] =	sst s0;
	s0 =	simm.s32 @!p2 $0x0  }
0x16: {  	s3 =	sld [smem:$0x3FDB];
	s0 =	simm.s32 @p2 $0x1  }
0x17: {  	s4 =	simm.s32 $0x1BF5;
	[smem:$0x3F94] =	sst s0  }
0x18: {  	s0 =	sld [smem:$0x3F77];
	_ =	swait.ge [sflag:s4], $0x0  }
0x19: {  	s7 =	sld [smem:$0x3F78]  }
0x1a: {  	s8 =	sadd.s32 $0xFFFFE003, lr  }
0x1b: {  	s9 =	sadd.s32 $0xFFFFFEF7, lr;
	s5 =	simm.s32 $0xFFFFFFFF;
	p2 =	slt.u32 s8, $0xFFFFF086  }
0x1c: {  	p1 =	slt.u32 s9, $0xF7A;
	s5 =	simm.s32 @!p2 $0x0  }
0x1d: {  	s5 =	simm.s32 @p1 $0x1;
	p0 =	seq.s32 s7, s2  }
0x1e: {  	s7 =	smul.u32 @!p0 $0xF7A, s2;
	p2 =	seq.s32 @!p0 s5, $0x0  }
0x1f: {  	s9 =	smul.u32 $0xF7A, s1;
	s8 =	simm.s32 @!p0 $0x1BF5;
	p2 =	por !p2, p0  }
0x20: {  	[sflag:s8] =	ssyncset.s32 @!p0 $0xFFFFF086;
	s6 =	sadd.s32 @!p0 s3, s7;
	s7 =	simm.s32 @!p0 $0x108  }
0x21: {  	s3 =	sadd.s32 s3, s9;
	s6 =	sadd.s32 @!p0 $0x88, s6;
	s7 =	simm.s32 @p2 $0x1082  }
0x22: {  	[simem:s7], [sflag:s8] =	dma.local @!p0 [hbm:s6], $0xF7A  }
0x23: {  	s9 =	sor.u32 $0xD0000000, s2;
	s6 =	simm.s32 $0x108;
	_ =	swait.ge @!p0 [sflag:s8], $0x0  }
0x24: {  	s3 =	sadd.s32 $0x88, s3;
	s6 =	simm.s32 @!p1 $0x1082;
	[sflag:s4] =	ssyncset.s32 $0xFFFFF086  }
0x25: {  	[simem:s6], [sflag:s4] =	dma.local [hbm:s3], $0xF7A  }
0x26: {  	[smem:$0x3F78] =	sst s1;
	(tag) =	ssettag s2;
	_ =	strace s9  }
0x27: {  	s1 =	sld [smem:$0x3F88]  }
0x28: {  	s2 =	sld [smem:$0x3F89]  }
0x29: {  	s4 =	sld [smem:$0x3F8B]  }
0x2a: {  	p0 =	seq.s32 s5, $0x0;
	s5 =	sld [smem:$0x3F8C]  }
0x2b: {  	s6 =	sld [smem:$0x3F8D]  }
0x2c: {  	s7 =	sld [smem:$0x3F8E]  }
0x2d: {  	s3 =	simm.s32 $0x108;
	s8 =	sld [smem:$0x3F8F]  }
0x2e: {  	s3 =	simm.s32 @!p0 $0x1082;
	s9 =	sld [smem:$0x3F90]  }
0x2f: {  	lr =	sadd.s32 s0, s3;
	s0 =	sld [smem:$0x3F87]  }
0x30: {  	s3 =	sld [smem:$0x3F8A]  }
0x31: {  	[smem:$0x3F93] =	sst s10  }
0x32: {  	s10 =	sld [smem:$0x3F91];
	_ =	sdelay $0x3  }
0x33: {  	p0 =	seq.s32 s10, $0x1;
	s10 =	sld [smem:$0x3F93];
	_ =	sdelay $0x3  }
0x34: {  	[smem:$0x3F93] =	sst s10  }
0x35: {  	s10 =	sld [smem:$0x3F92];
	_ =	sdelay $0x3  }
0x36: {  	p1 =	seq.s32 s10, $0x1;
	s10 =	sld [smem:$0x3F93];
	_ =	sdelay $0x3  }
0x37: {  	[smem:$0x3F93] =	sst s10  }
0x38: {  	s10 =	sld [smem:$0x3F94]  }
0x39: {  	_ = 	snop;
	(pc) =	sbr.ind lr, $3  }
0x3a: {  	_ = 	snop  }
0x3b: {  	_ = 	snop  }
0x3c: {  	p2 =	seq.s32 s10, $0x1;
	s10 =	sld [smem:$0x3F93]  }
0x3d: {  	_ =	shalt  }
0x3e: {  	_ =	shalt  }
0x3f: {  	_ =	shalt  }
0x40: {  	_ =	shalt  }
0x41: {  	_ =	shalt  }
0x42: {  	_ =	shalt  }
0x43: {  	_ =	shalt  }
0x44: {  	_ =	shalt  }
0x45: {  	_ =	shalt  }
0x46: {  	_ =	shalt  }
0x47: {  	_ =	shalt  }
0x48: {  	_ =	shalt  }
0x49: {  	_ =	shalt  }
0x4a: {  	_ =	shalt  }
0x4b: {  	_ =	shalt  }
0x4c: {  	_ =	shalt  }
0x4d: {  	_ =	shalt  }
0x4e: {  	_ =	shalt  }
0x4f: {  	_ =	shalt  }
0x50: {  	_ =	shalt  }
0x51: {  	_ =	shalt  }
0x52: {  	_ =	shalt  }
0x53: {  	_ =	shalt  }
0x54: {  	_ =	shalt  }
0x55: {  	_ =	shalt  }
0x56: {  	_ =	shalt  }
0x57: {  	_ =	shalt  }
0x58: {  	_ =	shalt  }
0x59: {  	_ =	shalt  }
0x5a: {  	_ =	shalt  }
0x5b: {  	_ =	shalt  }
0x5c: {  	_ =	shalt  }
0x5d: {  	_ =	shalt  }
0x5e: {  	_ =	shalt  }
0x5f: {  	_ =	shalt  }
0x60: {  	_ =	shalt  }
0x61: {  	_ =	shalt  }
0x62: {  	_ =	shalt  }
0x63: {  	_ =	shalt  }
0x64: {  	_ =	shalt  }
0x65: {  	_ =	shalt  }
0x66: {  	_ =	shalt  }
0x67: {  	_ =	shalt  }
0x68: {  	_ =	shalt  }
0x69: {  	_ =	shalt  }
0x6a: {  	_ =	shalt  }
0x6b: {  	_ =	shalt  }
0x6c: {  	_ =	shalt  }
0x6d: {  	_ =	shalt  }
0x6e: {  	_ =	shalt  }
0x6f: {  	_ =	shalt  }
0x70: {  	_ =	shalt  }
0x71: {  	_ =	shalt  }
0x72: {  	_ =	shalt  }
0x73: {  	_ =	shalt  }
0x74: {  	_ =	shalt  }
0x75: {  	_ =	shalt  }
0x76: {  	_ =	shalt  }
0x77: {  	_ =	shalt  }
0x78: {  	_ =	shalt  }
0x79: {  	_ =	shalt  }
0x7a: {  	_ =	shalt  }
0x7b: {  	_ =	shalt  }
0x7c: {  	_ =	shalt  }
0x7d: {  	_ =	shalt  }
0x7e: {  	_ =	shalt  }
0x7f: {  	_ =	shalt  }
0x80: {  	_ =	shalt  }
0x81: {  	_ =	shalt  }
0x82: {  	_ =	shalt  }
0x83: {  	_ =	shalt  }
0x84: {  	_ =	shalt  }
0x85: {  	_ =	shalt  }
0x86: {  	_ =	shalt  }
0x87: {  	_ =	shalt  }
.Lfunc_end0:
.L_simem_size_0:
called_computation.1_lowered:
.L_overlay_start_0:
0x88: {  	s0 =	sld [smem:$0x3FD9]  }
0x89: {  	s1 =	sld [smem:$0x3FFE];
	_ =	sdelay $0x3  }
0x8a: {  	s0 =	sadd.s32 s1, s0  }
0x8b: {  	[smem:$0x3F9F] =	sst s0  }
0x8c: {  	_ = 	snop  }
0x8d: {  	(tm) =	ssettm $0x1  }
0x8e: {  	s14 =	sld [smem:$0x3FFB];
	_ =	sdelay $0x3  }
0x8f: {  	_ =	strace s14  }
0x90: {  	s0 =	sld [smem:$0x3FFC];
	_ =	sdelay $0x3  }
0x91: {  	_ =	strace s0  }
0x92: {  	s0 =	sld [smem:$0x3FFD];
	_ =	sdelay $0x3  }
0x93: {  	_ =	strace s0  }
0x94: {  	_ =	strace $0x8FFFFFFF  }
0x95: {  	s15 =	sld [smem:$0x3FDB];
	_ =	sdelay $0x1  }
0x96: {  	s16 =	simm.s32 $_scs_section_size  }
0x97: {  	s2 =	simm.s32 $_size__tile_overlayer_lowered;
	s3 =	simm.s32 $_tile_overlayer_lowered  }
0x98: {  	s4 =	simm.s32 $0x1BFF;
	s17 =	sshll.u32 s3, $0x1;
	s1 =	sadd.s32 s16, s15  }
0x99: {  	s18 =	simm.s32 $0x0;
	s2 =	sshll.u32 s2, $0x1;
	s3 =	sadd.s32 s17, s1  }
0x9a: {  	[timem:s18], [sflag:s4] =	dma.local [hbm:s3], s2  }
0x9b: {  	_ =	swait.ge [sflag:s4], s2  }
0x9c: {  	s2 =	ssub.s32 $0x0, s2;
	[sflag:s4] =	ssyncset.done $0x0  }
0x9d: {  	[sflag:s4] =	ssyncadd.s32 s2;
	_ =	sdelay $0x1  }
0x9e: {  	s19 =	simm.s32 $0x1B8B  }
0x9f: {  	_ =	swait.ge [sflag:s19], $0x1  }
0xa0: {  	[sflag:s19] =	ssyncset.done $0x0  }
0xa1: {  	s21 =	simm.s32 $0x1B8E;
	s20 =	sld [smem:$0x3FFE];
	[sflag:s19] =	ssyncadd.s32 $0xFFFFFFFF  }
0xa2: {  	s22 =	simm.s32 $execute0_lowered;
	[smem:$0x3FD2] =	sst s21  }
0xa3: {  	s3 =	sshll.u32 s22, $0x1;
	_ =	strace $0x8000004C;
	[dreg:$0x1] =	wrdreg $0xFFFFFFFF  }
0xa4: {  	s23 =	simm.s32 $_size_execute0_lowered;
	s3 =	sadd.s32 s1, s3;
	[dreg:$0x0] =	wrdreg $0x0  }
0xa5: {  	s4 =	sshll.u32 s23, $0x1;
	[dreg:$0x2] =	wrdreg s3  }
0xa6: {  	[dreg:$0x3] =	wrdreg s4  }
0xa7: {  	[dreg:$0x4] =	wrdreg $0xC0  }
0xa8: {  	s24 =	simm.s32 $execute1_lowered;
	_ =	task [dreg:s18], $0x5FFFF  }
0xa9: {  	s3 =	sshll.u32 s24, $0x1;
	[dreg:$0x1] =	wrdreg $0xFFFFFFFF  }
0xaa: {  	s1 =	sadd.s32 s1, s3;
	[dreg:$0x0] =	wrdreg $0x60  }
0xab: {  	[dreg:$0x2] =	wrdreg s1  }
0xac: {  	[dreg:$0x3] =	wrdreg s20  }
0xad: {  	[dreg:$0x4] =	wrdreg $0x9  }
0xae: {  	_ =	task.clear_ibuf [dreg:s18], $0x5FFFF;
	_ =	strace $0x9000004C  }
0xaf: {  	s25 =	simm.s32 $0x9;
	_ =	strace $0x8000004E  }
0xb0: {  	_ =	swait.ge [sflag:s25], $0x1  }
0xb1: {  	[sflag:s25] =	ssyncadd.s32 $0xFFFFFFFF  }
0xb2: {  	_ =	strace $0x9000004E  }
0xb3: {  	_ =	strace $0x8000004F;
	[dreg:$0x1] =	wrdreg $0xFFFFFFFF  }
0xb4: {  	[dreg:$0x0] =	wrdreg $0x2030  }
0xb5: {  	[dreg:$0x2] =	wrdreg s20  }
0xb6: {  	[dreg:$0x3] =	wrdreg $0xA  }
0xb7: {  	_ =	task.clear_ibuf [dreg:s18], $0x4FFFF;
	_ =	strace $0x9000004F  }
0xb8: {  	s26 =	simm.s32 $0xA;
	_ =	strace $0x80000051  }
0xb9: {  	_ =	swait.ge [sflag:s26], $0x1  }
0xba: {  	[sflag:s26] =	ssyncadd.s32 $0xFFFFFFFF  }
0xbb: {  	_ =	strace $0x90000051  }
0xbc: {  	_ =	sfence  }
0xbd: {  	s28 =	sld [smem:$0x0];
	_ =	sdelay $0x1  }
0xbe: {  	s29 =	srdreg.scid  }
0xbf: {  	s30 =	sshll.u32 s29, $0xD;
	s31 =	sshrl.u32 s29, $0x2  }
0xc0: {  	s2 =	sand.u32 $0x1, s29;
	s3 =	sand.u32 $0x4000, s30;
	s1 =	sadd.s32 s31, s28  }
0xc1: {  	s2 =	sor.u32 s3, s2;
	s1 =	sshll.u32 s1, $0x11  }
0xc2: {  	s1 =	sor.u32 s1, s2  }
0xc3: {  	s1 =	sadd.s32 $0x8F2B, s1  }
0xc4: {  	[sflag:s1] =	ssyncadd.remote.s32 $0x1  }
0xc5: {  	_ =	sfence.sel $0xFFFF  }
0xc6: {  	[dreg:$0x0] =	wrdreg $0xFFFFFFFF;
	(pc) =	sbr.abs _section_cstart, $3  }
0xc7: {  	[dreg:$0x1] =	wrdreg $0xFFFFFFFF  }
0xc8: {  	_ =	task.clear_ibuf [dreg:s18], $0x2FFFF;
	_ =	strace $0x9FFFFFFF  }
0xc9: {  	(tm) =	ssettm $0x7FFFFFFF  }
tec
execute0_lowered:
.L_overlay_start_1:
0x0: {  	(tag) =	ssettag $0x1  }
0x1: {  	s2 =	rddreg [dreg:$0x0]  }
0x2: {  	s4 =	rddreg [dreg:$0x1]  }
0x3: {  	s0 =	rddreg [dreg:$0x2];
	s3 =	stileid.u32  }
0x4: {  	[bflag:$0x3] =	sbarrier.arrive $0xFFFF;
	s1 =	simm.s32 $_size_execute1_lowered;
	p0 =	sne.s32 s3, $0x0  }
0x5: {  	s1 =	sshll.u32 s1, $0x1;
	s5 =	simm.s32 @!p0 $0x1C3F;
	s6 =	simm.s32 @!p0 $0x4060  }
0x6: {  	[timem:s6], [sflag:s5] =	dma.local @!p0 [hbm:s2], s1  }
0x7: {  	s2 =	smul.u32 $0x500, s3  }
.Ltmp0:
0x8: {  	s31 =	simm.s32 $0x2;
	s7 =	simm.s32 $0x500;
	(pc) =	sbr.rel .LBB2_1-.Ltmp0, $4  }
0x9: {  	s8 =	simm.s32 $0xF00;
	s10 =	simm.s32 $0x0;
	s9 =	simm.s32 $0x0  }
0xa: {  	s3 =	simm.s32 $0x1;
	_ =	strace $0x8000004D;
	s30 =	sshrl.u32 s2, $0x3  }
0xb: {  	s6 =	simm.s32 $0x0;
	[sflag:s3] =	ssyncpa.u1 $0x0;
	s5 =	sadd.s32 s30, s4  }
0xc: {  	s4 =	sadd.s32 $0x7400, s4;
	[sflag:s31] =	ssyncpa.u1 $0x0;
	s5 =	sadd.s32 $0x6A00, s5  }
.LBB2_7:
0xd: {  	p1 =	seq.s32 s9, $0x2  }
.Ltmp1:
0xe: {  	_ = 	snop;
	(pc) =	sbr.rel @p1 .LBB2_9-.Ltmp1, $1  }
0xf: {  	_ =	sdelay $0x3  }
.LBB2_8:
0x10: {  	s9 =	sadd.s32 $0x1, s9;
	s10 =	smov.u32 s2  }
.LBB2_1:
0x11: {  	p1 =	sne.s32 s9, $0x0  }
.Ltmp2:
0x12: {  	_ = 	snop;
	(pc) =	sbr.rel @!p1 .LBB2_2-.Ltmp2, $1  }
0x13: {  	_ =	sdelay $0x3  }
0x14: {  	s11 =	sand.u32 $0x1, s9  }
0x15: {  	p1 =	seq.s32 s11, $0x0  }
.Ltmp3:
0x16: {  	_ = 	snop;
	(pc) =	sbr.rel @p1 .LBB2_7-.Ltmp3, $1  }
0x17: {  	_ =	sdelay $0x3  }
0x18: {  	_ =	swait.ge [sflag:s3], $0x500  }
0x19: {  	[sflag:s3] =	ssyncset.done $0x0  }
0x1a: {  	s13 =	simm.s32 $0x5F0;
	[sflag:s3] =	ssyncadd.s32 $0xFFFFFB00  }
0x1b: {  	v0 =	vld [tilespmem:s13+$0x0]  }
0x1c: {  	v1 =	vld [tilespmem:s13+$0xFFFFFF20]  }
0x1d: {  	v2 =	vld [tilespmem:s13+$0xFFFFFF30]  }
0x1e: {  	v3 =	vld [tilespmem:s13+$0xFFFFFF40]  }
0x1f: {  	s11 =	simm.s32 $0xFF0;
	v4 =	vld [tilespmem:s13+$0xFFFFFF50]  }
0x20: {  	v5 =	vld [tilespmem:s13+$0xFFFFFF60];
	[tilespmem:s11+$0x0] =	vst v0  }
0x21: {  	[tilespmem:s11+$0xFFFFFF20] =	vst v1;
	v0 =	vld [tilespmem:s13+$0xFFFFFF70]  }
0x22: {  	[tilespmem:s11+$0xFFFFFF30] =	vst v2;
	v1 =	vld [tilespmem:s13+$0xFFFFFF80]  }
0x23: {  	[tilespmem:s11+$0xFFFFFF40] =	vst v3;
	v2 =	vld [tilespmem:s13+$0xFFFFFF90]  }
0x24: {  	[tilespmem:s11+$0xFFFFFF50] =	vst v4;
	v3 =	vld [tilespmem:s13+$0xFFFFFFA0]  }
0x25: {  	[tilespmem:s11+$0xFFFFFF60] =	vst v5;
	v5 =	vld [tilespmem:s13+$0xFFFFFFB0]  }
0x26: {  	[tilespmem:s11+$0xFFFFFF70] =	vst v0;
	v0 =	vld [tilespmem:s13+$0xFFFFFFC0]  }
0x27: {  	[tilespmem:s11+$0xFFFFFF80] =	vst v1;
	v1 =	vld [tilespmem:s13+$0xFFFFFFD0]  }
0x28: {  	[tilespmem:s11+$0xFFFFFF90] =	vst v2;
	v2 =	vld [tilespmem:s13+$0xFFFFFFE0]  }
0x29: {  	v4 =	vld [tilespmem:s13+$0xFFFFFFF0];
	[tilespmem:s11+$0xFFFFFFA0] =	vst v3  }
0x2a: {  	s12 =	simm.s32 $0x0;
	v3 =	vld [tilespmem:s13+$0xFFFFFF10];
	[tilespmem:s11+$0xFFFFFFB0] =	vst v5;
	s13 =	simm.s32 $0x6F0  }
.LBB2_5:
0x2b: {  	v5 =	vld [tilespmem:s13+$0x0];
	s12 =	sadd.s32 $0x100, s12;
	[tilespmem:s11+$0xFFFFFFC0] =	vst v0  }
0x2c: {  	v0 =	vld [tilespmem:s13+$0xFFFFFF20];
	p1 =	slt.u32 s12, $0x400;
	[tilespmem:s11+$0xFFFFFFD0] =	vst v1  }
0x2d: {  	v1 =	vld [tilespmem:s13+$0xFFFFFF30];
	[tilespmem:s11+$0xFFFFFFE0] =	vst v2  }
0x2e: {  	v2 =	vld [tilespmem:s13+$0xFFFFFF40];
	[tilespmem:s11+$0xFFFFFFF0] =	vst v4  }
0x2f: {  	v4 =	vld [tilespmem:s13+$0xFFFFFF50];
	[tilespmem:s11+$0xFFFFFF10] =	vst v3;
	s11 =	sadd.s32 $0x100, s11  }
0x30: {  	v3 =	vld [tilespmem:s13+$0xFFFFFF60];
	[tilespmem:s11+$0x0] =	vst v5  }
0x31: {  	[tilespmem:s11+$0xFFFFFF20] =	vst v0;
	v0 =	vld [tilespmem:s13+$0xFFFFFF70]  }
0x32: {  	[tilespmem:s11+$0xFFFFFF30] =	vst v1;
	v1 =	vld [tilespmem:s13+$0xFFFFFF80]  }
0x33: {  	[tilespmem:s11+$0xFFFFFF40] =	vst v2;
	v2 =	vld [tilespmem:s13+$0xFFFFFF90]  }
0x34: {  	[tilespmem:s11+$0xFFFFFF50] =	vst v4;
	v4 =	vld [tilespmem:s13+$0xFFFFFFA0]  }
0x35: {  	[tilespmem:s11+$0xFFFFFF60] =	vst v3;
	v5 =	vld [tilespmem:s13+$0xFFFFFFB0]  }
.Ltmp4:
0x36: {  	[tilespmem:s11+$0xFFFFFF70] =	vst v0;
	v0 =	vld [tilespmem:s13+$0xFFFFFFC0];
	(pc) =	sbr.rel @p1 .LBB2_5-.Ltmp4, $4  }
0x37: {  	[tilespmem:s11+$0xFFFFFF80] =	vst v1;
	v1 =	vld [tilespmem:s13+$0xFFFFFFD0]  }
0x38: {  	[tilespmem:s11+$0xFFFFFF90] =	vst v2;
	v2 =	vld [tilespmem:s13+$0xFFFFFFE0]  }
0x39: {  	[tilespmem:s11+$0xFFFFFFA0] =	vst v4;
	v4 =	vld [tilespmem:s13+$0xFFFFFFF0]  }
0x3a: {  	v3 =	vld [tilespmem:s13+$0xFFFFFF10];
	[tilespmem:s11+$0xFFFFFFB0] =	vst v5;
	s13 =	sadd.s32 $0x100, s13  }
0x3b: {  	[tilespmem:s11+$0xFFFFFFC0] =	vst v0  }
.Ltmp5:
0x3c: {  	[tilespmem:s11+$0xFFFFFFD0] =	vst v1;
	(pc) =	sbr.rel .LBB2_7-.Ltmp5, $4  }
0x3d: {  	[tilespmem:s11+$0xFFFFFFE0] =	vst v2  }
0x3e: {  	s10 =	sshrl.u32 s10, $0x3;
	[tilespmem:s11+$0xFFFFFFF0] =	vst v4  }
0x3f: {  	s10 =	sadd.s32 s4, s10;
	[tilespmem:s11+$0xFFFFFF10] =	vst v3  }
0x40: {  	[hbm4b:s10+s6] =	stream.linear.scatter [tilespmem:s8], [sflag:$0x2], $0x500, $0x38;
	[tilespmem:$0x1400] =	vst v63  }
.LBB2_2:
.Ltmp6:
0x41: {  	(pc) =	sbr.rel .LBB2_8-.Ltmp6, $2  }
0x42: {  	_ =	sdelay $0x2  }
0x43: {  	[tilespmem:s7], [sflag:$0x1] =	stream.linear.gather [hbm4b:s5+s6], $0x500, $0x38;
	[tilespmem:$0x1400] =	vst v63  }
.LBB2_9:
0x44: {  	s2 =	simm.s32 $0x2  }
0x45: {  	_ =	swait.ge [sflag:s2], $0x500  }
0x46: {  	[sflag:s2] =	ssyncset.done $0x0  }
0x47: {  	[sflag:s2] =	ssyncadd.s32 $0xFFFFFB00  }
0x48: {  	_ =	sfence.sel $0x180000  }
0x49: {  	s3 =	simm.s32 $0x1;
	[bflag:$0x0] =	sbarrier.arrive $0xFFFF  }
0x4a: {  	[sflag:s3] =	ssyncpa.u1 $0x1  }
0x4b: {  	[sflag:s2] =	ssyncpa.u1 $0x1  }
0x4c: {  	_ =	strace $0x9000004D  }
0x4d: {  	s0 =	sadd.s32 @!p0 $0x100000, s0;
	[bflag:$0x2] =	sbarrier.arrive $0xFFFF  }
0x4e: {  	[sflag:s0] =	ssyncadd.tile.s32 @!p0 $0x1;
	s0 =	simm.s32 @!p0 $0x3F  }
0x4f: {  	_ =	swait.ge @!p0 [sflag:s0], s1  }
0x50: {  	s1 =	ssub.s32 @!p0 $0x0, s1;
	[sflag:s0] =	ssyncset.done @!p0 $0x0  }
0x51: {  	[sflag:s0] =	ssyncadd.s32 @!p0 s1  }
0x52: {  	[bflag:$0x3] =	sbarrier.arrive $0xFFFF  }
0x53: {  	_ =	shalt  }
.Lfunc_end2:
execute1_lowered:
.L_overlay_start_2:
0x54: {  	(tag) =	ssettag $0x2  }
0x55: {  	s0 =	rddreg [dreg:$0x0];
	_ =	strace $0x80000050;
	s15 =	stileid.u32  }
0x56: {  	s2 =	simm.s32 $0x1;
	s1 =	smin.u32 s15, $0x8;
	s3 =	sshll.u32 s15, $0x1  }
0x57: {  	v1 =	vimm.s32 $0xFFFFFFFF;
	[sflag:s2] =	ssyncpa.u1 $0x0;
	s1 =	sadd.s32 s1, s3  }
0x58: {  	p0 =	slt.u32 s15, $0x8;
	[tilespmem:$0x10] =	vst v1;
	s4 =	smul.u32 $0x1F40, s1;
	s1 =	simm.s32 $0x5DC0  }
0x59: {  	v0 =	vimm.s32 $0x7FFFFFFF;
	[tilespmem:$0x20] =	vst v1;
	s1 =	simm.s32 @!p0 $0x3E80  }
0x5a: {  	[tilespmem:$0x30] =	vst v0;
	s1 =	sadd.s32 s1, s4  }
0x5b: {  	s7 =	simm.s32 $0x2;
	[tilespmem:$0x40] =	vst v0;
	s5 =	smin.u32 s1, $0x4E200  }
0x5c: {  	s8 =	simm.s32 $0x8;
	s31 =	simm.s32 $0x9;
	[tilespmem:$0x50] =	vst v0;
	s9 =	ssub.s32 s5, s4  }
0x5d: {  	s16 =	simm.s32 $0x0;
	s17 =	simm.s32 $0xF0;
	[tilespmem:$0x60] =	vst v1;
	p0 =	sgt.s32 s9, $0x0  }
0x5e: {  	s18 =	simm.s32 $0xFFFFFFFF;
	s19 =	simm.s32 $0xFFFFC280;
	[tilespmem:$0x70] =	vst v1;
	s9 =	simm.s32 @!p0 $0x0  }
0x5f: {  	s20 =	simm.s32 $0xFFFFFFFE;
	s21 =	simm.s32 $0xF;
	[tilespmem:$0x80] =	vst v1;
	s30 =	smulhi.u32 $0x10624DD3, s9  }
0x60: {  	s25 =	simm.s32 $0x0;
	s24 =	simm.s32 $0x0;
	s6 =	sadd.s32 $0x5F000, s0;
	v1 =	vimm.s32 $0x0;
	[tilespmem:$0xB0] =	vst v0  }
0x61: {  	s15 =	sshllo.u32 s15, $0x1;
	s13 =	sor.u32 $0x80, s3;
	[tilespmem:$0x90] =	vst v1;
	s10 =	sshrl.u32 s30, $0x9  }
0x62: {  	[tilespmem:$0xA0] =	vst v1;
	[sflag:s7] =	ssyncpa.u1 $0x0;
	s7 =	simm.s32 $0x7;
	s11 =	smul.u32 $0x1F40, s10  }
.Ltmp7:
0x63: {  	s14 =	sor.u32 $0x81, s3;
	[sflag:s7] =	ssyncpa.u1 $0x0;
	(pc) =	sbr.rel .LBB3_1-.Ltmp7, $4  }
0x64: {  	[sflag:s8] =	ssyncpa.u1 $0x0;
	s23 =	smov.u32 s4;
	p0 =	sne.s32 s9, s11  }
0x65: {  	s1 =	sadd.s32 $0x7400, s0;
	s0 =	sadd.s32 $0x68E00, s0;
	s2 =	simm.s32 @!p0 $0x0  }
0x66: {  	vm0 =	vmmov $0xffff;
	v2 =	vlaneseq.u32;
	[sflag:s31] =	ssyncpa.u1 $0x0;
	[dreg:$0x2] =	wrdreg s0;
	s10 =	sadd.s32 s2, s10  }
0x67: {  	vm1 =	vmxor vm1, vm1;
	vm2 =	vmmov $0x1;
	vm3 =	vcmask $0x3F3C;
	p0 =	por $0x0, $0x0;
	s11 =	sadd.s32 $0x1, s10;
	s12 =	sadd.s32 $0x2, s10  }
.LBB3_9:
0x68: {  	p1 =	slt.u32 s24, $0x3  }
0x69: {  	s0 =	simm.s32 @!p1 $0x2  }
0x6a: {  	_ =	swait.ge @!p1 [sflag:s0], $0x1F40  }
0x6b: {  	[sflag:s0] =	ssyncset.done @!p1 $0x0  }
0x6c: {  	[sflag:s0] =	ssyncadd.s32 @!p1 $0xFFFFE0C0;
	s0 =	simm.s32 @!p1 $0x9  }
0x6d: {  	_ =	swait.ge @!p1 [sflag:s0], $0x10  }
0x6e: {  	[sflag:s0] =	ssyncset.done @!p1 $0x0  }
0x6f: {  	[sflag:s0] =	ssyncadd.s32 @!p1 $0xFFFFFFF0;
	p1 =	sne.s32 s24, s12  }
.Ltmp8:
0x70: {  	s2 =	sadd.s32 $0x1F40, s23;
	(pc) =	sbr.rel @!p1 .LBB3_10-.Ltmp8, $4  }
0x71: {  	s9 =	smov.u32 s4;
	s31 =	sadd.s32 $0x1, s24;
	s17 =	sadd.s32 $0x1F40, s17  }
0x72: {  	s18 =	sadd.s32 $0x1, s18;
	s25 =	smov.u32 s23;
	p2 =	slt.s32 s2, s5  }
0x73: {  	p0 =	por !p0, !p0;
	s19 =	sadd.s32 $0x1F40, s19;
	s9 =	smov.u32 @p2 s2  }
0x74: {  	s20 =	sadd.s32 $0x1, s20;
	s23 =	smov.u32 s9;
	s24 =	smov.u32 s31  }
.LBB3_1:
0x75: {  	p1 =	sge.u32 s24, s10  }
0x76: {  	s0 =	smulhi.u32 @!p1 $0xAAAAAAAB, s24;
	_ =	sdelay $0x1  }
0x77: {  	s0 =	sshrl.u32 @!p1 s0, $0x1  }
0x78: {  	s0 =	smul.u32 @!p1 $0x3, s0;
	_ =	sdelay $0x1  }
0x79: {  	s0 =	ssub.s32 @!p1 s24, s0  }
0x7a: {  	s0 =	smul.u32 @!p1 $0x7D00, s0;
	_ =	sdelay $0x1  }
0x7b: {  	s2 =	sshrl.u32 @!p1 s23, $0x3;
	s0 =	sshrl.u32 @!p1 s0, $0x2  }
0x7c: {  	s9 =	sand.u32 @!p1 $0x7, s23;
	s2 =	sadd.s32 @!p1 s6, s2;
	s0 =	sadd.s32 @!p1 $0x100, s0  }
0x7d: {  	[tilespmem:s0], [sflag:$0x7] =	stream.linear.gather @!p1 [hbm4b:s2+s9], $0x1F40, $0x38;
	[tilespmem:$0x11A60] =	vst v63  }
0x7e: {  	s0 =	sadd.s32 $0xFFFFFFFF, s24  }
0x7f: {  	p1 =	sge.u32 s0, s10  }
.Ltmp9:
0x80: {  	_ = 	snop;
	(pc) =	sbr.rel @p1 .LBB3_5-.Ltmp9, $1  }
0x81: {  	_ =	sdelay $0x3  }
0x82: {  	s2 =	smulhi.u32 $0xAAAAAAAB, s0;
	_ =	sdelay $0x1  }
0x83: {  	s2 =	sshrl.u32 s2, $0x1  }
0x84: {  	s2 =	smul.u32 $0x3, s2;
	_ =	sdelay $0x1  }
0x85: {  	s2 =	ssub.s32 s0, s2  }
0x86: {  	s2 =	smul.u32 $0x7D00, s2  }
0x87: {  	_ =	swait.ge [sflag:s7], $0x1F40  }
0x88: {  	[sflag:s7] =	ssyncset.done $0x0;
	s2 =	sshrl.u32 s2, $0x2  }
0x89: {  	[sflag:s7] =	ssyncadd.s32 $0xFFFFE0C0;
	(ifvalue) =	ssetifvalue $0xFFFFFFFF;
	v3 =	vld.msk [tilespmem:s2+$0x100 ss:$0x1], $0xffff;
	_ =	sdelay $0x2  }
0x8a: {  	s30 =	smulhi.u32 $0xAAAAAAAB, s18;
	p1 =	sne.s32 s24, $0x1  }
0x8b: {  	v4 =	vimm.s32 @!p1 $0x0  }
0x8c: {  	s2 =	sshrl.u32 s30, $0x1;
	v4 =	vperm.xlane @!p1 v3, v4  }
0x8d: {  	s9 =	sshll.u32 s24, $0x4;
	s2 =	smul.u32 $0xFFFE8900, s2;
	vm4 =	vlt.u32 v3, $0x5000  }
0x8e: {  	s9 =	sand.u32 $0x10, s9;
	v3 =	vnsel vm4, $0xFFFFFFFE, v3;
	vm4 =	vlt.u32 @!p1 v4, $0x5000  }
0x8f: {  	s2 =	sshra.s32 s2, $0x2;
	[tilespmem:s9+$0x60] =	vst v3;
	v3 =	vnsel @!p1 vm4, $0xFFFFFFFE, v4  }
0x90: {  	s26 =	sadd.s32 s2, s17;
	[tilespmem:$0x80] =	vst @!p1 v3  }
0x91: {  	v3 =	vld.msk [tilespmem:s26+$0x0 ss:$0x1], $0xffff;
	_ =	sdelay $0x4  }
0x92: {  	(xrf1) =	vunique.msk.u32 $0xffff, v3;
	_ =	sdelay $0xd  }
0x93: {  	v4 =	vimm.s32 $0xFFFFFFFF;
	v5, _, _ =	vpop (xrf1)  }
0x94: {  	vm5 =	vne.s32 v3, v4;
	vm4 =	veq.s32 v5, v2  }
0x95: {  	vm6 =	vlt.u32 v3, $0x5000;
	vm4 =	vmand vm5, vm4  }
0x96: {  	vm4 =	vmand vm6, vm4  }
0x97: {  	v4 =	vnsel vm4, $0xFFFFFFFF, v3  }
0x98: {  	s31 =	sand.u32 $0x1, s0  }
0x99: {  	s0 =	simm.s32 $0x1F40;
	p1 =	seq.s32 s31, $0x1  }
0x9a: {  	s0 =	simm.s32 @!p1 $0x0  }
0x9b: {  	s2 =	sadd.s32 $0x7DF0, s0;
	(ifvalue) =	ssetifvalue $0xFFFFFFFF  }
0x9c: {  	v3 =	vperm.xlane v3, v1;
	[tilespmem:s2], [sflag:$0x8] =	stream.indirect_vreg.gather [hbm4b:s1+s16], $0x1, v4, vm0, $0x4038;
	v4 =	vnsel vm6, $0xFFFFFFFE, v4;
	[tilespmem:$0x11A60] =	vst v63  }
0x9d: {  	s22 =	sadd.s32 $0xFFFFFFF0, s26;
	s9 =	simm.s32 $0x0;
	[tilespmem:s26+$0x0] =	vst v4  }
.LBB3_3:
0x9e: {  	v4 =	vld.msk [tilespmem:s22+$0x0 ss:$0x1], $0xffff;
	s9 =	sadd.s32 $0x10, s9;
	v5 =	vmov v3;
	s26 =	smov.u32 s22  }
0x9f: {  	p1 =	slt.u32 s9, $0x1F30;
	_ =	sdelay $0x4  }
0xa0: {  	v3 =	vperm.xlane v4, v1;
	(xrf1) =	vunique.msk.u32 $0xffff, v4;
	_ =	sdelay $0xd  }
0xa1: {  	v6, _, _ =	vpop (xrf1)  }
0xa2: {  	vm5 =	vne.s32 v4, v5;
	vm4 =	veq.s32 v6, v2  }
0xa3: {  	vm6 =	vlt.u32 v4, $0x5000;
	vm4 =	vmand vm5, vm4  }
0xa4: {  	vm4 =	vmand vm6, vm4  }
0xa5: {  	v4 =	vnsel vm4, $0xFFFFFFFF, v4  }
.Ltmp10:
0xa6: {  	v5 =	vnsel vm6, $0xFFFFFFFE, v4;
	(pc) =	sbr.rel @p1 .LBB3_3-.Ltmp10, $3  }
0xa7: {  	_ =	sdelay $0x1  }
0xa8: {  	s22 =	sadd.s32 $0xFFFFFFF0, s22;
	s2 =	sadd.s32 $0xFFFFFFF0, s2;
	(ifvalue) =	ssetifvalue $0xFFFFFFFF  }
0xa9: {  	[tilespmem:s2], [sflag:$0x8] =	stream.indirect_vreg.gather [hbm4b:s1+s16], $0x1, v4, vm0, $0x4038;
	[tilespmem:s26+$0x0] =	vst v5  }
0xaa: {  	s2 =	sshrl.u32 s25, $0x3;
	s9 =	rddreg [dreg:$0x2]  }
0xab: {  	s0 =	sadd.s32 $0x9D40, s0;
	s2 =	sadd.s32 s9, s2  }
0xac: {  	[tilespmem:s0], [sflag:$0x8] =	stream.linear.gather [hbm:s2], $0x1F40, $0x38;
	[tilespmem:$0x11A60] =	vst v63  }
.LBB3_5:
0xad: {  	p1 =	slt.u32 s24, $0x2  }
0xae: {  	p2 =	sge.u32 @!p1 s24, s12  }
0xaf: {  	p1 =	por p1, p2  }
.Ltmp11:
0xb0: {  	_ = 	snop;
	(pc) =	sbr.rel @p1 .LBB3_9-.Ltmp11, $1  }
0xb1: {  	_ =	sdelay $0x3  }
0xb2: {  	s0 =	sadd.s32 $0xFFFFFFFE, s24  }
0xb3: {  	s2 =	smulhi.u32 $0xAAAAAAAB, s0;
	_ =	sdelay $0x1  }
0xb4: {  	s2 =	sshrl.u32 s2, $0x1  }
0xb5: {  	s2 =	smul.u32 $0x3, s2;
	_ =	sdelay $0x1  }
0xb6: {  	s0 =	ssub.s32 s0, s2  }
0xb7: {  	_ =	swait.ge [sflag:s8], $0x3E80;
	s0 =	smul.u32 $0x1F40, s0  }
0xb8: {  	p1 =	sne.s32 s24, s11;
	[sflag:s8] =	ssyncset.done $0x0  }
0xb9: {  	[sflag:s8] =	ssyncadd.s32 $0xFFFFC180;
	s2 =	sadd.s32 @!p1 $0x203F, s0  }
0xba: {  	[spmem:s14] =	stream.linear.scatter @!p1 [tilespmem:s2], [sflag:$0x1], $0x1, $0x38;
	[tilespmem:$0x11A60] =	vst v63  }
0xbb: {  	s2 =	simm.s32 @!p1 $0x1  }
0xbc: {  	_ =	swait.ge @!p1 [sflag:s2], $0x1  }
0xbd: {  	s9 =	sshll.u32 s24, $0x4;
	[sflag:s2] =	ssyncset.done @!p1 $0x0  }
0xbe: {  	s25 =	sand.u32 $0x10, s9;
	[sflag:s2] =	ssyncadd.s32 @!p1 $0xFFFFFFFF  }
0xbf: {  	s2 =	sxor.u32 $0x10, s25;
	v4 =	vld [tilespmem:s25+$0x10]  }
0xc0: {  	v5 =	vld [tilespmem:s2+$0x60]  }
0xc1: {  	v3 =	vld [tilespmem:$0x80];
	_ =	sdelay $0x2  }
0xc2: {  	(v2sf) =	vpush v4, $0x0  }
0xc3: {  	(v2sf) =	vpush v5, $0x0  }
0xc4: {  	(v2sf) =	vpush v3, $0x0;
	_ =	sdelay $0xc  }
0xc5: {  	s26 =	spop (v2sf)  }
0xc6: {  	s22 =	spop (v2sf)  }
0xc7: {  	s28 =	spop (v2sf)  }
0xc8: {  	p3 =	seq.s32 s26, s22;
	p2 =	seq.s32 s28, s26  }
0xc9: {  	p2 =	por p3, p2  }
0xca: {  	s26 =	sand.u32 $0x1, s24;
	v4 =	vpsel p2, $0xFFFFFFFF, v4  }
0xcb: {  	s29 =	smul.u32 $0x1F40, s26;
	[tilespmem:s25+$0x10] =	vst.msk $0x1, v4  }
0xcc: {  	v4 =	vld [tilespmem:$0x30]  }
0xcd: {  	v5 =	vld [tilespmem:s29+$0x9D40]  }
0xce: {  	v6 =	vld [tilespmem:s25+$0x40];
	_ =	sdelay $0x3  }
0xcf: {  	vm4 =	vmmov vm1;
	vm6 =	vmmov vm2;
	vm5 =	vlt.s32 v4, v5  }
0xd0: {  	vm4 =	vmmov @p3 vm2;
	s9 =	sshll.u32 s26, $0x4;
	v5 =	vsel vm5, v4, v5;
	vm5 =	vlt.s32 v4, v6  }
0xd1: {  	vm6 =	vmmov @p2 vm1;
	s26 =	sor.u32 $0x11A40, s9;
	v4 =	vsel vm5, v4, v6;
	[tilespmem:s29+$0x9D40] =	vst.msk vm4, v5  }
0xd2: {  	[tilespmem:s26+$0x0] =	vst.msk vm6, v4  }
0xd3: {  	v4 =	vld [tilespmem:s29+$0x7DF0];
	_ =	sdelay $0x4  }
0xd4: {  	v4 =	vshift.insert v4, v1, s21  }
0xd5: {  	s22 =	sor.u32 $0x40, s2  }
0xd6: {  	v5 =	vimm.s32 $0x7FFFFFFF;
	[tilespmem:s22+$0x0] =	vst.msk $0x1, v4  }
0xd7: {  	[tilespmem:s29+$0x7DFF] =	vst.msk $0x1, v5  }
0xd8: {  	v4 =	vld [tilespmem:s0+$0x2030];
	_ =	sdelay $0x1  }
0xd9: {  	s0 =	simm.s32 $0x1  }
0xda: {  	s22 =	smulhi.u32 $0xAAAAAAAB, s20;
	s0 =	simm.s32 @!p0 $0x0  }
0xdb: {  	s0 =	smul.u32 $0x7D00, s0  }
0xdc: {  	s9 =	sshrl.u32 s22, $0x1;
	v4 =	vshift.insert v4, v1, s21  }
0xdd: {  	s9 =	smul.u32 $0xFFFE8900, s9;
	s0 =	sshrl.u32 s0, $0x2  }
0xde: {  	s22 =	sadd.s32 $0x9D40, s0;
	[tilespmem:s2+$0x10] =	vst.msk $0x1, v4  }
0xdf: {  	s9 =	sshra.s32 s9, $0x2;
	v6 =	vld [tilespmem:s22+$0x0]  }
0xe0: {  	s2 =	sadd.s32 s9, s19  }
0xe1: {  	v7 =	vld [tilespmem:s2+$0x0];
	_ =	sdelay $0x2  }
0xe2: {  	vm4 =	vlt.s32 v6, v5  }
0xe3: {  	v5 =	vsel vm4, v6, v5  }
0xe4: {  	vm4 =	vne.s32 v7, $0xFFFFFFFF;
	v5 =	vxor.u32 $0x80000000, v5  }
0xe5: {  	(xrf0) =	vmin.seg.scan.u32 vm4, v5  }
0xe6: {  	s9 =	sadd.s32 $0x5EC0, s0  }
0xe7: {  	v8 =	vld [tilespmem:s9+$0x0]  }
0xe8: {  	v6 =	vld [tilespmem:$0xA0];
	_ =	sdelay $0x2  }
0xe9: {  	v5 =	vperm.xlane v4, v1;
	v9, _, _ =	vpop (xrf0)  }
0xea: {  	vm6 =	veq.s32 v7, v3;
	v9 =	vxor.u32 $0x80000000, v9  }
0xeb: {  	vm8 =	veq.s32 v7, v5;
	vm5 =	veq.s32 v6, $0x1;
	vm7 =	vlt.s32 v9, v8  }
0xec: {  	vm8 =	vmor vm8, vm6;
	v6 =	vsel vm7, v9, v8;
	vm7 =	vgt.u32 v7, $0xFFFFFFFD  }
0xed: {  	v10 =	vld [tilespmem:$0x90];
	vm9 =	vmand vm4, vm3;
	vm4 =	vmor vm5, vm6;
	vm5 =	vmor vm8, vm7  }
0xee: {  	v8 =	vsel vm5, $0xFFFFFFFF, v7;
	_ =	sdelay $0x1  }
0xef: {  	s31 =	simm.s32 $0x0  }
0xf0: {  	s30 =	sadd.s32 $0xDBC0, s0;
	s0 =	sadd.s32 $0x10, s22;
	s2 =	sadd.s32 $0x10, s2;
	v11 =	vsel vm9, $0x7FFFFFFF, v9;
	v6 =	vsel vm6, v9, v6  }
0xf1: {  	s22 =	sadd.s32 $0x10, s30;
	s9 =	sadd.s32 $0x10, s9;
	[tilespmem:s30+$0x0] =	vst v6;
	v6 =	vsel vm6, v9, v10;
	v7 =	vshift.insert v11, v0, s21;
	(ifvalue) =	ssetifvalue $0xFFFFFFFF  }
.LBB3_7:
0xf2: {  	[hbm4b:s1+s16] =	stream.indirect_vreg.scatter [tilespmem:s30], [sflag:$0x2], $0x1, v8, vm0, $0x4038;
	[tilespmem:$0x11A60] =	vst v63  }
0xf3: {  	s31 =	sadd.s32 $0x10, s31;
	s30 =	smov.u32 s22;
	v8 =	vld [tilespmem:s0+$0x0]  }
0xf4: {  	p2 =	slt.u32 s31, $0x1F30  }
0xf5: {  	v9 =	vld [tilespmem:s2+$0x0];
	_ =	sdelay $0x2  }
0xf6: {  	vm5 =	vlt.s32 v8, v7  }
0xf7: {  	v7 =	vsel vm5, v8, v7  }
0xf8: {  	vm5 =	vne.s32 v9, $0xFFFFFFFF;
	v7 =	vxor.u32 $0x80000000, v7  }
0xf9: {  	(xrf0) =	vmin.seg.scan.u32 vm5, v7;
	_ =	sdelay $0x2  }
0xfa: {  	v7 =	vld [tilespmem:s9+$0x0];
	_ =	sdelay $0x1  }
0xfb: {  	vm6 =	veq.s32 v9, v3;
	vm7 =	veq.s32 v9, v5  }
0xfc: {  	vm8 =	vgt.u32 v9, $0xFFFFFFFD;
	vm4 =	vmor vm4, vm6;
	vm7 =	vmor vm7, vm6;
	v8, _, _ =	vpop (xrf0)  }
0xfd: {  	vm5 =	vmand vm5, vm3;
	vm7 =	vmor vm7, vm8;
	v10 =	vxor.u32 $0x80000000, v8  }
.Ltmp12:
0xfe: {  	v8 =	vsel vm7, $0xFFFFFFFF, v9;
	vm7 =	vlt.s32 v10, v7;
	v9 =	vsel vm5, $0x7FFFFFFF, v10;
	(pc) =	sbr.rel @p2 .LBB3_7-.Ltmp12, $4  }
0xff: {  	v6 =	vsel vm6, v10, v6;
	v11 =	vsel vm7, v10, v7;
	v7 =	vshift.insert v9, v0, s21  }
0x100: {  	v9 =	vsel vm6, v10, v11  }
0x101: {  	s0 =	sadd.s32 $0x10, s0;
	s2 =	sadd.s32 $0x10, s2;
	[tilespmem:s22+$0x0] =	vst v9  }
0x102: {  	s9 =	sadd.s32 $0x10, s9;
	s22 =	sadd.s32 $0x10, s22;
	(ifvalue) =	ssetifvalue $0xFFFFFFFF  }
0x103: {  	_ =	sdelay $0x3  }
0x104: {  	[hbm4b:s1+s16] =	stream.indirect_vreg.scatter [tilespmem:s30], [sflag:$0x2], $0x1, v8, vm0, $0x4038;
	[tilespmem:$0x11A60] =	vst v63  }
0x105: {  	v3 =	vld [tilespmem:s29+$0xFAF0];
	_ =	sdelay $0x4  }
0x106: {  	v3 =	vshift.insert v3, v1, s21  }
0x107: {  	s0 =	simm.s32 $0x30  }
0x108: {  	[tilespmem:s0+$0x0] =	vst.msk $0x1, v3  }
0x109: {  	v3 =	vsel vm4, $0x1, v1;
	[tilespmem:$0x90] =	vst v6  }
0x10a: {  	s0 =	sadd.s32 @!p1 $0xFAFF, s29;
	[tilespmem:$0xA0] =	vst v3  }
0x10b: {  	[spmem:s15] =	stream.linear.scatter @!p1 [tilespmem:s0], [sflag:$0x1], $0x1, $0x38;
	[tilespmem:$0x11A60] =	vst v63  }
0x10c: {  	s0 =	simm.s32 @!p1 $0x1  }
0x10d: {  	v3 =	vmctz.xlane @!p1 vm4;
	_ =	swait.ge @!p1 [sflag:s0], $0x1  }
0x10e: {  	(v2sf) =	vpush @!p1 v4, $0x0  }
0x10f: {  	(v2sf) =	vpush @!p1 v3, $0x0;
	_ =	sdelay $0xd  }
0x110: {  	s2 =	spop @!p1 (v2sf)  }
0x111: {  	s9 =	spop @!p1 (v2sf)  }
0x112: {  	p2 =	sne.s32 @!p1 s28, s2;
	p3 =	slt.s32 @!p1 s9, $0xF  }
0x113: {  	[sflag:s0] =	ssyncset.done @!p1 $0x0;
	p2 =	por p2, p1;
	p3 =	por !p3, p1  }
0x114: {  	[sflag:s0] =	ssyncadd.s32 @!p1 $0xFFFFFFFF;
	v3 =	vimm.s32 @!p2 $0xFFFFFFFF;
	s9 =	simm.s32 @p3 $0xF  }
0x115: {  	[tilespmem:$0x80] =	vst @!p2 v3;
	s2 =	sadd.s32 @!p1 $0x90, s9  }
0x116: {  	[spmem:s3] =	stream.linear.scatter @!p1 [tilespmem:s2], [sflag:$0x1], $0x1, $0x38;
	[tilespmem:$0x11A60] =	vst v63  }
0x117: {  	_ =	swait.ge @!p1 [sflag:s0], $0x1  }
0x118: {  	[sflag:s0] =	ssyncset.done @!p1 $0x0  }
0x119: {  	s2 =	simm.s32 @!p1 $0x80;
	[sflag:s0] =	ssyncadd.s32 @!p1 $0xFFFFFFFF  }
0x11a: {  	[spmem:s13] =	stream.linear.scatter @!p1 [tilespmem:s2], [sflag:$0x1], $0x1, $0x38;
	[tilespmem:$0x11A60] =	vst v63  }
0x11b: {  	_ =	swait.ge @!p1 [sflag:s0], $0x1  }
0x11c: {  	[sflag:s0] =	ssyncset.done @!p1 $0x0  }
0x11d: {  	[sflag:s0] =	ssyncadd.s32 @!p1 $0xFFFFFFFF;
	(ifvalue) =	ssetifvalue $0xFFFFFFFF;
	v3 =	vld [tilespmem:s25+$0x10];
	_ =	sdelay $0x3  }
.Ltmp13:
0x11e: {  	_ = 	snop;
	(pc) =	sbr.rel .LBB3_9-.Ltmp13, $3  }
0x11f: {  	_ =	sdelay $0x1  }
0x120: {  	(ifvalue) =	ssetifvalue $0xFFFFFFFF  }
0x121: {  	[hbm4b:s1+s16] =	stream.indirect_vreg.scatter [tilespmem:s26], [sflag:$0x9], $0x1, v3, vm0, $0x4038;
	[tilespmem:$0x11A60] =	vst v63  }
.LBB3_10:
0x122: {  	_ =	sfence.sel $0x180000  }
0x123: {  	s0 =	simm.s32 $0x7;
	[bflag:$0x0] =	sbarrier.arrive $0xFFFF  }
0x124: {  	s26 =	simm.s32 $0x8;
	[sflag:s0] =	ssyncpa.u1 $0x1  }
0x125: {  	s28 =	simm.s32 $0x9;
	[sflag:s26] =	ssyncpa.u1 $0x1  }
0x126: {  	[sflag:s28] =	ssyncpa.u1 $0x1  }
0x127: {  	_ =	sfence.stream.spmem  }
0x128: {  	s29 =	simm.s32 $0x3;
	[bflag:$0x0] =	sbarrier.arrive $0xFFFF  }
0x129: {  	s30 =	simm.s32 $0x4;
	[sflag:s29] =	ssyncpa.u1 $0x1  }
0x12a: {  	s31 =	simm.s32 $0x3C;
	s2 =	stileid.u32;
	[sflag:s30] =	ssyncpa.u1 $0x1  }
0x12b: {  	p0 =	sne.s32 s2, $0x0;
	[sflag:s31] =	ssyncpa.u1 $0x1  }
0x12c: {  	s0 =	simm.s32 @p0 $0x1;
	_ =	sfence @p0  }
0x12d: {  	[sflag:s0] =	ssyncpa.u1 @p0 $0x1;
	s0 =	simm.s32 @p0 $0x2  }
0x12e: {  	[sflag:s0] =	ssyncpa.u1 @p0 $0x1  }
0x12f: {  	_ =	strace @p0 $0x90000050  }
0x130: {  	[bflag:$0x2] =	sbarrier.arrive @p0 $0xFFFF  }
0x131: {  	_ =	shalt @p0  }
.LBB3_11:
0x132: {  	_ =	sfence.stream.spmem;
	s0 =	simm.s32 $0x5  }
0x133: {  	s2 =	simm.s32 $0x80;
	s3 =	simm.s32 $0xC0;
	[sflag:s0] =	ssyncpa.u1 $0x0  }
0x134: {  	[tilespmem:s3], [sflag:$0x5] =	stream.linear.gather [spmem:s2], $0x20, $0x38;
	[tilespmem:$0x11A60] =	vst v63  }
0x135: {  	s30 =	simm.s32 $0xE0;
	s2 =	simm.s32 $0x0  }
0x136: {  	[tilespmem:s30], [sflag:$0x5] =	stream.linear.gather [spmem:s2], $0x20, $0x38;
	[tilespmem:$0x11A60] =	vst v63  }
.Ltmp14:
0x137: {  	_ = 	snop;
	(pc) =	sbr.rel .LBB3_12-.Ltmp14, $4  }
0x138: {  	_ =	swait.ge [sflag:s0], $0x40  }
0x139: {  	[sflag:s0] =	ssyncset.done $0x0  }
0x13a: {  	s31 =	simm.s32 $0x6;
	[sflag:s0] =	ssyncadd.s32 $0xFFFFFFC0  }
0x13b: {  	s3 =	simm.s32 $0x0;
	[sflag:s31] =	ssyncpa.u1 $0x0  }
.LBB3_17:
0x13c: {  	p0 =	sgt.u32 s4, $0x4FFF  }
0x13d: {  	s0 =	sshrl.u32 @!p0 s4, $0x3  }
0x13e: {  	s4 =	sand.u32 @!p0 $0x7, s4;
	s5 =	simm.s32 @!p0 $0xB0;
	s0 =	sadd.s32 @!p0 s1, s0  }
0x13f: {  	[tilespmem:s5], [sflag:$0x6] =	stream.linear.gather @!p0 [hbm4b:s0+s4], $0x1, $0x38;
	[tilespmem:$0x11A60] =	vst v63  }
0x140: {  	s0 =	simm.s32 @!p0 $0x6  }
0x141: {  	_ =	swait.ge @!p0 [sflag:s0], $0x1  }
0x142: {  	[sflag:s0] =	ssyncset.done @!p0 $0x0  }
0x143: {  	[sflag:s0] =	ssyncadd.s32 @!p0 $0xFFFFFFFF  }
0x144: {  	v1 =	vld.msk @!p0 [tilespmem:$0xB0], $0x1  }
0x145: {  	v2 =	vld.msk @!p0 [tilespmem:s3+$0xE0], $0x1;
	_ =	sdelay $0x4  }
0x146: {  	vm0 =	vlt.s32 @!p0 v2, v1  }
0x147: {  	v1 =	vsel @!p0 vm0, v2, v1  }
0x148: {  	[tilespmem:s3+$0xE0] =	vst.msk @!p0 $0x1, v1  }
0x149: {  	[tilespmem:s2+$0xC0] =	vst.msk $0x1, v0  }
0x14a: {  	v0 =	vld.msk [tilespmem:s3+$0xE0], $0x1;
	_ =	sdelay $0x4  }
0x14b: {  	[tilespmem:s2+$0xE0] =	vst.msk $0x1, v0;
	s2 =	sadd.s32 $0x1, s2  }
.LBB3_19:
0x14c: {  	s3 =	sadd.s32 $0x1, s3  }
0x14d: {  	p0 =	sne.s32 s3, $0x20  }
.Ltmp15:
0x14e: {  	_ = 	snop;
	(pc) =	sbr.rel @!p0 .LBB3_20-.Ltmp15, $1  }
0x14f: {  	_ =	sdelay $0x3  }
.LBB3_12:
0x150: {  	v0 =	vld.msk [tilespmem:s3+$0xC0], $0x1;
	_ =	sdelay $0x4  }
0x151: {  	(v2sf) =	vpush v0, $0x0;
	_ =	sdelay $0xe  }
0x152: {  	s4 =	spop (v2sf)  }
0x153: {  	p0 =	seq.s32 s4, $0xFFFFFFFF  }
.Ltmp16:
0x154: {  	_ = 	snop;
	(pc) =	sbr.rel @p0 .LBB3_19-.Ltmp16, $1  }
0x155: {  	_ =	sdelay $0x3  }
0x156: {  	p0 =	slt.s32 s2, $0x1  }
.Ltmp17:
0x157: {  	_ = 	snop;
	(pc) =	sbr.rel @p0 .LBB3_17-.Ltmp17, $1  }
0x158: {  	_ =	sdelay $0x3  }
0x159: {  	s0 =	simm.s32 $0xC0;
	p0 =	por $0x0, $0x0  }
0x15a: {  	v1 =	vld.msk @!p0 [tilespmem:s0+$0x0], $0x1;
	_ =	sdelay $0x4  }
0x15b: {  	(v2sf) =	vpush @!p0 v1, $0x0;
	_ =	sdelay $0xd  }
0x15c: {  	p2 =	sne.s32 s2, $0x1  }
.Ltmp18:
0x15d: {  	s5 =	spop @!p0 (v2sf);
	(pc) =	sbr.rel @!p2 .LBB3_16-.Ltmp18, $4  }
0x15e: {  	p1 =	seq.s32 @!p0 s4, s5  }
0x15f: {  	s5 =	simm.s32 $0x0;
	p1 =	por !p1, p0  }
0x160: {  	s7 =	simm.s32 $0xFFFFFFFF;
	s5 =	simm.s32 @p1 $0xFFFFFFFF  }
0x161: {  	s6 =	simm.s32 $0x1;
	s5 =	smov.u32 @p0 s7  }
.LBB3_15:
0x162: {  	s7 =	smov.u32 s5;
	p0 =	sne.s32 s5, $0xFFFFFFFF  }
0x163: {  	s0 =	sadd.s32 $0x1, s0;
	s5 =	smov.u32 s6;
	s6 =	sadd.s32 $0x1, s6  }
0x164: {  	p1 =	sne.s32 s2, s6;
	v1 =	vld.msk @!p0 [tilespmem:s0+$0x0], $0x1;
	_ =	sdelay $0x4  }
0x165: {  	(v2sf) =	vpush @!p0 v1, $0x0;
	_ =	sdelay $0xe  }
.Ltmp19:
0x166: {  	s8 =	spop @!p0 (v2sf);
	(pc) =	sbr.rel @p1 .LBB3_15-.Ltmp19, $4  }
0x167: {  	p2 =	seq.s32 @!p0 s4, s8  }
0x168: {  	p2 =	por !p2, p0  }
0x169: {  	s5 =	simm.s32 @p2 $0xFFFFFFFF  }
0x16a: {  	s5 =	smov.u32 @p0 s7  }
.LBB3_16:
0x16b: {  	p0 =	sne.s32 s5, $0xFFFFFFFF  }
.Ltmp20:
0x16c: {  	_ = 	snop;
	(pc) =	sbr.rel @!p0 .LBB3_17-.Ltmp20, $1  }
0x16d: {  	_ =	sdelay $0x3  }
0x16e: {  	v0 =	vld.msk [tilespmem:s3+$0xE0], $0x1  }
0x16f: {  	v1 =	vld.msk [tilespmem:s5+$0xE0], $0x1;
	_ =	sdelay $0x2  }
.Ltmp21:
0x170: {  	_ = 	snop;
	(pc) =	sbr.rel .LBB3_19-.Ltmp21, $4  }
0x171: {  	_ = 	snop  }
0x172: {  	vm0 =	vlt.s32 v1, v0  }
0x173: {  	v0 =	vsel vm0, v1, v0  }
0x174: {  	[tilespmem:s5+$0xE0] =	vst.msk $0x1, v0  }
.LBB3_20:
0x175: {  	p0 =	slt.s32 s2, $0x1  }
.Ltmp22:
0x176: {  	_ = 	snop;
	(pc) =	sbr.rel @p0 .LBB3_24-.Ltmp22, $3  }
0x177: {  	_ =	sdelay $0x1  }
0x178: {  	s0 =	simm.s32 $0x6  }
0x179: {  	s3 =	simm.s32 $0x0;
	[sflag:s0] =	ssyncpa.u1 $0x1  }
0x17a: {  	s0 =	simm.s32 $0xC0  }
0x17b: {  	v0 =	vld.msk [tilespmem:s0+$0x0], $0x1;
	_ =	sdelay $0x4  }
0x17c: {  	(v2sf) =	vpush v0, $0x0;
	_ =	sdelay $0xe  }
0x17d: {  	s2 =	sadd.s32 $0xFFFFFFFF, s2;
	s4 =	spop (v2sf)  }
0x17e: {  	p1 =	sne.s32 s2, $0x0;
	p0 =	sgt.u32 s4, $0x4FFF  }
.Ltmp23:
0x17f: {  	s5 =	sshrl.u32 @!p0 s4, $0x3;
	(pc) =	sbr.rel @!p1 .LBB3_23-.Ltmp23, $4  }
0x180: {  	s0 =	simm.s32 $0xE0;
	s4 =	sand.u32 @!p0 $0x7, s4;
	s5 =	sadd.s32 @!p0 s1, s5  }
0x181: {  	[hbm4b:s5+s4] =	stream.linear.scatter @!p0 [tilespmem:s0], [sflag:$0x5], $0x1, $0x38;
	[tilespmem:$0x11A60] =	vst v63  }
0x182: {  	s5 =	simm.s32 $0x0  }
0x183: {  	s4 =	simm.s32 $0xC1;
	s5 =	simm.s32 @!p0 $0x4  }
.LBB3_22:
0x184: {  	v0 =	vld.msk [tilespmem:s4+$0x0], $0x1;
	s2 =	sadd.s32 $0xFFFFFFFF, s2;
	s3 =	sadd.s32 s3, s5  }
0x185: {  	p0 =	sne.s32 s2, $0x0;
	_ =	sdelay $0x3  }
0x186: {  	(v2sf) =	vpush v0, $0x0;
	_ =	sdelay $0xe  }
.Ltmp24:
0x187: {  	s6 =	spop (v2sf);
	(pc) =	sbr.rel @p0 .LBB3_22-.Ltmp24, $4  }
0x188: {  	s5 =	simm.s32 $0x0;
	p1 =	sgt.u32 s6, $0x4FFF  }
0x189: {  	s0 =	sadd.s32 $0x1, s0;
	s5 =	simm.s32 @!p1 $0x4;
	s7 =	sshrl.u32 @!p1 s6, $0x3  }
0x18a: {  	s4 =	sadd.s32 $0x1, s4;
	s6 =	sand.u32 @!p1 $0x7, s6;
	s7 =	sadd.s32 @!p1 s1, s7  }
0x18b: {  	[hbm4b:s7+s6] =	stream.linear.scatter @!p1 [tilespmem:s0], [sflag:$0x5], $0x1, $0x38;
	[tilespmem:$0x11A60] =	vst v63  }
.LBB3_23:
0x18c: {  	s0 =	sadd.s32 s3, s5  }
0x18d: {  	s3 =	sshrl.u32 s0, $0x2  }
.LBB3_24:
0x18e: {  	s0 =	simm.s32 $0x5  }
0x18f: {  	_ =	swait.ge [sflag:s0], s3  }
0x190: {  	s1 =	ssub.s32 $0x0, s3;
	[sflag:s0] =	ssyncset.done $0x0  }
0x191: {  	[sflag:s0] =	ssyncadd.s32 s1  }
0x192: {  	[sflag:s0] =	ssyncpa.u1 $0x1  }
0x193: {  	s29 =	simm.s32 $0x1;
	_ =	sfence  }
0x194: {  	s30 =	simm.s32 $0x2;
	[sflag:s29] =	ssyncpa.u1 $0x1  }
0x195: {  	[sflag:s30] =	ssyncpa.u1 $0x1  }
0x196: {  	_ =	strace $0x90000050  }
0x197: {  	[bflag:$0x2] =	sbarrier.arrive $0xFFFF  }
0x198: {  	s31 =	rddreg [dreg:$0x1]  }
0x199: {  	s0 =	sadd.s32 $0x100000, s31  }
0x19a: {  	[sflag:s0] =	ssyncadd.tile.s32 $0x1;
	_ =	shalt  }
.Lfunc_end3:
_tile_overlayer_lowered:
.L_overlay_start_3:
0x19b: {  	(tag) =	ssettag $0x3  }
0x19c: {  	s0 =	rddreg [dreg:$0x0];
	s2 =	stileid.u32  }
0x19d: {  	s1 =	rddreg [dreg:$0x1];
	p0 =	sne.s32 s2, $0x0  }
0x19e: {  	s3 =	rddreg [dreg:$0x2];
	[bflag:$0x3] =	sbarrier.arrive $0xFFFF;
	s2 =	simm.s32 @!p0 $0x1C01  }
0x19f: {  	[timem:s3], [sflag:s2] =	dma.local @!p0 [hbm:s0], s1  }
0x1a0: {  	s0 =	simm.s32 @!p0 $0x1  }
0x1a1: {  	_ =	swait.ge @!p0 [sflag:s0], s1  }
0x1a2: {  	s1 =	ssub.s32 @!p0 $0x0, s1;
	[sflag:s0] =	ssyncset.done @!p0 $0x0  }
0x1a3: {  	[sflag:s0] =	ssyncadd.s32 @!p0 s1  }
0x1a4: {  	[bflag:$0x3] =	sbarrier.arrive $0xFFFF  }
0x1a5: {  	_ =	shalt  }

// kernel: scatter_offload_async_start.2
scs
__scs_entry_jumppad:
0x0: {  	(pc) =	sbr.rel $0x88, $3  }
0x1: {  	(tag) =	ssettag $0x0;
	lr =	simm.s32 $0x1  }
0x2: {  	[smem:$0x3F78] =	sst lr;
	_ =	strace $0xD0000000  }
0x3: {  	_ = 	snop  }
0x4: {  	_ = 	snop  }
0x5: {  	_ = 	snop  }
0x6: {  	_ = 	snop  }
0x7: {  	_ = 	snop  }
__scs_overlays_trampoline_lowered:
0x8: {  	[smem:$0x3F87] =	sst s0  }
0x9: {  	[smem:$0x3F88] =	sst s1  }
0xa: {  	[smem:$0x3F89] =	sst s2  }
0xb: {  	[smem:$0x3F8A] =	sst s3  }
0xc: {  	[smem:$0x3F8B] =	sst s4  }
0xd: {  	[smem:$0x3F8C] =	sst s5  }
0xe: {  	[smem:$0x3F8D] =	sst s6  }
0xf: {  	[smem:$0x3F8E] =	sst s7  }
0x10: {  	[smem:$0x3F8F] =	sst s8  }
0x11: {  	[smem:$0x3F90] =	sst s9;
	s0 =	simm.s32 @!p0 $0x0  }
0x12: {  	s1 =	sld [smem:$0x3F76];
	s0 =	simm.s32 @p0 $0x1  }
0x13: {  	[smem:$0x3F91] =	sst s0;
	s0 =	simm.s32 @!p1 $0x0  }
0x14: {  	s2 =	sld [smem:$0x3F75];
	s0 =	simm.s32 @p1 $0x1  }
0x15: {  	[smem:$0x3F92] =	sst s0;
	s0 =	simm.s32 @!p2 $0x0  }
0x16: {  	s3 =	sld [smem:$0x3FDB];
	s0 =	simm.s32 @p2 $0x1  }
0x17: {  	s4 =	simm.s32 $0x1BF5;
	[smem:$0x3F94] =	sst s0  }
0x18: {  	s0 =	sld [smem:$0x3F77];
	_ =	swait.ge [sflag:s4], $0x0  }
0x19: {  	s7 =	sld [smem:$0x3F78]  }
0x1a: {  	s8 =	sadd.s32 $0xFFFFE003, lr  }
0x1b: {  	s9 =	sadd.s32 $0xFFFFFEF7, lr;
	s5 =	simm.s32 $0xFFFFFFFF;
	p2 =	slt.u32 s8, $0xFFFFF086  }
0x1c: {  	p1 =	slt.u32 s9, $0xF7A;
	s5 =	simm.s32 @!p2 $0x0  }
0x1d: {  	s5 =	simm.s32 @p1 $0x1;
	p0 =	seq.s32 s7, s2  }
0x1e: {  	s7 =	smul.u32 @!p0 $0xF7A, s2;
	p2 =	seq.s32 @!p0 s5, $0x0  }
0x1f: {  	s9 =	smul.u32 $0xF7A, s1;
	s8 =	simm.s32 @!p0 $0x1BF5;
	p2 =	por !p2, p0  }
0x20: {  	[sflag:s8] =	ssyncset.s32 @!p0 $0xFFFFF086;
	s6 =	sadd.s32 @!p0 s3, s7;
	s7 =	simm.s32 @!p0 $0x108  }
0x21: {  	s3 =	sadd.s32 s3, s9;
	s6 =	sadd.s32 @!p0 $0x88, s6;
	s7 =	simm.s32 @p2 $0x1082  }
0x22: {  	[simem:s7], [sflag:s8] =	dma.local @!p0 [hbm:s6], $0xF7A  }
0x23: {  	s9 =	sor.u32 $0xD0000000, s2;
	s6 =	simm.s32 $0x108;
	_ =	swait.ge @!p0 [sflag:s8], $0x0  }
0x24: {  	s3 =	sadd.s32 $0x88, s3;
	s6 =	simm.s32 @!p1 $0x1082;
	[sflag:s4] =	ssyncset.s32 $0xFFFFF086  }
0x25: {  	[simem:s6], [sflag:s4] =	dma.local [hbm:s3], $0xF7A  }
0x26: {  	[smem:$0x3F78] =	sst s1;
	(tag) =	ssettag s2;
	_ =	strace s9  }
0x27: {  	s1 =	sld [smem:$0x3F88]  }
0x28: {  	s2 =	sld [smem:$0x3F89]  }
0x29: {  	s4 =	sld [smem:$0x3F8B]  }
0x2a: {  	p0 =	seq.s32 s5, $0x0;
	s5 =	sld [smem:$0x3F8C]  }
0x2b: {  	s6 =	sld [smem:$0x3F8D]  }
0x2c: {  	s7 =	sld [smem:$0x3F8E]  }
0x2d: {  	s3 =	simm.s32 $0x108;
	s8 =	sld [smem:$0x3F8F]  }
0x2e: {  	s3 =	simm.s32 @!p0 $0x1082;
	s9 =	sld [smem:$0x3F90]  }
0x2f: {  	lr =	sadd.s32 s0, s3;
	s0 =	sld [smem:$0x3F87]  }
0x30: {  	s3 =	sld [smem:$0x3F8A]  }
0x31: {  	[smem:$0x3F93] =	sst s10  }
0x32: {  	s10 =	sld [smem:$0x3F91];
	_ =	sdelay $0x3  }
0x33: {  	p0 =	seq.s32 s10, $0x1;
	s10 =	sld [smem:$0x3F93];
	_ =	sdelay $0x3  }
0x34: {  	[smem:$0x3F93] =	sst s10  }
0x35: {  	s10 =	sld [smem:$0x3F92];
	_ =	sdelay $0x3  }
0x36: {  	p1 =	seq.s32 s10, $0x1;
	s10 =	sld [smem:$0x3F93];
	_ =	sdelay $0x3  }
0x37: {  	[smem:$0x3F93] =	sst s10  }
0x38: {  	s10 =	sld [smem:$0x3F94]  }
0x39: {  	_ = 	snop;
	(pc) =	sbr.ind lr, $3  }
0x3a: {  	_ = 	snop  }
0x3b: {  	_ = 	snop  }
0x3c: {  	p2 =	seq.s32 s10, $0x1;
	s10 =	sld [smem:$0x3F93]  }
0x3d: {  	_ =	shalt  }
0x3e: {  	_ =	shalt  }
0x3f: {  	_ =	shalt  }
0x40: {  	_ =	shalt  }
0x41: {  	_ =	shalt  }
0x42: {  	_ =	shalt  }
0x43: {  	_ =	shalt  }
0x44: {  	_ =	shalt  }
0x45: {  	_ =	shalt  }
0x46: {  	_ =	shalt  }
0x47: {  	_ =	shalt  }
0x48: {  	_ =	shalt  }
0x49: {  	_ =	shalt  }
0x4a: {  	_ =	shalt  }
0x4b: {  	_ =	shalt  }
0x4c: {  	_ =	shalt  }
0x4d: {  	_ =	shalt  }
0x4e: {  	_ =	shalt  }
0x4f: {  	_ =	shalt  }
0x50: {  	_ =	shalt  }
0x51: {  	_ =	shalt  }
0x52: {  	_ =	shalt  }
0x53: {  	_ =	shalt  }
0x54: {  	_ =	shalt  }
0x55: {  	_ =	shalt  }
0x56: {  	_ =	shalt  }
0x57: {  	_ =	shalt  }
0x58: {  	_ =	shalt  }
0x59: {  	_ =	shalt  }
0x5a: {  	_ =	shalt  }
0x5b: {  	_ =	shalt  }
0x5c: {  	_ =	shalt  }
0x5d: {  	_ =	shalt  }
0x5e: {  	_ =	shalt  }
0x5f: {  	_ =	shalt  }
0x60: {  	_ =	shalt  }
0x61: {  	_ =	shalt  }
0x62: {  	_ =	shalt  }
0x63: {  	_ =	shalt  }
0x64: {  	_ =	shalt  }
0x65: {  	_ =	shalt  }
0x66: {  	_ =	shalt  }
0x67: {  	_ =	shalt  }
0x68: {  	_ =	shalt  }
0x69: {  	_ =	shalt  }
0x6a: {  	_ =	shalt  }
0x6b: {  	_ =	shalt  }
0x6c: {  	_ =	shalt  }
0x6d: {  	_ =	shalt  }
0x6e: {  	_ =	shalt  }
0x6f: {  	_ =	shalt  }
0x70: {  	_ =	shalt  }
0x71: {  	_ =	shalt  }
0x72: {  	_ =	shalt  }
0x73: {  	_ =	shalt  }
0x74: {  	_ =	shalt  }
0x75: {  	_ =	shalt  }
0x76: {  	_ =	shalt  }
0x77: {  	_ =	shalt  }
0x78: {  	_ =	shalt  }
0x79: {  	_ =	shalt  }
0x7a: {  	_ =	shalt  }
0x7b: {  	_ =	shalt  }
0x7c: {  	_ =	shalt  }
0x7d: {  	_ =	shalt  }
0x7e: {  	_ =	shalt  }
0x7f: {  	_ =	shalt  }
0x80: {  	_ =	shalt  }
0x81: {  	_ =	shalt  }
0x82: {  	_ =	shalt  }
0x83: {  	_ =	shalt  }
0x84: {  	_ =	shalt  }
0x85: {  	_ =	shalt  }
0x86: {  	_ =	shalt  }
0x87: {  	_ =	shalt  }
.Lfunc_end0:
.L_simem_size_0:
called_computation.2_lowered:
.L_overlay_start_0:
0x88: {  	s0 =	sld [smem:$0x3FD9]  }
0x89: {  	s1 =	sld [smem:$0x3FFE];
	_ =	sdelay $0x3  }
0x8a: {  	s0 =	sadd.s32 s1, s0  }
0x8b: {  	[smem:$0x3F9F] =	sst s0  }
0x8c: {  	_ = 	snop  }
0x8d: {  	(tm) =	ssettm $0x1  }
0x8e: {  	s15 =	sld [smem:$0x3FFB];
	_ =	sdelay $0x3  }
0x8f: {  	_ =	strace s15  }
0x90: {  	s0 =	sld [smem:$0x3FFC];
	_ =	sdelay $0x3  }
0x91: {  	_ =	strace s0  }
0x92: {  	s0 =	sld [smem:$0x3FFD];
	_ =	sdelay $0x3  }
0x93: {  	_ =	strace s0  }
0x94: {  	_ =	strace $0x8FFFFFFF  }
0x95: {  	s16 =	sld [smem:$0x3FDB];
	_ =	sdelay $0x1  }
0x96: {  	s17 =	simm.s32 $_scs_section_size  }
0x97: {  	s2 =	simm.s32 $_size__tile_overlayer_lowered;
	s3 =	simm.s32 $_tile_overlayer_lowered  }
0x98: {  	s20 =	simm.s32 $0x1BFF;
	s19 =	sshll.u32 s3, $0x1;
	s0 =	sadd.s32 s17, s16  }
0x99: {  	s4 =	simm.s32 $0x0;
	s18 =	sshll.u32 s2, $0x1;
	s2 =	sadd.s32 s19, s0  }
0x9a: {  	[timem:s4], [sflag:s20] =	dma.local [hbm:s2], s18  }
0x9b: {  	_ =	swait.ge [sflag:s20], s18  }
0x9c: {  	s1 =	ssub.s32 $0x0, s18;
	[sflag:s20] =	ssyncset.done $0x0  }
0x9d: {  	[sflag:s20] =	ssyncadd.s32 s1;
	_ =	sdelay $0x1  }
0x9e: {  	s21 =	simm.s32 $0x1B8B  }
0x9f: {  	_ =	swait.ge [sflag:s21], $0x1  }
0xa0: {  	[sflag:s21] =	ssyncset.done $0x0  }
0xa1: {  	s23 =	simm.s32 $0x1B8E;
	s22 =	sld [smem:$0x3FFE];
	[sflag:s21] =	ssyncadd.s32 $0xFFFFFFFF  }
0xa2: {  	s24 =	simm.s32 $execute0_lowered;
	[smem:$0x3FD2] =	sst s23  }
0xa3: {  	s2 =	sshll.u32 s24, $0x1;
	_ =	strace $0x80000052;
	[dreg:$0x1] =	wrdreg $0xFFFFFFFF  }
0xa4: {  	s25 =	simm.s32 $_size_execute0_lowered;
	s0 =	sadd.s32 s0, s2;
	[dreg:$0x0] =	wrdreg $0x0  }
0xa5: {  	s2 =	sshll.u32 s25, $0x1;
	[dreg:$0x2] =	wrdreg s0  }
0xa6: {  	[dreg:$0x3] =	wrdreg s2  }
0xa7: {  	[dreg:$0x4] =	wrdreg $0xC0  }
0xa8: {  	_ =	task [dreg:s4], $0x5FFFF  }
0xa9: {  	[dreg:$0x1] =	wrdreg $0xFFFFFFFF  }
0xaa: {  	[dreg:$0x0] =	wrdreg $0x60  }
0xab: {  	[dreg:$0x2] =	wrdreg s22  }
0xac: {  	[dreg:$0x3] =	wrdreg $0x9  }
0xad: {  	_ =	task.clear_ibuf [dreg:s4], $0x4FFFF;
	_ =	strace $0x90000052  }
0xae: {  	s26 =	simm.s32 $0x9;
	_ =	strace $0x80000054  }
0xaf: {  	_ =	swait.ge [sflag:s26], $0x1  }
0xb0: {  	[sflag:s26] =	ssyncadd.s32 $0xFFFFFFFF  }
0xb1: {  	_ =	strace $0x90000054  }
0xb2: {  	_ =	sfence  }
0xb3: {  	s28 =	sld [smem:$0x0];
	_ =	sdelay $0x1  }
0xb4: {  	s29 =	srdreg.scid  }
0xb5: {  	s30 =	sshll.u32 s29, $0xD;
	s31 =	sshrl.u32 s29, $0x2  }
0xb6: {  	s1 =	sand.u32 $0x1, s29;
	s2 =	sand.u32 $0x4000, s30;
	s0 =	sadd.s32 s31, s28  }
0xb7: {  	s1 =	sor.u32 s2, s1;
	s0 =	sshll.u32 s0, $0x11  }
0xb8: {  	s0 =	sor.u32 s0, s1  }
0xb9: {  	s0 =	sadd.s32 $0x8F2B, s0  }
0xba: {  	[sflag:s0] =	ssyncadd.remote.s32 $0x1  }
0xbb: {  	_ =	sfence.sel $0xFFFF  }
0xbc: {  	[dreg:$0x0] =	wrdreg $0xFFFFFFFF;
	(pc) =	sbr.abs _section_cstart, $3  }
0xbd: {  	[dreg:$0x1] =	wrdreg $0xFFFFFFFF  }
0xbe: {  	_ =	task.clear_ibuf [dreg:s4], $0x2FFFF;
	_ =	strace $0x9FFFFFFF  }
0xbf: {  	(tm) =	ssettm $0x7FFFFFFF  }
tec
execute0_lowered:
.L_overlay_start_1:
0x0: {  	(tag) =	ssettag $0x1  }
0x1: {  	s0 =	rddreg [dreg:$0x0];
	_ =	strace $0x80000053;
	s15 =	stileid.u32  }
0x2: {  	s2 =	simm.s32 $0x1;
	s1 =	smin.u32 s15, $0x8;
	s3 =	sshll.u32 s15, $0x1  }
0x3: {  	[sflag:s2] =	ssyncpa.u1 $0x0;
	s1 =	sadd.s32 s1, s3  }
0x4: {  	v1 =	vimm.s32 $0xFFFFFFFF;
	p0 =	slt.u32 s15, $0x8;
	s4 =	smul.u32 $0x1F40, s1;
	s1 =	simm.s32 $0x5DC0  }
0x5: {  	[tilespmem:$0x10] =	vst v1;
	s1 =	simm.s32 @!p0 $0x3E80  }
0x6: {  	v0 =	vimm.f32 $+Inf;
	[tilespmem:$0x20] =	vst v1;
	s1 =	sadd.s32 s1, s4  }
0x7: {  	[tilespmem:$0x30] =	vst v0;
	s5 =	smin.u32 s1, $0x4E200  }
0x8: {  	s7 =	simm.s32 $0x2;
	[tilespmem:$0x40] =	vst v0;
	s9 =	ssub.s32 s5, s4  }
0x9: {  	s8 =	simm.s32 $0x8;
	s30 =	simm.s32 $0x9;
	[tilespmem:$0x50] =	vst v0;
	p0 =	sgt.s32 s9, $0x0  }
0xa: {  	s16 =	simm.s32 $0x0;
	s17 =	simm.s32 $0xF0;
	[tilespmem:$0x60] =	vst v1;
	s9 =	simm.s32 @!p0 $0x0  }
0xb: {  	s18 =	simm.s32 $0xFFFFFFFF;
	s19 =	simm.s32 $0xFFFFC280;
	[tilespmem:$0x70] =	vst v1;
	s29 =	smulhi.u32 $0x10624DD3, s9  }
0xc: {  	s20 =	simm.s32 $0xFFFFFFFE;
	s21 =	simm.s32 $0xF;
	s25 =	simm.s32 $0x0;
	[tilespmem:$0x80] =	vst v1  }
0xd: {  	s24 =	simm.s32 $0x0;
	s6 =	sadd.s32 $0x68E00, s0;
	v1 =	vimm.s32 $0x0;
	[tilespmem:$0xB0] =	vst v0;
	s10 =	sshrl.u32 s29, $0x9  }
0xe: {  	s15 =	sshllo.u32 s15, $0x1;
	s13 =	sor.u32 $0x80, s3;
	[tilespmem:$0x90] =	vst v1;
	s11 =	smul.u32 $0x1F40, s10  }
0xf: {  	s14 =	sor.u32 $0x81, s3;
	[tilespmem:$0xA0] =	vst v1;
	[sflag:s7] =	ssyncpa.u1 $0x0;
	s7 =	simm.s32 $0x7  }
.Ltmp0:
0x10: {  	[sflag:s7] =	ssyncpa.u1 $0x0;
	p0 =	sne.s32 s9, s11;
	(pc) =	sbr.rel .LBB2_1-.Ltmp0, $4  }
0x11: {  	[sflag:s8] =	ssyncpa.u1 $0x0;
	s23 =	smov.u32 s4;
	s2 =	simm.s32 @!p0 $0x0  }
0x12: {  	s1 =	sadd.s32 $0x6000, s0;
	s0 =	sadd.s32 $0x82C00, s0;
	s10 =	sadd.s32 s2, s10  }
0x13: {  	vm0 =	vmmov $0xffff;
	v2 =	vlaneseq.u32;
	vm1 =	vmxor vm1, vm1;
	[sflag:s30] =	ssyncpa.u1 $0x0;
	[dreg:$0x2] =	wrdreg s0;
	s31 =	sadd.s32 $0x1, s10  }
0x14: {  	vm2 =	vmmov $0x1;
	v3 =	vimm.f32 $0.0e+00;
	vm3 =	vcmask $0x3F3C;
	p0 =	por $0x0, $0x0;
	s12 =	sadd.s32 $0x2, s10;
	[dreg:$0x3] =	wrdreg s31  }
.LBB2_9:
0x15: {  	p1 =	slt.u32 s24, $0x3  }
0x16: {  	s0 =	simm.s32 @!p1 $0x2  }
0x17: {  	_ =	swait.ge @!p1 [sflag:s0], $0x1F40  }
0x18: {  	[sflag:s0] =	ssyncset.done @!p1 $0x0  }
0x19: {  	[sflag:s0] =	ssyncadd.s32 @!p1 $0xFFFFE0C0;
	s0 =	simm.s32 @!p1 $0x9  }
0x1a: {  	_ =	swait.ge @!p1 [sflag:s0], $0x10  }
0x1b: {  	[sflag:s0] =	ssyncset.done @!p1 $0x0  }
0x1c: {  	[sflag:s0] =	ssyncadd.s32 @!p1 $0xFFFFFFF0;
	p1 =	sne.s32 s24, s12  }
.Ltmp1:
0x1d: {  	s2 =	sadd.s32 $0x1F40, s23;
	(pc) =	sbr.rel @!p1 .LBB2_10-.Ltmp1, $4  }
0x1e: {  	s9 =	smov.u32 s4;
	s31 =	sadd.s32 $0x1, s24;
	s17 =	sadd.s32 $0x1F40, s17  }
0x1f: {  	s18 =	sadd.s32 $0x1, s18;
	s25 =	smov.u32 s23;
	p2 =	slt.s32 s2, s5  }
0x20: {  	p0 =	por !p0, !p0;
	s19 =	sadd.s32 $0x1F40, s19;
	s9 =	smov.u32 @p2 s2  }
0x21: {  	s20 =	sadd.s32 $0x1, s20;
	s23 =	smov.u32 s9;
	s24 =	smov.u32 s31  }
.LBB2_1:
0x22: {  	p1 =	sge.u32 s24, s10  }
0x23: {  	s0 =	smulhi.u32 @!p1 $0xAAAAAAAB, s24;
	_ =	sdelay $0x1  }
0x24: {  	s0 =	sshrl.u32 @!p1 s0, $0x1  }
0x25: {  	s0 =	smul.u32 @!p1 $0x3, s0;
	_ =	sdelay $0x1  }
0x26: {  	s0 =	ssub.s32 @!p1 s24, s0  }
0x27: {  	s0 =	smul.u32 @!p1 $0x7D00, s0;
	_ =	sdelay $0x1  }
0x28: {  	s2 =	sshrl.u32 @!p1 s23, $0x3;
	s0 =	sshrl.u32 @!p1 s0, $0x2  }
0x29: {  	s9 =	sand.u32 @!p1 $0x7, s23;
	s2 =	sadd.s32 @!p1 s6, s2;
	s0 =	sadd.s32 @!p1 $0x100, s0  }
0x2a: {  	[tilespmem:s0], [sflag:$0x7] =	stream.linear.gather @!p1 [hbm4b:s2+s9], $0x1F40, $0x38;
	[tilespmem:$0x11A60] =	vst v63  }
0x2b: {  	s0 =	sadd.s32 $0xFFFFFFFF, s24  }
0x2c: {  	p1 =	sge.u32 s0, s10  }
.Ltmp2:
0x2d: {  	_ = 	snop;
	(pc) =	sbr.rel @p1 .LBB2_5-.Ltmp2, $1  }
0x2e: {  	_ =	sdelay $0x3  }
0x2f: {  	s2 =	smulhi.u32 $0xAAAAAAAB, s0;
	_ =	sdelay $0x1  }
0x30: {  	s2 =	sshrl.u32 s2, $0x1  }
0x31: {  	s2 =	smul.u32 $0x3, s2;
	_ =	sdelay $0x1  }
0x32: {  	s2 =	ssub.s32 s0, s2  }
0x33: {  	s2 =	smul.u32 $0x7D00, s2  }
0x34: {  	_ =	swait.ge [sflag:s7], $0x1F40  }
0x35: {  	[sflag:s7] =	ssyncset.done $0x0;
	s2 =	sshrl.u32 s2, $0x2  }
0x36: {  	[sflag:s7] =	ssyncadd.s32 $0xFFFFE0C0;
	(ifvalue) =	ssetifvalue $0xFFFFFFFF;
	v4 =	vld.msk [tilespmem:s2+$0x100 ss:$0x1], $0xffff;
	_ =	sdelay $0x2  }
0x37: {  	s29 =	smulhi.u32 $0xAAAAAAAB, s18;
	p1 =	sne.s32 s24, $0x1  }
0x38: {  	v5 =	vimm.s32 @!p1 $0x0  }
0x39: {  	s2 =	sshrl.u32 s29, $0x1;
	v5 =	vperm.xlane @!p1 v4, v5  }
0x3a: {  	s9 =	sshll.u32 s24, $0x4;
	s2 =	smul.u32 $0xFFFE8900, s2;
	vm4 =	vlt.u32 v4, $0x5000  }
0x3b: {  	s9 =	sand.u32 $0x10, s9;
	v4 =	vnsel vm4, $0xFFFFFFFE, v4;
	vm4 =	vlt.u32 @!p1 v5, $0x5000  }
0x3c: {  	s2 =	sshra.s32 s2, $0x2;
	[tilespmem:s9+$0x60] =	vst v4;
	v4 =	vnsel @!p1 vm4, $0xFFFFFFFE, v5  }
0x3d: {  	s30 =	sadd.s32 s2, s17;
	[tilespmem:$0x80] =	vst @!p1 v4  }
0x3e: {  	v4 =	vld.msk [tilespmem:s30+$0x0 ss:$0x1], $0xffff;
	_ =	sdelay $0x4  }
0x3f: {  	(xrf1) =	vunique.msk.u32 $0xffff, v4;
	_ =	sdelay $0xd  }
0x40: {  	v5 =	vimm.s32 $0xFFFFFFFF;
	v6, _, _ =	vpop (xrf1)  }
0x41: {  	vm5 =	vne.s32 v4, v5;
	vm4 =	veq.s32 v6, v2  }
0x42: {  	vm6 =	vlt.u32 v4, $0x5000;
	vm4 =	vmand vm5, vm4  }
0x43: {  	vm4 =	vmand vm6, vm4  }
0x44: {  	v5 =	vnsel vm4, $0xFFFFFFFF, v4  }
0x45: {  	s31 =	sand.u32 $0x1, s0  }
0x46: {  	s26 =	simm.s32 $0x1F40;
	p1 =	seq.s32 s31, $0x1  }
0x47: {  	s26 =	simm.s32 @!p1 $0x0  }
0x48: {  	s28 =	sadd.s32 $0x7DF0, s26;
	(ifvalue) =	ssetifvalue $0xFFFFFFFF  }
0x49: {  	v4 =	vperm.xlane v4, v1;
	[tilespmem:s28], [sflag:$0x8] =	stream.indirect_vreg.gather [hbm4b:s1+s16], $0x1, v5, vm0, $0x4038;
	v5 =	vnsel vm6, $0xFFFFFFFE, v5;
	[tilespmem:$0x11A60] =	vst v63  }
0x4a: {  	s0 =	simm.s32 $0x0;
	s2 =	sadd.s32 $0xFFFFFFF0, s30;
	[tilespmem:s30+$0x0] =	vst v5  }
.LBB2_3:
0x4b: {  	v5 =	vld.msk [tilespmem:s2+$0x0 ss:$0x1], $0xffff;
	s0 =	sadd.s32 $0x10, s0;
	v6 =	vmov v4;
	s9 =	smov.u32 s2  }
0x4c: {  	p1 =	slt.u32 s0, $0x1F30;
	_ =	sdelay $0x4  }
0x4d: {  	v4 =	vperm.xlane v5, v1;
	(xrf1) =	vunique.msk.u32 $0xffff, v5;
	_ =	sdelay $0xd  }
0x4e: {  	v7, _, _ =	vpop (xrf1)  }
0x4f: {  	vm5 =	vne.s32 v5, v6;
	vm4 =	veq.s32 v7, v2  }
0x50: {  	vm6 =	vlt.u32 v5, $0x5000;
	vm4 =	vmand vm5, vm4  }
0x51: {  	vm4 =	vmand vm6, vm4  }
0x52: {  	v5 =	vnsel vm4, $0xFFFFFFFF, v5  }
.Ltmp3:
0x53: {  	v6 =	vnsel vm6, $0xFFFFFFFE, v5;
	(pc) =	sbr.rel @p1 .LBB2_3-.Ltmp3, $3  }
0x54: {  	_ =	sdelay $0x1  }
0x55: {  	s2 =	sadd.s32 $0xFFFFFFF0, s2;
	s28 =	sadd.s32 $0xFFFFFFF0, s28;
	(ifvalue) =	ssetifvalue $0xFFFFFFFF  }
0x56: {  	[tilespmem:s28], [sflag:$0x8] =	stream.indirect_vreg.gather [hbm4b:s1+s16], $0x1, v5, vm0, $0x4038;
	[tilespmem:s9+$0x0] =	vst v6  }
0x57: {  	s0 =	sshrl.u32 s25, $0x3;
	s2 =	rddreg [dreg:$0x2]  }
0x58: {  	s31 =	sadd.s32 $0x9D40, s26;
	s0 =	sadd.s32 s2, s0  }
0x59: {  	[tilespmem:s31], [sflag:$0x8] =	stream.linear.gather [hbm:s0], $0x1F40, $0x38;
	[tilespmem:$0x11A60] =	vst v63  }
.LBB2_5:
0x5a: {  	p1 =	slt.u32 s24, $0x2  }
0x5b: {  	p2 =	sge.u32 @!p1 s24, s12  }
0x5c: {  	p1 =	por p1, p2  }
.Ltmp4:
0x5d: {  	_ = 	snop;
	(pc) =	sbr.rel @p1 .LBB2_9-.Ltmp4, $1  }
0x5e: {  	_ =	sdelay $0x3  }
0x5f: {  	s0 =	sadd.s32 $0xFFFFFFFE, s24  }
0x60: {  	s2 =	smulhi.u32 $0xAAAAAAAB, s0;
	_ =	sdelay $0x1  }
0x61: {  	s2 =	sshrl.u32 s2, $0x1  }
0x62: {  	s2 =	smul.u32 $0x3, s2;
	_ =	sdelay $0x1  }
0x63: {  	_ =	swait.ge [sflag:s8], $0x3E80;
	s0 =	ssub.s32 s0, s2  }
0x64: {  	s9 =	rddreg [dreg:$0x3];
	s0 =	smul.u32 $0x1F40, s0  }
0x65: {  	[sflag:s8] =	ssyncset.done $0x0;
	p1 =	sne.s32 s24, s9  }
0x66: {  	[sflag:s8] =	ssyncadd.s32 $0xFFFFC180;
	s2 =	sadd.s32 @!p1 $0x203F, s0  }
0x67: {  	[spmem:s14] =	stream.linear.scatter @!p1 [tilespmem:s2], [sflag:$0x1], $0x1, $0x38;
	[tilespmem:$0x11A60] =	vst v63  }
0x68: {  	s2 =	simm.s32 @!p1 $0x1  }
0x69: {  	_ =	swait.ge @!p1 [sflag:s2], $0x1  }
0x6a: {  	s9 =	sshll.u32 s24, $0x4;
	[sflag:s2] =	ssyncset.done @!p1 $0x0  }
0x6b: {  	s25 =	sand.u32 $0x10, s9;
	[sflag:s2] =	ssyncadd.s32 @!p1 $0xFFFFFFFF  }
0x6c: {  	s2 =	sxor.u32 $0x10, s25;
	v5 =	vld [tilespmem:s25+$0x10]  }
0x6d: {  	v6 =	vld [tilespmem:s2+$0x60]  }
0x6e: {  	v4 =	vld [tilespmem:$0x80];
	_ =	sdelay $0x2  }
0x6f: {  	(v2sf) =	vpush v5, $0x0  }
0x70: {  	(v2sf) =	vpush v6, $0x0  }
0x71: {  	(v2sf) =	vpush v4, $0x0;
	_ =	sdelay $0xc  }
0x72: {  	s11 =	spop (v2sf)  }
0x73: {  	s22 =	spop (v2sf)  }
0x74: {  	s28 =	spop (v2sf)  }
0x75: {  	p2 =	seq.s32 s11, s22;
	p3 =	seq.s32 s28, s11  }
0x76: {  	p3 =	por p2, p3  }
0x77: {  	s26 =	sand.u32 $0x1, s24;
	v5 =	vpsel p3, $0xFFFFFFFF, v5  }
0x78: {  	s29 =	smul.u32 $0x1F40, s26;
	[tilespmem:s25+$0x10] =	vst.msk $0x1, v5  }
0x79: {  	v5 =	vld [tilespmem:$0x30]  }
0x7a: {  	v6 =	vld [tilespmem:s29+$0x9D40]  }
0x7b: {  	v7 =	vld [tilespmem:s25+$0x40];
	_ =	sdelay $0x2  }
0x7c: {  	vm4 =	vmmov vm1  }
0x7d: {  	vm5 =	vmmov vm2;
	s9 =	sshll.u32 s26, $0x4;
	vm4 =	vmmov @p2 vm2;
	v6 =	vmin.f32 v5, v6  }
0x7e: {  	s26 =	sor.u32 $0x11A40, s9;
	vm5 =	vmmov @p3 vm1;
	v5 =	vmin.f32 v5, v7;
	[tilespmem:s29+$0x9D40] =	vst.msk vm4, v6  }
0x7f: {  	[tilespmem:s26+$0x0] =	vst.msk vm5, v5  }
0x80: {  	v5 =	vld [tilespmem:s29+$0x7DF0];
	_ =	sdelay $0x4  }
0x81: {  	v5 =	vshift.insert v5, v3, s21  }
0x82: {  	s11 =	sor.u32 $0x40, s2  }
0x83: {  	v6 =	vimm.f32 $+Inf;
	[tilespmem:s11+$0x0] =	vst.msk $0x1, v5  }
0x84: {  	[tilespmem:s29+$0x7DFF] =	vst.msk $0x1, v6  }
0x85: {  	v5 =	vld [tilespmem:s0+$0x2030]  }
0x86: {  	s22 =	smulhi.u32 $0xAAAAAAAB, s20;
	_ =	sdelay $0x1  }
0x87: {  	s9 =	simm.s32 $0x1;
	s0 =	sshrl.u32 s22, $0x1  }
0x88: {  	s9 =	simm.s32 @!p0 $0x0;
	s0 =	smul.u32 $0xFFFE8900, s0  }
0x89: {  	s9 =	smul.u32 $0x7D00, s9;
	v5 =	vshift.insert v5, v1, s21  }
0x8a: {  	s0 =	sshra.s32 s0, $0x2  }
0x8b: {  	s9 =	sshrl.u32 s9, $0x2;
	s22 =	sadd.s32 s0, s19;
	[tilespmem:s2+$0x10] =	vst.msk $0x1, v5  }
0x8c: {  	s2 =	sadd.s32 $0x9D40, s9;
	v7 =	vld [tilespmem:s22+$0x0]  }
0x8d: {  	v8 =	vld [tilespmem:s2+$0x0];
	_ =	sdelay $0x4  }
0x8e: {  	vm4 =	vne.s32 v7, $0xFFFFFFFF;
	v6 =	vmin.f32 v8, v6  }
0x8f: {  	(xrf0) =	vmin.seg.scan.f32 vm4, v6  }
0x90: {  	s11 =	sadd.s32 $0x5EC0, s9;
	v8 =	vld [tilespmem:$0xA0]  }
0x91: {  	v9 =	vld [tilespmem:s11+$0x0];
	_ =	sdelay $0x1  }
0x92: {  	v6 =	vperm.xlane v5, v1;
	_ =	sdelay $0x1  }
0x93: {  	vm6 =	veq.s32 v7, v4;
	vm7 =	veq.s32 v7, v6;
	vm5 =	veq.s32 v8, $0x1;
	v8, _, _ =	vpop (xrf0)  }
0x94: {  	vm8 =	vgt.u32 v7, $0xFFFFFFFD;
	vm7 =	vmor vm7, vm6;
	v9 =	vmin.f32 v8, v9  }
0x95: {  	s30 =	sadd.s32 $0xDBC0, s9;
	v10 =	vld [tilespmem:$0x90];
	vm7 =	vmor vm7, vm8;
	v9 =	vsel vm6, v8, v9  }
0x96: {  	[tilespmem:s30+$0x0] =	vst v9;
	v9 =	vsel vm7, $0xFFFFFFFF, v7;
	_ =	sdelay $0x1  }
0x97: {  	vm9 =	vmand vm4, vm3  }
0x98: {  	s31 =	simm.s32 $0x0;
	s9 =	sadd.s32 $0x10, s11;
	s0 =	sadd.s32 $0x10, s2;
	v11 =	vsel vm9, $0x7F800000, v8  }
0x99: {  	s2 =	sadd.s32 $0x10, s22;
	s22 =	sadd.s32 $0x10, s30;
	vm4 =	vmor vm5, vm6;
	v7 =	vsel vm6, v8, v10;
	v8 =	vshift.insert v11, v0, s21;
	(ifvalue) =	ssetifvalue $0xFFFFFFFF  }
.LBB2_7:
0x9a: {  	[hbm4b:s1+s16] =	stream.indirect_vreg.scatter [tilespmem:s30], [sflag:$0x2], $0x1, v9, vm0, $0x4038;
	[tilespmem:$0x11A60] =	vst v63  }
0x9b: {  	s31 =	sadd.s32 $0x10, s31;
	s30 =	smov.u32 s22;
	v9 =	vld [tilespmem:s2+$0x0]  }
0x9c: {  	p2 =	slt.u32 s31, $0x1F30;
	v10 =	vld [tilespmem:s0+$0x0];
	_ =	sdelay $0x4  }
0x9d: {  	vm5 =	vne.s32 v9, $0xFFFFFFFF;
	v8 =	vmin.f32 v10, v8  }
0x9e: {  	(xrf0) =	vmin.seg.scan.f32 vm5, v8;
	_ =	sdelay $0x1  }
0x9f: {  	v8 =	vld [tilespmem:s9+$0x0]  }
0xa0: {  	vm6 =	veq.s32 v9, v4;
	vm7 =	veq.s32 v9, v6  }
0xa1: {  	vm8 =	vgt.u32 v9, $0xFFFFFFFD;
	vm4 =	vmor vm4, vm6;
	vm7 =	vmor vm7, vm6  }
0xa2: {  	vm7 =	vmor vm7, vm8  }
.Ltmp5:
0xa3: {  	vm5 =	vmand vm5, vm3;
	v9 =	vsel vm7, $0xFFFFFFFF, v9;
	v10, _, _ =	vpop (xrf0);
	(pc) =	sbr.rel @p2 .LBB2_7-.Ltmp5, $4  }
0xa4: {  	v7 =	vsel vm6, v10, v7;
	v8 =	vmin.f32 v10, v8;
	v11 =	vsel vm5, $0x7F800000, v10  }
0xa5: {  	v10 =	vsel vm6, v10, v8;
	v8 =	vshift.insert v11, v0, s21  }
0xa6: {  	s2 =	sadd.s32 $0x10, s2;
	s0 =	sadd.s32 $0x10, s0;
	[tilespmem:s22+$0x0] =	vst v10  }
0xa7: {  	s9 =	sadd.s32 $0x10, s9;
	s22 =	sadd.s32 $0x10, s22;
	(ifvalue) =	ssetifvalue $0xFFFFFFFF  }
0xa8: {  	_ =	sdelay $0x3  }
0xa9: {  	[hbm4b:s1+s16] =	stream.indirect_vreg.scatter [tilespmem:s30], [sflag:$0x2], $0x1, v9, vm0, $0x4038;
	[tilespmem:$0x11A60] =	vst v63  }
0xaa: {  	v4 =	vld [tilespmem:s29+$0xFAF0];
	_ =	sdelay $0x4  }
0xab: {  	v4 =	vshift.insert v4, v3, s21  }
0xac: {  	s0 =	simm.s32 $0x30  }
0xad: {  	[tilespmem:s0+$0x0] =	vst.msk $0x1, v4  }
0xae: {  	v4 =	vsel vm4, $0x1, v1;
	[tilespmem:$0x90] =	vst v7  }
0xaf: {  	s0 =	sadd.s32 @!p1 $0xFAFF, s29;
	[tilespmem:$0xA0] =	vst v4  }
0xb0: {  	[spmem:s15] =	stream.linear.scatter @!p1 [tilespmem:s0], [sflag:$0x1], $0x1, $0x38;
	[tilespmem:$0x11A60] =	vst v63  }
0xb1: {  	s0 =	simm.s32 @!p1 $0x1  }
0xb2: {  	v4 =	vmctz.xlane @!p1 vm4;
	_ =	swait.ge @!p1 [sflag:s0], $0x1  }
0xb3: {  	(v2sf) =	vpush @!p1 v5, $0x0  }
0xb4: {  	(v2sf) =	vpush @!p1 v4, $0x0;
	_ =	sdelay $0xd  }
0xb5: {  	s2 =	spop @!p1 (v2sf)  }
0xb6: {  	s9 =	spop @!p1 (v2sf)  }
0xb7: {  	p2 =	sne.s32 @!p1 s28, s2;
	p3 =	slt.s32 @!p1 s9, $0xF  }
0xb8: {  	[sflag:s0] =	ssyncset.done @!p1 $0x0;
	p2 =	por p2, p1;
	p3 =	por !p3, p1  }
0xb9: {  	[sflag:s0] =	ssyncadd.s32 @!p1 $0xFFFFFFFF;
	v4 =	vimm.s32 @!p2 $0xFFFFFFFF;
	s9 =	simm.s32 @p3 $0xF  }
0xba: {  	[tilespmem:$0x80] =	vst @!p2 v4;
	s2 =	sadd.s32 @!p1 $0x90, s9  }
0xbb: {  	[spmem:s3] =	stream.linear.scatter @!p1 [tilespmem:s2], [sflag:$0x1], $0x1, $0x38;
	[tilespmem:$0x11A60] =	vst v63  }
0xbc: {  	_ =	swait.ge @!p1 [sflag:s0], $0x1  }
0xbd: {  	[sflag:s0] =	ssyncset.done @!p1 $0x0  }
0xbe: {  	s2 =	simm.s32 @!p1 $0x80;
	[sflag:s0] =	ssyncadd.s32 @!p1 $0xFFFFFFFF  }
0xbf: {  	[spmem:s13] =	stream.linear.scatter @!p1 [tilespmem:s2], [sflag:$0x1], $0x1, $0x38;
	[tilespmem:$0x11A60] =	vst v63  }
0xc0: {  	_ =	swait.ge @!p1 [sflag:s0], $0x1  }
0xc1: {  	[sflag:s0] =	ssyncset.done @!p1 $0x0  }
0xc2: {  	[sflag:s0] =	ssyncadd.s32 @!p1 $0xFFFFFFFF;
	(ifvalue) =	ssetifvalue $0xFFFFFFFF;
	v4 =	vld [tilespmem:s25+$0x10];
	_ =	sdelay $0x3  }
.Ltmp6:
0xc3: {  	_ = 	snop;
	(pc) =	sbr.rel .LBB2_9-.Ltmp6, $3  }
0xc4: {  	_ =	sdelay $0x1  }
0xc5: {  	(ifvalue) =	ssetifvalue $0xFFFFFFFF  }
0xc6: {  	[hbm4b:s1+s16] =	stream.indirect_vreg.scatter [tilespmem:s26], [sflag:$0x9], $0x1, v4, vm0, $0x4038;
	[tilespmem:$0x11A60] =	vst v63  }
.LBB2_10:
0xc7: {  	_ =	sfence.sel $0x180000  }
0xc8: {  	s0 =	simm.s32 $0x7;
	[bflag:$0x0] =	sbarrier.arrive $0xFFFF  }
0xc9: {  	s26 =	simm.s32 $0x8;
	[sflag:s0] =	ssyncpa.u1 $0x1  }
0xca: {  	s28 =	simm.s32 $0x9;
	[sflag:s26] =	ssyncpa.u1 $0x1  }
0xcb: {  	[sflag:s28] =	ssyncpa.u1 $0x1  }
0xcc: {  	_ =	sfence.stream.spmem  }
0xcd: {  	s29 =	simm.s32 $0x3;
	[bflag:$0x0] =	sbarrier.arrive $0xFFFF  }
0xce: {  	s30 =	simm.s32 $0x4;
	[sflag:s29] =	ssyncpa.u1 $0x1  }
0xcf: {  	s31 =	simm.s32 $0x3C;
	s2 =	stileid.u32;
	[sflag:s30] =	ssyncpa.u1 $0x1  }
0xd0: {  	p0 =	sne.s32 s2, $0x0;
	[sflag:s31] =	ssyncpa.u1 $0x1  }
0xd1: {  	s0 =	simm.s32 @p0 $0x1;
	_ =	sfence @p0  }
0xd2: {  	[sflag:s0] =	ssyncpa.u1 @p0 $0x1;
	s0 =	simm.s32 @p0 $0x2  }
0xd3: {  	[sflag:s0] =	ssyncpa.u1 @p0 $0x1  }
0xd4: {  	_ =	strace @p0 $0x90000053  }
0xd5: {  	[bflag:$0x2] =	sbarrier.arrive @p0 $0xFFFF  }
0xd6: {  	_ =	shalt @p0  }
.LBB2_11:
0xd7: {  	_ =	sfence.stream.spmem;
	s0 =	simm.s32 $0x5  }
0xd8: {  	s2 =	simm.s32 $0x80;
	s3 =	simm.s32 $0xC0;
	[sflag:s0] =	ssyncpa.u1 $0x0  }
0xd9: {  	[tilespmem:s3], [sflag:$0x5] =	stream.linear.gather [spmem:s2], $0x20, $0x38;
	[tilespmem:$0x11A60] =	vst v63  }
0xda: {  	s30 =	simm.s32 $0xE0;
	s2 =	simm.s32 $0x0  }
0xdb: {  	[tilespmem:s30], [sflag:$0x5] =	stream.linear.gather [spmem:s2], $0x20, $0x38;
	[tilespmem:$0x11A60] =	vst v63  }
.Ltmp7:
0xdc: {  	_ = 	snop;
	(pc) =	sbr.rel .LBB2_12-.Ltmp7, $4  }
0xdd: {  	_ =	swait.ge [sflag:s0], $0x40  }
0xde: {  	[sflag:s0] =	ssyncset.done $0x0  }
0xdf: {  	s31 =	simm.s32 $0x6;
	[sflag:s0] =	ssyncadd.s32 $0xFFFFFFC0  }
0xe0: {  	s3 =	simm.s32 $0x0;
	[sflag:s31] =	ssyncpa.u1 $0x0  }
.LBB2_17:
0xe1: {  	p0 =	sgt.u32 s4, $0x4FFF  }
0xe2: {  	s0 =	sshrl.u32 @!p0 s4, $0x3  }
0xe3: {  	s4 =	sand.u32 @!p0 $0x7, s4;
	s5 =	simm.s32 @!p0 $0xB0;
	s0 =	sadd.s32 @!p0 s1, s0  }
0xe4: {  	[tilespmem:s5], [sflag:$0x6] =	stream.linear.gather @!p0 [hbm4b:s0+s4], $0x1, $0x38;
	[tilespmem:$0x11A60] =	vst v63  }
0xe5: {  	s0 =	simm.s32 @!p0 $0x6  }
0xe6: {  	_ =	swait.ge @!p0 [sflag:s0], $0x1  }
0xe7: {  	[sflag:s0] =	ssyncset.done @!p0 $0x0  }
0xe8: {  	[sflag:s0] =	ssyncadd.s32 @!p0 $0xFFFFFFFF  }
0xe9: {  	v1 =	vld.msk @!p0 [tilespmem:$0xB0], $0x1  }
0xea: {  	v2 =	vld.msk @!p0 [tilespmem:s3+$0xE0], $0x1;
	_ =	sdelay $0x4  }
0xeb: {  	v1 =	vmin.f32 @!p0 v2, v1  }
0xec: {  	[tilespmem:s3+$0xE0] =	vst.msk @!p0 $0x1, v1  }
0xed: {  	[tilespmem:s2+$0xC0] =	vst.msk $0x1, v0  }
0xee: {  	v0 =	vld.msk [tilespmem:s3+$0xE0], $0x1;
	_ =	sdelay $0x4  }
0xef: {  	[tilespmem:s2+$0xE0] =	vst.msk $0x1, v0;
	s2 =	sadd.s32 $0x1, s2  }
.LBB2_19:
0xf0: {  	s3 =	sadd.s32 $0x1, s3  }
0xf1: {  	p0 =	sne.s32 s3, $0x20  }
.Ltmp8:
0xf2: {  	_ = 	snop;
	(pc) =	sbr.rel @!p0 .LBB2_20-.Ltmp8, $1  }
0xf3: {  	_ =	sdelay $0x3  }
.LBB2_12:
0xf4: {  	v0 =	vld.msk [tilespmem:s3+$0xC0], $0x1;
	_ =	sdelay $0x4  }
0xf5: {  	(v2sf) =	vpush v0, $0x0;
	_ =	sdelay $0xe  }
0xf6: {  	s4 =	spop (v2sf)  }
0xf7: {  	p0 =	seq.s32 s4, $0xFFFFFFFF  }
.Ltmp9:
0xf8: {  	_ = 	snop;
	(pc) =	sbr.rel @p0 .LBB2_19-.Ltmp9, $1  }
0xf9: {  	_ =	sdelay $0x3  }
0xfa: {  	p0 =	slt.s32 s2, $0x1  }
.Ltmp10:
0xfb: {  	_ = 	snop;
	(pc) =	sbr.rel @p0 .LBB2_17-.Ltmp10, $1  }
0xfc: {  	_ =	sdelay $0x3  }
0xfd: {  	s0 =	simm.s32 $0xC0;
	p0 =	por $0x0, $0x0  }
0xfe: {  	v1 =	vld.msk @!p0 [tilespmem:s0+$0x0], $0x1;
	_ =	sdelay $0x4  }
0xff: {  	(v2sf) =	vpush @!p0 v1, $0x0;
	_ =	sdelay $0xd  }
0x100: {  	p2 =	sne.s32 s2, $0x1  }
.Ltmp11:
0x101: {  	s5 =	spop @!p0 (v2sf);
	(pc) =	sbr.rel @!p2 .LBB2_16-.Ltmp11, $4  }
0x102: {  	p1 =	seq.s32 @!p0 s4, s5  }
0x103: {  	s5 =	simm.s32 $0x0;
	p1 =	por !p1, p0  }
0x104: {  	s7 =	simm.s32 $0xFFFFFFFF;
	s5 =	simm.s32 @p1 $0xFFFFFFFF  }
0x105: {  	s6 =	simm.s32 $0x1;
	s5 =	smov.u32 @p0 s7  }
.LBB2_15:
0x106: {  	s7 =	smov.u32 s5;
	p0 =	sne.s32 s5, $0xFFFFFFFF  }
0x107: {  	s0 =	sadd.s32 $0x1, s0;
	s5 =	smov.u32 s6;
	s6 =	sadd.s32 $0x1, s6  }
0x108: {  	p1 =	sne.s32 s2, s6;
	v1 =	vld.msk @!p0 [tilespmem:s0+$0x0], $0x1;
	_ =	sdelay $0x4  }
0x109: {  	(v2sf) =	vpush @!p0 v1, $0x0;
	_ =	sdelay $0xe  }
.Ltmp12:
0x10a: {  	s8 =	spop @!p0 (v2sf);
	(pc) =	sbr.rel @p1 .LBB2_15-.Ltmp12, $4  }
0x10b: {  	p2 =	seq.s32 @!p0 s4, s8  }
0x10c: {  	p2 =	por !p2, p0  }
0x10d: {  	s5 =	simm.s32 @p2 $0xFFFFFFFF  }
0x10e: {  	s5 =	smov.u32 @p0 s7  }
.LBB2_16:
0x10f: {  	p0 =	sne.s32 s5, $0xFFFFFFFF  }
.Ltmp13:
0x110: {  	_ = 	snop;
	(pc) =	sbr.rel @!p0 .LBB2_17-.Ltmp13, $1  }
0x111: {  	_ =	sdelay $0x3  }
0x112: {  	v0 =	vld.msk [tilespmem:s3+$0xE0], $0x1  }
0x113: {  	v1 =	vld.msk [tilespmem:s5+$0xE0], $0x1;
	_ =	sdelay $0x1  }
.Ltmp14:
0x114: {  	_ = 	snop;
	(pc) =	sbr.rel .LBB2_19-.Ltmp14, $3  }
0x115: {  	_ =	sdelay $0x1  }
0x116: {  	v0 =	vmin.f32 v1, v0  }
0x117: {  	[tilespmem:s5+$0xE0] =	vst.msk $0x1, v0  }
.LBB2_20:
0x118: {  	p0 =	slt.s32 s2, $0x1  }
.Ltmp15:
0x119: {  	_ = 	snop;
	(pc) =	sbr.rel @p0 .LBB2_24-.Ltmp15, $3  }
0x11a: {  	_ =	sdelay $0x1  }
0x11b: {  	s0 =	simm.s32 $0x6  }
0x11c: {  	s3 =	simm.s32 $0x0;
	[sflag:s0] =	ssyncpa.u1 $0x1  }
0x11d: {  	s0 =	simm.s32 $0xC0  }
0x11e: {  	v0 =	vld.msk [tilespmem:s0+$0x0], $0x1;
	_ =	sdelay $0x4  }
0x11f: {  	(v2sf) =	vpush v0, $0x0;
	_ =	sdelay $0xe  }
0x120: {  	s2 =	sadd.s32 $0xFFFFFFFF, s2;
	s4 =	spop (v2sf)  }
0x121: {  	p1 =	sne.s32 s2, $0x0;
	p0 =	sgt.u32 s4, $0x4FFF  }
.Ltmp16:
0x122: {  	s5 =	sshrl.u32 @!p0 s4, $0x3;
	(pc) =	sbr.rel @!p1 .LBB2_23-.Ltmp16, $4  }
0x123: {  	s0 =	simm.s32 $0xE0;
	s4 =	sand.u32 @!p0 $0x7, s4;
	s5 =	sadd.s32 @!p0 s1, s5  }
0x124: {  	[hbm4b:s5+s4] =	stream.linear.scatter @!p0 [tilespmem:s0], [sflag:$0x5], $0x1, $0x38;
	[tilespmem:$0x11A60] =	vst v63  }
0x125: {  	s5 =	simm.s32 $0x0  }
0x126: {  	s4 =	simm.s32 $0xC1;
	s5 =	simm.s32 @!p0 $0x4  }
.LBB2_22:
0x127: {  	v0 =	vld.msk [tilespmem:s4+$0x0], $0x1;
	s2 =	sadd.s32 $0xFFFFFFFF, s2;
	s3 =	sadd.s32 s3, s5  }
0x128: {  	p0 =	sne.s32 s2, $0x0;
	_ =	sdelay $0x3  }
0x129: {  	(v2sf) =	vpush v0, $0x0;
	_ =	sdelay $0xe  }
.Ltmp17:
0x12a: {  	s6 =	spop (v2sf);
	(pc) =	sbr.rel @p0 .LBB2_22-.Ltmp17, $4  }
0x12b: {  	s5 =	simm.s32 $0x0;
	p1 =	sgt.u32 s6, $0x4FFF  }
0x12c: {  	s0 =	sadd.s32 $0x1, s0;
	s5 =	simm.s32 @!p1 $0x4;
	s7 =	sshrl.u32 @!p1 s6, $0x3  }
0x12d: {  	s4 =	sadd.s32 $0x1, s4;
	s6 =	sand.u32 @!p1 $0x7, s6;
	s7 =	sadd.s32 @!p1 s1, s7  }
0x12e: {  	[hbm4b:s7+s6] =	stream.linear.scatter @!p1 [tilespmem:s0], [sflag:$0x5], $0x1, $0x38;
	[tilespmem:$0x11A60] =	vst v63  }
.LBB2_23:
0x12f: {  	s0 =	sadd.s32 s3, s5  }
0x130: {  	s3 =	sshrl.u32 s0, $0x2  }
.LBB2_24:
0x131: {  	s0 =	simm.s32 $0x5  }
0x132: {  	_ =	swait.ge [sflag:s0], s3  }
0x133: {  	s1 =	ssub.s32 $0x0, s3;
	[sflag:s0] =	ssyncset.done $0x0  }
0x134: {  	[sflag:s0] =	ssyncadd.s32 s1  }
0x135: {  	[sflag:s0] =	ssyncpa.u1 $0x1  }
0x136: {  	s29 =	simm.s32 $0x1;
	_ =	sfence  }
0x137: {  	s30 =	simm.s32 $0x2;
	[sflag:s29] =	ssyncpa.u1 $0x1  }
0x138: {  	[sflag:s30] =	ssyncpa.u1 $0x1  }
0x139: {  	_ =	strace $0x90000053  }
0x13a: {  	[bflag:$0x2] =	sbarrier.arrive $0xFFFF  }
0x13b: {  	s31 =	rddreg [dreg:$0x1]  }
0x13c: {  	s0 =	sadd.s32 $0x100000, s31  }
0x13d: {  	[sflag:s0] =	ssyncadd.tile.s32 $0x1;
	_ =	shalt  }
.Lfunc_end2:
_tile_overlayer_lowered:
.L_overlay_start_2:
0x13e: {  	(tag) =	ssettag $0x2  }
0x13f: {  	s0 =	rddreg [dreg:$0x0];
	s2 =	stileid.u32  }
0x140: {  	s1 =	rddreg [dreg:$0x1];
	p0 =	sne.s32 s2, $0x0  }
0x141: {  	s3 =	rddreg [dreg:$0x2];
	[bflag:$0x3] =	sbarrier.arrive $0xFFFF;
	s2 =	simm.s32 @!p0 $0x1C01  }
0x142: {  	[timem:s3], [sflag:s2] =	dma.local @!p0 [hbm:s0], s1  }
0x143: {  	s0 =	simm.s32 @!p0 $0x1  }
0x144: {  	_ =	swait.ge @!p0 [sflag:s0], s1  }
0x145: {  	s1 =	ssub.s32 @!p0 $0x0, s1;
	[sflag:s0] =	ssyncset.done @!p0 $0x0  }
0x146: {  	[sflag:s0] =	ssyncadd.s32 @!p0 s1  }
0x147: {  	[bflag:$0x3] =	sbarrier.arrive $0xFFFF  }
0x148: {  	_ =	shalt  }

// kernel: scatter_offload_async_start.3
scs
__scs_entry_jumppad:
0x0: {  	(pc) =	sbr.rel $0x88, $3  }
0x1: {  	(tag) =	ssettag $0x0;
	lr =	simm.s32 $0x1  }
0x2: {  	[smem:$0x3F78] =	sst lr;
	_ =	strace $0xD0000000  }
0x3: {  	_ = 	snop  }
0x4: {  	_ = 	snop  }
0x5: {  	_ = 	snop  }
0x6: {  	_ = 	snop  }
0x7: {  	_ = 	snop  }
__scs_overlays_trampoline_lowered:
0x8: {  	[smem:$0x3F87] =	sst s0  }
0x9: {  	[smem:$0x3F88] =	sst s1  }
0xa: {  	[smem:$0x3F89] =	sst s2  }
0xb: {  	[smem:$0x3F8A] =	sst s3  }
0xc: {  	[smem:$0x3F8B] =	sst s4  }
0xd: {  	[smem:$0x3F8C] =	sst s5  }
0xe: {  	[smem:$0x3F8D] =	sst s6  }
0xf: {  	[smem:$0x3F8E] =	sst s7  }
0x10: {  	[smem:$0x3F8F] =	sst s8  }
0x11: {  	[smem:$0x3F90] =	sst s9;
	s0 =	simm.s32 @!p0 $0x0  }
0x12: {  	s1 =	sld [smem:$0x3F76];
	s0 =	simm.s32 @p0 $0x1  }
0x13: {  	[smem:$0x3F91] =	sst s0;
	s0 =	simm.s32 @!p1 $0x0  }
0x14: {  	s2 =	sld [smem:$0x3F75];
	s0 =	simm.s32 @p1 $0x1  }
0x15: {  	[smem:$0x3F92] =	sst s0;
	s0 =	simm.s32 @!p2 $0x0  }
0x16: {  	s3 =	sld [smem:$0x3FDB];
	s0 =	simm.s32 @p2 $0x1  }
0x17: {  	s4 =	simm.s32 $0x1BF5;
	[smem:$0x3F94] =	sst s0  }
0x18: {  	s0 =	sld [smem:$0x3F77];
	_ =	swait.ge [sflag:s4], $0x0  }
0x19: {  	s7 =	sld [smem:$0x3F78]  }
0x1a: {  	s8 =	sadd.s32 $0xFFFFE003, lr  }
0x1b: {  	s9 =	sadd.s32 $0xFFFFFEF7, lr;
	s5 =	simm.s32 $0xFFFFFFFF;
	p2 =	slt.u32 s8, $0xFFFFF086  }
0x1c: {  	p1 =	slt.u32 s9, $0xF7A;
	s5 =	simm.s32 @!p2 $0x0  }
0x1d: {  	s5 =	simm.s32 @p1 $0x1;
	p0 =	seq.s32 s7, s2  }
0x1e: {  	s7 =	smul.u32 @!p0 $0xF7A, s2;
	p2 =	seq.s32 @!p0 s5, $0x0  }
0x1f: {  	s9 =	smul.u32 $0xF7A, s1;
	s8 =	simm.s32 @!p0 $0x1BF5;
	p2 =	por !p2, p0  }
0x20: {  	[sflag:s8] =	ssyncset.s32 @!p0 $0xFFFFF086;
	s6 =	sadd.s32 @!p0 s3, s7;
	s7 =	simm.s32 @!p0 $0x108  }
0x21: {  	s3 =	sadd.s32 s3, s9;
	s6 =	sadd.s32 @!p0 $0x88, s6;
	s7 =	simm.s32 @p2 $0x1082  }
0x22: {  	[simem:s7], [sflag:s8] =	dma.local @!p0 [hbm:s6], $0xF7A  }
0x23: {  	s9 =	sor.u32 $0xD0000000, s2;
	s6 =	simm.s32 $0x108;
	_ =	swait.ge @!p0 [sflag:s8], $0x0  }
0x24: {  	s3 =	sadd.s32 $0x88, s3;
	s6 =	simm.s32 @!p1 $0x1082;
	[sflag:s4] =	ssyncset.s32 $0xFFFFF086  }
0x25: {  	[simem:s6], [sflag:s4] =	dma.local [hbm:s3], $0xF7A  }
0x26: {  	[smem:$0x3F78] =	sst s1;
	(tag) =	ssettag s2;
	_ =	strace s9  }
0x27: {  	s1 =	sld [smem:$0x3F88]  }
0x28: {  	s2 =	sld [smem:$0x3F89]  }
0x29: {  	s4 =	sld [smem:$0x3F8B]  }
0x2a: {  	p0 =	seq.s32 s5, $0x0;
	s5 =	sld [smem:$0x3F8C]  }
0x2b: {  	s6 =	sld [smem:$0x3F8D]  }
0x2c: {  	s7 =	sld [smem:$0x3F8E]  }
0x2d: {  	s3 =	simm.s32 $0x108;
	s8 =	sld [smem:$0x3F8F]  }
0x2e: {  	s3 =	simm.s32 @!p0 $0x1082;
	s9 =	sld [smem:$0x3F90]  }
0x2f: {  	lr =	sadd.s32 s0, s3;
	s0 =	sld [smem:$0x3F87]  }
0x30: {  	s3 =	sld [smem:$0x3F8A]  }
0x31: {  	[smem:$0x3F93] =	sst s10  }
0x32: {  	s10 =	sld [smem:$0x3F91];
	_ =	sdelay $0x3  }
0x33: {  	p0 =	seq.s32 s10, $0x1;
	s10 =	sld [smem:$0x3F93];
	_ =	sdelay $0x3  }
0x34: {  	[smem:$0x3F93] =	sst s10  }
0x35: {  	s10 =	sld [smem:$0x3F92];
	_ =	sdelay $0x3  }
0x36: {  	p1 =	seq.s32 s10, $0x1;
	s10 =	sld [smem:$0x3F93];
	_ =	sdelay $0x3  }
0x37: {  	[smem:$0x3F93] =	sst s10  }
0x38: {  	s10 =	sld [smem:$0x3F94]  }
0x39: {  	_ = 	snop;
	(pc) =	sbr.ind lr, $3  }
0x3a: {  	_ = 	snop  }
0x3b: {  	_ = 	snop  }
0x3c: {  	p2 =	seq.s32 s10, $0x1;
	s10 =	sld [smem:$0x3F93]  }
0x3d: {  	_ =	shalt  }
0x3e: {  	_ =	shalt  }
0x3f: {  	_ =	shalt  }
0x40: {  	_ =	shalt  }
0x41: {  	_ =	shalt  }
0x42: {  	_ =	shalt  }
0x43: {  	_ =	shalt  }
0x44: {  	_ =	shalt  }
0x45: {  	_ =	shalt  }
0x46: {  	_ =	shalt  }
0x47: {  	_ =	shalt  }
0x48: {  	_ =	shalt  }
0x49: {  	_ =	shalt  }
0x4a: {  	_ =	shalt  }
0x4b: {  	_ =	shalt  }
0x4c: {  	_ =	shalt  }
0x4d: {  	_ =	shalt  }
0x4e: {  	_ =	shalt  }
0x4f: {  	_ =	shalt  }
0x50: {  	_ =	shalt  }
0x51: {  	_ =	shalt  }
0x52: {  	_ =	shalt  }
0x53: {  	_ =	shalt  }
0x54: {  	_ =	shalt  }
0x55: {  	_ =	shalt  }
0x56: {  	_ =	shalt  }
0x57: {  	_ =	shalt  }
0x58: {  	_ =	shalt  }
0x59: {  	_ =	shalt  }
0x5a: {  	_ =	shalt  }
0x5b: {  	_ =	shalt  }
0x5c: {  	_ =	shalt  }
0x5d: {  	_ =	shalt  }
0x5e: {  	_ =	shalt  }
0x5f: {  	_ =	shalt  }
0x60: {  	_ =	shalt  }
0x61: {  	_ =	shalt  }
0x62: {  	_ =	shalt  }
0x63: {  	_ =	shalt  }
0x64: {  	_ =	shalt  }
0x65: {  	_ =	shalt  }
0x66: {  	_ =	shalt  }
0x67: {  	_ =	shalt  }
0x68: {  	_ =	shalt  }
0x69: {  	_ =	shalt  }
0x6a: {  	_ =	shalt  }
0x6b: {  	_ =	shalt  }
0x6c: {  	_ =	shalt  }
0x6d: {  	_ =	shalt  }
0x6e: {  	_ =	shalt  }
0x6f: {  	_ =	shalt  }
0x70: {  	_ =	shalt  }
0x71: {  	_ =	shalt  }
0x72: {  	_ =	shalt  }
0x73: {  	_ =	shalt  }
0x74: {  	_ =	shalt  }
0x75: {  	_ =	shalt  }
0x76: {  	_ =	shalt  }
0x77: {  	_ =	shalt  }
0x78: {  	_ =	shalt  }
0x79: {  	_ =	shalt  }
0x7a: {  	_ =	shalt  }
0x7b: {  	_ =	shalt  }
0x7c: {  	_ =	shalt  }
0x7d: {  	_ =	shalt  }
0x7e: {  	_ =	shalt  }
0x7f: {  	_ =	shalt  }
0x80: {  	_ =	shalt  }
0x81: {  	_ =	shalt  }
0x82: {  	_ =	shalt  }
0x83: {  	_ =	shalt  }
0x84: {  	_ =	shalt  }
0x85: {  	_ =	shalt  }
0x86: {  	_ =	shalt  }
0x87: {  	_ =	shalt  }
.Lfunc_end0:
.L_simem_size_0:
called_computation.3_lowered:
.L_overlay_start_0:
0x88: {  	s0 =	sld [smem:$0x3FD9]  }
0x89: {  	s1 =	sld [smem:$0x3FFE];
	_ =	sdelay $0x3  }
0x8a: {  	s0 =	sadd.s32 s1, s0  }
0x8b: {  	[smem:$0x3F9F] =	sst s0  }
0x8c: {  	_ = 	snop  }
0x8d: {  	(tm) =	ssettm $0x1  }
0x8e: {  	s15 =	sld [smem:$0x3FFB];
	_ =	sdelay $0x3  }
0x8f: {  	_ =	strace s15  }
0x90: {  	s0 =	sld [smem:$0x3FFC];
	_ =	sdelay $0x3  }
0x91: {  	_ =	strace s0  }
0x92: {  	s0 =	sld [smem:$0x3FFD];
	_ =	sdelay $0x3  }
0x93: {  	_ =	strace s0  }
0x94: {  	_ =	strace $0x8FFFFFFF  }
0x95: {  	s16 =	sld [smem:$0x3FDB];
	_ =	sdelay $0x1  }
0x96: {  	s17 =	simm.s32 $_scs_section_size  }
0x97: {  	s2 =	simm.s32 $_size__tile_overlayer_lowered;
	s3 =	simm.s32 $_tile_overlayer_lowered  }
0x98: {  	s20 =	simm.s32 $0x1BFF;
	s19 =	sshll.u32 s3, $0x1;
	s0 =	sadd.s32 s17, s16  }
0x99: {  	s4 =	simm.s32 $0x0;
	s18 =	sshll.u32 s2, $0x1;
	s2 =	sadd.s32 s19, s0  }
0x9a: {  	[timem:s4], [sflag:s20] =	dma.local [hbm:s2], s18  }
0x9b: {  	_ =	swait.ge [sflag:s20], s18  }
0x9c: {  	s1 =	ssub.s32 $0x0, s18;
	[sflag:s20] =	ssyncset.done $0x0  }
0x9d: {  	[sflag:s20] =	ssyncadd.s32 s1;
	_ =	sdelay $0x1  }
0x9e: {  	s21 =	simm.s32 $0x1B8B  }
0x9f: {  	_ =	swait.ge [sflag:s21], $0x1  }
0xa0: {  	[sflag:s21] =	ssyncset.done $0x0  }
0xa1: {  	s23 =	simm.s32 $0x1B8E;
	s22 =	sld [smem:$0x3FFE];
	[sflag:s21] =	ssyncadd.s32 $0xFFFFFFFF  }
0xa2: {  	s24 =	simm.s32 $execute0_lowered;
	[smem:$0x3FD2] =	sst s23  }
0xa3: {  	s2 =	sshll.u32 s24, $0x1;
	_ =	strace $0x80000058;
	[dreg:$0x1] =	wrdreg $0xFFFFFFFF  }
0xa4: {  	s25 =	simm.s32 $_size_execute0_lowered;
	s0 =	sadd.s32 s0, s2;
	[dreg:$0x0] =	wrdreg $0x0  }
0xa5: {  	s2 =	sshll.u32 s25, $0x1;
	[dreg:$0x2] =	wrdreg s0  }
0xa6: {  	[dreg:$0x3] =	wrdreg s2  }
0xa7: {  	[dreg:$0x4] =	wrdreg $0xC0  }
0xa8: {  	_ =	task [dreg:s4], $0x5FFFF  }
0xa9: {  	[dreg:$0x1] =	wrdreg $0xFFFFFFFF  }
0xaa: {  	[dreg:$0x0] =	wrdreg $0x60  }
0xab: {  	[dreg:$0x2] =	wrdreg s22  }
0xac: {  	[dreg:$0x3] =	wrdreg $0x9  }
0xad: {  	_ =	task.clear_ibuf [dreg:s4], $0x4FFFF;
	_ =	strace $0x90000058  }
0xae: {  	s26 =	simm.s32 $0x9;
	_ =	strace $0x8000005A  }
0xaf: {  	_ =	swait.ge [sflag:s26], $0x1  }
0xb0: {  	[sflag:s26] =	ssyncadd.s32 $0xFFFFFFFF  }
0xb1: {  	_ =	strace $0x9000005A  }
0xb2: {  	_ =	sfence  }
0xb3: {  	s28 =	sld [smem:$0x0];
	_ =	sdelay $0x1  }
0xb4: {  	s29 =	srdreg.scid  }
0xb5: {  	s30 =	sshll.u32 s29, $0xD;
	s31 =	sshrl.u32 s29, $0x2  }
0xb6: {  	s1 =	sand.u32 $0x1, s29;
	s2 =	sand.u32 $0x4000, s30;
	s0 =	sadd.s32 s31, s28  }
0xb7: {  	s1 =	sor.u32 s2, s1;
	s0 =	sshll.u32 s0, $0x11  }
0xb8: {  	s0 =	sor.u32 s0, s1  }
0xb9: {  	s0 =	sadd.s32 $0x8F2B, s0  }
0xba: {  	[sflag:s0] =	ssyncadd.remote.s32 $0x1  }
0xbb: {  	_ =	sfence.sel $0xFFFF  }
0xbc: {  	[dreg:$0x0] =	wrdreg $0xFFFFFFFF;
	(pc) =	sbr.abs _section_cstart, $3  }
0xbd: {  	[dreg:$0x1] =	wrdreg $0xFFFFFFFF  }
0xbe: {  	_ =	task.clear_ibuf [dreg:s4], $0x2FFFF;
	_ =	strace $0x9FFFFFFF  }
0xbf: {  	(tm) =	ssettm $0x7FFFFFFF  }
tec
execute0_lowered:
.L_overlay_start_1:
0x0: {  	(tag) =	ssettag $0x1  }
0x1: {  	s0 =	rddreg [dreg:$0x0];
	_ =	strace $0x80000059;
	s15 =	stileid.u32  }
0x2: {  	s2 =	simm.s32 $0x1;
	s1 =	smin.u32 s15, $0x8;
	s3 =	sshll.u32 s15, $0x1  }
0x3: {  	v1 =	vimm.s32 $0xFFFFFFFF;
	[sflag:s2] =	ssyncpa.u1 $0x0;
	s1 =	sadd.s32 s1, s3  }
0x4: {  	p0 =	slt.u32 s15, $0x8;
	[tilespmem:$0x10] =	vst v1;
	s4 =	smul.u32 $0x1F40, s1;
	s1 =	simm.s32 $0x5DC0  }
0x5: {  	v0 =	vimm.s32 $0x7FFFFFFF;
	[tilespmem:$0x20] =	vst v1;
	s1 =	simm.s32 @!p0 $0x3E80  }
0x6: {  	[tilespmem:$0x30] =	vst v0;
	s1 =	sadd.s32 s1, s4  }
0x7: {  	s7 =	simm.s32 $0x2;
	[tilespmem:$0x40] =	vst v0;
	s5 =	smin.u32 s1, $0x4E200  }
0x8: {  	s8 =	simm.s32 $0x8;
	s31 =	simm.s32 $0x9;
	[tilespmem:$0x50] =	vst v0;
	s9 =	ssub.s32 s5, s4  }
0x9: {  	s16 =	simm.s32 $0x0;
	s17 =	simm.s32 $0xF0;
	[tilespmem:$0x60] =	vst v1;
	p0 =	sgt.s32 s9, $0x0  }
0xa: {  	s18 =	simm.s32 $0xFFFFFFFF;
	s19 =	simm.s32 $0xFFFFC280;
	[tilespmem:$0x70] =	vst v1;
	s9 =	simm.s32 @!p0 $0x0  }
0xb: {  	s20 =	simm.s32 $0xFFFFFFFE;
	s21 =	simm.s32 $0xF;
	[tilespmem:$0x80] =	vst v1;
	s30 =	smulhi.u32 $0x10624DD3, s9  }
0xc: {  	s25 =	simm.s32 $0x0;
	s24 =	simm.s32 $0x0;
	s6 =	sadd.s32 $0x32600, s0;
	v1 =	vimm.s32 $0x0;
	[tilespmem:$0xB0] =	vst v0  }
0xd: {  	s15 =	sshllo.u32 s15, $0x1;
	s13 =	sor.u32 $0x80, s3;
	[tilespmem:$0x90] =	vst v1;
	s10 =	sshrl.u32 s30, $0x9  }
0xe: {  	[tilespmem:$0xA0] =	vst v1;
	[sflag:s7] =	ssyncpa.u1 $0x0;
	s7 =	simm.s32 $0x7;
	s11 =	smul.u32 $0x1F40, s10  }
.Ltmp0:
0xf: {  	s14 =	sor.u32 $0x81, s3;
	[sflag:s7] =	ssyncpa.u1 $0x0;
	(pc) =	sbr.rel .LBB2_1-.Ltmp0, $4  }
0x10: {  	[sflag:s8] =	ssyncpa.u1 $0x0;
	s23 =	smov.u32 s4;
	p0 =	sne.s32 s9, s11  }
0x11: {  	s1 =	sadd.s32 $0x6A00, s0;
	s0 =	sadd.s32 $0x4B200, s0;
	s2 =	simm.s32 @!p0 $0x0  }
0x12: {  	vm0 =	vmmov $0xffff;
	v2 =	vlaneseq.u32;
	[sflag:s31] =	ssyncpa.u1 $0x0;
	[dreg:$0x2] =	wrdreg s0;
	s10 =	sadd.s32 s2, s10  }
0x13: {  	vm1 =	vmxor vm1, vm1;
	vm2 =	vmmov $0x1;
	vm3 =	vcmask $0x3F3C;
	p0 =	por $0x0, $0x0;
	s11 =	sadd.s32 $0x1, s10;
	s12 =	sadd.s32 $0x2, s10  }
.LBB2_9:
0x14: {  	p1 =	slt.u32 s24, $0x3  }
0x15: {  	s0 =	simm.s32 @!p1 $0x2  }
0x16: {  	_ =	swait.ge @!p1 [sflag:s0], $0x1F40  }
0x17: {  	[sflag:s0] =	ssyncset.done @!p1 $0x0  }
0x18: {  	[sflag:s0] =	ssyncadd.s32 @!p1 $0xFFFFE0C0;
	s0 =	simm.s32 @!p1 $0x9  }
0x19: {  	_ =	swait.ge @!p1 [sflag:s0], $0x10  }
0x1a: {  	[sflag:s0] =	ssyncset.done @!p1 $0x0  }
0x1b: {  	[sflag:s0] =	ssyncadd.s32 @!p1 $0xFFFFFFF0;
	p1 =	sne.s32 s24, s12  }
.Ltmp1:
0x1c: {  	s2 =	sadd.s32 $0x1F40, s23;
	(pc) =	sbr.rel @!p1 .LBB2_10-.Ltmp1, $4  }
0x1d: {  	s9 =	smov.u32 s4;
	s31 =	sadd.s32 $0x1, s24;
	s17 =	sadd.s32 $0x1F40, s17  }
0x1e: {  	s18 =	sadd.s32 $0x1, s18;
	s25 =	smov.u32 s23;
	p2 =	slt.s32 s2, s5  }
0x1f: {  	p0 =	por !p0, !p0;
	s19 =	sadd.s32 $0x1F40, s19;
	s9 =	smov.u32 @p2 s2  }
0x20: {  	s20 =	sadd.s32 $0x1, s20;
	s23 =	smov.u32 s9;
	s24 =	smov.u32 s31  }
.LBB2_1:
0x21: {  	p1 =	sge.u32 s24, s10  }
0x22: {  	s0 =	smulhi.u32 @!p1 $0xAAAAAAAB, s24;
	_ =	sdelay $0x1  }
0x23: {  	s0 =	sshrl.u32 @!p1 s0, $0x1  }
0x24: {  	s0 =	smul.u32 @!p1 $0x3, s0;
	_ =	sdelay $0x1  }
0x25: {  	s0 =	ssub.s32 @!p1 s24, s0  }
0x26: {  	s0 =	smul.u32 @!p1 $0x7D00, s0;
	_ =	sdelay $0x1  }
0x27: {  	s2 =	sshrl.u32 @!p1 s23, $0x3;
	s0 =	sshrl.u32 @!p1 s0, $0x2  }
0x28: {  	s9 =	sand.u32 @!p1 $0x7, s23;
	s2 =	sadd.s32 @!p1 s6, s2;
	s0 =	sadd.s32 @!p1 $0x100, s0  }
0x29: {  	[tilespmem:s0], [sflag:$0x7] =	stream.linear.gather @!p1 [hbm4b:s2+s9], $0x1F40, $0x38;
	[tilespmem:$0x11A60] =	vst v63  }
0x2a: {  	s0 =	sadd.s32 $0xFFFFFFFF, s24  }
0x2b: {  	p1 =	sge.u32 s0, s10  }
.Ltmp2:
0x2c: {  	_ = 	snop;
	(pc) =	sbr.rel @p1 .LBB2_5-.Ltmp2, $1  }
0x2d: {  	_ =	sdelay $0x3  }
0x2e: {  	s2 =	smulhi.u32 $0xAAAAAAAB, s0;
	_ =	sdelay $0x1  }
0x2f: {  	s2 =	sshrl.u32 s2, $0x1  }
0x30: {  	s2 =	smul.u32 $0x3, s2;
	_ =	sdelay $0x1  }
0x31: {  	s2 =	ssub.s32 s0, s2  }
0x32: {  	s2 =	smul.u32 $0x7D00, s2  }
0x33: {  	_ =	swait.ge [sflag:s7], $0x1F40  }
0x34: {  	[sflag:s7] =	ssyncset.done $0x0;
	s2 =	sshrl.u32 s2, $0x2  }
0x35: {  	[sflag:s7] =	ssyncadd.s32 $0xFFFFE0C0;
	(ifvalue) =	ssetifvalue $0xFFFFFFFF;
	v3 =	vld.msk [tilespmem:s2+$0x100 ss:$0x1], $0xffff;
	_ =	sdelay $0x2  }
0x36: {  	s30 =	smulhi.u32 $0xAAAAAAAB, s18;
	p1 =	sne.s32 s24, $0x1  }
0x37: {  	v4 =	vimm.s32 @!p1 $0x0  }
0x38: {  	s2 =	sshrl.u32 s30, $0x1;
	v4 =	vperm.xlane @!p1 v3, v4  }
0x39: {  	s9 =	sshll.u32 s24, $0x4;
	s2 =	smul.u32 $0xFFFE8900, s2;
	vm4 =	vlt.u32 v3, $0x5000  }
0x3a: {  	s9 =	sand.u32 $0x10, s9;
	v3 =	vnsel vm4, $0xFFFFFFFE, v3;
	vm4 =	vlt.u32 @!p1 v4, $0x5000  }
0x3b: {  	s2 =	sshra.s32 s2, $0x2;
	[tilespmem:s9+$0x60] =	vst v3;
	v3 =	vnsel @!p1 vm4, $0xFFFFFFFE, v4  }
0x3c: {  	s26 =	sadd.s32 s2, s17;
	[tilespmem:$0x80] =	vst @!p1 v3  }
0x3d: {  	v3 =	vld.msk [tilespmem:s26+$0x0 ss:$0x1], $0xffff;
	_ =	sdelay $0x4  }
0x3e: {  	(xrf1) =	vunique.msk.u32 $0xffff, v3;
	_ =	sdelay $0xd  }
0x3f: {  	v4 =	vimm.s32 $0xFFFFFFFF;
	v5, _, _ =	vpop (xrf1)  }
0x40: {  	vm5 =	vne.s32 v3, v4;
	vm4 =	veq.s32 v5, v2  }
0x41: {  	vm6 =	vlt.u32 v3, $0x5000;
	vm4 =	vmand vm5, vm4  }
0x42: {  	vm4 =	vmand vm6, vm4  }
0x43: {  	v4 =	vnsel vm4, $0xFFFFFFFF, v3  }
0x44: {  	s31 =	sand.u32 $0x1, s0  }
0x45: {  	s0 =	simm.s32 $0x1F40;
	p1 =	seq.s32 s31, $0x1  }
0x46: {  	s0 =	simm.s32 @!p1 $0x0  }
0x47: {  	s2 =	sadd.s32 $0x7DF0, s0;
	(ifvalue) =	ssetifvalue $0xFFFFFFFF  }
0x48: {  	v3 =	vperm.xlane v3, v1;
	[tilespmem:s2], [sflag:$0x8] =	stream.indirect_vreg.gather [hbm4b:s1+s16], $0x1, v4, vm0, $0x4038;
	v4 =	vnsel vm6, $0xFFFFFFFE, v4;
	[tilespmem:$0x11A60] =	vst v63  }
0x49: {  	s22 =	sadd.s32 $0xFFFFFFF0, s26;
	s9 =	simm.s32 $0x0;
	[tilespmem:s26+$0x0] =	vst v4  }
.LBB2_3:
0x4a: {  	v4 =	vld.msk [tilespmem:s22+$0x0 ss:$0x1], $0xffff;
	s9 =	sadd.s32 $0x10, s9;
	v5 =	vmov v3;
	s26 =	smov.u32 s22  }
0x4b: {  	p1 =	slt.u32 s9, $0x1F30;
	_ =	sdelay $0x4  }
0x4c: {  	v3 =	vperm.xlane v4, v1;
	(xrf1) =	vunique.msk.u32 $0xffff, v4;
	_ =	sdelay $0xd  }
0x4d: {  	v6, _, _ =	vpop (xrf1)  }
0x4e: {  	vm5 =	vne.s32 v4, v5;
	vm4 =	veq.s32 v6, v2  }
0x4f: {  	vm6 =	vlt.u32 v4, $0x5000;
	vm4 =	vmand vm5, vm4  }
0x50: {  	vm4 =	vmand vm6, vm4  }
0x51: {  	v4 =	vnsel vm4, $0xFFFFFFFF, v4  }
.Ltmp3:
0x52: {  	v5 =	vnsel vm6, $0xFFFFFFFE, v4;
	(pc) =	sbr.rel @p1 .LBB2_3-.Ltmp3, $3  }
0x53: {  	_ =	sdelay $0x1  }
0x54: {  	s22 =	sadd.s32 $0xFFFFFFF0, s22;
	s2 =	sadd.s32 $0xFFFFFFF0, s2;
	(ifvalue) =	ssetifvalue $0xFFFFFFFF  }
0x55: {  	[tilespmem:s2], [sflag:$0x8] =	stream.indirect_vreg.gather [hbm4b:s1+s16], $0x1, v4, vm0, $0x4038;
	[tilespmem:s26+$0x0] =	vst v5  }
0x56: {  	s2 =	sshrl.u32 s25, $0x3;
	s9 =	rddreg [dreg:$0x2]  }
0x57: {  	s0 =	sadd.s32 $0x9D40, s0;
	s2 =	sadd.s32 s9, s2  }
0x58: {  	[tilespmem:s0], [sflag:$0x8] =	stream.linear.gather [hbm:s2], $0x1F40, $0x38;
	[tilespmem:$0x11A60] =	vst v63  }
.LBB2_5:
0x59: {  	p1 =	slt.u32 s24, $0x2  }
0x5a: {  	p2 =	sge.u32 @!p1 s24, s12  }
0x5b: {  	p1 =	por p1, p2  }
.Ltmp4:
0x5c: {  	_ = 	snop;
	(pc) =	sbr.rel @p1 .LBB2_9-.Ltmp4, $1  }
0x5d: {  	_ =	sdelay $0x3  }
0x5e: {  	s0 =	sadd.s32 $0xFFFFFFFE, s24  }
0x5f: {  	s2 =	smulhi.u32 $0xAAAAAAAB, s0;
	_ =	sdelay $0x1  }
0x60: {  	s2 =	sshrl.u32 s2, $0x1  }
0x61: {  	s2 =	smul.u32 $0x3, s2;
	_ =	sdelay $0x1  }
0x62: {  	s0 =	ssub.s32 s0, s2  }
0x63: {  	_ =	swait.ge [sflag:s8], $0x3E80;
	s0 =	smul.u32 $0x1F40, s0  }
0x64: {  	p1 =	sne.s32 s24, s11;
	[sflag:s8] =	ssyncset.done $0x0  }
0x65: {  	[sflag:s8] =	ssyncadd.s32 $0xFFFFC180;
	s2 =	sadd.s32 @!p1 $0x203F, s0  }
0x66: {  	[spmem:s14] =	stream.linear.scatter @!p1 [tilespmem:s2], [sflag:$0x1], $0x1, $0x38;
	[tilespmem:$0x11A60] =	vst v63  }
0x67: {  	s2 =	simm.s32 @!p1 $0x1  }
0x68: {  	_ =	swait.ge @!p1 [sflag:s2], $0x1  }
0x69: {  	s9 =	sshll.u32 s24, $0x4;
	[sflag:s2] =	ssyncset.done @!p1 $0x0  }
0x6a: {  	s25 =	sand.u32 $0x10, s9;
	[sflag:s2] =	ssyncadd.s32 @!p1 $0xFFFFFFFF  }
0x6b: {  	s2 =	sxor.u32 $0x10, s25;
	v4 =	vld [tilespmem:s25+$0x10]  }
0x6c: {  	v5 =	vld [tilespmem:s2+$0x60]  }
0x6d: {  	v3 =	vld [tilespmem:$0x80];
	_ =	sdelay $0x2  }
0x6e: {  	(v2sf) =	vpush v4, $0x0  }
0x6f: {  	(v2sf) =	vpush v5, $0x0  }
0x70: {  	(v2sf) =	vpush v3, $0x0;
	_ =	sdelay $0xc  }
0x71: {  	s26 =	spop (v2sf)  }
0x72: {  	s22 =	spop (v2sf)  }
0x73: {  	s28 =	spop (v2sf)  }
0x74: {  	p3 =	seq.s32 s26, s22;
	p2 =	seq.s32 s28, s26  }
0x75: {  	p2 =	por p3, p2  }
0x76: {  	s26 =	sand.u32 $0x1, s24;
	v4 =	vpsel p2, $0xFFFFFFFF, v4  }
0x77: {  	s29 =	smul.u32 $0x1F40, s26;
	[tilespmem:s25+$0x10] =	vst.msk $0x1, v4  }
0x78: {  	v4 =	vld [tilespmem:$0x30]  }
0x79: {  	v5 =	vld [tilespmem:s29+$0x9D40]  }
0x7a: {  	v6 =	vld [tilespmem:s25+$0x40];
	_ =	sdelay $0x3  }
0x7b: {  	vm4 =	vmmov vm1;
	vm6 =	vmmov vm2;
	vm5 =	vlt.s32 v4, v5  }
0x7c: {  	vm4 =	vmmov @p3 vm2;
	s9 =	sshll.u32 s26, $0x4;
	v5 =	vsel vm5, v4, v5;
	vm5 =	vlt.s32 v4, v6  }
0x7d: {  	vm6 =	vmmov @p2 vm1;
	s26 =	sor.u32 $0x11A40, s9;
	v4 =	vsel vm5, v4, v6;
	[tilespmem:s29+$0x9D40] =	vst.msk vm4, v5  }
0x7e: {  	[tilespmem:s26+$0x0] =	vst.msk vm6, v4  }
0x7f: {  	v4 =	vld [tilespmem:s29+$0x7DF0];
	_ =	sdelay $0x4  }
0x80: {  	v4 =	vshift.insert v4, v1, s21  }
0x81: {  	s22 =	sor.u32 $0x40, s2  }
0x82: {  	v5 =	vimm.s32 $0x7FFFFFFF;
	[tilespmem:s22+$0x0] =	vst.msk $0x1, v4  }
0x83: {  	[tilespmem:s29+$0x7DFF] =	vst.msk $0x1, v5  }
0x84: {  	v4 =	vld [tilespmem:s0+$0x2030];
	_ =	sdelay $0x1  }
0x85: {  	s0 =	simm.s32 $0x1  }
0x86: {  	s22 =	smulhi.u32 $0xAAAAAAAB, s20;
	s0 =	simm.s32 @!p0 $0x0  }
0x87: {  	s0 =	smul.u32 $0x7D00, s0  }
0x88: {  	s9 =	sshrl.u32 s22, $0x1;
	v4 =	vshift.insert v4, v1, s21  }
0x89: {  	s9 =	smul.u32 $0xFFFE8900, s9;
	s0 =	sshrl.u32 s0, $0x2  }
0x8a: {  	s22 =	sadd.s32 $0x9D40, s0;
	[tilespmem:s2+$0x10] =	vst.msk $0x1, v4  }
0x8b: {  	s9 =	sshra.s32 s9, $0x2;
	v6 =	vld [tilespmem:s22+$0x0]  }
0x8c: {  	s2 =	sadd.s32 s9, s19  }
0x8d: {  	v7 =	vld [tilespmem:s2+$0x0];
	_ =	sdelay $0x2  }
0x8e: {  	vm4 =	vlt.s32 v6, v5  }
0x8f: {  	v5 =	vsel vm4, v6, v5  }
0x90: {  	vm4 =	vne.s32 v7, $0xFFFFFFFF;
	v5 =	vxor.u32 $0x80000000, v5  }
0x91: {  	(xrf0) =	vmin.seg.scan.u32 vm4, v5  }
0x92: {  	s9 =	sadd.s32 $0x5EC0, s0  }
0x93: {  	v8 =	vld [tilespmem:s9+$0x0]  }
0x94: {  	v6 =	vld [tilespmem:$0xA0];
	_ =	sdelay $0x2  }
0x95: {  	v5 =	vperm.xlane v4, v1;
	v9, _, _ =	vpop (xrf0)  }
0x96: {  	vm6 =	veq.s32 v7, v3;
	v9 =	vxor.u32 $0x80000000, v9  }
0x97: {  	vm8 =	veq.s32 v7, v5;
	vm5 =	veq.s32 v6, $0x1;
	vm7 =	vlt.s32 v9, v8  }
0x98: {  	vm8 =	vmor vm8, vm6;
	v6 =	vsel vm7, v9, v8;
	vm7 =	vgt.u32 v7, $0xFFFFFFFD  }
0x99: {  	v10 =	vld [tilespmem:$0x90];
	vm9 =	vmand vm4, vm3;
	vm4 =	vmor vm5, vm6;
	vm5 =	vmor vm8, vm7  }
0x9a: {  	v8 =	vsel vm5, $0xFFFFFFFF, v7;
	_ =	sdelay $0x1  }
0x9b: {  	s31 =	simm.s32 $0x0  }
0x9c: {  	s30 =	sadd.s32 $0xDBC0, s0;
	s0 =	sadd.s32 $0x10, s22;
	s2 =	sadd.s32 $0x10, s2;
	v11 =	vsel vm9, $0x7FFFFFFF, v9;
	v6 =	vsel vm6, v9, v6  }
0x9d: {  	s22 =	sadd.s32 $0x10, s30;
	s9 =	sadd.s32 $0x10, s9;
	[tilespmem:s30+$0x0] =	vst v6;
	v6 =	vsel vm6, v9, v10;
	v7 =	vshift.insert v11, v0, s21;
	(ifvalue) =	ssetifvalue $0xFFFFFFFF  }
.LBB2_7:
0x9e: {  	[hbm4b:s1+s16] =	stream.indirect_vreg.scatter [tilespmem:s30], [sflag:$0x2], $0x1, v8, vm0, $0x4038;
	[tilespmem:$0x11A60] =	vst v63  }
0x9f: {  	s31 =	sadd.s32 $0x10, s31;
	s30 =	smov.u32 s22;
	v8 =	vld [tilespmem:s0+$0x0]  }
0xa0: {  	p2 =	slt.u32 s31, $0x1F30  }
0xa1: {  	v9 =	vld [tilespmem:s2+$0x0];
	_ =	sdelay $0x2  }
0xa2: {  	vm5 =	vlt.s32 v8, v7  }
0xa3: {  	v7 =	vsel vm5, v8, v7  }
0xa4: {  	vm5 =	vne.s32 v9, $0xFFFFFFFF;
	v7 =	vxor.u32 $0x80000000, v7  }
0xa5: {  	(xrf0) =	vmin.seg.scan.u32 vm5, v7;
	_ =	sdelay $0x2  }
0xa6: {  	v7 =	vld [tilespmem:s9+$0x0];
	_ =	sdelay $0x1  }
0xa7: {  	vm6 =	veq.s32 v9, v3;
	vm7 =	veq.s32 v9, v5  }
0xa8: {  	vm8 =	vgt.u32 v9, $0xFFFFFFFD;
	vm4 =	vmor vm4, vm6;
	vm7 =	vmor vm7, vm6;
	v8, _, _ =	vpop (xrf0)  }
0xa9: {  	vm5 =	vmand vm5, vm3;
	vm7 =	vmor vm7, vm8;
	v10 =	vxor.u32 $0x80000000, v8  }
.Ltmp5:
0xaa: {  	v8 =	vsel vm7, $0xFFFFFFFF, v9;
	vm7 =	vlt.s32 v10, v7;
	v9 =	vsel vm5, $0x7FFFFFFF, v10;
	(pc) =	sbr.rel @p2 .LBB2_7-.Ltmp5, $4  }
0xab: {  	v6 =	vsel vm6, v10, v6;
	v11 =	vsel vm7, v10, v7;
	v7 =	vshift.insert v9, v0, s21  }
0xac: {  	v9 =	vsel vm6, v10, v11  }
0xad: {  	s0 =	sadd.s32 $0x10, s0;
	s2 =	sadd.s32 $0x10, s2;
	[tilespmem:s22+$0x0] =	vst v9  }
0xae: {  	s9 =	sadd.s32 $0x10, s9;
	s22 =	sadd.s32 $0x10, s22;
	(ifvalue) =	ssetifvalue $0xFFFFFFFF  }
0xaf: {  	_ =	sdelay $0x3  }
0xb0: {  	[hbm4b:s1+s16] =	stream.indirect_vreg.scatter [tilespmem:s30], [sflag:$0x2], $0x1, v8, vm0, $0x4038;
	[tilespmem:$0x11A60] =	vst v63  }
0xb1: {  	v3 =	vld [tilespmem:s29+$0xFAF0];
	_ =	sdelay $0x4  }
0xb2: {  	v3 =	vshift.insert v3, v1, s21  }
0xb3: {  	s0 =	simm.s32 $0x30  }
0xb4: {  	[tilespmem:s0+$0x0] =	vst.msk $0x1, v3  }
0xb5: {  	v3 =	vsel vm4, $0x1, v1;
	[tilespmem:$0x90] =	vst v6  }
0xb6: {  	s0 =	sadd.s32 @!p1 $0xFAFF, s29;
	[tilespmem:$0xA0] =	vst v3  }
0xb7: {  	[spmem:s15] =	stream.linear.scatter @!p1 [tilespmem:s0], [sflag:$0x1], $0x1, $0x38;
	[tilespmem:$0x11A60] =	vst v63  }
0xb8: {  	s0 =	simm.s32 @!p1 $0x1  }
0xb9: {  	v3 =	vmctz.xlane @!p1 vm4;
	_ =	swait.ge @!p1 [sflag:s0], $0x1  }
0xba: {  	(v2sf) =	vpush @!p1 v4, $0x0  }
0xbb: {  	(v2sf) =	vpush @!p1 v3, $0x0;
	_ =	sdelay $0xd  }
0xbc: {  	s2 =	spop @!p1 (v2sf)  }
0xbd: {  	s9 =	spop @!p1 (v2sf)  }
0xbe: {  	p2 =	sne.s32 @!p1 s28, s2;
	p3 =	slt.s32 @!p1 s9, $0xF  }
0xbf: {  	[sflag:s0] =	ssyncset.done @!p1 $0x0;
	p2 =	por p2, p1;
	p3 =	por !p3, p1  }
0xc0: {  	[sflag:s0] =	ssyncadd.s32 @!p1 $0xFFFFFFFF;
	v3 =	vimm.s32 @!p2 $0xFFFFFFFF;
	s9 =	simm.s32 @p3 $0xF  }
0xc1: {  	[tilespmem:$0x80] =	vst @!p2 v3;
	s2 =	sadd.s32 @!p1 $0x90, s9  }
0xc2: {  	[spmem:s3] =	stream.linear.scatter @!p1 [tilespmem:s2], [sflag:$0x1], $0x1, $0x38;
	[tilespmem:$0x11A60] =	vst v63  }
0xc3: {  	_ =	swait.ge @!p1 [sflag:s0], $0x1  }
0xc4: {  	[sflag:s0] =	ssyncset.done @!p1 $0x0  }
0xc5: {  	s2 =	simm.s32 @!p1 $0x80;
	[sflag:s0] =	ssyncadd.s32 @!p1 $0xFFFFFFFF  }
0xc6: {  	[spmem:s13] =	stream.linear.scatter @!p1 [tilespmem:s2], [sflag:$0x1], $0x1, $0x38;
	[tilespmem:$0x11A60] =	vst v63  }
0xc7: {  	_ =	swait.ge @!p1 [sflag:s0], $0x1  }
0xc8: {  	[sflag:s0] =	ssyncset.done @!p1 $0x0  }
0xc9: {  	[sflag:s0] =	ssyncadd.s32 @!p1 $0xFFFFFFFF;
	(ifvalue) =	ssetifvalue $0xFFFFFFFF;
	v3 =	vld [tilespmem:s25+$0x10];
	_ =	sdelay $0x3  }
.Ltmp6:
0xca: {  	_ = 	snop;
	(pc) =	sbr.rel .LBB2_9-.Ltmp6, $3  }
0xcb: {  	_ =	sdelay $0x1  }
0xcc: {  	(ifvalue) =	ssetifvalue $0xFFFFFFFF  }
0xcd: {  	[hbm4b:s1+s16] =	stream.indirect_vreg.scatter [tilespmem:s26], [sflag:$0x9], $0x1, v3, vm0, $0x4038;
	[tilespmem:$0x11A60] =	vst v63  }
.LBB2_10:
0xce: {  	_ =	sfence.sel $0x180000  }
0xcf: {  	s0 =	simm.s32 $0x7;
	[bflag:$0x0] =	sbarrier.arrive $0xFFFF  }
0xd0: {  	s26 =	simm.s32 $0x8;
	[sflag:s0] =	ssyncpa.u1 $0x1  }
0xd1: {  	s28 =	simm.s32 $0x9;
	[sflag:s26] =	ssyncpa.u1 $0x1  }
0xd2: {  	[sflag:s28] =	ssyncpa.u1 $0x1  }
0xd3: {  	_ =	sfence.stream.spmem  }
0xd4: {  	s29 =	simm.s32 $0x3;
	[bflag:$0x0] =	sbarrier.arrive $0xFFFF  }
0xd5: {  	s30 =	simm.s32 $0x4;
	[sflag:s29] =	ssyncpa.u1 $0x1  }
0xd6: {  	s31 =	simm.s32 $0x3C;
	s2 =	stileid.u32;
	[sflag:s30] =	ssyncpa.u1 $0x1  }
0xd7: {  	p0 =	sne.s32 s2, $0x0;
	[sflag:s31] =	ssyncpa.u1 $0x1  }
0xd8: {  	s0 =	simm.s32 @p0 $0x1;
	_ =	sfence @p0  }
0xd9: {  	[sflag:s0] =	ssyncpa.u1 @p0 $0x1;
	s0 =	simm.s32 @p0 $0x2  }
0xda: {  	[sflag:s0] =	ssyncpa.u1 @p0 $0x1  }
0xdb: {  	_ =	strace @p0 $0x90000059  }
0xdc: {  	[bflag:$0x2] =	sbarrier.arrive @p0 $0xFFFF  }
0xdd: {  	_ =	shalt @p0  }
.LBB2_11:
0xde: {  	_ =	sfence.stream.spmem;
	s0 =	simm.s32 $0x5  }
0xdf: {  	s2 =	simm.s32 $0x80;
	s3 =	simm.s32 $0xC0;
	[sflag:s0] =	ssyncpa.u1 $0x0  }
0xe0: {  	[tilespmem:s3], [sflag:$0x5] =	stream.linear.gather [spmem:s2], $0x20, $0x38;
	[tilespmem:$0x11A60] =	vst v63  }
0xe1: {  	s30 =	simm.s32 $0xE0;
	s2 =	simm.s32 $0x0  }
0xe2: {  	[tilespmem:s30], [sflag:$0x5] =	stream.linear.gather [spmem:s2], $0x20, $0x38;
	[tilespmem:$0x11A60] =	vst v63  }
.Ltmp7:
0xe3: {  	_ = 	snop;
	(pc) =	sbr.rel .LBB2_12-.Ltmp7, $4  }
0xe4: {  	_ =	swait.ge [sflag:s0], $0x40  }
0xe5: {  	[sflag:s0] =	ssyncset.done $0x0  }
0xe6: {  	s31 =	simm.s32 $0x6;
	[sflag:s0] =	ssyncadd.s32 $0xFFFFFFC0  }
0xe7: {  	s3 =	simm.s32 $0x0;
	[sflag:s31] =	ssyncpa.u1 $0x0  }
.LBB2_17:
0xe8: {  	p0 =	sgt.u32 s4, $0x4FFF  }
0xe9: {  	s0 =	sshrl.u32 @!p0 s4, $0x3  }
0xea: {  	s4 =	sand.u32 @!p0 $0x7, s4;
	s5 =	simm.s32 @!p0 $0xB0;
	s0 =	sadd.s32 @!p0 s1, s0  }
0xeb: {  	[tilespmem:s5], [sflag:$0x6] =	stream.linear.gather @!p0 [hbm4b:s0+s4], $0x1, $0x38;
	[tilespmem:$0x11A60] =	vst v63  }
0xec: {  	s0 =	simm.s32 @!p0 $0x6  }
0xed: {  	_ =	swait.ge @!p0 [sflag:s0], $0x1  }
0xee: {  	[sflag:s0] =	ssyncset.done @!p0 $0x0  }
0xef: {  	[sflag:s0] =	ssyncadd.s32 @!p0 $0xFFFFFFFF  }
0xf0: {  	v1 =	vld.msk @!p0 [tilespmem:$0xB0], $0x1  }
0xf1: {  	v2 =	vld.msk @!p0 [tilespmem:s3+$0xE0], $0x1;
	_ =	sdelay $0x4  }
0xf2: {  	vm0 =	vlt.s32 @!p0 v2, v1  }
0xf3: {  	v1 =	vsel @!p0 vm0, v2, v1  }
0xf4: {  	[tilespmem:s3+$0xE0] =	vst.msk @!p0 $0x1, v1  }
0xf5: {  	[tilespmem:s2+$0xC0] =	vst.msk $0x1, v0  }
0xf6: {  	v0 =	vld.msk [tilespmem:s3+$0xE0], $0x1;
	_ =	sdelay $0x4  }
0xf7: {  	[tilespmem:s2+$0xE0] =	vst.msk $0x1, v0;
	s2 =	sadd.s32 $0x1, s2  }
.LBB2_19:
0xf8: {  	s3 =	sadd.s32 $0x1, s3  }
0xf9: {  	p0 =	sne.s32 s3, $0x20  }
.Ltmp8:
0xfa: {  	_ = 	snop;
	(pc) =	sbr.rel @!p0 .LBB2_20-.Ltmp8, $1  }
0xfb: {  	_ =	sdelay $0x3  }
.LBB2_12:
0xfc: {  	v0 =	vld.msk [tilespmem:s3+$0xC0], $0x1;
	_ =	sdelay $0x4  }
0xfd: {  	(v2sf) =	vpush v0, $0x0;
	_ =	sdelay $0xe  }
0xfe: {  	s4 =	spop (v2sf)  }
0xff: {  	p0 =	seq.s32 s4, $0xFFFFFFFF  }
.Ltmp9:
0x100: {  	_ = 	snop;
	(pc) =	sbr.rel @p0 .LBB2_19-.Ltmp9, $1  }
0x101: {  	_ =	sdelay $0x3  }
0x102: {  	p0 =	slt.s32 s2, $0x1  }
.Ltmp10:
0x103: {  	_ = 	snop;
	(pc) =	sbr.rel @p0 .LBB2_17-.Ltmp10, $1  }
0x104: {  	_ =	sdelay $0x3  }
0x105: {  	s0 =	simm.s32 $0xC0;
	p0 =	por $0x0, $0x0  }
0x106: {  	v1 =	vld.msk @!p0 [tilespmem:s0+$0x0], $0x1;
	_ =	sdelay $0x4  }
0x107: {  	(v2sf) =	vpush @!p0 v1, $0x0;
	_ =	sdelay $0xd  }
0x108: {  	p2 =	sne.s32 s2, $0x1  }
.Ltmp11:
0x109: {  	s5 =	spop @!p0 (v2sf);
	(pc) =	sbr.rel @!p2 .LBB2_16-.Ltmp11, $4  }
0x10a: {  	p1 =	seq.s32 @!p0 s4, s5  }
0x10b: {  	s5 =	simm.s32 $0x0;
	p1 =	por !p1, p0  }
0x10c: {  	s7 =	simm.s32 $0xFFFFFFFF;
	s5 =	simm.s32 @p1 $0xFFFFFFFF  }
0x10d: {  	s6 =	simm.s32 $0x1;
	s5 =	smov.u32 @p0 s7  }
.LBB2_15:
0x10e: {  	s7 =	smov.u32 s5;
	p0 =	sne.s32 s5, $0xFFFFFFFF  }
0x10f: {  	s0 =	sadd.s32 $0x1, s0;
	s5 =	smov.u32 s6;
	s6 =	sadd.s32 $0x1, s6  }
0x110: {  	p1 =	sne.s32 s2, s6;
	v1 =	vld.msk @!p0 [tilespmem:s0+$0x0], $0x1;
	_ =	sdelay $0x4  }
0x111: {  	(v2sf) =	vpush @!p0 v1, $0x0;
	_ =	sdelay $0xe  }
.Ltmp12:
0x112: {  	s8 =	spop @!p0 (v2sf);
	(pc) =	sbr.rel @p1 .LBB2_15-.Ltmp12, $4  }
0x113: {  	p2 =	seq.s32 @!p0 s4, s8  }
0x114: {  	p2 =	por !p2, p0  }
0x115: {  	s5 =	simm.s32 @p2 $0xFFFFFFFF  }
0x116: {  	s5 =	smov.u32 @p0 s7  }
.LBB2_16:
0x117: {  	p0 =	sne.s32 s5, $0xFFFFFFFF  }
.Ltmp13:
0x118: {  	_ = 	snop;
	(pc) =	sbr.rel @!p0 .LBB2_17-.Ltmp13, $1  }
0x119: {  	_ =	sdelay $0x3  }
0x11a: {  	v0 =	vld.msk [tilespmem:s3+$0xE0], $0x1  }
0x11b: {  	v1 =	vld.msk [tilespmem:s5+$0xE0], $0x1;
	_ =	sdelay $0x2  }
.Ltmp14:
0x11c: {  	_ = 	snop;
	(pc) =	sbr.rel .LBB2_19-.Ltmp14, $4  }
0x11d: {  	_ = 	snop  }
0x11e: {  	vm0 =	vlt.s32 v1, v0  }
0x11f: {  	v0 =	vsel vm0, v1, v0  }
0x120: {  	[tilespmem:s5+$0xE0] =	vst.msk $0x1, v0  }
.LBB2_20:
0x121: {  	p0 =	slt.s32 s2, $0x1  }
.Ltmp15:
0x122: {  	_ = 	snop;
	(pc) =	sbr.rel @p0 .LBB2_24-.Ltmp15, $3  }
0x123: {  	_ =	sdelay $0x1  }
0x124: {  	s0 =	simm.s32 $0x6  }
0x125: {  	s3 =	simm.s32 $0x0;
	[sflag:s0] =	ssyncpa.u1 $0x1  }
0x126: {  	s0 =	simm.s32 $0xC0  }
0x127: {  	v0 =	vld.msk [tilespmem:s0+$0x0], $0x1;
	_ =	sdelay $0x4  }
0x128: {  	(v2sf) =	vpush v0, $0x0;
	_ =	sdelay $0xe  }
0x129: {  	s2 =	sadd.s32 $0xFFFFFFFF, s2;
	s4 =	spop (v2sf)  }
0x12a: {  	p1 =	sne.s32 s2, $0x0;
	p0 =	sgt.u32 s4, $0x4FFF  }
.Ltmp16:
0x12b: {  	s5 =	sshrl.u32 @!p0 s4, $0x3;
	(pc) =	sbr.rel @!p1 .LBB2_23-.Ltmp16, $4  }
0x12c: {  	s0 =	simm.s32 $0xE0;
	s4 =	sand.u32 @!p0 $0x7, s4;
	s5 =	sadd.s32 @!p0 s1, s5  }
0x12d: {  	[hbm4b:s5+s4] =	stream.linear.scatter @!p0 [tilespmem:s0], [sflag:$0x5], $0x1, $0x38;
	[tilespmem:$0x11A60] =	vst v63  }
0x12e: {  	s5 =	simm.s32 $0x0  }
0x12f: {  	s4 =	simm.s32 $0xC1;
	s5 =	simm.s32 @!p0 $0x4  }
.LBB2_22:
0x130: {  	v0 =	vld.msk [tilespmem:s4+$0x0], $0x1;
	s2 =	sadd.s32 $0xFFFFFFFF, s2;
	s3 =	sadd.s32 s3, s5  }
0x131: {  	p0 =	sne.s32 s2, $0x0;
	_ =	sdelay $0x3  }
0x132: {  	(v2sf) =	vpush v0, $0x0;
	_ =	sdelay $0xe  }
.Ltmp17:
0x133: {  	s6 =	spop (v2sf);
	(pc) =	sbr.rel @p0 .LBB2_22-.Ltmp17, $4  }
0x134: {  	s5 =	simm.s32 $0x0;
	p1 =	sgt.u32 s6, $0x4FFF  }
0x135: {  	s0 =	sadd.s32 $0x1, s0;
	s5 =	simm.s32 @!p1 $0x4;
	s7 =	sshrl.u32 @!p1 s6, $0x3  }
0x136: {  	s4 =	sadd.s32 $0x1, s4;
	s6 =	sand.u32 @!p1 $0x7, s6;
	s7 =	sadd.s32 @!p1 s1, s7  }
0x137: {  	[hbm4b:s7+s6] =	stream.linear.scatter @!p1 [tilespmem:s0], [sflag:$0x5], $0x1, $0x38;
	[tilespmem:$0x11A60] =	vst v63  }
.LBB2_23:
0x138: {  	s0 =	sadd.s32 s3, s5  }
0x139: {  	s3 =	sshrl.u32 s0, $0x2  }
.LBB2_24:
0x13a: {  	s0 =	simm.s32 $0x5  }
0x13b: {  	_ =	swait.ge [sflag:s0], s3  }
0x13c: {  	s1 =	ssub.s32 $0x0, s3;
	[sflag:s0] =	ssyncset.done $0x0  }
0x13d: {  	[sflag:s0] =	ssyncadd.s32 s1  }
0x13e: {  	[sflag:s0] =	ssyncpa.u1 $0x1  }
0x13f: {  	s29 =	simm.s32 $0x1;
	_ =	sfence  }
0x140: {  	s30 =	simm.s32 $0x2;
	[sflag:s29] =	ssyncpa.u1 $0x1  }
0x141: {  	[sflag:s30] =	ssyncpa.u1 $0x1  }
0x142: {  	_ =	strace $0x90000059  }
0x143: {  	[bflag:$0x2] =	sbarrier.arrive $0xFFFF  }
0x144: {  	s31 =	rddreg [dreg:$0x1]  }
0x145: {  	s0 =	sadd.s32 $0x100000, s31  }
0x146: {  	[sflag:s0] =	ssyncadd.tile.s32 $0x1;
	_ =	shalt  }
.Lfunc_end2:
_tile_overlayer_lowered:
.L_overlay_start_2:
0x147: {  	(tag) =	ssettag $0x2  }
0x148: {  	s0 =	rddreg [dreg:$0x0];
	s2 =	stileid.u32  }
0x149: {  	s1 =	rddreg [dreg:$0x1];
	p0 =	sne.s32 s2, $0x0  }
0x14a: {  	s3 =	rddreg [dreg:$0x2];
	[bflag:$0x3] =	sbarrier.arrive $0xFFFF;
	s2 =	simm.s32 @!p0 $0x1C01  }
0x14b: {  	[timem:s3], [sflag:s2] =	dma.local @!p0 [hbm:s0], s1  }
0x14c: {  	s0 =	simm.s32 @!p0 $0x1  }
0x14d: {  	_ =	swait.ge @!p0 [sflag:s0], s1  }
0x14e: {  	s1 =	ssub.s32 @!p0 $0x0, s1;
	[sflag:s0] =	ssyncset.done @!p0 $0x0  }
0x14f: {  	[sflag:s0] =	ssyncadd.s32 @!p0 s1  }
0x150: {  	[bflag:$0x3] =	sbarrier.arrive $0xFFFF  }
0x151: {  	_ =	shalt  }

// kernel: scatter_offload_async_start
scs
__scs_entry_jumppad:
0x0: {  	(pc) =	sbr.rel $0x88, $3  }
0x1: {  	(tag) =	ssettag $0x0;
	lr =	simm.s32 $0x1  }
0x2: {  	[smem:$0x3F78] =	sst lr;
	_ =	strace $0xD0000000  }
0x3: {  	_ = 	snop  }
0x4: {  	_ = 	snop  }
0x5: {  	_ = 	snop  }
0x6: {  	_ = 	snop  }
0x7: {  	_ = 	snop  }
__scs_overlays_trampoline_lowered:
0x8: {  	[smem:$0x3F87] =	sst s0  }
0x9: {  	[smem:$0x3F88] =	sst s1  }
0xa: {  	[smem:$0x3F89] =	sst s2  }
0xb: {  	[smem:$0x3F8A] =	sst s3  }
0xc: {  	[smem:$0x3F8B] =	sst s4  }
0xd: {  	[smem:$0x3F8C] =	sst s5  }
0xe: {  	[smem:$0x3F8D] =	sst s6  }
0xf: {  	[smem:$0x3F8E] =	sst s7  }
0x10: {  	[smem:$0x3F8F] =	sst s8  }
0x11: {  	[smem:$0x3F90] =	sst s9;
	s0 =	simm.s32 @!p0 $0x0  }
0x12: {  	s1 =	sld [smem:$0x3F76];
	s0 =	simm.s32 @p0 $0x1  }
0x13: {  	[smem:$0x3F91] =	sst s0;
	s0 =	simm.s32 @!p1 $0x0  }
0x14: {  	s2 =	sld [smem:$0x3F75];
	s0 =	simm.s32 @p1 $0x1  }
0x15: {  	[smem:$0x3F92] =	sst s0;
	s0 =	simm.s32 @!p2 $0x0  }
0x16: {  	s3 =	sld [smem:$0x3FDB];
	s0 =	simm.s32 @p2 $0x1  }
0x17: {  	s4 =	simm.s32 $0x1BF5;
	[smem:$0x3F94] =	sst s0  }
0x18: {  	s0 =	sld [smem:$0x3F77];
	_ =	swait.ge [sflag:s4], $0x0  }
0x19: {  	s7 =	sld [smem:$0x3F78]  }
0x1a: {  	s8 =	sadd.s32 $0xFFFFE003, lr  }
0x1b: {  	s9 =	sadd.s32 $0xFFFFFEF7, lr;
	s5 =	simm.s32 $0xFFFFFFFF;
	p2 =	slt.u32 s8, $0xFFFFF086  }
0x1c: {  	p1 =	slt.u32 s9, $0xF7A;
	s5 =	simm.s32 @!p2 $0x0  }
0x1d: {  	s5 =	simm.s32 @p1 $0x1;
	p0 =	seq.s32 s7, s2  }
0x1e: {  	s7 =	smul.u32 @!p0 $0xF7A, s2;
	p2 =	seq.s32 @!p0 s5, $0x0  }
0x1f: {  	s9 =	smul.u32 $0xF7A, s1;
	s8 =	simm.s32 @!p0 $0x1BF5;
	p2 =	por !p2, p0  }
0x20: {  	[sflag:s8] =	ssyncset.s32 @!p0 $0xFFFFF086;
	s6 =	sadd.s32 @!p0 s3, s7;
	s7 =	simm.s32 @!p0 $0x108  }
0x21: {  	s3 =	sadd.s32 s3, s9;
	s6 =	sadd.s32 @!p0 $0x88, s6;
	s7 =	simm.s32 @p2 $0x1082  }
0x22: {  	[simem:s7], [sflag:s8] =	dma.local @!p0 [hbm:s6], $0xF7A  }
0x23: {  	s9 =	sor.u32 $0xD0000000, s2;
	s6 =	simm.s32 $0x108;
	_ =	swait.ge @!p0 [sflag:s8], $0x0  }
0x24: {  	s3 =	sadd.s32 $0x88, s3;
	s6 =	simm.s32 @!p1 $0x1082;
	[sflag:s4] =	ssyncset.s32 $0xFFFFF086  }
0x25: {  	[simem:s6], [sflag:s4] =	dma.local [hbm:s3], $0xF7A  }
0x26: {  	[smem:$0x3F78] =	sst s1;
	(tag) =	ssettag s2;
	_ =	strace s9  }
0x27: {  	s1 =	sld [smem:$0x3F88]  }
0x28: {  	s2 =	sld [smem:$0x3F89]  }
0x29: {  	s4 =	sld [smem:$0x3F8B]  }
0x2a: {  	p0 =	seq.s32 s5, $0x0;
	s5 =	sld [smem:$0x3F8C]  }
0x2b: {  	s6 =	sld [smem:$0x3F8D]  }
0x2c: {  	s7 =	sld [smem:$0x3F8E]  }
0x2d: {  	s3 =	simm.s32 $0x108;
	s8 =	sld [smem:$0x3F8F]  }
0x2e: {  	s3 =	simm.s32 @!p0 $0x1082;
	s9 =	sld [smem:$0x3F90]  }
0x2f: {  	lr =	sadd.s32 s0, s3;
	s0 =	sld [smem:$0x3F87]  }
0x30: {  	s3 =	sld [smem:$0x3F8A]  }
0x31: {  	[smem:$0x3F93] =	sst s10  }
0x32: {  	s10 =	sld [smem:$0x3F91];
	_ =	sdelay $0x3  }
0x33: {  	p0 =	seq.s32 s10, $0x1;
	s10 =	sld [smem:$0x3F93];
	_ =	sdelay $0x3  }
0x34: {  	[smem:$0x3F93] =	sst s10  }
0x35: {  	s10 =	sld [smem:$0x3F92];
	_ =	sdelay $0x3  }
0x36: {  	p1 =	seq.s32 s10, $0x1;
	s10 =	sld [smem:$0x3F93];
	_ =	sdelay $0x3  }
0x37: {  	[smem:$0x3F93] =	sst s10  }
0x38: {  	s10 =	sld [smem:$0x3F94]  }
0x39: {  	_ = 	snop;
	(pc) =	sbr.ind lr, $3  }
0x3a: {  	_ = 	snop  }
0x3b: {  	_ = 	snop  }
0x3c: {  	p2 =	seq.s32 s10, $0x1;
	s10 =	sld [smem:$0x3F93]  }
0x3d: {  	_ =	shalt  }
0x3e: {  	_ =	shalt  }
0x3f: {  	_ =	shalt  }
0x40: {  	_ =	shalt  }
0x41: {  	_ =	shalt  }
0x42: {  	_ =	shalt  }
0x43: {  	_ =	shalt  }
0x44: {  	_ =	shalt  }
0x45: {  	_ =	shalt  }
0x46: {  	_ =	shalt  }
0x47: {  	_ =	shalt  }
0x48: {  	_ =	shalt  }
0x49: {  	_ =	shalt  }
0x4a: {  	_ =	shalt  }
0x4b: {  	_ =	shalt  }
0x4c: {  	_ =	shalt  }
0x4d: {  	_ =	shalt  }
0x4e: {  	_ =	shalt  }
0x4f: {  	_ =	shalt  }
0x50: {  	_ =	shalt  }
0x51: {  	_ =	shalt  }
0x52: {  	_ =	shalt  }
0x53: {  	_ =	shalt  }
0x54: {  	_ =	shalt  }
0x55: {  	_ =	shalt  }
0x56: {  	_ =	shalt  }
0x57: {  	_ =	shalt  }
0x58: {  	_ =	shalt  }
0x59: {  	_ =	shalt  }
0x5a: {  	_ =	shalt  }
0x5b: {  	_ =	shalt  }
0x5c: {  	_ =	shalt  }
0x5d: {  	_ =	shalt  }
0x5e: {  	_ =	shalt  }
0x5f: {  	_ =	shalt  }
0x60: {  	_ =	shalt  }
0x61: {  	_ =	shalt  }
0x62: {  	_ =	shalt  }
0x63: {  	_ =	shalt  }
0x64: {  	_ =	shalt  }
0x65: {  	_ =	shalt  }
0x66: {  	_ =	shalt  }
0x67: {  	_ =	shalt  }
0x68: {  	_ =	shalt  }
0x69: {  	_ =	shalt  }
0x6a: {  	_ =	shalt  }
0x6b: {  	_ =	shalt  }
0x6c: {  	_ =	shalt  }
0x6d: {  	_ =	shalt  }
0x6e: {  	_ =	shalt  }
0x6f: {  	_ =	shalt  }
0x70: {  	_ =	shalt  }
0x71: {  	_ =	shalt  }
0x72: {  	_ =	shalt  }
0x73: {  	_ =	shalt  }
0x74: {  	_ =	shalt  }
0x75: {  	_ =	shalt  }
0x76: {  	_ =	shalt  }
0x77: {  	_ =	shalt  }
0x78: {  	_ =	shalt  }
0x79: {  	_ =	shalt  }
0x7a: {  	_ =	shalt  }
0x7b: {  	_ =	shalt  }
0x7c: {  	_ =	shalt  }
0x7d: {  	_ =	shalt  }
0x7e: {  	_ =	shalt  }
0x7f: {  	_ =	shalt  }
0x80: {  	_ =	shalt  }
0x81: {  	_ =	shalt  }
0x82: {  	_ =	shalt  }
0x83: {  	_ =	shalt  }
0x84: {  	_ =	shalt  }
0x85: {  	_ =	shalt  }
0x86: {  	_ =	shalt  }
0x87: {  	_ =	shalt  }
.Lfunc_end0:
.L_simem_size_0:
called_computation_lowered:
.L_overlay_start_0:
0x88: {  	s0 =	sld [smem:$0x3FD9]  }
0x89: {  	s1 =	sld [smem:$0x3FFE];
	_ =	sdelay $0x3  }
0x8a: {  	s0 =	sadd.s32 s1, s0  }
0x8b: {  	[smem:$0x3F9F] =	sst s0  }
0x8c: {  	_ = 	snop  }
0x8d: {  	(tm) =	ssettm $0x1  }
0x8e: {  	s14 =	sld [smem:$0x3FFB];
	_ =	sdelay $0x3  }
0x8f: {  	_ =	strace s14  }
0x90: {  	s0 =	sld [smem:$0x3FFC];
	_ =	sdelay $0x3  }
0x91: {  	_ =	strace s0  }
0x92: {  	s0 =	sld [smem:$0x3FFD];
	_ =	sdelay $0x3  }
0x93: {  	_ =	strace s0  }
0x94: {  	_ =	strace $0x8FFFFFFF  }
0x95: {  	s15 =	sld [smem:$0x3FDB];
	_ =	sdelay $0x1  }
0x96: {  	s16 =	simm.s32 $_scs_section_size  }
0x97: {  	s2 =	simm.s32 $_size__tile_overlayer_lowered;
	s3 =	simm.s32 $_tile_overlayer_lowered  }
0x98: {  	s4 =	simm.s32 $0x1BFF;
	s17 =	sshll.u32 s3, $0x1;
	s1 =	sadd.s32 s16, s15  }
0x99: {  	s18 =	simm.s32 $0x0;
	s2 =	sshll.u32 s2, $0x1;
	s3 =	sadd.s32 s17, s1  }
0x9a: {  	[timem:s18], [sflag:s4] =	dma.local [hbm:s3], s2  }
0x9b: {  	_ =	swait.ge [sflag:s4], s2  }
0x9c: {  	s2 =	ssub.s32 $0x0, s2;
	[sflag:s4] =	ssyncset.done $0x0  }
0x9d: {  	[sflag:s4] =	ssyncadd.s32 s2;
	_ =	sdelay $0x1  }
0x9e: {  	s19 =	simm.s32 $0x1B8B  }
0x9f: {  	_ =	swait.ge [sflag:s19], $0x1  }
0xa0: {  	[sflag:s19] =	ssyncset.done $0x0  }
0xa1: {  	s21 =	simm.s32 $0x1B8E;
	s20 =	sld [smem:$0x3FFE];
	[sflag:s19] =	ssyncadd.s32 $0xFFFFFFFF  }
0xa2: {  	s22 =	simm.s32 $execute0_lowered;
	[smem:$0x3FD2] =	sst s21  }
0xa3: {  	s3 =	sshll.u32 s22, $0x1;
	_ =	strace $0x80000046;
	[dreg:$0x1] =	wrdreg $0xFFFFFFFF  }
0xa4: {  	s23 =	simm.s32 $_size_execute0_lowered;
	s3 =	sadd.s32 s1, s3;
	[dreg:$0x0] =	wrdreg $0x0  }
0xa5: {  	s4 =	sshll.u32 s23, $0x1;
	[dreg:$0x2] =	wrdreg s3  }
0xa6: {  	[dreg:$0x3] =	wrdreg s4  }
0xa7: {  	[dreg:$0x4] =	wrdreg $0xC0  }
0xa8: {  	s24 =	simm.s32 $execute1_lowered;
	_ =	task [dreg:s18], $0x5FFFF  }
0xa9: {  	s3 =	sshll.u32 s24, $0x1;
	[dreg:$0x1] =	wrdreg $0xFFFFFFFF  }
0xaa: {  	s1 =	sadd.s32 s1, s3;
	[dreg:$0x0] =	wrdreg $0x60  }
0xab: {  	[dreg:$0x2] =	wrdreg s1  }
0xac: {  	[dreg:$0x3] =	wrdreg s20  }
0xad: {  	[dreg:$0x4] =	wrdreg $0x9  }
0xae: {  	_ =	task.clear_ibuf [dreg:s18], $0x5FFFF;
	_ =	strace $0x90000046  }
0xaf: {  	s25 =	simm.s32 $0x9;
	_ =	strace $0x80000048  }
0xb0: {  	_ =	swait.ge [sflag:s25], $0x1  }
0xb1: {  	[sflag:s25] =	ssyncadd.s32 $0xFFFFFFFF  }
0xb2: {  	_ =	strace $0x90000048  }
0xb3: {  	_ =	strace $0x80000049;
	[dreg:$0x1] =	wrdreg $0xFFFFFFFF  }
0xb4: {  	[dreg:$0x0] =	wrdreg $0x2030  }
0xb5: {  	[dreg:$0x2] =	wrdreg s20  }
0xb6: {  	[dreg:$0x3] =	wrdreg $0xA  }
0xb7: {  	_ =	task.clear_ibuf [dreg:s18], $0x4FFFF;
	_ =	strace $0x90000049  }
0xb8: {  	s26 =	simm.s32 $0xA;
	_ =	strace $0x8000004B  }
0xb9: {  	_ =	swait.ge [sflag:s26], $0x1  }
0xba: {  	[sflag:s26] =	ssyncadd.s32 $0xFFFFFFFF  }
0xbb: {  	_ =	strace $0x9000004B  }
0xbc: {  	_ =	sfence  }
0xbd: {  	s28 =	sld [smem:$0x0];
	_ =	sdelay $0x1  }
0xbe: {  	s29 =	srdreg.scid  }
0xbf: {  	s30 =	sshll.u32 s29, $0xD;
	s31 =	sshrl.u32 s29, $0x2  }
0xc0: {  	s2 =	sand.u32 $0x1, s29;
	s3 =	sand.u32 $0x4000, s30;
	s1 =	sadd.s32 s31, s28  }
0xc1: {  	s2 =	sor.u32 s3, s2;
	s1 =	sshll.u32 s1, $0x11  }
0xc2: {  	s1 =	sor.u32 s1, s2  }
0xc3: {  	s1 =	sadd.s32 $0x8F2B, s1  }
0xc4: {  	[sflag:s1] =	ssyncadd.remote.s32 $0x1  }
0xc5: {  	_ =	sfence.sel $0xFFFF  }
0xc6: {  	[dreg:$0x0] =	wrdreg $0xFFFFFFFF;
	(pc) =	sbr.abs _section_cstart, $3  }
0xc7: {  	[dreg:$0x1] =	wrdreg $0xFFFFFFFF  }
0xc8: {  	_ =	task.clear_ibuf [dreg:s18], $0x2FFFF;
	_ =	strace $0x9FFFFFFF  }
0xc9: {  	(tm) =	ssettm $0x7FFFFFFF  }
tec
execute0_lowered:
.L_overlay_start_1:
0x0: {  	(tag) =	ssettag $0x1  }
0x1: {  	s2 =	rddreg [dreg:$0x0]  }
0x2: {  	s4 =	rddreg [dreg:$0x1]  }
0x3: {  	s0 =	rddreg [dreg:$0x2];
	s3 =	stileid.u32  }
0x4: {  	[bflag:$0x3] =	sbarrier.arrive $0xFFFF;
	s1 =	simm.s32 $_size_execute1_lowered;
	p0 =	sne.s32 s3, $0x0  }
0x5: {  	s1 =	sshll.u32 s1, $0x1;
	s5 =	simm.s32 @!p0 $0x1C3F;
	s6 =	simm.s32 @!p0 $0x4060  }
0x6: {  	[timem:s6], [sflag:s5] =	dma.local @!p0 [hbm:s2], s1  }
0x7: {  	s2 =	smul.u32 $0x500, s3  }
.Ltmp0:
0x8: {  	s31 =	simm.s32 $0x2;
	s7 =	simm.s32 $0x500;
	(pc) =	sbr.rel .LBB2_1-.Ltmp0, $4  }
0x9: {  	s8 =	simm.s32 $0xF00;
	s10 =	simm.s32 $0x0;
	s9 =	simm.s32 $0x0  }
0xa: {  	s3 =	simm.s32 $0x1;
	_ =	strace $0x80000047;
	s30 =	sshrl.u32 s2, $0x3  }
0xb: {  	s6 =	simm.s32 $0x0;
	[sflag:s3] =	ssyncpa.u1 $0x0;
	s5 =	sadd.s32 s30, s4  }
0xc: {  	s4 =	sadd.s32 $0x6A00, s4;
	[sflag:s31] =	ssyncpa.u1 $0x0;
	s5 =	sadd.s32 $0x6000, s5  }
.LBB2_7:
0xd: {  	p1 =	seq.s32 s9, $0x2  }
.Ltmp1:
0xe: {  	_ = 	snop;
	(pc) =	sbr.rel @p1 .LBB2_9-.Ltmp1, $1  }
0xf: {  	_ =	sdelay $0x3  }
.LBB2_8:
0x10: {  	s9 =	sadd.s32 $0x1, s9;
	s10 =	smov.u32 s2  }
.LBB2_1:
0x11: {  	p1 =	sne.s32 s9, $0x0  }
.Ltmp2:
0x12: {  	_ = 	snop;
	(pc) =	sbr.rel @!p1 .LBB2_2-.Ltmp2, $1  }
0x13: {  	_ =	sdelay $0x3  }
0x14: {  	s11 =	sand.u32 $0x1, s9  }
0x15: {  	p1 =	seq.s32 s11, $0x0  }
.Ltmp3:
0x16: {  	_ = 	snop;
	(pc) =	sbr.rel @p1 .LBB2_7-.Ltmp3, $1  }
0x17: {  	_ =	sdelay $0x3  }
0x18: {  	_ =	swait.ge [sflag:s3], $0x500  }
0x19: {  	[sflag:s3] =	ssyncset.done $0x0  }
0x1a: {  	s13 =	simm.s32 $0x5F0;
	[sflag:s3] =	ssyncadd.s32 $0xFFFFFB00  }
0x1b: {  	v0 =	vld [tilespmem:s13+$0x0]  }
0x1c: {  	v1 =	vld [tilespmem:s13+$0xFFFFFF20]  }
0x1d: {  	v2 =	vld [tilespmem:s13+$0xFFFFFF30]  }
0x1e: {  	v3 =	vld [tilespmem:s13+$0xFFFFFF40]  }
0x1f: {  	s11 =	simm.s32 $0xFF0;
	v4 =	vld [tilespmem:s13+$0xFFFFFF50]  }
0x20: {  	v5 =	vld [tilespmem:s13+$0xFFFFFF60];
	[tilespmem:s11+$0x0] =	vst v0  }
0x21: {  	[tilespmem:s11+$0xFFFFFF20] =	vst v1;
	v0 =	vld [tilespmem:s13+$0xFFFFFF70]  }
0x22: {  	[tilespmem:s11+$0xFFFFFF30] =	vst v2;
	v1 =	vld [tilespmem:s13+$0xFFFFFF80]  }
0x23: {  	[tilespmem:s11+$0xFFFFFF40] =	vst v3;
	v2 =	vld [tilespmem:s13+$0xFFFFFF90]  }
0x24: {  	[tilespmem:s11+$0xFFFFFF50] =	vst v4;
	v3 =	vld [tilespmem:s13+$0xFFFFFFA0]  }
0x25: {  	[tilespmem:s11+$0xFFFFFF60] =	vst v5;
	v5 =	vld [tilespmem:s13+$0xFFFFFFB0]  }
0x26: {  	[tilespmem:s11+$0xFFFFFF70] =	vst v0;
	v0 =	vld [tilespmem:s13+$0xFFFFFFC0]  }
0x27: {  	[tilespmem:s11+$0xFFFFFF80] =	vst v1;
	v1 =	vld [tilespmem:s13+$0xFFFFFFD0]  }
0x28: {  	[tilespmem:s11+$0xFFFFFF90] =	vst v2;
	v2 =	vld [tilespmem:s13+$0xFFFFFFE0]  }
0x29: {  	v4 =	vld [tilespmem:s13+$0xFFFFFFF0];
	[tilespmem:s11+$0xFFFFFFA0] =	vst v3  }
0x2a: {  	s12 =	simm.s32 $0x0;
	v3 =	vld [tilespmem:s13+$0xFFFFFF10];
	[tilespmem:s11+$0xFFFFFFB0] =	vst v5;
	s13 =	simm.s32 $0x6F0  }
.LBB2_5:
0x2b: {  	v5 =	vld [tilespmem:s13+$0x0];
	s12 =	sadd.s32 $0x100, s12;
	[tilespmem:s11+$0xFFFFFFC0] =	vst v0  }
0x2c: {  	v0 =	vld [tilespmem:s13+$0xFFFFFF20];
	p1 =	slt.u32 s12, $0x400;
	[tilespmem:s11+$0xFFFFFFD0] =	vst v1  }
0x2d: {  	v1 =	vld [tilespmem:s13+$0xFFFFFF30];
	[tilespmem:s11+$0xFFFFFFE0] =	vst v2  }
0x2e: {  	v2 =	vld [tilespmem:s13+$0xFFFFFF40];
	[tilespmem:s11+$0xFFFFFFF0] =	vst v4  }
0x2f: {  	v4 =	vld [tilespmem:s13+$0xFFFFFF50];
	[tilespmem:s11+$0xFFFFFF10] =	vst v3;
	s11 =	sadd.s32 $0x100, s11  }
0x30: {  	v3 =	vld [tilespmem:s13+$0xFFFFFF60];
	[tilespmem:s11+$0x0] =	vst v5  }
0x31: {  	[tilespmem:s11+$0xFFFFFF20] =	vst v0;
	v0 =	vld [tilespmem:s13+$0xFFFFFF70]  }
0x32: {  	[tilespmem:s11+$0xFFFFFF30] =	vst v1;
	v1 =	vld [tilespmem:s13+$0xFFFFFF80]  }
0x33: {  	[tilespmem:s11+$0xFFFFFF40] =	vst v2;
	v2 =	vld [tilespmem:s13+$0xFFFFFF90]  }
0x34: {  	[tilespmem:s11+$0xFFFFFF50] =	vst v4;
	v4 =	vld [tilespmem:s13+$0xFFFFFFA0]  }
0x35: {  	[tilespmem:s11+$0xFFFFFF60] =	vst v3;
	v5 =	vld [tilespmem:s13+$0xFFFFFFB0]  }
.Ltmp4:
0x36: {  	[tilespmem:s11+$0xFFFFFF70] =	vst v0;
	v0 =	vld [tilespmem:s13+$0xFFFFFFC0];
	(pc) =	sbr.rel @p1 .LBB2_5-.Ltmp4, $4  }
0x37: {  	[tilespmem:s11+$0xFFFFFF80] =	vst v1;
	v1 =	vld [tilespmem:s13+$0xFFFFFFD0]  }
0x38: {  	[tilespmem:s11+$0xFFFFFF90] =	vst v2;
	v2 =	vld [tilespmem:s13+$0xFFFFFFE0]  }
0x39: {  	[tilespmem:s11+$0xFFFFFFA0] =	vst v4;
	v4 =	vld [tilespmem:s13+$0xFFFFFFF0]  }
0x3a: {  	v3 =	vld [tilespmem:s13+$0xFFFFFF10];
	[tilespmem:s11+$0xFFFFFFB0] =	vst v5;
	s13 =	sadd.s32 $0x100, s13  }
0x3b: {  	[tilespmem:s11+$0xFFFFFFC0] =	vst v0  }
.Ltmp5:
0x3c: {  	[tilespmem:s11+$0xFFFFFFD0] =	vst v1;
	(pc) =	sbr.rel .LBB2_7-.Ltmp5, $4  }
0x3d: {  	[tilespmem:s11+$0xFFFFFFE0] =	vst v2  }
0x3e: {  	s10 =	sshrl.u32 s10, $0x3;
	[tilespmem:s11+$0xFFFFFFF0] =	vst v4  }
0x3f: {  	s10 =	sadd.s32 s4, s10;
	[tilespmem:s11+$0xFFFFFF10] =	vst v3  }
0x40: {  	[hbm4b:s10+s6] =	stream.linear.scatter [tilespmem:s8], [sflag:$0x2], $0x500, $0x38;
	[tilespmem:$0x1400] =	vst v63  }
.LBB2_2:
.Ltmp6:
0x41: {  	(pc) =	sbr.rel .LBB2_8-.Ltmp6, $2  }
0x42: {  	_ =	sdelay $0x2  }
0x43: {  	[tilespmem:s7], [sflag:$0x1] =	stream.linear.gather [hbm4b:s5+s6], $0x500, $0x38;
	[tilespmem:$0x1400] =	vst v63  }
.LBB2_9:
0x44: {  	s2 =	simm.s32 $0x2  }
0x45: {  	_ =	swait.ge [sflag:s2], $0x500  }
0x46: {  	[sflag:s2] =	ssyncset.done $0x0  }
0x47: {  	[sflag:s2] =	ssyncadd.s32 $0xFFFFFB00  }
0x48: {  	_ =	sfence.sel $0x180000  }
0x49: {  	s3 =	simm.s32 $0x1;
	[bflag:$0x0] =	sbarrier.arrive $0xFFFF  }
0x4a: {  	[sflag:s3] =	ssyncpa.u1 $0x1  }
0x4b: {  	[sflag:s2] =	ssyncpa.u1 $0x1  }
0x4c: {  	_ =	strace $0x90000047  }
0x4d: {  	s0 =	sadd.s32 @!p0 $0x100000, s0;
	[bflag:$0x2] =	sbarrier.arrive $0xFFFF  }
0x4e: {  	[sflag:s0] =	ssyncadd.tile.s32 @!p0 $0x1;
	s0 =	simm.s32 @!p0 $0x3F  }
0x4f: {  	_ =	swait.ge @!p0 [sflag:s0], s1  }
0x50: {  	s1 =	ssub.s32 @!p0 $0x0, s1;
	[sflag:s0] =	ssyncset.done @!p0 $0x0  }
0x51: {  	[sflag:s0] =	ssyncadd.s32 @!p0 s1  }
0x52: {  	[bflag:$0x3] =	sbarrier.arrive $0xFFFF  }
0x53: {  	_ =	shalt  }
.Lfunc_end2:
execute1_lowered:
.L_overlay_start_2:
0x54: {  	(tag) =	ssettag $0x2  }
0x55: {  	s0 =	rddreg [dreg:$0x0];
	_ =	strace $0x8000004A;
	s15 =	stileid.u32  }
0x56: {  	s2 =	simm.s32 $0x1;
	s1 =	smin.u32 s15, $0x8;
	s3 =	sshll.u32 s15, $0x1  }
0x57: {  	[sflag:s2] =	ssyncpa.u1 $0x0;
	s1 =	sadd.s32 s1, s3  }
0x58: {  	v1 =	vimm.s32 $0xFFFFFFFF;
	p0 =	slt.u32 s15, $0x8;
	s4 =	smul.u32 $0x1F40, s1;
	s1 =	simm.s32 $0x5DC0  }
0x59: {  	[tilespmem:$0x10] =	vst v1;
	s1 =	simm.s32 @!p0 $0x3E80  }
0x5a: {  	v0 =	vimm.f32 $+Inf;
	[tilespmem:$0x20] =	vst v1;
	s1 =	sadd.s32 s1, s4  }
0x5b: {  	[tilespmem:$0x30] =	vst v0;
	s5 =	smin.u32 s1, $0x4E200  }
0x5c: {  	s7 =	simm.s32 $0x2;
	[tilespmem:$0x40] =	vst v0;
	s9 =	ssub.s32 s5, s4  }
0x5d: {  	s8 =	simm.s32 $0x8;
	s30 =	simm.s32 $0x9;
	[tilespmem:$0x50] =	vst v0;
	p0 =	sgt.s32 s9, $0x0  }
0x5e: {  	s16 =	simm.s32 $0x0;
	s17 =	simm.s32 $0xF0;
	[tilespmem:$0x60] =	vst v1;
	s9 =	simm.s32 @!p0 $0x0  }
0x5f: {  	s18 =	simm.s32 $0xFFFFFFFF;
	s19 =	simm.s32 $0xFFFFC280;
	[tilespmem:$0x70] =	vst v1;
	s29 =	smulhi.u32 $0x10624DD3, s9  }
0x60: {  	s20 =	simm.s32 $0xFFFFFFFE;
	s21 =	simm.s32 $0xF;
	s25 =	simm.s32 $0x0;
	[tilespmem:$0x80] =	vst v1  }
0x61: {  	s24 =	simm.s32 $0x0;
	s6 =	sadd.s32 $0x5A000, s0;
	v1 =	vimm.s32 $0x0;
	[tilespmem:$0xB0] =	vst v0;
	s10 =	sshrl.u32 s29, $0x9  }
0x62: {  	s15 =	sshllo.u32 s15, $0x1;
	s13 =	sor.u32 $0x80, s3;
	[tilespmem:$0x90] =	vst v1;
	s11 =	smul.u32 $0x1F40, s10  }
0x63: {  	s14 =	sor.u32 $0x81, s3;
	[tilespmem:$0xA0] =	vst v1;
	[sflag:s7] =	ssyncpa.u1 $0x0;
	s7 =	simm.s32 $0x7  }
.Ltmp7:
0x64: {  	[sflag:s7] =	ssyncpa.u1 $0x0;
	p0 =	sne.s32 s9, s11;
	(pc) =	sbr.rel .LBB3_1-.Ltmp7, $4  }
0x65: {  	[sflag:s8] =	ssyncpa.u1 $0x0;
	s23 =	smov.u32 s4;
	s2 =	simm.s32 @!p0 $0x0  }
0x66: {  	s1 =	sadd.s32 $0x6A00, s0;
	s0 =	sadd.s32 $0x63E00, s0;
	s10 =	sadd.s32 s2, s10  }
0x67: {  	vm0 =	vmmov $0xffff;
	v2 =	vlaneseq.u32;
	vm1 =	vmxor vm1, vm1;
	[sflag:s30] =	ssyncpa.u1 $0x0;
	[dreg:$0x2] =	wrdreg s0;
	s31 =	sadd.s32 $0x1, s10  }
0x68: {  	vm2 =	vmmov $0x1;
	v3 =	vimm.f32 $0.0e+00;
	vm3 =	vcmask $0x3F3C;
	p0 =	por $0x0, $0x0;
	s12 =	sadd.s32 $0x2, s10;
	[dreg:$0x3] =	wrdreg s31  }
.LBB3_9:
0x69: {  	p1 =	slt.u32 s24, $0x3  }
0x6a: {  	s0 =	simm.s32 @!p1 $0x2  }
0x6b: {  	_ =	swait.ge @!p1 [sflag:s0], $0x1F40  }
0x6c: {  	[sflag:s0] =	ssyncset.done @!p1 $0x0  }
0x6d: {  	[sflag:s0] =	ssyncadd.s32 @!p1 $0xFFFFE0C0;
	s0 =	simm.s32 @!p1 $0x9  }
0x6e: {  	_ =	swait.ge @!p1 [sflag:s0], $0x10  }
0x6f: {  	[sflag:s0] =	ssyncset.done @!p1 $0x0  }
0x70: {  	[sflag:s0] =	ssyncadd.s32 @!p1 $0xFFFFFFF0;
	p1 =	sne.s32 s24, s12  }
.Ltmp8:
0x71: {  	s2 =	sadd.s32 $0x1F40, s23;
	(pc) =	sbr.rel @!p1 .LBB3_10-.Ltmp8, $4  }
0x72: {  	s9 =	smov.u32 s4;
	s31 =	sadd.s32 $0x1, s24;
	s17 =	sadd.s32 $0x1F40, s17  }
0x73: {  	s18 =	sadd.s32 $0x1, s18;
	s25 =	smov.u32 s23;
	p2 =	slt.s32 s2, s5  }
0x74: {  	p0 =	por !p0, !p0;
	s19 =	sadd.s32 $0x1F40, s19;
	s9 =	smov.u32 @p2 s2  }
0x75: {  	s20 =	sadd.s32 $0x1, s20;
	s23 =	smov.u32 s9;
	s24 =	smov.u32 s31  }
.LBB3_1:
0x76: {  	p1 =	sge.u32 s24, s10  }
0x77: {  	s0 =	smulhi.u32 @!p1 $0xAAAAAAAB, s24;
	_ =	sdelay $0x1  }
0x78: {  	s0 =	sshrl.u32 @!p1 s0, $0x1  }
0x79: {  	s0 =	smul.u32 @!p1 $0x3, s0;
	_ =	sdelay $0x1  }
0x7a: {  	s0 =	ssub.s32 @!p1 s24, s0  }
0x7b: {  	s0 =	smul.u32 @!p1 $0x7D00, s0;
	_ =	sdelay $0x1  }
0x7c: {  	s2 =	sshrl.u32 @!p1 s23, $0x3;
	s0 =	sshrl.u32 @!p1 s0, $0x2  }
0x7d: {  	s9 =	sand.u32 @!p1 $0x7, s23;
	s2 =	sadd.s32 @!p1 s6, s2;
	s0 =	sadd.s32 @!p1 $0x100, s0  }
0x7e: {  	[tilespmem:s0], [sflag:$0x7] =	stream.linear.gather @!p1 [hbm4b:s2+s9], $0x1F40, $0x38;
	[tilespmem:$0x11A60] =	vst v63  }
0x7f: {  	s0 =	sadd.s32 $0xFFFFFFFF, s24  }
0x80: {  	p1 =	sge.u32 s0, s10  }
.Ltmp9:
0x81: {  	_ = 	snop;
	(pc) =	sbr.rel @p1 .LBB3_5-.Ltmp9, $1  }
0x82: {  	_ =	sdelay $0x3  }
0x83: {  	s2 =	smulhi.u32 $0xAAAAAAAB, s0;
	_ =	sdelay $0x1  }
0x84: {  	s2 =	sshrl.u32 s2, $0x1  }
0x85: {  	s2 =	smul.u32 $0x3, s2;
	_ =	sdelay $0x1  }
0x86: {  	s2 =	ssub.s32 s0, s2  }
0x87: {  	s2 =	smul.u32 $0x7D00, s2  }
0x88: {  	_ =	swait.ge [sflag:s7], $0x1F40  }
0x89: {  	[sflag:s7] =	ssyncset.done $0x0;
	s2 =	sshrl.u32 s2, $0x2  }
0x8a: {  	[sflag:s7] =	ssyncadd.s32 $0xFFFFE0C0;
	(ifvalue) =	ssetifvalue $0xFFFFFFFF;
	v4 =	vld.msk [tilespmem:s2+$0x100 ss:$0x1], $0xffff;
	_ =	sdelay $0x2  }
0x8b: {  	s29 =	smulhi.u32 $0xAAAAAAAB, s18;
	p1 =	sne.s32 s24, $0x1  }
0x8c: {  	v5 =	vimm.s32 @!p1 $0x0  }
0x8d: {  	s2 =	sshrl.u32 s29, $0x1;
	v5 =	vperm.xlane @!p1 v4, v5  }
0x8e: {  	s9 =	sshll.u32 s24, $0x4;
	s2 =	smul.u32 $0xFFFE8900, s2;
	vm4 =	vlt.u32 v4, $0x5000  }
0x8f: {  	s9 =	sand.u32 $0x10, s9;
	v4 =	vnsel vm4, $0xFFFFFFFE, v4;
	vm4 =	vlt.u32 @!p1 v5, $0x5000  }
0x90: {  	s2 =	sshra.s32 s2, $0x2;
	[tilespmem:s9+$0x60] =	vst v4;
	v4 =	vnsel @!p1 vm4, $0xFFFFFFFE, v5  }
0x91: {  	s30 =	sadd.s32 s2, s17;
	[tilespmem:$0x80] =	vst @!p1 v4  }
0x92: {  	v4 =	vld.msk [tilespmem:s30+$0x0 ss:$0x1], $0xffff;
	_ =	sdelay $0x4  }
0x93: {  	(xrf1) =	vunique.msk.u32 $0xffff, v4;
	_ =	sdelay $0xd  }
0x94: {  	v5 =	vimm.s32 $0xFFFFFFFF;
	v6, _, _ =	vpop (xrf1)  }
0x95: {  	vm5 =	vne.s32 v4, v5;
	vm4 =	veq.s32 v6, v2  }
0x96: {  	vm6 =	vlt.u32 v4, $0x5000;
	vm4 =	vmand vm5, vm4  }
0x97: {  	vm4 =	vmand vm6, vm4  }
0x98: {  	v5 =	vnsel vm4, $0xFFFFFFFF, v4  }
0x99: {  	s31 =	sand.u32 $0x1, s0  }
0x9a: {  	s26 =	simm.s32 $0x1F40;
	p1 =	seq.s32 s31, $0x1  }
0x9b: {  	s26 =	simm.s32 @!p1 $0x0  }
0x9c: {  	s28 =	sadd.s32 $0x7DF0, s26;
	(ifvalue) =	ssetifvalue $0xFFFFFFFF  }
0x9d: {  	v4 =	vperm.xlane v4, v1;
	[tilespmem:s28], [sflag:$0x8] =	stream.indirect_vreg.gather [hbm4b:s1+s16], $0x1, v5, vm0, $0x4038;
	v5 =	vnsel vm6, $0xFFFFFFFE, v5;
	[tilespmem:$0x11A60] =	vst v63  }
0x9e: {  	s0 =	simm.s32 $0x0;
	s2 =	sadd.s32 $0xFFFFFFF0, s30;
	[tilespmem:s30+$0x0] =	vst v5  }
.LBB3_3:
0x9f: {  	v5 =	vld.msk [tilespmem:s2+$0x0 ss:$0x1], $0xffff;
	s0 =	sadd.s32 $0x10, s0;
	v6 =	vmov v4;
	s9 =	smov.u32 s2  }
0xa0: {  	p1 =	slt.u32 s0, $0x1F30;
	_ =	sdelay $0x4  }
0xa1: {  	v4 =	vperm.xlane v5, v1;
	(xrf1) =	vunique.msk.u32 $0xffff, v5;
	_ =	sdelay $0xd  }
0xa2: {  	v7, _, _ =	vpop (xrf1)  }
0xa3: {  	vm5 =	vne.s32 v5, v6;
	vm4 =	veq.s32 v7, v2  }
0xa4: {  	vm6 =	vlt.u32 v5, $0x5000;
	vm4 =	vmand vm5, vm4  }
0xa5: {  	vm4 =	vmand vm6, vm4  }
0xa6: {  	v5 =	vnsel vm4, $0xFFFFFFFF, v5  }
.Ltmp10:
0xa7: {  	v6 =	vnsel vm6, $0xFFFFFFFE, v5;
	(pc) =	sbr.rel @p1 .LBB3_3-.Ltmp10, $3  }
0xa8: {  	_ =	sdelay $0x1  }
0xa9: {  	s2 =	sadd.s32 $0xFFFFFFF0, s2;
	s28 =	sadd.s32 $0xFFFFFFF0, s28;
	(ifvalue) =	ssetifvalue $0xFFFFFFFF  }
0xaa: {  	[tilespmem:s28], [sflag:$0x8] =	stream.indirect_vreg.gather [hbm4b:s1+s16], $0x1, v5, vm0, $0x4038;
	[tilespmem:s9+$0x0] =	vst v6  }
0xab: {  	s0 =	sshrl.u32 s25, $0x3;
	s2 =	rddreg [dreg:$0x2]  }
0xac: {  	s31 =	sadd.s32 $0x9D40, s26;
	s0 =	sadd.s32 s2, s0  }
0xad: {  	[tilespmem:s31], [sflag:$0x8] =	stream.linear.gather [hbm:s0], $0x1F40, $0x38;
	[tilespmem:$0x11A60] =	vst v63  }
.LBB3_5:
0xae: {  	p1 =	slt.u32 s24, $0x2  }
0xaf: {  	p2 =	sge.u32 @!p1 s24, s12  }
0xb0: {  	p1 =	por p1, p2  }
.Ltmp11:
0xb1: {  	_ = 	snop;
	(pc) =	sbr.rel @p1 .LBB3_9-.Ltmp11, $1  }
0xb2: {  	_ =	sdelay $0x3  }
0xb3: {  	s0 =	sadd.s32 $0xFFFFFFFE, s24  }
0xb4: {  	s2 =	smulhi.u32 $0xAAAAAAAB, s0;
	_ =	sdelay $0x1  }
0xb5: {  	s2 =	sshrl.u32 s2, $0x1  }
0xb6: {  	s2 =	smul.u32 $0x3, s2;
	_ =	sdelay $0x1  }
0xb7: {  	_ =	swait.ge [sflag:s8], $0x3E80;
	s0 =	ssub.s32 s0, s2  }
0xb8: {  	s9 =	rddreg [dreg:$0x3];
	s0 =	smul.u32 $0x1F40, s0  }
0xb9: {  	[sflag:s8] =	ssyncset.done $0x0;
	p1 =	sne.s32 s24, s9  }
0xba: {  	[sflag:s8] =	ssyncadd.s32 $0xFFFFC180;
	s2 =	sadd.s32 @!p1 $0x203F, s0  }
0xbb: {  	[spmem:s14] =	stream.linear.scatter @!p1 [tilespmem:s2], [sflag:$0x1], $0x1, $0x38;
	[tilespmem:$0x11A60] =	vst v63  }
0xbc: {  	s2 =	simm.s32 @!p1 $0x1  }
0xbd: {  	_ =	swait.ge @!p1 [sflag:s2], $0x1  }
0xbe: {  	s9 =	sshll.u32 s24, $0x4;
	[sflag:s2] =	ssyncset.done @!p1 $0x0  }
0xbf: {  	s25 =	sand.u32 $0x10, s9;
	[sflag:s2] =	ssyncadd.s32 @!p1 $0xFFFFFFFF  }
0xc0: {  	s2 =	sxor.u32 $0x10, s25;
	v5 =	vld [tilespmem:s25+$0x10]  }
0xc1: {  	v6 =	vld [tilespmem:s2+$0x60]  }
0xc2: {  	v4 =	vld [tilespmem:$0x80];
	_ =	sdelay $0x2  }
0xc3: {  	(v2sf) =	vpush v5, $0x0  }
0xc4: {  	(v2sf) =	vpush v6, $0x0  }
0xc5: {  	(v2sf) =	vpush v4, $0x0;
	_ =	sdelay $0xc  }
0xc6: {  	s11 =	spop (v2sf)  }
0xc7: {  	s22 =	spop (v2sf)  }
0xc8: {  	s28 =	spop (v2sf)  }
0xc9: {  	p2 =	seq.s32 s11, s22;
	p3 =	seq.s32 s28, s11  }
0xca: {  	p3 =	por p2, p3  }
0xcb: {  	s26 =	sand.u32 $0x1, s24;
	v5 =	vpsel p3, $0xFFFFFFFF, v5  }
0xcc: {  	s29 =	smul.u32 $0x1F40, s26;
	[tilespmem:s25+$0x10] =	vst.msk $0x1, v5  }
0xcd: {  	v5 =	vld [tilespmem:$0x30]  }
0xce: {  	v6 =	vld [tilespmem:s29+$0x9D40]  }
0xcf: {  	v7 =	vld [tilespmem:s25+$0x40];
	_ =	sdelay $0x2  }
0xd0: {  	vm4 =	vmmov vm1  }
0xd1: {  	vm5 =	vmmov vm2;
	s9 =	sshll.u32 s26, $0x4;
	vm4 =	vmmov @p2 vm2;
	v6 =	vmin.f32 v5, v6  }
0xd2: {  	s26 =	sor.u32 $0x11A40, s9;
	vm5 =	vmmov @p3 vm1;
	v5 =	vmin.f32 v5, v7;
	[tilespmem:s29+$0x9D40] =	vst.msk vm4, v6  }
0xd3: {  	[tilespmem:s26+$0x0] =	vst.msk vm5, v5  }
0xd4: {  	v5 =	vld [tilespmem:s29+$0x7DF0];
	_ =	sdelay $0x4  }
0xd5: {  	v5 =	vshift.insert v5, v3, s21  }
0xd6: {  	s11 =	sor.u32 $0x40, s2  }
0xd7: {  	v6 =	vimm.f32 $+Inf;
	[tilespmem:s11+$0x0] =	vst.msk $0x1, v5  }
0xd8: {  	[tilespmem:s29+$0x7DFF] =	vst.msk $0x1, v6  }
0xd9: {  	v5 =	vld [tilespmem:s0+$0x2030]  }
0xda: {  	s22 =	smulhi.u32 $0xAAAAAAAB, s20;
	_ =	sdelay $0x1  }
0xdb: {  	s9 =	simm.s32 $0x1;
	s0 =	sshrl.u32 s22, $0x1  }
0xdc: {  	s9 =	simm.s32 @!p0 $0x0;
	s0 =	smul.u32 $0xFFFE8900, s0  }
0xdd: {  	s9 =	smul.u32 $0x7D00, s9;
	v5 =	vshift.insert v5, v1, s21  }
0xde: {  	s0 =	sshra.s32 s0, $0x2  }
0xdf: {  	s9 =	sshrl.u32 s9, $0x2;
	s22 =	sadd.s32 s0, s19;
	[tilespmem:s2+$0x10] =	vst.msk $0x1, v5  }
0xe0: {  	s2 =	sadd.s32 $0x9D40, s9;
	v7 =	vld [tilespmem:s22+$0x0]  }
0xe1: {  	v8 =	vld [tilespmem:s2+$0x0];
	_ =	sdelay $0x4  }
0xe2: {  	vm4 =	vne.s32 v7, $0xFFFFFFFF;
	v6 =	vmin.f32 v8, v6  }
0xe3: {  	(xrf0) =	vmin.seg.scan.f32 vm4, v6  }
0xe4: {  	s11 =	sadd.s32 $0x5EC0, s9;
	v8 =	vld [tilespmem:$0xA0]  }
0xe5: {  	v9 =	vld [tilespmem:s11+$0x0];
	_ =	sdelay $0x1  }
0xe6: {  	v6 =	vperm.xlane v5, v1;
	_ =	sdelay $0x1  }
0xe7: {  	vm6 =	veq.s32 v7, v4;
	vm7 =	veq.s32 v7, v6;
	vm5 =	veq.s32 v8, $0x1;
	v8, _, _ =	vpop (xrf0)  }
0xe8: {  	vm8 =	vgt.u32 v7, $0xFFFFFFFD;
	vm7 =	vmor vm7, vm6;
	v9 =	vmin.f32 v8, v9  }
0xe9: {  	s30 =	sadd.s32 $0xDBC0, s9;
	v10 =	vld [tilespmem:$0x90];
	vm7 =	vmor vm7, vm8;
	v9 =	vsel vm6, v8, v9  }
0xea: {  	[tilespmem:s30+$0x0] =	vst v9;
	v9 =	vsel vm7, $0xFFFFFFFF, v7;
	_ =	sdelay $0x1  }
0xeb: {  	vm9 =	vmand vm4, vm3  }
0xec: {  	s31 =	simm.s32 $0x0;
	s9 =	sadd.s32 $0x10, s11;
	s0 =	sadd.s32 $0x10, s2;
	v11 =	vsel vm9, $0x7F800000, v8  }
0xed: {  	s2 =	sadd.s32 $0x10, s22;
	s22 =	sadd.s32 $0x10, s30;
	vm4 =	vmor vm5, vm6;
	v7 =	vsel vm6, v8, v10;
	v8 =	vshift.insert v11, v0, s21;
	(ifvalue) =	ssetifvalue $0xFFFFFFFF  }
.LBB3_7:
0xee: {  	[hbm4b:s1+s16] =	stream.indirect_vreg.scatter [tilespmem:s30], [sflag:$0x2], $0x1, v9, vm0, $0x4038;
	[tilespmem:$0x11A60] =	vst v63  }
0xef: {  	s31 =	sadd.s32 $0x10, s31;
	s30 =	smov.u32 s22;
	v9 =	vld [tilespmem:s2+$0x0]  }
0xf0: {  	p2 =	slt.u32 s31, $0x1F30;
	v10 =	vld [tilespmem:s0+$0x0];
	_ =	sdelay $0x4  }
0xf1: {  	vm5 =	vne.s32 v9, $0xFFFFFFFF;
	v8 =	vmin.f32 v10, v8  }
0xf2: {  	(xrf0) =	vmin.seg.scan.f32 vm5, v8;
	_ =	sdelay $0x1  }
0xf3: {  	v8 =	vld [tilespmem:s9+$0x0]  }
0xf4: {  	vm6 =	veq.s32 v9, v4;
	vm7 =	veq.s32 v9, v6  }
0xf5: {  	vm8 =	vgt.u32 v9, $0xFFFFFFFD;
	vm4 =	vmor vm4, vm6;
	vm7 =	vmor vm7, vm6  }
0xf6: {  	vm7 =	vmor vm7, vm8  }
.Ltmp12:
0xf7: {  	vm5 =	vmand vm5, vm3;
	v9 =	vsel vm7, $0xFFFFFFFF, v9;
	v10, _, _ =	vpop (xrf0);
	(pc) =	sbr.rel @p2 .LBB3_7-.Ltmp12, $4  }
0xf8: {  	v7 =	vsel vm6, v10, v7;
	v8 =	vmin.f32 v10, v8;
	v11 =	vsel vm5, $0x7F800000, v10  }
0xf9: {  	v10 =	vsel vm6, v10, v8;
	v8 =	vshift.insert v11, v0, s21  }
0xfa: {  	s2 =	sadd.s32 $0x10, s2;
	s0 =	sadd.s32 $0x10, s0;
	[tilespmem:s22+$0x0] =	vst v10  }
0xfb: {  	s9 =	sadd.s32 $0x10, s9;
	s22 =	sadd.s32 $0x10, s22;
	(ifvalue) =	ssetifvalue $0xFFFFFFFF  }
0xfc: {  	_ =	sdelay $0x3  }
0xfd: {  	[hbm4b:s1+s16] =	stream.indirect_vreg.scatter [tilespmem:s30], [sflag:$0x2], $0x1, v9, vm0, $0x4038;
	[tilespmem:$0x11A60] =	vst v63  }
0xfe: {  	v4 =	vld [tilespmem:s29+$0xFAF0];
	_ =	sdelay $0x4  }
0xff: {  	v4 =	vshift.insert v4, v3, s21  }
0x100: {  	s0 =	simm.s32 $0x30  }
0x101: {  	[tilespmem:s0+$0x0] =	vst.msk $0x1, v4  }
0x102: {  	v4 =	vsel vm4, $0x1, v1;
	[tilespmem:$0x90] =	vst v7  }
0x103: {  	s0 =	sadd.s32 @!p1 $0xFAFF, s29;
	[tilespmem:$0xA0] =	vst v4  }
0x104: {  	[spmem:s15] =	stream.linear.scatter @!p1 [tilespmem:s0], [sflag:$0x1], $0x1, $0x38;
	[tilespmem:$0x11A60] =	vst v63  }
0x105: {  	s0 =	simm.s32 @!p1 $0x1  }
0x106: {  	v4 =	vmctz.xlane @!p1 vm4;
	_ =	swait.ge @!p1 [sflag:s0], $0x1  }
0x107: {  	(v2sf) =	vpush @!p1 v5, $0x0  }
0x108: {  	(v2sf) =	vpush @!p1 v4, $0x0;
	_ =	sdelay $0xd  }
0x109: {  	s2 =	spop @!p1 (v2sf)  }
0x10a: {  	s9 =	spop @!p1 (v2sf)  }
0x10b: {  	p2 =	sne.s32 @!p1 s28, s2;
	p3 =	slt.s32 @!p1 s9, $0xF  }
0x10c: {  	[sflag:s0] =	ssyncset.done @!p1 $0x0;
	p2 =	por p2, p1;
	p3 =	por !p3, p1  }
0x10d: {  	[sflag:s0] =	ssyncadd.s32 @!p1 $0xFFFFFFFF;
	v4 =	vimm.s32 @!p2 $0xFFFFFFFF;
	s9 =	simm.s32 @p3 $0xF  }
0x10e: {  	[tilespmem:$0x80] =	vst @!p2 v4;
	s2 =	sadd.s32 @!p1 $0x90, s9  }
0x10f: {  	[spmem:s3] =	stream.linear.scatter @!p1 [tilespmem:s2], [sflag:$0x1], $0x1, $0x38;
	[tilespmem:$0x11A60] =	vst v63  }
0x110: {  	_ =	swait.ge @!p1 [sflag:s0], $0x1  }
0x111: {  	[sflag:s0] =	ssyncset.done @!p1 $0x0  }
0x112: {  	s2 =	simm.s32 @!p1 $0x80;
	[sflag:s0] =	ssyncadd.s32 @!p1 $0xFFFFFFFF  }
0x113: {  	[spmem:s13] =	stream.linear.scatter @!p1 [tilespmem:s2], [sflag:$0x1], $0x1, $0x38;
	[tilespmem:$0x11A60] =	vst v63  }
0x114: {  	_ =	swait.ge @!p1 [sflag:s0], $0x1  }
0x115: {  	[sflag:s0] =	ssyncset.done @!p1 $0x0  }
0x116: {  	[sflag:s0] =	ssyncadd.s32 @!p1 $0xFFFFFFFF;
	(ifvalue) =	ssetifvalue $0xFFFFFFFF;
	v4 =	vld [tilespmem:s25+$0x10];
	_ =	sdelay $0x3  }
.Ltmp13:
0x117: {  	_ = 	snop;
	(pc) =	sbr.rel .LBB3_9-.Ltmp13, $3  }
0x118: {  	_ =	sdelay $0x1  }
0x119: {  	(ifvalue) =	ssetifvalue $0xFFFFFFFF  }
0x11a: {  	[hbm4b:s1+s16] =	stream.indirect_vreg.scatter [tilespmem:s26], [sflag:$0x9], $0x1, v4, vm0, $0x4038;
	[tilespmem:$0x11A60] =	vst v63  }
.LBB3_10:
0x11b: {  	_ =	sfence.sel $0x180000  }
0x11c: {  	s0 =	simm.s32 $0x7;
	[bflag:$0x0] =	sbarrier.arrive $0xFFFF  }
0x11d: {  	s26 =	simm.s32 $0x8;
	[sflag:s0] =	ssyncpa.u1 $0x1  }
0x11e: {  	s28 =	simm.s32 $0x9;
	[sflag:s26] =	ssyncpa.u1 $0x1  }
0x11f: {  	[sflag:s28] =	ssyncpa.u1 $0x1  }
0x120: {  	_ =	sfence.stream.spmem  }
0x121: {  	s29 =	simm.s32 $0x3;
	[bflag:$0x0] =	sbarrier.arrive $0xFFFF  }
0x122: {  	s30 =	simm.s32 $0x4;
	[sflag:s29] =	ssyncpa.u1 $0x1  }
0x123: {  	s31 =	simm.s32 $0x3C;
	s2 =	stileid.u32;
	[sflag:s30] =	ssyncpa.u1 $0x1  }
0x124: {  	p0 =	sne.s32 s2, $0x0;
	[sflag:s31] =	ssyncpa.u1 $0x1  }
0x125: {  	s0 =	simm.s32 @p0 $0x1;
	_ =	sfence @p0  }
0x126: {  	[sflag:s0] =	ssyncpa.u1 @p0 $0x1;
	s0 =	simm.s32 @p0 $0x2  }
0x127: {  	[sflag:s0] =	ssyncpa.u1 @p0 $0x1  }
0x128: {  	_ =	strace @p0 $0x9000004A  }
0x129: {  	[bflag:$0x2] =	sbarrier.arrive @p0 $0xFFFF  }
0x12a: {  	_ =	shalt @p0  }
.LBB3_11:
0x12b: {  	_ =	sfence.stream.spmem;
	s0 =	simm.s32 $0x5  }
0x12c: {  	s2 =	simm.s32 $0x80;
	s3 =	simm.s32 $0xC0;
	[sflag:s0] =	ssyncpa.u1 $0x0  }
0x12d: {  	[tilespmem:s3], [sflag:$0x5] =	stream.linear.gather [spmem:s2], $0x20, $0x38;
	[tilespmem:$0x11A60] =	vst v63  }
0x12e: {  	s30 =	simm.s32 $0xE0;
	s2 =	simm.s32 $0x0  }
0x12f: {  	[tilespmem:s30], [sflag:$0x5] =	stream.linear.gather [spmem:s2], $0x20, $0x38;
	[tilespmem:$0x11A60] =	vst v63  }
.Ltmp14:
0x130: {  	_ = 	snop;
	(pc) =	sbr.rel .LBB3_12-.Ltmp14, $4  }
0x131: {  	_ =	swait.ge [sflag:s0], $0x40  }
0x132: {  	[sflag:s0] =	ssyncset.done $0x0  }
0x133: {  	s31 =	simm.s32 $0x6;
	[sflag:s0] =	ssyncadd.s32 $0xFFFFFFC0  }
0x134: {  	s3 =	simm.s32 $0x0;
	[sflag:s31] =	ssyncpa.u1 $0x0  }
.LBB3_17:
0x135: {  	p0 =	sgt.u32 s4, $0x4FFF  }
0x136: {  	s0 =	sshrl.u32 @!p0 s4, $0x3  }
0x137: {  	s4 =	sand.u32 @!p0 $0x7, s4;
	s5 =	simm.s32 @!p0 $0xB0;
	s0 =	sadd.s32 @!p0 s1, s0  }
0x138: {  	[tilespmem:s5], [sflag:$0x6] =	stream.linear.gather @!p0 [hbm4b:s0+s4], $0x1, $0x38;
	[tilespmem:$0x11A60] =	vst v63  }
0x139: {  	s0 =	simm.s32 @!p0 $0x6  }
0x13a: {  	_ =	swait.ge @!p0 [sflag:s0], $0x1  }
0x13b: {  	[sflag:s0] =	ssyncset.done @!p0 $0x0  }
0x13c: {  	[sflag:s0] =	ssyncadd.s32 @!p0 $0xFFFFFFFF  }
0x13d: {  	v1 =	vld.msk @!p0 [tilespmem:$0xB0], $0x1  }
0x13e: {  	v2 =	vld.msk @!p0 [tilespmem:s3+$0xE0], $0x1;
	_ =	sdelay $0x4  }
0x13f: {  	v1 =	vmin.f32 @!p0 v2, v1  }
0x140: {  	[tilespmem:s3+$0xE0] =	vst.msk @!p0 $0x1, v1  }
0x141: {  	[tilespmem:s2+$0xC0] =	vst.msk $0x1, v0  }
0x142: {  	v0 =	vld.msk [tilespmem:s3+$0xE0], $0x1;
	_ =	sdelay $0x4  }
0x143: {  	[tilespmem:s2+$0xE0] =	vst.msk $0x1, v0;
	s2 =	sadd.s32 $0x1, s2  }
.LBB3_19:
0x144: {  	s3 =	sadd.s32 $0x1, s3  }
0x145: {  	p0 =	sne.s32 s3, $0x20  }
.Ltmp15:
0x146: {  	_ = 	snop;
	(pc) =	sbr.rel @!p0 .LBB3_20-.Ltmp15, $1  }
0x147: {  	_ =	sdelay $0x3  }
.LBB3_12:
0x148: {  	v0 =	vld.msk [tilespmem:s3+$0xC0], $0x1;
	_ =	sdelay $0x4  }
0x149: {  	(v2sf) =	vpush v0, $0x0;
	_ =	sdelay $0xe  }
0x14a: {  	s4 =	spop (v2sf)  }
0x14b: {  	p0 =	seq.s32 s4, $0xFFFFFFFF  }
.Ltmp16:
0x14c: {  	_ = 	snop;
	(pc) =	sbr.rel @p0 .LBB3_19-.Ltmp16, $1  }
0x14d: {  	_ =	sdelay $0x3  }
0x14e: {  	p0 =	slt.s32 s2, $0x1  }
.Ltmp17:
0x14f: {  	_ = 	snop;
	(pc) =	sbr.rel @p0 .LBB3_17-.Ltmp17, $1  }
0x150: {  	_ =	sdelay $0x3  }
0x151: {  	s0 =	simm.s32 $0xC0;
	p0 =	por $0x0, $0x0  }
0x152: {  	v1 =	vld.msk @!p0 [tilespmem:s0+$0x0], $0x1;
	_ =	sdelay $0x4  }
0x153: {  	(v2sf) =	vpush @!p0 v1, $0x0;
	_ =	sdelay $0xd  }
0x154: {  	p2 =	sne.s32 s2, $0x1  }
.Ltmp18:
0x155: {  	s5 =	spop @!p0 (v2sf);
	(pc) =	sbr.rel @!p2 .LBB3_16-.Ltmp18, $4  }
0x156: {  	p1 =	seq.s32 @!p0 s4, s5  }
0x157: {  	s5 =	simm.s32 $0x0;
	p1 =	por !p1, p0  }
0x158: {  	s7 =	simm.s32 $0xFFFFFFFF;
	s5 =	simm.s32 @p1 $0xFFFFFFFF  }
0x159: {  	s6 =	simm.s32 $0x1;
	s5 =	smov.u32 @p0 s7  }
.LBB3_15:
0x15a: {  	s7 =	smov.u32 s5;
	p0 =	sne.s32 s5, $0xFFFFFFFF  }
0x15b: {  	s0 =	sadd.s32 $0x1, s0;
	s5 =	smov.u32 s6;
	s6 =	sadd.s32 $0x1, s6  }
0x15c: {  	p1 =	sne.s32 s2, s6;
	v1 =	vld.msk @!p0 [tilespmem:s0+$0x0], $0x1;
	_ =	sdelay $0x4  }
0x15d: {  	(v2sf) =	vpush @!p0 v1, $0x0;
	_ =	sdelay $0xe  }
.Ltmp19:
0x15e: {  	s8 =	spop @!p0 (v2sf);
	(pc) =	sbr.rel @p1 .LBB3_15-.Ltmp19, $4  }
0x15f: {  	p2 =	seq.s32 @!p0 s4, s8  }
0x160: {  	p2 =	por !p2, p0  }
0x161: {  	s5 =	simm.s32 @p2 $0xFFFFFFFF  }
0x162: {  	s5 =	smov.u32 @p0 s7  }
.LBB3_16:
0x163: {  	p0 =	sne.s32 s5, $0xFFFFFFFF  }
.Ltmp20:
0x164: {  	_ = 	snop;
	(pc) =	sbr.rel @!p0 .LBB3_17-.Ltmp20, $1  }
0x165: {  	_ =	sdelay $0x3  }
0x166: {  	v0 =	vld.msk [tilespmem:s3+$0xE0], $0x1  }
0x167: {  	v1 =	vld.msk [tilespmem:s5+$0xE0], $0x1;
	_ =	sdelay $0x1  }
.Ltmp21:
0x168: {  	_ = 	snop;
	(pc) =	sbr.rel .LBB3_19-.Ltmp21, $3  }
0x169: {  	_ =	sdelay $0x1  }
0x16a: {  	v0 =	vmin.f32 v1, v0  }
0x16b: {  	[tilespmem:s5+$0xE0] =	vst.msk $0x1, v0  }
.LBB3_20:
0x16c: {  	p0 =	slt.s32 s2, $0x1  }
.Ltmp22:
0x16d: {  	_ = 	snop;
	(pc) =	sbr.rel @p0 .LBB3_24-.Ltmp22, $3  }
0x16e: {  	_ =	sdelay $0x1  }
0x16f: {  	s0 =	simm.s32 $0x6  }
0x170: {  	s3 =	simm.s32 $0x0;
	[sflag:s0] =	ssyncpa.u1 $0x1  }
0x171: {  	s0 =	simm.s32 $0xC0  }
0x172: {  	v0 =	vld.msk [tilespmem:s0+$0x0], $0x1;
	_ =	sdelay $0x4  }
0x173: {  	(v2sf) =	vpush v0, $0x0;
	_ =	sdelay $0xe  }
0x174: {  	s2 =	sadd.s32 $0xFFFFFFFF, s2;
	s4 =	spop (v2sf)  }
0x175: {  	p1 =	sne.s32 s2, $0x0;
	p0 =	sgt.u32 s4, $0x4FFF  }
.Ltmp23:
0x176: {  	s5 =	sshrl.u32 @!p0 s4, $0x3;
	(pc) =	sbr.rel @!p1 .LBB3_23-.Ltmp23, $4  }
0x177: {  	s0 =	simm.s32 $0xE0;
	s4 =	sand.u32 @!p0 $0x7, s4;
	s5 =	sadd.s32 @!p0 s1, s5  }
0x178: {  	[hbm4b:s5+s4] =	stream.linear.scatter @!p0 [tilespmem:s0], [sflag:$0x5], $0x1, $0x38;
	[tilespmem:$0x11A60] =	vst v63  }
0x179: {  	s5 =	simm.s32 $0x0  }
0x17a: {  	s4 =	simm.s32 $0xC1;
	s5 =	simm.s32 @!p0 $0x4  }
.LBB3_22:
0x17b: {  	v0 =	vld.msk [tilespmem:s4+$0x0], $0x1;
	s2 =	sadd.s32 $0xFFFFFFFF, s2;
	s3 =	sadd.s32 s3, s5  }
0x17c: {  	p0 =	sne.s32 s2, $0x0;
	_ =	sdelay $0x3  }
0x17d: {  	(v2sf) =	vpush v0, $0x0;
	_ =	sdelay $0xe  }
.Ltmp24:
0x17e: {  	s6 =	spop (v2sf);
	(pc) =	sbr.rel @p0 .LBB3_22-.Ltmp24, $4  }
0x17f: {  	s5 =	simm.s32 $0x0;
	p1 =	sgt.u32 s6, $0x4FFF  }
0x180: {  	s0 =	sadd.s32 $0x1, s0;
	s5 =	simm.s32 @!p1 $0x4;
	s7 =	sshrl.u32 @!p1 s6, $0x3  }
0x181: {  	s4 =	sadd.s32 $0x1, s4;
	s6 =	sand.u32 @!p1 $0x7, s6;
	s7 =	sadd.s32 @!p1 s1, s7  }
0x182: {  	[hbm4b:s7+s6] =	stream.linear.scatter @!p1 [tilespmem:s0], [sflag:$0x5], $0x1, $0x38;
	[tilespmem:$0x11A60] =	vst v63  }
.LBB3_23:
0x183: {  	s0 =	sadd.s32 s3, s5  }
0x184: {  	s3 =	sshrl.u32 s0, $0x2  }
.LBB3_24:
0x185: {  	s0 =	simm.s32 $0x5  }
0x186: {  	_ =	swait.ge [sflag:s0], s3  }
0x187: {  	s1 =	ssub.s32 $0x0, s3;
	[sflag:s0] =	ssyncset.done $0x0  }
0x188: {  	[sflag:s0] =	ssyncadd.s32 s1  }
0x189: {  	[sflag:s0] =	ssyncpa.u1 $0x1  }
0x18a: {  	s29 =	simm.s32 $0x1;
	_ =	sfence  }
0x18b: {  	s30 =	simm.s32 $0x2;
	[sflag:s29] =	ssyncpa.u1 $0x1  }
0x18c: {  	[sflag:s30] =	ssyncpa.u1 $0x1  }
0x18d: {  	_ =	strace $0x9000004A  }
0x18e: {  	[bflag:$0x2] =	sbarrier.arrive $0xFFFF  }
0x18f: {  	s31 =	rddreg [dreg:$0x1]  }
0x190: {  	s0 =	sadd.s32 $0x100000, s31  }
0x191: {  	[sflag:s0] =	ssyncadd.tile.s32 $0x1;
	_ =	shalt  }
.Lfunc_end3:
_tile_overlayer_lowered:
.L_overlay_start_3:
0x192: {  	(tag) =	ssettag $0x3  }
0x193: {  	s0 =	rddreg [dreg:$0x0];
	s2 =	stileid.u32  }
0x194: {  	s1 =	rddreg [dreg:$0x1];
	p0 =	sne.s32 s2, $0x0  }
0x195: {  	s3 =	rddreg [dreg:$0x2];
	[bflag:$0x3] =	sbarrier.arrive $0xFFFF;
	s2 =	simm.s32 @!p0 $0x1C01  }
0x196: {  	[timem:s3], [sflag:s2] =	dma.local @!p0 [hbm:s0], s1  }
0x197: {  	s0 =	simm.s32 @!p0 $0x1  }
0x198: {  	_ =	swait.ge @!p0 [sflag:s0], s1  }
0x199: {  	s1 =	ssub.s32 @!p0 $0x0, s1;
	[sflag:s0] =	ssyncset.done @!p0 $0x0  }
0x19a: {  	[sflag:s0] =	ssyncadd.s32 @!p0 s1  }
0x19b: {  	[bflag:$0x3] =	sbarrier.arrive $0xFFFF  }
0x19c: {  	_ =	shalt  }

</sc_bundles>
